<compile_context>
chip_gen: v7x
topology: tpu7x:2x2x1
jax: 0.10.2.dev20260603
libtpu: 0.0.44.dev20260713+nightly
codegen_flags: <defaults>
</compile_context>

<pallas_src>
import functools

import jax
import jax.numpy as jnp
from jax import lax
from jax.experimental import pallas as pl
from jax.experimental.pallas import tpu as pltpu
from jax.experimental.pallas import tpu_sc as plsc

V = 100000
B = 16384
L = 200
NC, NS = 2, 16
NW = NC * NS
COLS_W = B // NW
CB = 128
NCB = COLS_W // CB
LQ = 56
QS = (56, 56, 56, 32)
NQ = len(QS)


def _diff_body(p_ref, n_ref, o_ref):
    o_ref[...] = (p_ref[...] - n_ref[...]).reshape(V)


def _diff_table(wp, wn):
    return pl.pallas_call(
        _diff_body,
        out_shape=jax.ShapeDtypeStruct((V,), jnp.float32),
    )(wp, wn)


@functools.partial(
    pl.kernel,
    out_type=jax.ShapeDtypeStruct((B,), jnp.float32),
    mesh=plsc.VectorSubcoreMesh(core_axis_name="c", subcore_axis_name="s"),
    scratch_types=[
        pltpu.VMEM((V,), jnp.float32),
        pltpu.VMEM_SHARED((V,), jnp.float32),
        pltpu.VMEM((LQ, CB), jnp.int32),
        pltpu.VMEM((LQ, CB), jnp.int32),
        pltpu.VMEM((COLS_W,), jnp.float32),
        pltpu.SemaphoreType.DMA,
        pltpu.SemaphoreType.DMA,
        pltpu.SemaphoreType.DMA,
    ],
    compiler_params=pltpu.CompilerParams(needs_layout_passes=False),
)
def _sc_gather(diff_hbm, idxt_hbm, out_hbm, table_v, tbl_sh, idx0_v, idx1_v,
               acc_v, sem_t, sem0, sem1):
    sid = lax.axis_index("s")
    wid = sid * NC + lax.axis_index("c")
    col0 = wid * COLS_W
    @pl.when(sid == 0)
    def _():
        pltpu.sync_copy(diff_hbm, tbl_sh)

    bufs = (idx0_v, idx1_v)
    sems = (sem0, sem1)
    sched = [(cb, q) for cb in range(NCB) for q in range(NQ)]

    def start(i, buf):
        cb, q = sched[i]
        l0, ln = LQ * q, QS[q]
        return pltpu.async_copy(
            idxt_hbm.at[pl.ds(l0, ln), pl.ds(col0 + cb * CB, CB)],
            buf.at[pl.ds(0, ln), :], sems[i % 2])

    cps = [start(0, idx0_v), None]
    plsc.subcore_barrier()
    pltpu.async_copy(tbl_sh, table_v, sem_t).wait()
    NG = CB // 16
    for i, (cb, q) in enumerate(sched):
        cps[i % 2].wait()
        if i + 1 < len(sched):
            cps[(i + 1) % 2] = start(i + 1, bufs[(i + 1) % 2])
        chunk = bufs[i % 2]
        ln = QS[q]

        def body(l, accs, chunk=chunk):
            out = []
            for cg in range(NG):
                idx16 = chunk[l, pl.ds(cg * 16, 16)]
                vals = plsc.load_gather(table_v, [idx16])
                out.append(accs[cg] + vals)
            return tuple(out)

        if q == 0:
            accs = (jnp.zeros((16,), jnp.float32),) * NG
        accs = lax.fori_loop(0, ln, body, accs, unroll=4)
        if q == NQ - 1:
            for cg in range(NG):
                acc_v[pl.ds(cb * CB + cg * 16, 16)] = accs[cg]
    pltpu.sync_copy(acc_v, out_hbm.at[pl.ds(col0, COLS_W)])


def kernel(indices, W_pos, W_neg):
    diff = _diff_table(W_pos.T, W_neg.T)
    idxt = indices.astype(jnp.int32).T
    return _sc_gather(diff, idxt)

# --- scband reference (transcript-rebuilt; emitter-appended) ---
"""Pipeline reference for scband-mnb-16140487098658 (READ-ONLY COPY).

The authoritative reference and input builder live on the scoring server;
editing this copy changes nothing except your own understanding.
"""

import jax, jax.numpy as jnp
import numpy as np

V = 100000
B = 16384
L = 200

def setup_inputs(seed: int = 0) -> dict:
    key = jax.random.key(seed)
    k_idx, k_pos, k_neg = jax.random.split(key, 3)
    indices = jax.random.randint(k_idx, (B, L), 0, V, dtype=jnp.int64) if jax.config.jax_enable_x64 else jax.random.randint(k_idx, (B, L), 0, V, dtype=jnp.int32)
    W_pos = jax.random.normal(k_pos, (V, 1), dtype=jnp.float32)
    W_neg = jax.random.normal(k_neg, (V, 1), dtype=jnp.float32)
    return {"indices": indices, "W_pos": W_pos, "W_neg": W_neg}

def reference(indices, W_pos, W_neg):
    # MNB score: sum over tokens of per-word positive log-weights minus negative log-weights
    pos = jnp.take(W_pos, indices, axis=0)[..., 0]  # [B, L] gather from embedding table
    neg = jnp.take(W_neg, indices, axis=0)[..., 0]  # [B, L]
    score = pos.sum(axis=-1) - neg.sum(axis=-1)     # [B]
    return score

if __name__ == "__main__":
    import jax
    _d = setup_inputs()
    print(jax.jit(kernel)(*tuple(_d.values())))

</pallas_src>

<mosaic_0001>
#map = affine_map<(d0, d1) -> (0)>
#map1 = affine_map<(d0, d1) -> (0, 0)>
module attributes {stable_mosaic.version = 14 : i64} {
  func.func @_sc_gather(%arg0: i32, %arg1: i32, %arg2: memref<100000xf32, #tpu.memory_space<hbm>>, %arg3: memref<200x16384xi32, #tpu.memory_space<hbm>>, %arg4: memref<16384xf32, #tpu.memory_space<hbm>>, %arg5: memref<100000xf32, #tpu.memory_space<vmem>>, %arg6: memref<100000xf32, #tpu.memory_space<vmem_shared>>, %arg7: memref<56x128xi32, #tpu.memory_space<vmem>>, %arg8: memref<56x128xi32, #tpu.memory_space<vmem>>, %arg9: memref<512xf32, #tpu.memory_space<vmem>>, %arg10: memref<!tpu.dma_semaphore, #tpu.memory_space<semaphore_mem>>, %arg11: memref<!tpu.dma_semaphore, #tpu.memory_space<semaphore_mem>>, %arg12: memref<!tpu.dma_semaphore, #tpu.memory_space<semaphore_mem>>) attributes {dimension_semantics = [#tpu.dimension_semantics<core_parallel>, #tpu.dimension_semantics<subcore_parallel>], iteration_bounds = array<i64: 2, 16>, scalar_prefetch = 0 : i64, scratch_operands = 8 : i64, tpu.core_type = #tpu.core_type<sc_vector_subcore>, window_params = [{transform_indices = #map}, {transform_indices = #map1}, {transform_indices = #map}]} {
    %mul3A = arith.constant 2 : i32
    %mul3A_0 = arith.muli %arg1, %mul3A : i32
    %add3A = arith.addi %mul3A_0, %arg0 : i32
    %mul3A_1 = arith.constant 512 : i32
    %mul3A_2 = arith.muli %add3A, %mul3A_1 : i32
    %eq3A = arith.constant 0 : i32
    %eq3A_3 = arith.cmpi eq, %arg1, %eq3A : i32
    %convert_element_type3A = arith.extui %eq3A_3 : i1 to i32
    %cond3A = arith.constant 0 : i32
    %cond3A_4 = arith.cmpi ne, %convert_element_type3A, %cond3A : i32
    scf.if %cond3A_4 {
      "tpu.region"() ({
        %run_scoped3A = tpu.sem_alloc : memref<!tpu.dma_semaphore, #tpu.memory_space<semaphore_mem>>
        tpu.enqueue_dma source(%arg2 : memref<100000xf32, #tpu.memory_space<hbm>>) target(%arg6 : memref<100000xf32, #tpu.memory_space<vmem_shared>>) target_semaphore(%run_scoped3A : memref<!tpu.dma_semaphore, #tpu.memory_space<semaphore_mem>>)
        tpu.wait_dma2 semaphore(%run_scoped3A : memref<!tpu.dma_semaphore, #tpu.memory_space<semaphore_mem>>) src(%arg2 : memref<100000xf32, #tpu.memory_space<hbm>>) dst(%arg6 : memref<100000xf32, #tpu.memory_space<vmem_shared>>)
        tpu.yield
      }) : () -> ()
    } else {
    }
    %add3A_5 = arith.constant 0 : i32
    %add3A_6 = arith.addi %mul3A_2, %add3A_5 : i32
    %dma_start3A = arith.constant 0 : i32
    %dma_start3A_7 = arith.constant 0 : i32
    %dma_start3A_8 = tpu.memref_slice %arg7[%dma_start3A, %dma_start3A_7] : memref<56x128xi32, #tpu.memory_space<vmem>> -> memref<56x128xi32, #tpu.memory_space<vmem>>
    %dma_start3A_9 = arith.constant 0 : i32
    %dma_start3A_10 = tpu.memref_slice %arg3[%dma_start3A_9, %add3A_6] : memref<200x16384xi32, #tpu.memory_space<hbm>> -> memref<56x128xi32, #tpu.memory_space<hbm>>
    %dma_start3A_11 = arith.constant 0 : i32
    %dma_start3A_12 = arith.constant 0 : i32
    %dma_start3A_13 = tpu.memref_slice %arg7[%dma_start3A_11, %dma_start3A_12] : memref<56x128xi32, #tpu.memory_space<vmem>> -> memref<56x128xi32, #tpu.memory_space<vmem>>
    %dma_start3A_14 = arith.constant 0 : i32
    %dma_start3A_15 = tpu.memref_slice %arg3[%dma_start3A_14, %add3A_6] : memref<200x16384xi32, #tpu.memory_space<hbm>> -> memref<56x128xi32, #tpu.memory_space<hbm>>
    tpu.enqueue_dma source(%dma_start3A_15 : memref<56x128xi32, #tpu.memory_space<hbm>>) target(%dma_start3A_13 : memref<56x128xi32, #tpu.memory_space<vmem>>) target_semaphore(%arg11 : memref<!tpu.dma_semaphore, #tpu.memory_space<semaphore_mem>>)
    %barrier3A = arith.constant 0 : index
    tpu.barrier barrier_id(%barrier3A)
    tpu.enqueue_dma source(%arg6 : memref<100000xf32, #tpu.memory_space<vmem_shared>>) target(%arg5 : memref<100000xf32, #tpu.memory_space<vmem>>) target_semaphore(%arg10 : memref<!tpu.dma_semaphore, #tpu.memory_space<semaphore_mem>>)
    tpu.wait_dma2 semaphore(%arg10 : memref<!tpu.dma_semaphore, #tpu.memory_space<semaphore_mem>>) src(%arg6 : memref<100000xf32, #tpu.memory_space<vmem_shared>>) dst(%arg5 : memref<100000xf32, #tpu.memory_space<vmem>>)
    %dma_wait3A = arith.constant 0 : i32
    %dma_wait3A_16 = arith.constant 0 : i32
    %dma_wait3A_17 = tpu.memref_slice %arg7[%dma_wait3A, %dma_wait3A_16] : memref<56x128xi32, #tpu.memory_space<vmem>> -> memref<56x128xi32, #tpu.memory_space<vmem>>
    %dma_wait3A_18 = arith.constant 0 : i32
    %dma_wait3A_19 = tpu.memref_slice %arg3[%dma_wait3A_18, %add3A_6] : memref<200x16384xi32, #tpu.memory_space<hbm>> -> memref<56x128xi32, #tpu.memory_space<hbm>>
    %dma_wait3A_20 = arith.constant 0 : i32
    %dma_wait3A_21 = arith.constant 0 : i32
    %dma_wait3A_22 = tpu.memref_slice %arg7[%dma_wait3A_20, %dma_wait3A_21] : memref<56x128xi32, #tpu.memory_space<vmem>> -> memref<56x128xi32, #tpu.memory_space<vmem>>
    %dma_wait3A_23 = arith.constant 0 : i32
    %dma_wait3A_24 = tpu.memref_slice %arg3[%dma_wait3A_23, %add3A_6] : memref<200x16384xi32, #tpu.memory_space<hbm>> -> memref<56x128xi32, #tpu.memory_space<hbm>>
    tpu.wait_dma2 semaphore(%arg11 : memref<!tpu.dma_semaphore, #tpu.memory_space<semaphore_mem>>) src(%dma_wait3A_24 : memref<56x128xi32, #tpu.memory_space<hbm>>) dst(%dma_wait3A_22 : memref<56x128xi32, #tpu.memory_space<vmem>>)
    %add3A_25 = arith.constant 0 : i32
    %add3A_26 = arith.addi %mul3A_2, %add3A_25 : i32
    %dma_start3A_27 = arith.constant 0 : i32
    %dma_start3A_28 = arith.constant 0 : i32
    %dma_start3A_29 = tpu.memref_slice %arg8[%dma_start3A_27, %dma_start3A_28] : memref<56x128xi32, #tpu.memory_space<vmem>> -> memref<56x128xi32, #tpu.memory_space<vmem>>
    %dma_start3A_30 = arith.constant 56 : i32
    %dma_start3A_31 = tpu.memref_slice %arg3[%dma_start3A_30, %add3A_26] : memref<200x16384xi32, #tpu.memory_space<hbm>> -> memref<56x128xi32, #tpu.memory_space<hbm>>
    %dma_start3A_32 = arith.constant 0 : i32
    %dma_start3A_33 = arith.constant 0 : i32
    %dma_start3A_34 = tpu.memref_slice %arg8[%dma_start3A_32, %dma_start3A_33] : memref<56x128xi32, #tpu.memory_space<vmem>> -> memref<56x128xi32, #tpu.memory_space<vmem>>
    %dma_start3A_35 = arith.constant 56 : i32
    %dma_start3A_36 = tpu.memref_slice %arg3[%dma_start3A_35, %add3A_26] : memref<200x16384xi32, #tpu.memory_space<hbm>> -> memref<56x128xi32, #tpu.memory_space<hbm>>
    tpu.enqueue_dma source(%dma_start3A_36 : memref<56x128xi32, #tpu.memory_space<hbm>>) target(%dma_start3A_34 : memref<56x128xi32, #tpu.memory_space<vmem>>) target_semaphore(%arg12 : memref<!tpu.dma_semaphore, #tpu.memory_space<semaphore_mem>>)
    %broadcast_in_dim3A = arith.constant 0.000000e+00 : f32
    %broadcast_in_dim3A_37 = vector.broadcast %broadcast_in_dim3A : f32 to vector<16xf32>
    %scan3A = arith.constant 0 : i32
    %scan3A_38 = arith.constant 56 : i32
    %scan3A_39 = arith.addi %scan3A, %scan3A_38 : i32
    %scan3A_40 = arith.constant 4 : i32
    %scan3A_41:8 = scf.for %scan3A_520 = %scan3A to %scan3A_39 step %scan3A_40 iter_args(%scan3A_521 = %broadcast_in_dim3A_37, %scan3A_522 = %broadcast_in_dim3A_37, %scan3A_523 = %broadcast_in_dim3A_37, %scan3A_524 = %broadcast_in_dim3A_37, %scan3A_525 = %broadcast_in_dim3A_37, %scan3A_526 = %broadcast_in_dim3A_37, %scan3A_527 = %broadcast_in_dim3A_37, %scan3A_528 = %broadcast_in_dim3A_37) -> (vector<16xf32>, vector<16xf32>, vector<16xf32>, vector<16xf32>, vector<16xf32>, vector<16xf32>, vector<16xf32>, vector<16xf32>)  : i32 {
      %get3A = arith.index_cast %scan3A_520 : i32 to index
      %get3A_529 = arith.constant 0 : index
      %get3A_530 = tpu.vector_load %arg7[%get3A, %get3A_529] {strides = array<i32>} : memref<56x128xi32, #tpu.memory_space<vmem>>, vector<16xi32>,
      %gather3A = tpu.vector_load_idx %arg5[%get3A_530] : memref<100000xf32, #tpu.memory_space<vmem>>[vector<16xi32>], vector<16xf32>,
      %add3A_531 = arith.addf %scan3A_521, %gather3A : vector<16xf32>
      %get3A_532 = arith.index_cast %scan3A_520 : i32 to index
      %get3A_533 = arith.constant 16 : index
      %get3A_534 = tpu.vector_load %arg7[%get3A_532, %get3A_533] {strides = array<i32>} : memref<56x128xi32, #tpu.memory_space<vmem>>, vector<16xi32>,
      %gather3A_535 = tpu.vector_load_idx %arg5[%get3A_534] : memref<100000xf32, #tpu.memory_space<vmem>>[vector<16xi32>], vector<16xf32>,
      %add3A_536 = arith.addf %scan3A_522, %gather3A_535 : vector<16xf32>
      %get3A_537 = arith.index_cast %scan3A_520 : i32 to index
      %get3A_538 = arith.constant 32 : index
      %get3A_539 = tpu.vector_load %arg7[%get3A_537, %get3A_538] {strides = array<i32>} : memref<56x128xi32, #tpu.memory_space<vmem>>, vector<16xi32>,
      %gather3A_540 = tpu.vector_load_idx %arg5[%get3A_539] : memref<100000xf32, #tpu.memory_space<vmem>>[vector<16xi32>], vector<16xf32>,
      %add3A_541 = arith.addf %scan3A_523, %gather3A_540 : vector<16xf32>
      %get3A_542 = arith.index_cast %scan3A_520 : i32 to index
      %get3A_543 = arith.constant 48 : index
      %get3A_544 = tpu.vector_load %arg7[%get3A_542, %get3A_543] {strides = array<i32>} : memref<56x128xi32, #tpu.memory_space<vmem>>, vector<16xi32>,
      %gather3A_545 = tpu.vector_load_idx %arg5[%get3A_544] : memref<100000xf32, #tpu.memory_space<vmem>>[vector<16xi32>], vector<16xf32>,
      %add3A_546 = arith.addf %scan3A_524, %gather3A_545 : vector<16xf32>
      %get3A_547 = arith.index_cast %scan3A_520 : i32 to index
      %get3A_548 = arith.constant 64 : index
      %get3A_549 = tpu.vector_load %arg7[%get3A_547, %get3A_548] {strides = array<i32>} : memref<56x128xi32, #tpu.memory_space<vmem>>, vector<16xi32>,
      %gather3A_550 = tpu.vector_load_idx %arg5[%get3A_549] : memref<100000xf32, #tpu.memory_space<vmem>>[vector<16xi32>], vector<16xf32>,
      %add3A_551 = arith.addf %scan3A_525, %gather3A_550 : vector<16xf32>
      %get3A_552 = arith.index_cast %scan3A_520 : i32 to index
      %get3A_553 = arith.constant 80 : index
      %get3A_554 = tpu.vector_load %arg7[%get3A_552, %get3A_553] {strides = array<i32>} : memref<56x128xi32, #tpu.memory_space<vmem>>, vector<16xi32>,
      %gather3A_555 = tpu.vector_load_idx %arg5[%get3A_554] : memref<100000xf32, #tpu.memory_space<vmem>>[vector<16xi32>], vector<16xf32>,
      %add3A_556 = arith.addf %scan3A_526, %gather3A_555 : vector<16xf32>
      %get3A_557 = arith.index_cast %scan3A_520 : i32 to index
      %get3A_558 = arith.constant 96 : index
      %get3A_559 = tpu.vector_load %arg7[%get3A_557, %get3A_558] {strides = array<i32>} : memref<56x128xi32, #tpu.memory_space<vmem>>, vector<16xi32>,
      %gather3A_560 = tpu.vector_load_idx %arg5[%get3A_559] : memref<100000xf32, #tpu.memory_space<vmem>>[vector<16xi32>], vector<16xf32>,
      %add3A_561 = arith.addf %scan3A_527, %gather3A_560 : vector<16xf32>
      %get3A_562 = arith.index_cast %scan3A_520 : i32 to index
      %get3A_563 = arith.constant 112 : index
      %get3A_564 = tpu.vector_load %arg7[%get3A_562, %get3A_563] {strides = array<i32>} : memref<56x128xi32, #tpu.memory_space<vmem>>, vector<16xi32>,
      %gather3A_565 = tpu.vector_load_idx %arg5[%get3A_564] : memref<100000xf32, #tpu.memory_space<vmem>>[vector<16xi32>], vector<16xf32>,
      %add3A_566 = arith.addf %scan3A_528, %gather3A_565 : vector<16xf32>
      %scan3A_567 = arith.constant 1 : i32
      %scan3A_568 = arith.addi %scan3A_520, %scan3A_567 : i32
      %get3A_569 = arith.index_cast %scan3A_568 : i32 to index
      %get3A_570 = arith.constant 0 : index
      %get3A_571 = tpu.vector_load %arg7[%get3A_569, %get3A_570] {strides = array<i32>} : memref<56x128xi32, #tpu.memory_space<vmem>>, vector<16xi32>,
      %gather3A_572 = tpu.vector_load_idx %arg5[%get3A_571] : memref<100000xf32, #tpu.memory_space<vmem>>[vector<16xi32>], vector<16xf32>,
      %add3A_573 = arith.addf %add3A_531, %gather3A_572 : vector<16xf32>
      %get3A_574 = arith.index_cast %scan3A_568 : i32 to index
      %get3A_575 = arith.constant 16 : index
      %get3A_576 = tpu.vector_load %arg7[%get3A_574, %get3A_575] {strides = array<i32>} : memref<56x128xi32, #tpu.memory_space<vmem>>, vector<16xi32>,
      %gather3A_577 = tpu.vector_load_idx %arg5[%get3A_576] : memref<100000xf32, #tpu.memory_space<vmem>>[vector<16xi32>], vector<16xf32>,
      %add3A_578 = arith.addf %add3A_536, %gather3A_577 : vector<16xf32>
      %get3A_579 = arith.index_cast %scan3A_568 : i32 to index
      %get3A_580 = arith.constant 32 : index
      %get3A_581 = tpu.vector_load %arg7[%get3A_579, %get3A_580] {strides = array<i32>} : memref<56x128xi32, #tpu.memory_space<vmem>>, vector<16xi32>,
      %gather3A_582 = tpu.vector_load_idx %arg5[%get3A_581] : memref<100000xf32, #tpu.memory_space<vmem>>[vector<16xi32>], vector<16xf32>,
      %add3A_583 = arith.addf %add3A_541, %gather3A_582 : vector<16xf32>
      %get3A_584 = arith.index_cast %scan3A_568 : i32 to index
      %get3A_585 = arith.constant 48 : index
      %get3A_586 = tpu.vector_load %arg7[%get3A_584, %get3A_585] {strides = array<i32>} : memref<56x128xi32, #tpu.memory_space<vmem>>, vector<16xi32>,
      %gather3A_587 = tpu.vector_load_idx %arg5[%get3A_586] : memref<100000xf32, #tpu.memory_space<vmem>>[vector<16xi32>], vector<16xf32>,
      %add3A_588 = arith.addf %add3A_546, %gather3A_587 : vector<16xf32>
      %get3A_589 = arith.index_cast %scan3A_568 : i32 to index
      %get3A_590 = arith.constant 64 : index
      %get3A_591 = tpu.vector_load %arg7[%get3A_589, %get3A_590] {strides = array<i32>} : memref<56x128xi32, #tpu.memory_space<vmem>>, vector<16xi32>,
      %gather3A_592 = tpu.vector_load_idx %arg5[%get3A_591] : memref<100000xf32, #tpu.memory_space<vmem>>[vector<16xi32>], vector<16xf32>,
      %add3A_593 = arith.addf %add3A_551, %gather3A_592 : vector<16xf32>
      %get3A_594 = arith.index_cast %scan3A_568 : i32 to index
      %get3A_595 = arith.constant 80 : index
      %get3A_596 = tpu.vector_load %arg7[%get3A_594, %get3A_595] {strides = array<i32>} : memref<56x128xi32, #tpu.memory_space<vmem>>, vector<16xi32>,
      %gather3A_597 = tpu.vector_load_idx %arg5[%get3A_596] : memref<100000xf32, #tpu.memory_space<vmem>>[vector<16xi32>], vector<16xf32>,
      %add3A_598 = arith.addf %add3A_556, %gather3A_597 : vector<16xf32>
      %get3A_599 = arith.index_cast %scan3A_568 : i32 to index
      %get3A_600 = arith.constant 96 : index
      %get3A_601 = tpu.vector_load %arg7[%get3A_599, %get3A_600] {strides = array<i32>} : memref<56x128xi32, #tpu.memory_space<vmem>>, vector<16xi32>,
      %gather3A_602 = tpu.vector_load_idx %arg5[%get3A_601] : memref<100000xf32, #tpu.memory_space<vmem>>[vector<16xi32>], vector<16xf32>,
      %add3A_603 = arith.addf %add3A_561, %gather3A_602 : vector<16xf32>
      %get3A_604 = arith.index_cast %scan3A_568 : i32 to index
      %get3A_605 = arith.constant 112 : index
      %get3A_606 = tpu.vector_load %arg7[%get3A_604, %get3A_605] {strides = array<i32>} : memref<56x128xi32, #tpu.memory_space<vmem>>, vector<16xi32>,
      %gather3A_607 = tpu.vector_load_idx %arg5[%get3A_606] : memref<100000xf32, #tpu.memory_space<vmem>>[vector<16xi32>], vector<16xf32>,
      %add3A_608 = arith.addf %add3A_566, %gather3A_607 : vector<16xf32>
      %scan3A_609 = arith.constant 2 : i32
      %scan3A_610 = arith.addi %scan3A_520, %scan3A_609 : i32
      %get3A_611 = arith.index_cast %scan3A_610 : i32 to index
      %get3A_612 = arith.constant 0 : index
      %get3A_613 = tpu.vector_load %arg7[%get3A_611, %get3A_612] {strides = array<i32>} : memref<56x128xi32, #tpu.memory_space<vmem>>, vector<16xi32>,
      %gather3A_614 = tpu.vector_load_idx %arg5[%get3A_613] : memref<100000xf32, #tpu.memory_space<vmem>>[vector<16xi32>], vector<16xf32>,
      %add3A_615 = arith.addf %add3A_573, %gather3A_614 : vector<16xf32>
      %get3A_616 = arith.index_cast %scan3A_610 : i32 to index
      %get3A_617 = arith.constant 16 : index
      %get3A_618 = tpu.vector_load %arg7[%get3A_616, %get3A_617] {strides = array<i32>} : memref<56x128xi32, #tpu.memory_space<vmem>>, vector<16xi32>,
      %gather3A_619 = tpu.vector_load_idx %arg5[%get3A_618] : memref<100000xf32, #tpu.memory_space<vmem>>[vector<16xi32>], vector<16xf32>,
      %add3A_620 = arith.addf %add3A_578, %gather3A_619 : vector<16xf32>
      %get3A_621 = arith.index_cast %scan3A_610 : i32 to index
      %get3A_622 = arith.constant 32 : index
      %get3A_623 = tpu.vector_load %arg7[%get3A_621, %get3A_622] {strides = array<i32>} : memref<56x128xi32, #tpu.memory_space<vmem>>, vector<16xi32>,
      %gather3A_624 = tpu.vector_load_idx %arg5[%get3A_623] : memref<100000xf32, #tpu.memory_space<vmem>>[vector<16xi32>], vector<16xf32>,
      %add3A_625 = arith.addf %add3A_583, %gather3A_624 : vector<16xf32>
      %get3A_626 = arith.index_cast %scan3A_610 : i32 to index
      %get3A_627 = arith.constant 48 : index
      %get3A_628 = tpu.vector_load %arg7[%get3A_626, %get3A_627] {strides = array<i32>} : memref<56x128xi32, #tpu.memory_space<vmem>>, vector<16xi32>,
      %gather3A_629 = tpu.vector_load_idx %arg5[%get3A_628] : memref<100000xf32, #tpu.memory_space<vmem>>[vector<16xi32>], vector<16xf32>,
      %add3A_630 = arith.addf %add3A_588, %gather3A_629 : vector<16xf32>
      %get3A_631 = arith.index_cast %scan3A_610 : i32 to index
      %get3A_632 = arith.constant 64 : index
      %get3A_633 = tpu.vector_load %arg7[%get3A_631, %get3A_632] {strides = array<i32>} : memref<56x128xi32, #tpu.memory_space<vmem>>, vector<16xi32>,
      %gather3A_634 = tpu.vector_load_idx %arg5[%get3A_633] : memref<100000xf32, #tpu.memory_space<vmem>>[vector<16xi32>], vector<16xf32>,
      %add3A_635 = arith.addf %add3A_593, %gather3A_634 : vector<16xf32>
      %get3A_636 = arith.index_cast %scan3A_610 : i32 to index
      %get3A_637 = arith.constant 80 : index
      %get3A_638 = tpu.vector_load %arg7[%get3A_636, %get3A_637] {strides = array<i32>} : memref<56x128xi32, #tpu.memory_space<vmem>>, vector<16xi32>,
      %gather3A_639 = tpu.vector_load_idx %arg5[%get3A_638] : memref<100000xf32, #tpu.memory_space<vmem>>[vector<16xi32>], vector<16xf32>,
      %add3A_640 = arith.addf %add3A_598, %gather3A_639 : vector<16xf32>
      %get3A_641 = arith.index_cast %scan3A_610 : i32 to index
      %get3A_642 = arith.constant 96 : index
      %get3A_643 = tpu.vector_load %arg7[%get3A_641, %get3A_642] {strides = array<i32>} : memref<56x128xi32, #tpu.memory_space<vmem>>, vector<16xi32>,
      %gather3A_644 = tpu.vector_load_idx %arg5[%get3A_643] : memref<100000xf32, #tpu.memory_space<vmem>>[vector<16xi32>], vector<16xf32>,
      %add3A_645 = arith.addf %add3A_603, %gather3A_644 : vector<16xf32>
      %get3A_646 = arith.index_cast %scan3A_610 : i32 to index
      %get3A_647 = arith.constant 112 : index
      %get3A_648 = tpu.vector_load %arg7[%get3A_646, %get3A_647] {strides = array<i32>} : memref<56x128xi32, #tpu.memory_space<vmem>>, vector<16xi32>,
      %gather3A_649 = tpu.vector_load_idx %arg5[%get3A_648] : memref<100000xf32, #tpu.memory_space<vmem>>[vector<16xi32>], vector<16xf32>,
      %add3A_650 = arith.addf %add3A_608, %gather3A_649 : vector<16xf32>
      %scan3A_651 = arith.constant 3 : i32
      %scan3A_652 = arith.addi %scan3A_520, %scan3A_651 : i32
      %get3A_653 = arith.index_cast %scan3A_652 : i32 to index
      %get3A_654 = arith.constant 0 : index
      %get3A_655 = tpu.vector_load %arg7[%get3A_653, %get3A_654] {strides = array<i32>} : memref<56x128xi32, #tpu.memory_space<vmem>>, vector<16xi32>,
      %gather3A_656 = tpu.vector_load_idx %arg5[%get3A_655] : memref<100000xf32, #tpu.memory_space<vmem>>[vector<16xi32>], vector<16xf32>,
      %add3A_657 = arith.addf %add3A_615, %gather3A_656 : vector<16xf32>
      %get3A_658 = arith.index_cast %scan3A_652 : i32 to index
      %get3A_659 = arith.constant 16 : index
      %get3A_660 = tpu.vector_load %arg7[%get3A_658, %get3A_659] {strides = array<i32>} : memref<56x128xi32, #tpu.memory_space<vmem>>, vector<16xi32>,
      %gather3A_661 = tpu.vector_load_idx %arg5[%get3A_660] : memref<100000xf32, #tpu.memory_space<vmem>>[vector<16xi32>], vector<16xf32>,
      %add3A_662 = arith.addf %add3A_620, %gather3A_661 : vector<16xf32>
      %get3A_663 = arith.index_cast %scan3A_652 : i32 to index
      %get3A_664 = arith.constant 32 : index
      %get3A_665 = tpu.vector_load %arg7[%get3A_663, %get3A_664] {strides = array<i32>} : memref<56x128xi32, #tpu.memory_space<vmem>>, vector<16xi32>,
      %gather3A_666 = tpu.vector_load_idx %arg5[%get3A_665] : memref<100000xf32, #tpu.memory_space<vmem>>[vector<16xi32>], vector<16xf32>,
      %add3A_667 = arith.addf %add3A_625, %gather3A_666 : vector<16xf32>
      %get3A_668 = arith.index_cast %scan3A_652 : i32 to index
      %get3A_669 = arith.constant 48 : index
      %get3A_670 = tpu.vector_load %arg7[%get3A_668, %get3A_669] {strides = array<i32>} : memref<56x128xi32, #tpu.memory_space<vmem>>, vector<16xi32>,
      %gather3A_671 = tpu.vector_load_idx %arg5[%get3A_670] : memref<100000xf32, #tpu.memory_space<vmem>>[vector<16xi32>], vector<16xf32>,
      %add3A_672 = arith.addf %add3A_630, %gather3A_671 : vector<16xf32>
      %get3A_673 = arith.index_cast %scan3A_652 : i32 to index
      %get3A_674 = arith.constant 64 : index
      %get3A_675 = tpu.vector_load %arg7[%get3A_673, %get3A_674] {strides = array<i32>} : memref<56x128xi32, #tpu.memory_space<vmem>>, vector<16xi32>,
      %gather3A_676 = tpu.vector_load_idx %arg5[%get3A_675] : memref<100000xf32, #tpu.memory_space<vmem>>[vector<16xi32>], vector<16xf32>,
      %add3A_677 = arith.addf %add3A_635, %gather3A_676 : vector<16xf32>
      %get3A_678 = arith.index_cast %scan3A_652 : i32 to index
      %get3A_679 = arith.constant 80 : index
      %get3A_680 = tpu.vector_load %arg7[%get3A_678, %get3A_679] {strides = array<i32>} : memref<56x128xi32, #tpu.memory_space<vmem>>, vector<16xi32>,
      %gather3A_681 = tpu.vector_load_idx %arg5[%get3A_680] : memref<100000xf32, #tpu.memory_space<vmem>>[vector<16xi32>], vector<16xf32>,
      %add3A_682 = arith.addf %add3A_640, %gather3A_681 : vector<16xf32>
      %get3A_683 = arith.index_cast %scan3A_652 : i32 to index
      %get3A_684 = arith.constant 96 : index
      %get3A_685 = tpu.vector_load %arg7[%get3A_683, %get3A_684] {strides = array<i32>} : memref<56x128xi32, #tpu.memory_space<vmem>>, vector<16xi32>,
      %gather3A_686 = tpu.vector_load_idx %arg5[%get3A_685] : memref<100000xf32, #tpu.memory_space<vmem>>[vector<16xi32>], vector<16xf32>,
      %add3A_687 = arith.addf %add3A_645, %gather3A_686 : vector<16xf32>
      %get3A_688 = arith.index_cast %scan3A_652 : i32 to index
      %get3A_689 = arith.constant 112 : index
      %get3A_690 = tpu.vector_load %arg7[%get3A_688, %get3A_689] {strides = array<i32>} : memref<56x128xi32, #tpu.memory_space<vmem>>, vector<16xi32>,
      %gather3A_691 = tpu.vector_load_idx %arg5[%get3A_690] : memref<100000xf32, #tpu.memory_space<vmem>>[vector<16xi32>], vector<16xf32>,
      %add3A_692 = arith.addf %add3A_650, %gather3A_691 : vector<16xf32>
      scf.yield %add3A_657, %add3A_662, %add3A_667, %add3A_672, %add3A_677, %add3A_682, %add3A_687, %add3A_692 : vector<16xf32>, vector<16xf32>, vector<16xf32>, vector<16xf32>, vector<16xf32>, vector<16xf32>, vector<16xf32>, vector<16xf32>
    }
    %scan3A_42 = arith.constant 56 : i32
    %dma_wait3A_43 = arith.constant 0 : i32
    %dma_wait3A_44 = arith.constant 0 : i32
    %dma_wait3A_45 = tpu.memref_slice %arg8[%dma_wait3A_43, %dma_wait3A_44] : memref<56x128xi32, #tpu.memory_space<vmem>> -> memref<56x128xi32, #tpu.memory_space<vmem>>
    %dma_wait3A_46 = arith.constant 56 : i32
    %dma_wait3A_47 = tpu.memref_slice %arg3[%dma_wait3A_46, %add3A_26] : memref<200x16384xi32, #tpu.memory_space<hbm>> -> memref<56x128xi32, #tpu.memory_space<hbm>>
    %dma_wait3A_48 = arith.constant 0 : i32
    %dma_wait3A_49 = arith.constant 0 : i32
    %dma_wait3A_50 = tpu.memref_slice %arg8[%dma_wait3A_48, %dma_wait3A_49] : memref<56x128xi32, #tpu.memory_space<vmem>> -> memref<56x128xi32, #tpu.memory_space<vmem>>
    %dma_wait3A_51 = arith.constant 56 : i32
    %dma_wait3A_52 = tpu.memref_slice %arg3[%dma_wait3A_51, %add3A_26] : memref<200x16384xi32, #tpu.memory_space<hbm>> -> memref<56x128xi32, #tpu.memory_space<hbm>>
    tpu.wait_dma2 semaphore(%arg12 : memref<!tpu.dma_semaphore, #tpu.memory_space<semaphore_mem>>) src(%dma_wait3A_52 : memref<56x128xi32, #tpu.memory_space<hbm>>) dst(%dma_wait3A_50 : memref<56x128xi32, #tpu.memory_space<vmem>>)
    %add3A_53 = arith.constant 0 : i32
    %add3A_54 = arith.addi %mul3A_2, %add3A_53 : i32
    %dma_start3A_55 = arith.constant 0 : i32
    %dma_start3A_56 = arith.constant 0 : i32
    %dma_start3A_57 = tpu.memref_slice %arg7[%dma_start3A_55, %dma_start3A_56] : memref<56x128xi32, #tpu.memory_space<vmem>> -> memref<56x128xi32, #tpu.memory_space<vmem>>
    %dma_start3A_58 = arith.constant 112 : i32
    %dma_start3A_59 = tpu.memref_slice %arg3[%dma_start3A_58, %add3A_54] : memref<200x16384xi32, #tpu.memory_space<hbm>> -> memref<56x128xi32, #tpu.memory_space<hbm>>
    %dma_start3A_60 = arith.constant 0 : i32
    %dma_start3A_61 = arith.constant 0 : i32
    %dma_start3A_62 = tpu.memref_slice %arg7[%dma_start3A_60, %dma_start3A_61] : memref<56x128xi32, #tpu.memory_space<vmem>> -> memref<56x128xi32, #tpu.memory_space<vmem>>
    %dma_start3A_63 = arith.constant 112 : i32
    %dma_start3A_64 = tpu.memref_slice %arg3[%dma_start3A_63, %add3A_54] : memref<200x16384xi32, #tpu.memory_space<hbm>> -> memref<56x128xi32, #tpu.memory_space<hbm>>
    tpu.enqueue_dma source(%dma_start3A_64 : memref<56x128xi32, #tpu.memory_space<hbm>>) target(%dma_start3A_62 : memref<56x128xi32, #tpu.memory_space<vmem>>) target_semaphore(%arg11 : memref<!tpu.dma_semaphore, #tpu.memory_space<semaphore_mem>>)
    %scan3A_65 = arith.constant 0 : i32
    %scan3A_66 = arith.constant 56 : i32
    %scan3A_67 = arith.addi %scan3A_65, %scan3A_66 : i32
    %scan3A_68 = arith.constant 4 : i32
    %scan3A_69:8 = scf.for %scan3A_520 = %scan3A_65 to %scan3A_67 step %scan3A_68 iter_args(%scan3A_521 = %scan3A_41#0, %scan3A_522 = %scan3A_41#1, %scan3A_523 = %scan3A_41#2, %scan3A_524 = %scan3A_41#3, %scan3A_525 = %scan3A_41#4, %scan3A_526 = %scan3A_41#5, %scan3A_527 = %scan3A_41#6, %scan3A_528 = %scan3A_41#7) -> (vector<16xf32>, vector<16xf32>, vector<16xf32>, vector<16xf32>, vector<16xf32>, vector<16xf32>, vector<16xf32>, vector<16xf32>)  : i32 {
      %get3A = arith.index_cast %scan3A_520 : i32 to index
      %get3A_529 = arith.constant 0 : index
      %get3A_530 = tpu.vector_load %arg8[%get3A, %get3A_529] {strides = array<i32>} : memref<56x128xi32, #tpu.memory_space<vmem>>, vector<16xi32>,
      %gather3A = tpu.vector_load_idx %arg5[%get3A_530] : memref<100000xf32, #tpu.memory_space<vmem>>[vector<16xi32>], vector<16xf32>,
      %add3A_531 = arith.addf %scan3A_521, %gather3A : vector<16xf32>
      %get3A_532 = arith.index_cast %scan3A_520 : i32 to index
      %get3A_533 = arith.constant 16 : index
      %get3A_534 = tpu.vector_load %arg8[%get3A_532, %get3A_533] {strides = array<i32>} : memref<56x128xi32, #tpu.memory_space<vmem>>, vector<16xi32>,
      %gather3A_535 = tpu.vector_load_idx %arg5[%get3A_534] : memref<100000xf32, #tpu.memory_space<vmem>>[vector<16xi32>], vector<16xf32>,
      %add3A_536 = arith.addf %scan3A_522, %gather3A_535 : vector<16xf32>
      %get3A_537 = arith.index_cast %scan3A_520 : i32 to index
      %get3A_538 = arith.constant 32 : index
      %get3A_539 = tpu.vector_load %arg8[%get3A_537, %get3A_538] {strides = array<i32>} : memref<56x128xi32, #tpu.memory_space<vmem>>, vector<16xi32>,
      %gather3A_540 = tpu.vector_load_idx %arg5[%get3A_539] : memref<100000xf32, #tpu.memory_space<vmem>>[vector<16xi32>], vector<16xf32>,
      %add3A_541 = arith.addf %scan3A_523, %gather3A_540 : vector<16xf32>
      %get3A_542 = arith.index_cast %scan3A_520 : i32 to index
      %get3A_543 = arith.constant 48 : index
      %get3A_544 = tpu.vector_load %arg8[%get3A_542, %get3A_543] {strides = array<i32>} : memref<56x128xi32, #tpu.memory_space<vmem>>, vector<16xi32>,
      %gather3A_545 = tpu.vector_load_idx %arg5[%get3A_544] : memref<100000xf32, #tpu.memory_space<vmem>>[vector<16xi32>], vector<16xf32>,
      %add3A_546 = arith.addf %scan3A_524, %gather3A_545 : vector<16xf32>
      %get3A_547 = arith.index_cast %scan3A_520 : i32 to index
      %get3A_548 = arith.constant 64 : index
      %get3A_549 = tpu.vector_load %arg8[%get3A_547, %get3A_548] {strides = array<i32>} : memref<56x128xi32, #tpu.memory_space<vmem>>, vector<16xi32>,
      %gather3A_550 = tpu.vector_load_idx %arg5[%get3A_549] : memref<100000xf32, #tpu.memory_space<vmem>>[vector<16xi32>], vector<16xf32>,
      %add3A_551 = arith.addf %scan3A_525, %gather3A_550 : vector<16xf32>
      %get3A_552 = arith.index_cast %scan3A_520 : i32 to index
      %get3A_553 = arith.constant 80 : index
      %get3A_554 = tpu.vector_load %arg8[%get3A_552, %get3A_553] {strides = array<i32>} : memref<56x128xi32, #tpu.memory_space<vmem>>, vector<16xi32>,
      %gather3A_555 = tpu.vector_load_idx %arg5[%get3A_554] : memref<100000xf32, #tpu.memory_space<vmem>>[vector<16xi32>], vector<16xf32>,
      %add3A_556 = arith.addf %scan3A_526, %gather3A_555 : vector<16xf32>
      %get3A_557 = arith.index_cast %scan3A_520 : i32 to index
      %get3A_558 = arith.constant 96 : index
      %get3A_559 = tpu.vector_load %arg8[%get3A_557, %get3A_558] {strides = array<i32>} : memref<56x128xi32, #tpu.memory_space<vmem>>, vector<16xi32>,
      %gather3A_560 = tpu.vector_load_idx %arg5[%get3A_559] : memref<100000xf32, #tpu.memory_space<vmem>>[vector<16xi32>], vector<16xf32>,
      %add3A_561 = arith.addf %scan3A_527, %gather3A_560 : vector<16xf32>
      %get3A_562 = arith.index_cast %scan3A_520 : i32 to index
      %get3A_563 = arith.constant 112 : index
      %get3A_564 = tpu.vector_load %arg8[%get3A_562, %get3A_563] {strides = array<i32>} : memref<56x128xi32, #tpu.memory_space<vmem>>, vector<16xi32>,
      %gather3A_565 = tpu.vector_load_idx %arg5[%get3A_564] : memref<100000xf32, #tpu.memory_space<vmem>>[vector<16xi32>], vector<16xf32>,
      %add3A_566 = arith.addf %scan3A_528, %gather3A_565 : vector<16xf32>
      %scan3A_567 = arith.constant 1 : i32
      %scan3A_568 = arith.addi %scan3A_520, %scan3A_567 : i32
      %get3A_569 = arith.index_cast %scan3A_568 : i32 to index
      %get3A_570 = arith.constant 0 : index
      %get3A_571 = tpu.vector_load %arg8[%get3A_569, %get3A_570] {strides = array<i32>} : memref<56x128xi32, #tpu.memory_space<vmem>>, vector<16xi32>,
      %gather3A_572 = tpu.vector_load_idx %arg5[%get3A_571] : memref<100000xf32, #tpu.memory_space<vmem>>[vector<16xi32>], vector<16xf32>,
      %add3A_573 = arith.addf %add3A_531, %gather3A_572 : vector<16xf32>
      %get3A_574 = arith.index_cast %scan3A_568 : i32 to index
      %get3A_575 = arith.constant 16 : index
      %get3A_576 = tpu.vector_load %arg8[%get3A_574, %get3A_575] {strides = array<i32>} : memref<56x128xi32, #tpu.memory_space<vmem>>, vector<16xi32>,
      %gather3A_577 = tpu.vector_load_idx %arg5[%get3A_576] : memref<100000xf32, #tpu.memory_space<vmem>>[vector<16xi32>], vector<16xf32>,
      %add3A_578 = arith.addf %add3A_536, %gather3A_577 : vector<16xf32>
      %get3A_579 = arith.index_cast %scan3A_568 : i32 to index
      %get3A_580 = arith.constant 32 : index
      %get3A_581 = tpu.vector_load %arg8[%get3A_579, %get3A_580] {strides = array<i32>} : memref<56x128xi32, #tpu.memory_space<vmem>>, vector<16xi32>,
      %gather3A_582 = tpu.vector_load_idx %arg5[%get3A_581] : memref<100000xf32, #tpu.memory_space<vmem>>[vector<16xi32>], vector<16xf32>,
      %add3A_583 = arith.addf %add3A_541, %gather3A_582 : vector<16xf32>
      %get3A_584 = arith.index_cast %scan3A_568 : i32 to index
      %get3A_585 = arith.constant 48 : index
      %get3A_586 = tpu.vector_load %arg8[%get3A_584, %get3A_585] {strides = array<i32>} : memref<56x128xi32, #tpu.memory_space<vmem>>, vector<16xi32>,
      %gather3A_587 = tpu.vector_load_idx %arg5[%get3A_586] : memref<100000xf32, #tpu.memory_space<vmem>>[vector<16xi32>], vector<16xf32>,
      %add3A_588 = arith.addf %add3A_546, %gather3A_587 : vector<16xf32>
      %get3A_589 = arith.index_cast %scan3A_568 : i32 to index
      %get3A_590 = arith.constant 64 : index
      %get3A_591 = tpu.vector_load %arg8[%get3A_589, %get3A_590] {strides = array<i32>} : memref<56x128xi32, #tpu.memory_space<vmem>>, vector<16xi32>,
      %gather3A_592 = tpu.vector_load_idx %arg5[%get3A_591] : memref<100000xf32, #tpu.memory_space<vmem>>[vector<16xi32>], vector<16xf32>,
      %add3A_593 = arith.addf %add3A_551, %gather3A_592 : vector<16xf32>
      %get3A_594 = arith.index_cast %scan3A_568 : i32 to index
      %get3A_595 = arith.constant 80 : index
      %get3A_596 = tpu.vector_load %arg8[%get3A_594, %get3A_595] {strides = array<i32>} : memref<56x128xi32, #tpu.memory_space<vmem>>, vector<16xi32>,
      %gather3A_597 = tpu.vector_load_idx %arg5[%get3A_596] : memref<100000xf32, #tpu.memory_space<vmem>>[vector<16xi32>], vector<16xf32>,
      %add3A_598 = arith.addf %add3A_556, %gather3A_597 : vector<16xf32>
      %get3A_599 = arith.index_cast %scan3A_568 : i32 to index
      %get3A_600 = arith.constant 96 : index
      %get3A_601 = tpu.vector_load %arg8[%get3A_599, %get3A_600] {strides = array<i32>} : memref<56x128xi32, #tpu.memory_space<vmem>>, vector<16xi32>,
      %gather3A_602 = tpu.vector_load_idx %arg5[%get3A_601] : memref<100000xf32, #tpu.memory_space<vmem>>[vector<16xi32>], vector<16xf32>,
      %add3A_603 = arith.addf %add3A_561, %gather3A_602 : vector<16xf32>
      %get3A_604 = arith.index_cast %scan3A_568 : i32 to index
      %get3A_605 = arith.constant 112 : index
      %get3A_606 = tpu.vector_load %arg8[%get3A_604, %get3A_605] {strides = array<i32>} : memref<56x128xi32, #tpu.memory_space<vmem>>, vector<16xi32>,
      %gather3A_607 = tpu.vector_load_idx %arg5[%get3A_606] : memref<100000xf32, #tpu.memory_space<vmem>>[vector<16xi32>], vector<16xf32>,
      %add3A_608 = arith.addf %add3A_566, %gather3A_607 : vector<16xf32>
      %scan3A_609 = arith.constant 2 : i32
      %scan3A_610 = arith.addi %scan3A_520, %scan3A_609 : i32
      %get3A_611 = arith.index_cast %scan3A_610 : i32 to index
      %get3A_612 = arith.constant 0 : index
      %get3A_613 = tpu.vector_load %arg8[%get3A_611, %get3A_612] {strides = array<i32>} : memref<56x128xi32, #tpu.memory_space<vmem>>, vector<16xi32>,
      %gather3A_614 = tpu.vector_load_idx %arg5[%get3A_613] : memref<100000xf32, #tpu.memory_space<vmem>>[vector<16xi32>], vector<16xf32>,
      %add3A_615 = arith.addf %add3A_573, %gather3A_614 : vector<16xf32>
      %get3A_616 = arith.index_cast %scan3A_610 : i32 to index
      %get3A_617 = arith.constant 16 : index
      %get3A_618 = tpu.vector_load %arg8[%get3A_616, %get3A_617] {strides = array<i32>} : memref<56x128xi32, #tpu.memory_space<vmem>>, vector<16xi32>,
      %gather3A_619 = tpu.vector_load_idx %arg5[%get3A_618] : memref<100000xf32, #tpu.memory_space<vmem>>[vector<16xi32>], vector<16xf32>,
      %add3A_620 = arith.addf %add3A_578, %gather3A_619 : vector<16xf32>
      %get3A_621 = arith.index_cast %scan3A_610 : i32 to index
      %get3A_622 = arith.constant 32 : index
      %get3A_623 = tpu.vector_load %arg8[%get3A_621, %get3A_622] {strides = array<i32>} : memref<56x128xi32, #tpu.memory_space<vmem>>, vector<16xi32>,
      %gather3A_624 = tpu.vector_load_idx %arg5[%get3A_623] : memref<100000xf32, #tpu.memory_space<vmem>>[vector<16xi32>], vector<16xf32>,
      %add3A_625 = arith.addf %add3A_583, %gather3A_624 : vector<16xf32>
      %get3A_626 = arith.index_cast %scan3A_610 : i32 to index
      %get3A_627 = arith.constant 48 : index
      %get3A_628 = tpu.vector_load %arg8[%get3A_626, %get3A_627] {strides = array<i32>} : memref<56x128xi32, #tpu.memory_space<vmem>>, vector<16xi32>,
      %gather3A_629 = tpu.vector_load_idx %arg5[%get3A_628] : memref<100000xf32, #tpu.memory_space<vmem>>[vector<16xi32>], vector<16xf32>,
      %add3A_630 = arith.addf %add3A_588, %gather3A_629 : vector<16xf32>
      %get3A_631 = arith.index_cast %scan3A_610 : i32 to index
      %get3A_632 = arith.constant 64 : index
      %get3A_633 = tpu.vector_load %arg8[%get3A_631, %get3A_632] {strides = array<i32>} : memref<56x128xi32, #tpu.memory_space<vmem>>, vector<16xi32>,
      %gather3A_634 = tpu.vector_load_idx %arg5[%get3A_633] : memref<100000xf32, #tpu.memory_space<vmem>>[vector<16xi32>], vector<16xf32>,
      %add3A_635 = arith.addf %add3A_593, %gather3A_634 : vector<16xf32>
      %get3A_636 = arith.index_cast %scan3A_610 : i32 to index
      %get3A_637 = arith.constant 80 : index
      %get3A_638 = tpu.vector_load %arg8[%get3A_636, %get3A_637] {strides = array<i32>} : memref<56x128xi32, #tpu.memory_space<vmem>>, vector<16xi32>,
      %gather3A_639 = tpu.vector_load_idx %arg5[%get3A_638] : memref<100000xf32, #tpu.memory_space<vmem>>[vector<16xi32>], vector<16xf32>,
      %add3A_640 = arith.addf %add3A_598, %gather3A_639 : vector<16xf32>
      %get3A_641 = arith.index_cast %scan3A_610 : i32 to index
      %get3A_642 = arith.constant 96 : index
      %get3A_643 = tpu.vector_load %arg8[%get3A_641, %get3A_642] {strides = array<i32>} : memref<56x128xi32, #tpu.memory_space<vmem>>, vector<16xi32>,
      %gather3A_644 = tpu.vector_load_idx %arg5[%get3A_643] : memref<100000xf32, #tpu.memory_space<vmem>>[vector<16xi32>], vector<16xf32>,
      %add3A_645 = arith.addf %add3A_603, %gather3A_644 : vector<16xf32>
      %get3A_646 = arith.index_cast %scan3A_610 : i32 to index
      %get3A_647 = arith.constant 112 : index
      %get3A_648 = tpu.vector_load %arg8[%get3A_646, %get3A_647] {strides = array<i32>} : memref<56x128xi32, #tpu.memory_space<vmem>>, vector<16xi32>,
      %gather3A_649 = tpu.vector_load_idx %arg5[%get3A_648] : memref<100000xf32, #tpu.memory_space<vmem>>[vector<16xi32>], vector<16xf32>,
      %add3A_650 = arith.addf %add3A_608, %gather3A_649 : vector<16xf32>
      %scan3A_651 = arith.constant 3 : i32
      %scan3A_652 = arith.addi %scan3A_520, %scan3A_651 : i32
      %get3A_653 = arith.index_cast %scan3A_652 : i32 to index
      %get3A_654 = arith.constant 0 : index
      %get3A_655 = tpu.vector_load %arg8[%get3A_653, %get3A_654] {strides = array<i32>} : memref<56x128xi32, #tpu.memory_space<vmem>>, vector<16xi32>,
      %gather3A_656 = tpu.vector_load_idx %arg5[%get3A_655] : memref<100000xf32, #tpu.memory_space<vmem>>[vector<16xi32>], vector<16xf32>,
      %add3A_657 = arith.addf %add3A_615, %gather3A_656 : vector<16xf32>
      %get3A_658 = arith.index_cast %scan3A_652 : i32 to index
      %get3A_659 = arith.constant 16 : index
      %get3A_660 = tpu.vector_load %arg8[%get3A_658, %get3A_659] {strides = array<i32>} : memref<56x128xi32, #tpu.memory_space<vmem>>, vector<16xi32>,
      %gather3A_661 = tpu.vector_load_idx %arg5[%get3A_660] : memref<100000xf32, #tpu.memory_space<vmem>>[vector<16xi32>], vector<16xf32>,
      %add3A_662 = arith.addf %add3A_620, %gather3A_661 : vector<16xf32>
      %get3A_663 = arith.index_cast %scan3A_652 : i32 to index
      %get3A_664 = arith.constant 32 : index
      %get3A_665 = tpu.vector_load %arg8[%get3A_663, %get3A_664] {strides = array<i32>} : memref<56x128xi32, #tpu.memory_space<vmem>>, vector<16xi32>,
      %gather3A_666 = tpu.vector_load_idx %arg5[%get3A_665] : memref<100000xf32, #tpu.memory_space<vmem>>[vector<16xi32>], vector<16xf32>,
      %add3A_667 = arith.addf %add3A_625, %gather3A_666 : vector<16xf32>
      %get3A_668 = arith.index_cast %scan3A_652 : i32 to index
      %get3A_669 = arith.constant 48 : index
      %get3A_670 = tpu.vector_load %arg8[%get3A_668, %get3A_669] {strides = array<i32>} : memref<56x128xi32, #tpu.memory_space<vmem>>, vector<16xi32>,
      %gather3A_671 = tpu.vector_load_idx %arg5[%get3A_670] : memref<100000xf32, #tpu.memory_space<vmem>>[vector<16xi32>], vector<16xf32>,
      %add3A_672 = arith.addf %add3A_630, %gather3A_671 : vector<16xf32>
      %get3A_673 = arith.index_cast %scan3A_652 : i32 to index
      %get3A_674 = arith.constant 64 : index
      %get3A_675 = tpu.vector_load %arg8[%get3A_673, %get3A_674] {strides = array<i32>} : memref<56x128xi32, #tpu.memory_space<vmem>>, vector<16xi32>,
      %gather3A_676 = tpu.vector_load_idx %arg5[%get3A_675] : memref<100000xf32, #tpu.memory_space<vmem>>[vector<16xi32>], vector<16xf32>,
      %add3A_677 = arith.addf %add3A_635, %gather3A_676 : vector<16xf32>
      %get3A_678 = arith.index_cast %scan3A_652 : i32 to index
      %get3A_679 = arith.constant 80 : index
      %get3A_680 = tpu.vector_load %arg8[%get3A_678, %get3A_679] {strides = array<i32>} : memref<56x128xi32, #tpu.memory_space<vmem>>, vector<16xi32>,
      %gather3A_681 = tpu.vector_load_idx %arg5[%get3A_680] : memref<100000xf32, #tpu.memory_space<vmem>>[vector<16xi32>], vector<16xf32>,
      %add3A_682 = arith.addf %add3A_640, %gather3A_681 : vector<16xf32>
      %get3A_683 = arith.index_cast %scan3A_652 : i32 to index
      %get3A_684 = arith.constant 96 : index
      %get3A_685 = tpu.vector_load %arg8[%get3A_683, %get3A_684] {strides = array<i32>} : memref<56x128xi32, #tpu.memory_space<vmem>>, vector<16xi32>,
      %gather3A_686 = tpu.vector_load_idx %arg5[%get3A_685] : memref<100000xf32, #tpu.memory_space<vmem>>[vector<16xi32>], vector<16xf32>,
      %add3A_687 = arith.addf %add3A_645, %gather3A_686 : vector<16xf32>
      %get3A_688 = arith.index_cast %scan3A_652 : i32 to index
      %get3A_689 = arith.constant 112 : index
      %get3A_690 = tpu.vector_load %arg8[%get3A_688, %get3A_689] {strides = array<i32>} : memref<56x128xi32, #tpu.memory_space<vmem>>, vector<16xi32>,
      %gather3A_691 = tpu.vector_load_idx %arg5[%get3A_690] : memref<100000xf32, #tpu.memory_space<vmem>>[vector<16xi32>], vector<16xf32>,
      %add3A_692 = arith.addf %add3A_650, %gather3A_691 : vector<16xf32>
      scf.yield %add3A_657, %add3A_662, %add3A_667, %add3A_672, %add3A_677, %add3A_682, %add3A_687, %add3A_692 : vector<16xf32>, vector<16xf32>, vector<16xf32>, vector<16xf32>, vector<16xf32>, vector<16xf32>, vector<16xf32>, vector<16xf32>
    }
    %scan3A_70 = arith.constant 56 : i32
    %dma_wait3A_71 = arith.constant 0 : i32
    %dma_wait3A_72 = arith.constant 0 : i32
    %dma_wait3A_73 = tpu.memref_slice %arg7[%dma_wait3A_71, %dma_wait3A_72] : memref<56x128xi32, #tpu.memory_space<vmem>> -> memref<56x128xi32, #tpu.memory_space<vmem>>
    %dma_wait3A_74 = arith.constant 112 : i32
    %dma_wait3A_75 = tpu.memref_slice %arg3[%dma_wait3A_74, %add3A_54] : memref<200x16384xi32, #tpu.memory_space<hbm>> -> memref<56x128xi32, #tpu.memory_space<hbm>>
    %dma_wait3A_76 = arith.constant 0 : i32
    %dma_wait3A_77 = arith.constant 0 : i32
    %dma_wait3A_78 = tpu.memref_slice %arg7[%dma_wait3A_76, %dma_wait3A_77] : memref<56x128xi32, #tpu.memory_space<vmem>> -> memref<56x128xi32, #tpu.memory_space<vmem>>
    %dma_wait3A_79 = arith.constant 112 : i32
    %dma_wait3A_80 = tpu.memref_slice %arg3[%dma_wait3A_79, %add3A_54] : memref<200x16384xi32, #tpu.memory_space<hbm>> -> memref<56x128xi32, #tpu.memory_space<hbm>>
    tpu.wait_dma2 semaphore(%arg11 : memref<!tpu.dma_semaphore, #tpu.memory_space<semaphore_mem>>) src(%dma_wait3A_80 : memref<56x128xi32, #tpu.memory_space<hbm>>) dst(%dma_wait3A_78 : memref<56x128xi32, #tpu.memory_space<vmem>>)
    %add3A_81 = arith.constant 0 : i32
    %add3A_82 = arith.addi %mul3A_2, %add3A_81 : i32
    %dma_start3A_83 = arith.constant 0 : i32
    %dma_start3A_84 = arith.constant 0 : i32
    %dma_start3A_85 = tpu.memref_slice %arg8[%dma_start3A_83, %dma_start3A_84] : memref<56x128xi32, #tpu.memory_space<vmem>> -> memref<32x128xi32, #tpu.memory_space<vmem>>
    %dma_start3A_86 = arith.constant 168 : i32
    %dma_start3A_87 = tpu.memref_slice %arg3[%dma_start3A_86, %add3A_82] : memref<200x16384xi32, #tpu.memory_space<hbm>> -> memref<32x128xi32, #tpu.memory_space<hbm>>
    %dma_start3A_88 = arith.constant 0 : i32
    %dma_start3A_89 = arith.constant 0 : i32
    %dma_start3A_90 = tpu.memref_slice %arg8[%dma_start3A_88, %dma_start3A_89] : memref<56x128xi32, #tpu.memory_space<vmem>> -> memref<32x128xi32, #tpu.memory_space<vmem>>
    %dma_start3A_91 = arith.constant 168 : i32
    %dma_start3A_92 = tpu.memref_slice %arg3[%dma_start3A_91, %add3A_82] : memref<200x16384xi32, #tpu.memory_space<hbm>> -> memref<32x128xi32, #tpu.memory_space<hbm>>
    tpu.enqueue_dma source(%dma_start3A_92 : memref<32x128xi32, #tpu.memory_space<hbm>>) target(%dma_start3A_90 : memref<32x128xi32, #tpu.memory_space<vmem>>) target_semaphore(%arg12 : memref<!tpu.dma_semaphore, #tpu.memory_space<semaphore_mem>>)
    %scan3A_93 = arith.constant 0 : i32
    %scan3A_94 = arith.constant 56 : i32
    %scan3A_95 = arith.addi %scan3A_93, %scan3A_94 : i32
    %scan3A_96 = arith.constant 4 : i32
    %scan3A_97:8 = scf.for %scan3A_520 = %scan3A_93 to %scan3A_95 step %scan3A_96 iter_args(%scan3A_521 = %scan3A_69#0, %scan3A_522 = %scan3A_69#1, %scan3A_523 = %scan3A_69#2, %scan3A_524 = %scan3A_69#3, %scan3A_525 = %scan3A_69#4, %scan3A_526 = %scan3A_69#5, %scan3A_527 = %scan3A_69#6, %scan3A_528 = %scan3A_69#7) -> (vector<16xf32>, vector<16xf32>, vector<16xf32>, vector<16xf32>, vector<16xf32>, vector<16xf32>, vector<16xf32>, vector<16xf32>)  : i32 {
      %get3A = arith.index_cast %scan3A_520 : i32 to index
      %get3A_529 = arith.constant 0 : index
      %get3A_530 = tpu.vector_load %arg7[%get3A, %get3A_529] {strides = array<i32>} : memref<56x128xi32, #tpu.memory_space<vmem>>, vector<16xi32>,
      %gather3A = tpu.vector_load_idx %arg5[%get3A_530] : memref<100000xf32, #tpu.memory_space<vmem>>[vector<16xi32>], vector<16xf32>,
      %add3A_531 = arith.addf %scan3A_521, %gather3A : vector<16xf32>
      %get3A_532 = arith.index_cast %scan3A_520 : i32 to index
      %get3A_533 = arith.constant 16 : index
      %get3A_534 = tpu.vector_load %arg7[%get3A_532, %get3A_533] {strides = array<i32>} : memref<56x128xi32, #tpu.memory_space<vmem>>, vector<16xi32>,
      %gather3A_535 = tpu.vector_load_idx %arg5[%get3A_534] : memref<100000xf32, #tpu.memory_space<vmem>>[vector<16xi32>], vector<16xf32>,
      %add3A_536 = arith.addf %scan3A_522, %gather3A_535 : vector<16xf32>
      %get3A_537 = arith.index_cast %scan3A_520 : i32 to index
      %get3A_538 = arith.constant 32 : index
      %get3A_539 = tpu.vector_load %arg7[%get3A_537, %get3A_538] {strides = array<i32>} : memref<56x128xi32, #tpu.memory_space<vmem>>, vector<16xi32>,
      %gather3A_540 = tpu.vector_load_idx %arg5[%get3A_539] : memref<100000xf32, #tpu.memory_space<vmem>>[vector<16xi32>], vector<16xf32>,
      %add3A_541 = arith.addf %scan3A_523, %gather3A_540 : vector<16xf32>
      %get3A_542 = arith.index_cast %scan3A_520 : i32 to index
      %get3A_543 = arith.constant 48 : index
      %get3A_544 = tpu.vector_load %arg7[%get3A_542, %get3A_543] {strides = array<i32>} : memref<56x128xi32, #tpu.memory_space<vmem>>, vector<16xi32>,
      %gather3A_545 = tpu.vector_load_idx %arg5[%get3A_544] : memref<100000xf32, #tpu.memory_space<vmem>>[vector<16xi32>], vector<16xf32>,
      %add3A_546 = arith.addf %scan3A_524, %gather3A_545 : vector<16xf32>
      %get3A_547 = arith.index_cast %scan3A_520 : i32 to index
      %get3A_548 = arith.constant 64 : index
      %get3A_549 = tpu.vector_load %arg7[%get3A_547, %get3A_548] {strides = array<i32>} : memref<56x128xi32, #tpu.memory_space<vmem>>, vector<16xi32>,
      %gather3A_550 = tpu.vector_load_idx %arg5[%get3A_549] : memref<100000xf32, #tpu.memory_space<vmem>>[vector<16xi32>], vector<16xf32>,
      %add3A_551 = arith.addf %scan3A_525, %gather3A_550 : vector<16xf32>
      %get3A_552 = arith.index_cast %scan3A_520 : i32 to index
      %get3A_553 = arith.constant 80 : index
      %get3A_554 = tpu.vector_load %arg7[%get3A_552, %get3A_553] {strides = array<i32>} : memref<56x128xi32, #tpu.memory_space<vmem>>, vector<16xi32>,
      %gather3A_555 = tpu.vector_load_idx %arg5[%get3A_554] : memref<100000xf32, #tpu.memory_space<vmem>>[vector<16xi32>], vector<16xf32>,
      %add3A_556 = arith.addf %scan3A_526, %gather3A_555 : vector<16xf32>
      %get3A_557 = arith.index_cast %scan3A_520 : i32 to index
      %get3A_558 = arith.constant 96 : index
      %get3A_559 = tpu.vector_load %arg7[%get3A_557, %get3A_558] {strides = array<i32>} : memref<56x128xi32, #tpu.memory_space<vmem>>, vector<16xi32>,
      %gather3A_560 = tpu.vector_load_idx %arg5[%get3A_559] : memref<100000xf32, #tpu.memory_space<vmem>>[vector<16xi32>], vector<16xf32>,
      %add3A_561 = arith.addf %scan3A_527, %gather3A_560 : vector<16xf32>
      %get3A_562 = arith.index_cast %scan3A_520 : i32 to index
      %get3A_563 = arith.constant 112 : index
      %get3A_564 = tpu.vector_load %arg7[%get3A_562, %get3A_563] {strides = array<i32>} : memref<56x128xi32, #tpu.memory_space<vmem>>, vector<16xi32>,
      %gather3A_565 = tpu.vector_load_idx %arg5[%get3A_564] : memref<100000xf32, #tpu.memory_space<vmem>>[vector<16xi32>], vector<16xf32>,
      %add3A_566 = arith.addf %scan3A_528, %gather3A_565 : vector<16xf32>
      %scan3A_567 = arith.constant 1 : i32
      %scan3A_568 = arith.addi %scan3A_520, %scan3A_567 : i32
      %get3A_569 = arith.index_cast %scan3A_568 : i32 to index
      %get3A_570 = arith.constant 0 : index
      %get3A_571 = tpu.vector_load %arg7[%get3A_569, %get3A_570] {strides = array<i32>} : memref<56x128xi32, #tpu.memory_space<vmem>>, vector<16xi32>,
      %gather3A_572 = tpu.vector_load_idx %arg5[%get3A_571] : memref<100000xf32, #tpu.memory_space<vmem>>[vector<16xi32>], vector<16xf32>,
      %add3A_573 = arith.addf %add3A_531, %gather3A_572 : vector<16xf32>
      %get3A_574 = arith.index_cast %scan3A_568 : i32 to index
      %get3A_575 = arith.constant 16 : index
      %get3A_576 = tpu.vector_load %arg7[%get3A_574, %get3A_575] {strides = array<i32>} : memref<56x128xi32, #tpu.memory_space<vmem>>, vector<16xi32>,
      %gather3A_577 = tpu.vector_load_idx %arg5[%get3A_576] : memref<100000xf32, #tpu.memory_space<vmem>>[vector<16xi32>], vector<16xf32>,
      %add3A_578 = arith.addf %add3A_536, %gather3A_577 : vector<16xf32>
      %get3A_579 = arith.index_cast %scan3A_568 : i32 to index
      %get3A_580 = arith.constant 32 : index
      %get3A_581 = tpu.vector_load %arg7[%get3A_579, %get3A_580] {strides = array<i32>} : memref<56x128xi32, #tpu.memory_space<vmem>>, vector<16xi32>,
      %gather3A_582 = tpu.vector_load_idx %arg5[%get3A_581] : memref<100000xf32, #tpu.memory_space<vmem>>[vector<16xi32>], vector<16xf32>,
      %add3A_583 = arith.addf %add3A_541, %gather3A_582 : vector<16xf32>
      %get3A_584 = arith.index_cast %scan3A_568 : i32 to index
      %get3A_585 = arith.constant 48 : index
      %get3A_586 = tpu.vector_load %arg7[%get3A_584, %get3A_585] {strides = array<i32>} : memref<56x128xi32, #tpu.memory_space<vmem>>, vector<16xi32>,
      %gather3A_587 = tpu.vector_load_idx %arg5[%get3A_586] : memref<100000xf32, #tpu.memory_space<vmem>>[vector<16xi32>], vector<16xf32>,
      %add3A_588 = arith.addf %add3A_546, %gather3A_587 : vector<16xf32>
      %get3A_589 = arith.index_cast %scan3A_568 : i32 to index
      %get3A_590 = arith.constant 64 : index
      %get3A_591 = tpu.vector_load %arg7[%get3A_589, %get3A_590] {strides = array<i32>} : memref<56x128xi32, #tpu.memory_space<vmem>>, vector<16xi32>,
      %gather3A_592 = tpu.vector_load_idx %arg5[%get3A_591] : memref<100000xf32, #tpu.memory_space<vmem>>[vector<16xi32>], vector<16xf32>,
      %add3A_593 = arith.addf %add3A_551, %gather3A_592 : vector<16xf32>
      %get3A_594 = arith.index_cast %scan3A_568 : i32 to index
      %get3A_595 = arith.constant 80 : index
      %get3A_596 = tpu.vector_load %arg7[%get3A_594, %get3A_595] {strides = array<i32>} : memref<56x128xi32, #tpu.memory_space<vmem>>, vector<16xi32>,
      %gather3A_597 = tpu.vector_load_idx %arg5[%get3A_596] : memref<100000xf32, #tpu.memory_space<vmem>>[vector<16xi32>], vector<16xf32>,
      %add3A_598 = arith.addf %add3A_556, %gather3A_597 : vector<16xf32>
      %get3A_599 = arith.index_cast %scan3A_568 : i32 to index
      %get3A_600 = arith.constant 96 : index
      %get3A_601 = tpu.vector_load %arg7[%get3A_599, %get3A_600] {strides = array<i32>} : memref<56x128xi32, #tpu.memory_space<vmem>>, vector<16xi32>,
      %gather3A_602 = tpu.vector_load_idx %arg5[%get3A_601] : memref<100000xf32, #tpu.memory_space<vmem>>[vector<16xi32>], vector<16xf32>,
      %add3A_603 = arith.addf %add3A_561, %gather3A_602 : vector<16xf32>
      %get3A_604 = arith.index_cast %scan3A_568 : i32 to index
      %get3A_605 = arith.constant 112 : index
      %get3A_606 = tpu.vector_load %arg7[%get3A_604, %get3A_605] {strides = array<i32>} : memref<56x128xi32, #tpu.memory_space<vmem>>, vector<16xi32>,
      %gather3A_607 = tpu.vector_load_idx %arg5[%get3A_606] : memref<100000xf32, #tpu.memory_space<vmem>>[vector<16xi32>], vector<16xf32>,
      %add3A_608 = arith.addf %add3A_566, %gather3A_607 : vector<16xf32>
      %scan3A_609 = arith.constant 2 : i32
      %scan3A_610 = arith.addi %scan3A_520, %scan3A_609 : i32
      %get3A_611 = arith.index_cast %scan3A_610 : i32 to index
      %get3A_612 = arith.constant 0 : index
      %get3A_613 = tpu.vector_load %arg7[%get3A_611, %get3A_612] {strides = array<i32>} : memref<56x128xi32, #tpu.memory_space<vmem>>, vector<16xi32>,
      %gather3A_614 = tpu.vector_load_idx %arg5[%get3A_613] : memref<100000xf32, #tpu.memory_space<vmem>>[vector<16xi32>], vector<16xf32>,
      %add3A_615 = arith.addf %add3A_573, %gather3A_614 : vector<16xf32>
      %get3A_616 = arith.index_cast %scan3A_610 : i32 to index
      %get3A_617 = arith.constant 16 : index
      %get3A_618 = tpu.vector_load %arg7[%get3A_616, %get3A_617] {strides = array<i32>} : memref<56x128xi32, #tpu.memory_space<vmem>>, vector<16xi32>,
      %gather3A_619 = tpu.vector_load_idx %arg5[%get3A_618] : memref<100000xf32, #tpu.memory_space<vmem>>[vector<16xi32>], vector<16xf32>,
      %add3A_620 = arith.addf %add3A_578, %gather3A_619 : vector<16xf32>
      %get3A_621 = arith.index_cast %scan3A_610 : i32 to index
      %get3A_622 = arith.constant 32 : index
      %get3A_623 = tpu.vector_load %arg7[%get3A_621, %get3A_622] {strides = array<i32>} : memref<56x128xi32, #tpu.memory_space<vmem>>, vector<16xi32>,
      %gather3A_624 = tpu.vector_load_idx %arg5[%get3A_623] : memref<100000xf32, #tpu.memory_space<vmem>>[vector<16xi32>], vector<16xf32>,
      %add3A_625 = arith.addf %add3A_583, %gather3A_624 : vector<16xf32>
      %get3A_626 = arith.index_cast %scan3A_610 : i32 to index
      %get3A_627 = arith.constant 48 : index
      %get3A_628 = tpu.vector_load %arg7[%get3A_626, %get3A_627] {strides = array<i32>} : memref<56x128xi32, #tpu.memory_space<vmem>>, vector<16xi32>,
      %gather3A_629 = tpu.vector_load_idx %arg5[%get3A_628] : memref<100000xf32, #tpu.memory_space<vmem>>[vector<16xi32>], vector<16xf32>,
      %add3A_630 = arith.addf %add3A_588, %gather3A_629 : vector<16xf32>
      %get3A_631 = arith.index_cast %scan3A_610 : i32 to index
      %get3A_632 = arith.constant 64 : index
      %get3A_633 = tpu.vector_load %arg7[%get3A_631, %get3A_632] {strides = array<i32>} : memref<56x128xi32, #tpu.memory_space<vmem>>, vector<16xi32>,
      %gather3A_634 = tpu.vector_load_idx %arg5[%get3A_633] : memref<100000xf32, #tpu.memory_space<vmem>>[vector<16xi32>], vector<16xf32>,
      %add3A_635 = arith.addf %add3A_593, %gather3A_634 : vector<16xf32>
      %get3A_636 = arith.index_cast %scan3A_610 : i32 to index
      %get3A_637 = arith.constant 80 : index
      %get3A_638 = tpu.vector_load %arg7[%get3A_636, %get3A_637] {strides = array<i32>} : memref<56x128xi32, #tpu.memory_space<vmem>>, vector<16xi32>,
      %gather3A_639 = tpu.vector_load_idx %arg5[%get3A_638] : memref<100000xf32, #tpu.memory_space<vmem>>[vector<16xi32>], vector<16xf32>,
      %add3A_640 = arith.addf %add3A_598, %gather3A_639 : vector<16xf32>
      %get3A_641 = arith.index_cast %scan3A_610 : i32 to index
      %get3A_642 = arith.constant 96 : index
      %get3A_643 = tpu.vector_load %arg7[%get3A_641, %get3A_642] {strides = array<i32>} : memref<56x128xi32, #tpu.memory_space<vmem>>, vector<16xi32>,
      %gather3A_644 = tpu.vector_load_idx %arg5[%get3A_643] : memref<100000xf32, #tpu.memory_space<vmem>>[vector<16xi32>], vector<16xf32>,
      %add3A_645 = arith.addf %add3A_603, %gather3A_644 : vector<16xf32>
      %get3A_646 = arith.index_cast %scan3A_610 : i32 to index
      %get3A_647 = arith.constant 112 : index
      %get3A_648 = tpu.vector_load %arg7[%get3A_646, %get3A_647] {strides = array<i32>} : memref<56x128xi32, #tpu.memory_space<vmem>>, vector<16xi32>,
      %gather3A_649 = tpu.vector_load_idx %arg5[%get3A_648] : memref<100000xf32, #tpu.memory_space<vmem>>[vector<16xi32>], vector<16xf32>,
      %add3A_650 = arith.addf %add3A_608, %gather3A_649 : vector<16xf32>
      %scan3A_651 = arith.constant 3 : i32
      %scan3A_652 = arith.addi %scan3A_520, %scan3A_651 : i32
      %get3A_653 = arith.index_cast %scan3A_652 : i32 to index
      %get3A_654 = arith.constant 0 : index
      %get3A_655 = tpu.vector_load %arg7[%get3A_653, %get3A_654] {strides = array<i32>} : memref<56x128xi32, #tpu.memory_space<vmem>>, vector<16xi32>,
      %gather3A_656 = tpu.vector_load_idx %arg5[%get3A_655] : memref<100000xf32, #tpu.memory_space<vmem>>[vector<16xi32>], vector<16xf32>,
      %add3A_657 = arith.addf %add3A_615, %gather3A_656 : vector<16xf32>
      %get3A_658 = arith.index_cast %scan3A_652 : i32 to index
      %get3A_659 = arith.constant 16 : index
      %get3A_660 = tpu.vector_load %arg7[%get3A_658, %get3A_659] {strides = array<i32>} : memref<56x128xi32, #tpu.memory_space<vmem>>, vector<16xi32>,
      %gather3A_661 = tpu.vector_load_idx %arg5[%get3A_660] : memref<100000xf32, #tpu.memory_space<vmem>>[vector<16xi32>], vector<16xf32>,
      %add3A_662 = arith.addf %add3A_620, %gather3A_661 : vector<16xf32>
      %get3A_663 = arith.index_cast %scan3A_652 : i32 to index
      %get3A_664 = arith.constant 32 : index
      %get3A_665 = tpu.vector_load %arg7[%get3A_663, %get3A_664] {strides = array<i32>} : memref<56x128xi32, #tpu.memory_space<vmem>>, vector<16xi32>,
      %gather3A_666 = tpu.vector_load_idx %arg5[%get3A_665] : memref<100000xf32, #tpu.memory_space<vmem>>[vector<16xi32>], vector<16xf32>,
      %add3A_667 = arith.addf %add3A_625, %gather3A_666 : vector<16xf32>
      %get3A_668 = arith.index_cast %scan3A_652 : i32 to index
      %get3A_669 = arith.constant 48 : index
      %get3A_670 = tpu.vector_load %arg7[%get3A_668, %get3A_669] {strides = array<i32>} : memref<56x128xi32, #tpu.memory_space<vmem>>, vector<16xi32>,
      %gather3A_671 = tpu.vector_load_idx %arg5[%get3A_670] : memref<100000xf32, #tpu.memory_space<vmem>>[vector<16xi32>], vector<16xf32>,
      %add3A_672 = arith.addf %add3A_630, %gather3A_671 : vector<16xf32>
      %get3A_673 = arith.index_cast %scan3A_652 : i32 to index
      %get3A_674 = arith.constant 64 : index
      %get3A_675 = tpu.vector_load %arg7[%get3A_673, %get3A_674] {strides = array<i32>} : memref<56x128xi32, #tpu.memory_space<vmem>>, vector<16xi32>,
      %gather3A_676 = tpu.vector_load_idx %arg5[%get3A_675] : memref<100000xf32, #tpu.memory_space<vmem>>[vector<16xi32>], vector<16xf32>,
      %add3A_677 = arith.addf %add3A_635, %gather3A_676 : vector<16xf32>
      %get3A_678 = arith.index_cast %scan3A_652 : i32 to index
      %get3A_679 = arith.constant 80 : index
      %get3A_680 = tpu.vector_load %arg7[%get3A_678, %get3A_679] {strides = array<i32>} : memref<56x128xi32, #tpu.memory_space<vmem>>, vector<16xi32>,
      %gather3A_681 = tpu.vector_load_idx %arg5[%get3A_680] : memref<100000xf32, #tpu.memory_space<vmem>>[vector<16xi32>], vector<16xf32>,
      %add3A_682 = arith.addf %add3A_640, %gather3A_681 : vector<16xf32>
      %get3A_683 = arith.index_cast %scan3A_652 : i32 to index
      %get3A_684 = arith.constant 96 : index
      %get3A_685 = tpu.vector_load %arg7[%get3A_683, %get3A_684] {strides = array<i32>} : memref<56x128xi32, #tpu.memory_space<vmem>>, vector<16xi32>,
      %gather3A_686 = tpu.vector_load_idx %arg5[%get3A_685] : memref<100000xf32, #tpu.memory_space<vmem>>[vector<16xi32>], vector<16xf32>,
      %add3A_687 = arith.addf %add3A_645, %gather3A_686 : vector<16xf32>
      %get3A_688 = arith.index_cast %scan3A_652 : i32 to index
      %get3A_689 = arith.constant 112 : index
      %get3A_690 = tpu.vector_load %arg7[%get3A_688, %get3A_689] {strides = array<i32>} : memref<56x128xi32, #tpu.memory_space<vmem>>, vector<16xi32>,
      %gather3A_691 = tpu.vector_load_idx %arg5[%get3A_690] : memref<100000xf32, #tpu.memory_space<vmem>>[vector<16xi32>], vector<16xf32>,
      %add3A_692 = arith.addf %add3A_650, %gather3A_691 : vector<16xf32>
      scf.yield %add3A_657, %add3A_662, %add3A_667, %add3A_672, %add3A_677, %add3A_682, %add3A_687, %add3A_692 : vector<16xf32>, vector<16xf32>, vector<16xf32>, vector<16xf32>, vector<16xf32>, vector<16xf32>, vector<16xf32>, vector<16xf32>
    }
    %scan3A_98 = arith.constant 56 : i32
    %dma_wait3A_99 = arith.constant 0 : i32
    %dma_wait3A_100 = arith.constant 0 : i32
    %dma_wait3A_101 = tpu.memref_slice %arg8[%dma_wait3A_99, %dma_wait3A_100] : memref<56x128xi32, #tpu.memory_space<vmem>> -> memref<32x128xi32, #tpu.memory_space<vmem>>
    %dma_wait3A_102 = arith.constant 168 : i32
    %dma_wait3A_103 = tpu.memref_slice %arg3[%dma_wait3A_102, %add3A_82] : memref<200x16384xi32, #tpu.memory_space<hbm>> -> memref<32x128xi32, #tpu.memory_space<hbm>>
    %dma_wait3A_104 = arith.constant 0 : i32
    %dma_wait3A_105 = arith.constant 0 : i32
    %dma_wait3A_106 = tpu.memref_slice %arg8[%dma_wait3A_104, %dma_wait3A_105] : memref<56x128xi32, #tpu.memory_space<vmem>> -> memref<32x128xi32, #tpu.memory_space<vmem>>
    %dma_wait3A_107 = arith.constant 168 : i32
    %dma_wait3A_108 = tpu.memref_slice %arg3[%dma_wait3A_107, %add3A_82] : memref<200x16384xi32, #tpu.memory_space<hbm>> -> memref<32x128xi32, #tpu.memory_space<hbm>>
    tpu.wait_dma2 semaphore(%arg12 : memref<!tpu.dma_semaphore, #tpu.memory_space<semaphore_mem>>) src(%dma_wait3A_108 : memref<32x128xi32, #tpu.memory_space<hbm>>) dst(%dma_wait3A_106 : memref<32x128xi32, #tpu.memory_space<vmem>>)
    %add3A_109 = arith.constant 128 : i32
    %add3A_110 = arith.addi %mul3A_2, %add3A_109 : i32
    %dma_start3A_111 = arith.constant 0 : i32
    %dma_start3A_112 = arith.constant 0 : i32
    %dma_start3A_113 = tpu.memref_slice %arg7[%dma_start3A_111, %dma_start3A_112] : memref<56x128xi32, #tpu.memory_space<vmem>> -> memref<56x128xi32, #tpu.memory_space<vmem>>
    %dma_start3A_114 = arith.constant 0 : i32
    %dma_start3A_115 = tpu.memref_slice %arg3[%dma_start3A_114, %add3A_110] : memref<200x16384xi32, #tpu.memory_space<hbm>> -> memref<56x128xi32, #tpu.memory_space<hbm>>
    %dma_start3A_116 = arith.constant 0 : i32
    %dma_start3A_117 = arith.constant 0 : i32
    %dma_start3A_118 = tpu.memref_slice %arg7[%dma_start3A_116, %dma_start3A_117] : memref<56x128xi32, #tpu.memory_space<vmem>> -> memref<56x128xi32, #tpu.memory_space<vmem>>
    %dma_start3A_119 = arith.constant 0 : i32
    %dma_start3A_120 = tpu.memref_slice %arg3[%dma_start3A_119, %add3A_110] : memref<200x16384xi32, #tpu.memory_space<hbm>> -> memref<56x128xi32, #tpu.memory_space<hbm>>
    tpu.enqueue_dma source(%dma_start3A_120 : memref<56x128xi32, #tpu.memory_space<hbm>>) target(%dma_start3A_118 : memref<56x128xi32, #tpu.memory_space<vmem>>) target_semaphore(%arg11 : memref<!tpu.dma_semaphore, #tpu.memory_space<semaphore_mem>>)
    %scan3A_121 = arith.constant 0 : i32
    %scan3A_122 = arith.constant 32 : i32
    %scan3A_123 = arith.addi %scan3A_121, %scan3A_122 : i32
    %scan3A_124 = arith.constant 4 : i32
    %scan3A_125:8 = scf.for %scan3A_520 = %scan3A_121 to %scan3A_123 step %scan3A_124 iter_args(%scan3A_521 = %scan3A_97#0, %scan3A_522 = %scan3A_97#1, %scan3A_523 = %scan3A_97#2, %scan3A_524 = %scan3A_97#3, %scan3A_525 = %scan3A_97#4, %scan3A_526 = %scan3A_97#5, %scan3A_527 = %scan3A_97#6, %scan3A_528 = %scan3A_97#7) -> (vector<16xf32>, vector<16xf32>, vector<16xf32>, vector<16xf32>, vector<16xf32>, vector<16xf32>, vector<16xf32>, vector<16xf32>)  : i32 {
      %get3A = arith.index_cast %scan3A_520 : i32 to index
      %get3A_529 = arith.constant 0 : index
      %get3A_530 = tpu.vector_load %arg8[%get3A, %get3A_529] {strides = array<i32>} : memref<56x128xi32, #tpu.memory_space<vmem>>, vector<16xi32>,
      %gather3A = tpu.vector_load_idx %arg5[%get3A_530] : memref<100000xf32, #tpu.memory_space<vmem>>[vector<16xi32>], vector<16xf32>,
      %add3A_531 = arith.addf %scan3A_521, %gather3A : vector<16xf32>
      %get3A_532 = arith.index_cast %scan3A_520 : i32 to index
      %get3A_533 = arith.constant 16 : index
      %get3A_534 = tpu.vector_load %arg8[%get3A_532, %get3A_533] {strides = array<i32>} : memref<56x128xi32, #tpu.memory_space<vmem>>, vector<16xi32>,
      %gather3A_535 = tpu.vector_load_idx %arg5[%get3A_534] : memref<100000xf32, #tpu.memory_space<vmem>>[vector<16xi32>], vector<16xf32>,
      %add3A_536 = arith.addf %scan3A_522, %gather3A_535 : vector<16xf32>
      %get3A_537 = arith.index_cast %scan3A_520 : i32 to index
      %get3A_538 = arith.constant 32 : index
      %get3A_539 = tpu.vector_load %arg8[%get3A_537, %get3A_538] {strides = array<i32>} : memref<56x128xi32, #tpu.memory_space<vmem>>, vector<16xi32>,
      %gather3A_540 = tpu.vector_load_idx %arg5[%get3A_539] : memref<100000xf32, #tpu.memory_space<vmem>>[vector<16xi32>], vector<16xf32>,
      %add3A_541 = arith.addf %scan3A_523, %gather3A_540 : vector<16xf32>
      %get3A_542 = arith.index_cast %scan3A_520 : i32 to index
      %get3A_543 = arith.constant 48 : index
      %get3A_544 = tpu.vector_load %arg8[%get3A_542, %get3A_543] {strides = array<i32>} : memref<56x128xi32, #tpu.memory_space<vmem>>, vector<16xi32>,
      %gather3A_545 = tpu.vector_load_idx %arg5[%get3A_544] : memref<100000xf32, #tpu.memory_space<vmem>>[vector<16xi32>], vector<16xf32>,
      %add3A_546 = arith.addf %scan3A_524, %gather3A_545 : vector<16xf32>
      %get3A_547 = arith.index_cast %scan3A_520 : i32 to index
      %get3A_548 = arith.constant 64 : index
      %get3A_549 = tpu.vector_load %arg8[%get3A_547, %get3A_548] {strides = array<i32>} : memref<56x128xi32, #tpu.memory_space<vmem>>, vector<16xi32>,
      %gather3A_550 = tpu.vector_load_idx %arg5[%get3A_549] : memref<100000xf32, #tpu.memory_space<vmem>>[vector<16xi32>], vector<16xf32>,
      %add3A_551 = arith.addf %scan3A_525, %gather3A_550 : vector<16xf32>
      %get3A_552 = arith.index_cast %scan3A_520 : i32 to index
      %get3A_553 = arith.constant 80 : index
      %get3A_554 = tpu.vector_load %arg8[%get3A_552, %get3A_553] {strides = array<i32>} : memref<56x128xi32, #tpu.memory_space<vmem>>, vector<16xi32>,
      %gather3A_555 = tpu.vector_load_idx %arg5[%get3A_554] : memref<100000xf32, #tpu.memory_space<vmem>>[vector<16xi32>], vector<16xf32>,
      %add3A_556 = arith.addf %scan3A_526, %gather3A_555 : vector<16xf32>
      %get3A_557 = arith.index_cast %scan3A_520 : i32 to index
      %get3A_558 = arith.constant 96 : index
      %get3A_559 = tpu.vector_load %arg8[%get3A_557, %get3A_558] {strides = array<i32>} : memref<56x128xi32, #tpu.memory_space<vmem>>, vector<16xi32>,
      %gather3A_560 = tpu.vector_load_idx %arg5[%get3A_559] : memref<100000xf32, #tpu.memory_space<vmem>>[vector<16xi32>], vector<16xf32>,
      %add3A_561 = arith.addf %scan3A_527, %gather3A_560 : vector<16xf32>
      %get3A_562 = arith.index_cast %scan3A_520 : i32 to index
      %get3A_563 = arith.constant 112 : index
      %get3A_564 = tpu.vector_load %arg8[%get3A_562, %get3A_563] {strides = array<i32>} : memref<56x128xi32, #tpu.memory_space<vmem>>, vector<16xi32>,
      %gather3A_565 = tpu.vector_load_idx %arg5[%get3A_564] : memref<100000xf32, #tpu.memory_space<vmem>>[vector<16xi32>], vector<16xf32>,
      %add3A_566 = arith.addf %scan3A_528, %gather3A_565 : vector<16xf32>
      %scan3A_567 = arith.constant 1 : i32
      %scan3A_568 = arith.addi %scan3A_520, %scan3A_567 : i32
      %get3A_569 = arith.index_cast %scan3A_568 : i32 to index
      %get3A_570 = arith.constant 0 : index
      %get3A_571 = tpu.vector_load %arg8[%get3A_569, %get3A_570] {strides = array<i32>} : memref<56x128xi32, #tpu.memory_space<vmem>>, vector<16xi32>,
      %gather3A_572 = tpu.vector_load_idx %arg5[%get3A_571] : memref<100000xf32, #tpu.memory_space<vmem>>[vector<16xi32>], vector<16xf32>,
      %add3A_573 = arith.addf %add3A_531, %gather3A_572 : vector<16xf32>
      %get3A_574 = arith.index_cast %scan3A_568 : i32 to index
      %get3A_575 = arith.constant 16 : index
      %get3A_576 = tpu.vector_load %arg8[%get3A_574, %get3A_575] {strides = array<i32>} : memref<56x128xi32, #tpu.memory_space<vmem>>, vector<16xi32>,
      %gather3A_577 = tpu.vector_load_idx %arg5[%get3A_576] : memref<100000xf32, #tpu.memory_space<vmem>>[vector<16xi32>], vector<16xf32>,
      %add3A_578 = arith.addf %add3A_536, %gather3A_577 : vector<16xf32>
      %get3A_579 = arith.index_cast %scan3A_568 : i32 to index
      %get3A_580 = arith.constant 32 : index
      %get3A_581 = tpu.vector_load %arg8[%get3A_579, %get3A_580] {strides = array<i32>} : memref<56x128xi32, #tpu.memory_space<vmem>>, vector<16xi32>,
      %gather3A_582 = tpu.vector_load_idx %arg5[%get3A_581] : memref<100000xf32, #tpu.memory_space<vmem>>[vector<16xi32>], vector<16xf32>,
      %add3A_583 = arith.addf %add3A_541, %gather3A_582 : vector<16xf32>
      %get3A_584 = arith.index_cast %scan3A_568 : i32 to index
      %get3A_585 = arith.constant 48 : index
      %get3A_586 = tpu.vector_load %arg8[%get3A_584, %get3A_585] {strides = array<i32>} : memref<56x128xi32, #tpu.memory_space<vmem>>, vector<16xi32>,
      %gather3A_587 = tpu.vector_load_idx %arg5[%get3A_586] : memref<100000xf32, #tpu.memory_space<vmem>>[vector<16xi32>], vector<16xf32>,
      %add3A_588 = arith.addf %add3A_546, %gather3A_587 : vector<16xf32>
      %get3A_589 = arith.index_cast %scan3A_568 : i32 to index
      %get3A_590 = arith.constant 64 : index
      %get3A_591 = tpu.vector_load %arg8[%get3A_589, %get3A_590] {strides = array<i32>} : memref<56x128xi32, #tpu.memory_space<vmem>>, vector<16xi32>,
      %gather3A_592 = tpu.vector_load_idx %arg5[%get3A_591] : memref<100000xf32, #tpu.memory_space<vmem>>[vector<16xi32>], vector<16xf32>,
      %add3A_593 = arith.addf %add3A_551, %gather3A_592 : vector<16xf32>
      %get3A_594 = arith.index_cast %scan3A_568 : i32 to index
      %get3A_595 = arith.constant 80 : index
      %get3A_596 = tpu.vector_load %arg8[%get3A_594, %get3A_595] {strides = array<i32>} : memref<56x128xi32, #tpu.memory_space<vmem>>, vector<16xi32>,
      %gather3A_597 = tpu.vector_load_idx %arg5[%get3A_596] : memref<100000xf32, #tpu.memory_space<vmem>>[vector<16xi32>], vector<16xf32>,
      %add3A_598 = arith.addf %add3A_556, %gather3A_597 : vector<16xf32>
      %get3A_599 = arith.index_cast %scan3A_568 : i32 to index
      %get3A_600 = arith.constant 96 : index
      %get3A_601 = tpu.vector_load %arg8[%get3A_599, %get3A_600] {strides = array<i32>} : memref<56x128xi32, #tpu.memory_space<vmem>>, vector<16xi32>,
      %gather3A_602 = tpu.vector_load_idx %arg5[%get3A_601] : memref<100000xf32, #tpu.memory_space<vmem>>[vector<16xi32>], vector<16xf32>,
      %add3A_603 = arith.addf %add3A_561, %gather3A_602 : vector<16xf32>
      %get3A_604 = arith.index_cast %scan3A_568 : i32 to index
      %get3A_605 = arith.constant 112 : index
      %get3A_606 = tpu.vector_load %arg8[%get3A_604, %get3A_605] {strides = array<i32>} : memref<56x128xi32, #tpu.memory_space<vmem>>, vector<16xi32>,
      %gather3A_607 = tpu.vector_load_idx %arg5[%get3A_606] : memref<100000xf32, #tpu.memory_space<vmem>>[vector<16xi32>], vector<16xf32>,
      %add3A_608 = arith.addf %add3A_566, %gather3A_607 : vector<16xf32>
      %scan3A_609 = arith.constant 2 : i32
      %scan3A_610 = arith.addi %scan3A_520, %scan3A_609 : i32
      %get3A_611 = arith.index_cast %scan3A_610 : i32 to index
      %get3A_612 = arith.constant 0 : index
      %get3A_613 = tpu.vector_load %arg8[%get3A_611, %get3A_612] {strides = array<i32>} : memref<56x128xi32, #tpu.memory_space<vmem>>, vector<16xi32>,
      %gather3A_614 = tpu.vector_load_idx %arg5[%get3A_613] : memref<100000xf32, #tpu.memory_space<vmem>>[vector<16xi32>], vector<16xf32>,
      %add3A_615 = arith.addf %add3A_573, %gather3A_614 : vector<16xf32>
      %get3A_616 = arith.index_cast %scan3A_610 : i32 to index
      %get3A_617 = arith.constant 16 : index
      %get3A_618 = tpu.vector_load %arg8[%get3A_616, %get3A_617] {strides = array<i32>} : memref<56x128xi32, #tpu.memory_space<vmem>>, vector<16xi32>,
      %gather3A_619 = tpu.vector_load_idx %arg5[%get3A_618] : memref<100000xf32, #tpu.memory_space<vmem>>[vector<16xi32>], vector<16xf32>,
      %add3A_620 = arith.addf %add3A_578, %gather3A_619 : vector<16xf32>
      %get3A_621 = arith.index_cast %scan3A_610 : i32 to index
      %get3A_622 = arith.constant 32 : index
      %get3A_623 = tpu.vector_load %arg8[%get3A_621, %get3A_622] {strides = array<i32>} : memref<56x128xi32, #tpu.memory_space<vmem>>, vector<16xi32>,
      %gather3A_624 = tpu.vector_load_idx %arg5[%get3A_623] : memref<100000xf32, #tpu.memory_space<vmem>>[vector<16xi32>], vector<16xf32>,
      %add3A_625 = arith.addf %add3A_583, %gather3A_624 : vector<16xf32>
      %get3A_626 = arith.index_cast %scan3A_610 : i32 to index
      %get3A_627 = arith.constant 48 : index
      %get3A_628 = tpu.vector_load %arg8[%get3A_626, %get3A_627] {strides = array<i32>} : memref<56x128xi32, #tpu.memory_space<vmem>>, vector<16xi32>,
      %gather3A_629 = tpu.vector_load_idx %arg5[%get3A_628] : memref<100000xf32, #tpu.memory_space<vmem>>[vector<16xi32>], vector<16xf32>,
      %add3A_630 = arith.addf %add3A_588, %gather3A_629 : vector<16xf32>
      %get3A_631 = arith.index_cast %scan3A_610 : i32 to index
      %get3A_632 = arith.constant 64 : index
      %get3A_633 = tpu.vector_load %arg8[%get3A_631, %get3A_632] {strides = array<i32>} : memref<56x128xi32, #tpu.memory_space<vmem>>, vector<16xi32>,
      %gather3A_634 = tpu.vector_load_idx %arg5[%get3A_633] : memref<100000xf32, #tpu.memory_space<vmem>>[vector<16xi32>], vector<16xf32>,
      %add3A_635 = arith.addf %add3A_593, %gather3A_634 : vector<16xf32>
      %get3A_636 = arith.index_cast %scan3A_610 : i32 to index
      %get3A_637 = arith.constant 80 : index
      %get3A_638 = tpu.vector_load %arg8[%get3A_636, %get3A_637] {strides = array<i32>} : memref<56x128xi32, #tpu.memory_space<vmem>>, vector<16xi32>,
      %gather3A_639 = tpu.vector_load_idx %arg5[%get3A_638] : memref<100000xf32, #tpu.memory_space<vmem>>[vector<16xi32>], vector<16xf32>,
      %add3A_640 = arith.addf %add3A_598, %gather3A_639 : vector<16xf32>
      %get3A_641 = arith.index_cast %scan3A_610 : i32 to index
      %get3A_642 = arith.constant 96 : index
      %get3A_643 = tpu.vector_load %arg8[%get3A_641, %get3A_642] {strides = array<i32>} : memref<56x128xi32, #tpu.memory_space<vmem>>, vector<16xi32>,
      %gather3A_644 = tpu.vector_load_idx %arg5[%get3A_643] : memref<100000xf32, #tpu.memory_space<vmem>>[vector<16xi32>], vector<16xf32>,
      %add3A_645 = arith.addf %add3A_603, %gather3A_644 : vector<16xf32>
      %get3A_646 = arith.index_cast %scan3A_610 : i32 to index
      %get3A_647 = arith.constant 112 : index
      %get3A_648 = tpu.vector_load %arg8[%get3A_646, %get3A_647] {strides = array<i32>} : memref<56x128xi32, #tpu.memory_space<vmem>>, vector<16xi32>,
      %gather3A_649 = tpu.vector_load_idx %arg5[%get3A_648] : memref<100000xf32, #tpu.memory_space<vmem>>[vector<16xi32>], vector<16xf32>,
      %add3A_650 = arith.addf %add3A_608, %gather3A_649 : vector<16xf32>
      %scan3A_651 = arith.constant 3 : i32
      %scan3A_652 = arith.addi %scan3A_520, %scan3A_651 : i32
      %get3A_653 = arith.index_cast %scan3A_652 : i32 to index
      %get3A_654 = arith.constant 0 : index
      %get3A_655 = tpu.vector_load %arg8[%get3A_653, %get3A_654] {strides = array<i32>} : memref<56x128xi32, #tpu.memory_space<vmem>>, vector<16xi32>,
      %gather3A_656 = tpu.vector_load_idx %arg5[%get3A_655] : memref<100000xf32, #tpu.memory_space<vmem>>[vector<16xi32>], vector<16xf32>,
      %add3A_657 = arith.addf %add3A_615, %gather3A_656 : vector<16xf32>
      %get3A_658 = arith.index_cast %scan3A_652 : i32 to index
      %get3A_659 = arith.constant 16 : index
      %get3A_660 = tpu.vector_load %arg8[%get3A_658, %get3A_659] {strides = array<i32>} : memref<56x128xi32, #tpu.memory_space<vmem>>, vector<16xi32>,
      %gather3A_661 = tpu.vector_load_idx %arg5[%get3A_660] : memref<100000xf32, #tpu.memory_space<vmem>>[vector<16xi32>], vector<16xf32>,
      %add3A_662 = arith.addf %add3A_620, %gather3A_661 : vector<16xf32>
      %get3A_663 = arith.index_cast %scan3A_652 : i32 to index
      %get3A_664 = arith.constant 32 : index
      %get3A_665 = tpu.vector_load %arg8[%get3A_663, %get3A_664] {strides = array<i32>} : memref<56x128xi32, #tpu.memory_space<vmem>>, vector<16xi32>,
      %gather3A_666 = tpu.vector_load_idx %arg5[%get3A_665] : memref<100000xf32, #tpu.memory_space<vmem>>[vector<16xi32>], vector<16xf32>,
      %add3A_667 = arith.addf %add3A_625, %gather3A_666 : vector<16xf32>
      %get3A_668 = arith.index_cast %scan3A_652 : i32 to index
      %get3A_669 = arith.constant 48 : index
      %get3A_670 = tpu.vector_load %arg8[%get3A_668, %get3A_669] {strides = array<i32>} : memref<56x128xi32, #tpu.memory_space<vmem>>, vector<16xi32>,
      %gather3A_671 = tpu.vector_load_idx %arg5[%get3A_670] : memref<100000xf32, #tpu.memory_space<vmem>>[vector<16xi32>], vector<16xf32>,
      %add3A_672 = arith.addf %add3A_630, %gather3A_671 : vector<16xf32>
      %get3A_673 = arith.index_cast %scan3A_652 : i32 to index
      %get3A_674 = arith.constant 64 : index
      %get3A_675 = tpu.vector_load %arg8[%get3A_673, %get3A_674] {strides = array<i32>} : memref<56x128xi32, #tpu.memory_space<vmem>>, vector<16xi32>,
      %gather3A_676 = tpu.vector_load_idx %arg5[%get3A_675] : memref<100000xf32, #tpu.memory_space<vmem>>[vector<16xi32>], vector<16xf32>,
      %add3A_677 = arith.addf %add3A_635, %gather3A_676 : vector<16xf32>
      %get3A_678 = arith.index_cast %scan3A_652 : i32 to index
      %get3A_679 = arith.constant 80 : index
      %get3A_680 = tpu.vector_load %arg8[%get3A_678, %get3A_679] {strides = array<i32>} : memref<56x128xi32, #tpu.memory_space<vmem>>, vector<16xi32>,
      %gather3A_681 = tpu.vector_load_idx %arg5[%get3A_680] : memref<100000xf32, #tpu.memory_space<vmem>>[vector<16xi32>], vector<16xf32>,
      %add3A_682 = arith.addf %add3A_640, %gather3A_681 : vector<16xf32>
      %get3A_683 = arith.index_cast %scan3A_652 : i32 to index
      %get3A_684 = arith.constant 96 : index
      %get3A_685 = tpu.vector_load %arg8[%get3A_683, %get3A_684] {strides = array<i32>} : memref<56x128xi32, #tpu.memory_space<vmem>>, vector<16xi32>,
      %gather3A_686 = tpu.vector_load_idx %arg5[%get3A_685] : memref<100000xf32, #tpu.memory_space<vmem>>[vector<16xi32>], vector<16xf32>,
      %add3A_687 = arith.addf %add3A_645, %gather3A_686 : vector<16xf32>
      %get3A_688 = arith.index_cast %scan3A_652 : i32 to index
      %get3A_689 = arith.constant 112 : index
      %get3A_690 = tpu.vector_load %arg8[%get3A_688, %get3A_689] {strides = array<i32>} : memref<56x128xi32, #tpu.memory_space<vmem>>, vector<16xi32>,
      %gather3A_691 = tpu.vector_load_idx %arg5[%get3A_690] : memref<100000xf32, #tpu.memory_space<vmem>>[vector<16xi32>], vector<16xf32>,
      %add3A_692 = arith.addf %add3A_650, %gather3A_691 : vector<16xf32>
      scf.yield %add3A_657, %add3A_662, %add3A_667, %add3A_672, %add3A_677, %add3A_682, %add3A_687, %add3A_692 : vector<16xf32>, vector<16xf32>, vector<16xf32>, vector<16xf32>, vector<16xf32>, vector<16xf32>, vector<16xf32>, vector<16xf32>
    }
    %scan3A_126 = arith.constant 32 : i32
    %swap3A = arith.constant 0 : index
    %swap3A_127 = tpu.vector_load %arg9[%swap3A] {strides = array<i32>} : memref<512xf32, #tpu.memory_space<vmem>>, vector<16xf32>,
    tpu.vector_store %arg9[%swap3A], %scan3A_125#0 {strides = array<i32>} : memref<512xf32, #tpu.memory_space<vmem>>, vector<16xf32>,
    %swap3A_128 = arith.constant 16 : index
    %swap3A_129 = tpu.vector_load %arg9[%swap3A_128] {strides = array<i32>} : memref<512xf32, #tpu.memory_space<vmem>>, vector<16xf32>,
    tpu.vector_store %arg9[%swap3A_128], %scan3A_125#1 {strides = array<i32>} : memref<512xf32, #tpu.memory_space<vmem>>, vector<16xf32>,
    %swap3A_130 = arith.constant 32 : index
    %swap3A_131 = tpu.vector_load %arg9[%swap3A_130] {strides = array<i32>} : memref<512xf32, #tpu.memory_space<vmem>>, vector<16xf32>,
    tpu.vector_store %arg9[%swap3A_130], %scan3A_125#2 {strides = array<i32>} : memref<512xf32, #tpu.memory_space<vmem>>, vector<16xf32>,
    %swap3A_132 = arith.constant 48 : index
    %swap3A_133 = tpu.vector_load %arg9[%swap3A_132] {strides = array<i32>} : memref<512xf32, #tpu.memory_space<vmem>>, vector<16xf32>,
    tpu.vector_store %arg9[%swap3A_132], %scan3A_125#3 {strides = array<i32>} : memref<512xf32, #tpu.memory_space<vmem>>, vector<16xf32>,
    %swap3A_134 = arith.constant 64 : index
    %swap3A_135 = tpu.vector_load %arg9[%swap3A_134] {strides = array<i32>} : memref<512xf32, #tpu.memory_space<vmem>>, vector<16xf32>,
    tpu.vector_store %arg9[%swap3A_134], %scan3A_125#4 {strides = array<i32>} : memref<512xf32, #tpu.memory_space<vmem>>, vector<16xf32>,
    %swap3A_136 = arith.constant 80 : index
    %swap3A_137 = tpu.vector_load %arg9[%swap3A_136] {strides = array<i32>} : memref<512xf32, #tpu.memory_space<vmem>>, vector<16xf32>,
    tpu.vector_store %arg9[%swap3A_136], %scan3A_125#5 {strides = array<i32>} : memref<512xf32, #tpu.memory_space<vmem>>, vector<16xf32>,
    %swap3A_138 = arith.constant 96 : index
    %swap3A_139 = tpu.vector_load %arg9[%swap3A_138] {strides = array<i32>} : memref<512xf32, #tpu.memory_space<vmem>>, vector<16xf32>,
    tpu.vector_store %arg9[%swap3A_138], %scan3A_125#6 {strides = array<i32>} : memref<512xf32, #tpu.memory_space<vmem>>, vector<16xf32>,
    %swap3A_140 = arith.constant 112 : index
    %swap3A_141 = tpu.vector_load %arg9[%swap3A_140] {strides = array<i32>} : memref<512xf32, #tpu.memory_space<vmem>>, vector<16xf32>,
    tpu.vector_store %arg9[%swap3A_140], %scan3A_125#7 {strides = array<i32>} : memref<512xf32, #tpu.memory_space<vmem>>, vector<16xf32>,
    %dma_wait3A_142 = arith.constant 0 : i32
    %dma_wait3A_143 = arith.constant 0 : i32
    %dma_wait3A_144 = tpu.memref_slice %arg7[%dma_wait3A_142, %dma_wait3A_143] : memref<56x128xi32, #tpu.memory_space<vmem>> -> memref<56x128xi32, #tpu.memory_space<vmem>>
    %dma_wait3A_145 = arith.constant 0 : i32
    %dma_wait3A_146 = tpu.memref_slice %arg3[%dma_wait3A_145, %add3A_110] : memref<200x16384xi32, #tpu.memory_space<hbm>> -> memref<56x128xi32, #tpu.memory_space<hbm>>
    %dma_wait3A_147 = arith.constant 0 : i32
    %dma_wait3A_148 = arith.constant 0 : i32
    %dma_wait3A_149 = tpu.memref_slice %arg7[%dma_wait3A_147, %dma_wait3A_148] : memref<56x128xi32, #tpu.memory_space<vmem>> -> memref<56x128xi32, #tpu.memory_space<vmem>>
    %dma_wait3A_150 = arith.constant 0 : i32
    %dma_wait3A_151 = tpu.memref_slice %arg3[%dma_wait3A_150, %add3A_110] : memref<200x16384xi32, #tpu.memory_space<hbm>> -> memref<56x128xi32, #tpu.memory_space<hbm>>
    tpu.wait_dma2 semaphore(%arg11 : memref<!tpu.dma_semaphore, #tpu.memory_space<semaphore_mem>>) src(%dma_wait3A_151 : memref<56x128xi32, #tpu.memory_space<hbm>>) dst(%dma_wait3A_149 : memref<56x128xi32, #tpu.memory_space<vmem>>)
    %add3A_152 = arith.constant 128 : i32
    %add3A_153 = arith.addi %mul3A_2, %add3A_152 : i32
    %dma_start3A_154 = arith.constant 0 : i32
    %dma_start3A_155 = arith.constant 0 : i32
    %dma_start3A_156 = tpu.memref_slice %arg8[%dma_start3A_154, %dma_start3A_155] : memref<56x128xi32, #tpu.memory_space<vmem>> -> memref<56x128xi32, #tpu.memory_space<vmem>>
    %dma_start3A_157 = arith.constant 56 : i32
    %dma_start3A_158 = tpu.memref_slice %arg3[%dma_start3A_157, %add3A_153] : memref<200x16384xi32, #tpu.memory_space<hbm>> -> memref<56x128xi32, #tpu.memory_space<hbm>>
    %dma_start3A_159 = arith.constant 0 : i32
    %dma_start3A_160 = arith.constant 0 : i32
    %dma_start3A_161 = tpu.memref_slice %arg8[%dma_start3A_159, %dma_start3A_160] : memref<56x128xi32, #tpu.memory_space<vmem>> -> memref<56x128xi32, #tpu.memory_space<vmem>>
    %dma_start3A_162 = arith.constant 56 : i32
    %dma_start3A_163 = tpu.memref_slice %arg3[%dma_start3A_162, %add3A_153] : memref<200x16384xi32, #tpu.memory_space<hbm>> -> memref<56x128xi32, #tpu.memory_space<hbm>>
    tpu.enqueue_dma source(%dma_start3A_163 : memref<56x128xi32, #tpu.memory_space<hbm>>) target(%dma_start3A_161 : memref<56x128xi32, #tpu.memory_space<vmem>>) target_semaphore(%arg12 : memref<!tpu.dma_semaphore, #tpu.memory_space<semaphore_mem>>)
    %broadcast_in_dim3A_164 = arith.constant 0.000000e+00 : f32
    %broadcast_in_dim3A_165 = vector.broadcast %broadcast_in_dim3A_164 : f32 to vector<16xf32>
    %scan3A_166 = arith.constant 0 : i32
    %scan3A_167 = arith.constant 56 : i32
    %scan3A_168 = arith.addi %scan3A_166, %scan3A_167 : i32
    %scan3A_169 = arith.constant 4 : i32
    %scan3A_170:8 = scf.for %scan3A_520 = %scan3A_166 to %scan3A_168 step %scan3A_169 iter_args(%scan3A_521 = %broadcast_in_dim3A_165, %scan3A_522 = %broadcast_in_dim3A_165, %scan3A_523 = %broadcast_in_dim3A_165, %scan3A_524 = %broadcast_in_dim3A_165, %scan3A_525 = %broadcast_in_dim3A_165, %scan3A_526 = %broadcast_in_dim3A_165, %scan3A_527 = %broadcast_in_dim3A_165, %scan3A_528 = %broadcast_in_dim3A_165) -> (vector<16xf32>, vector<16xf32>, vector<16xf32>, vector<16xf32>, vector<16xf32>, vector<16xf32>, vector<16xf32>, vector<16xf32>)  : i32 {
      %get3A = arith.index_cast %scan3A_520 : i32 to index
      %get3A_529 = arith.constant 0 : index
      %get3A_530 = tpu.vector_load %arg7[%get3A, %get3A_529] {strides = array<i32>} : memref<56x128xi32, #tpu.memory_space<vmem>>, vector<16xi32>,
      %gather3A = tpu.vector_load_idx %arg5[%get3A_530] : memref<100000xf32, #tpu.memory_space<vmem>>[vector<16xi32>], vector<16xf32>,
      %add3A_531 = arith.addf %scan3A_521, %gather3A : vector<16xf32>
      %get3A_532 = arith.index_cast %scan3A_520 : i32 to index
      %get3A_533 = arith.constant 16 : index
      %get3A_534 = tpu.vector_load %arg7[%get3A_532, %get3A_533] {strides = array<i32>} : memref<56x128xi32, #tpu.memory_space<vmem>>, vector<16xi32>,
      %gather3A_535 = tpu.vector_load_idx %arg5[%get3A_534] : memref<100000xf32, #tpu.memory_space<vmem>>[vector<16xi32>], vector<16xf32>,
      %add3A_536 = arith.addf %scan3A_522, %gather3A_535 : vector<16xf32>
      %get3A_537 = arith.index_cast %scan3A_520 : i32 to index
      %get3A_538 = arith.constant 32 : index
      %get3A_539 = tpu.vector_load %arg7[%get3A_537, %get3A_538] {strides = array<i32>} : memref<56x128xi32, #tpu.memory_space<vmem>>, vector<16xi32>,
      %gather3A_540 = tpu.vector_load_idx %arg5[%get3A_539] : memref<100000xf32, #tpu.memory_space<vmem>>[vector<16xi32>], vector<16xf32>,
      %add3A_541 = arith.addf %scan3A_523, %gather3A_540 : vector<16xf32>
      %get3A_542 = arith.index_cast %scan3A_520 : i32 to index
      %get3A_543 = arith.constant 48 : index
      %get3A_544 = tpu.vector_load %arg7[%get3A_542, %get3A_543] {strides = array<i32>} : memref<56x128xi32, #tpu.memory_space<vmem>>, vector<16xi32>,
      %gather3A_545 = tpu.vector_load_idx %arg5[%get3A_544] : memref<100000xf32, #tpu.memory_space<vmem>>[vector<16xi32>], vector<16xf32>,
      %add3A_546 = arith.addf %scan3A_524, %gather3A_545 : vector<16xf32>
      %get3A_547 = arith.index_cast %scan3A_520 : i32 to index
      %get3A_548 = arith.constant 64 : index
      %get3A_549 = tpu.vector_load %arg7[%get3A_547, %get3A_548] {strides = array<i32>} : memref<56x128xi32, #tpu.memory_space<vmem>>, vector<16xi32>,
      %gather3A_550 = tpu.vector_load_idx %arg5[%get3A_549] : memref<100000xf32, #tpu.memory_space<vmem>>[vector<16xi32>], vector<16xf32>,
      %add3A_551 = arith.addf %scan3A_525, %gather3A_550 : vector<16xf32>
      %get3A_552 = arith.index_cast %scan3A_520 : i32 to index
      %get3A_553 = arith.constant 80 : index
      %get3A_554 = tpu.vector_load %arg7[%get3A_552, %get3A_553] {strides = array<i32>} : memref<56x128xi32, #tpu.memory_space<vmem>>, vector<16xi32>,
      %gather3A_555 = tpu.vector_load_idx %arg5[%get3A_554] : memref<100000xf32, #tpu.memory_space<vmem>>[vector<16xi32>], vector<16xf32>,
      %add3A_556 = arith.addf %scan3A_526, %gather3A_555 : vector<16xf32>
      %get3A_557 = arith.index_cast %scan3A_520 : i32 to index
      %get3A_558 = arith.constant 96 : index
      %get3A_559 = tpu.vector_load %arg7[%get3A_557, %get3A_558] {strides = array<i32>} : memref<56x128xi32, #tpu.memory_space<vmem>>, vector<16xi32>,
      %gather3A_560 = tpu.vector_load_idx %arg5[%get3A_559] : memref<100000xf32, #tpu.memory_space<vmem>>[vector<16xi32>], vector<16xf32>,
      %add3A_561 = arith.addf %scan3A_527, %gather3A_560 : vector<16xf32>
      %get3A_562 = arith.index_cast %scan3A_520 : i32 to index
      %get3A_563 = arith.constant 112 : index
      %get3A_564 = tpu.vector_load %arg7[%get3A_562, %get3A_563] {strides = array<i32>} : memref<56x128xi32, #tpu.memory_space<vmem>>, vector<16xi32>,
      %gather3A_565 = tpu.vector_load_idx %arg5[%get3A_564] : memref<100000xf32, #tpu.memory_space<vmem>>[vector<16xi32>], vector<16xf32>,
      %add3A_566 = arith.addf %scan3A_528, %gather3A_565 : vector<16xf32>
      %scan3A_567 = arith.constant 1 : i32
      %scan3A_568 = arith.addi %scan3A_520, %scan3A_567 : i32
      %get3A_569 = arith.index_cast %scan3A_568 : i32 to index
      %get3A_570 = arith.constant 0 : index
      %get3A_571 = tpu.vector_load %arg7[%get3A_569, %get3A_570] {strides = array<i32>} : memref<56x128xi32, #tpu.memory_space<vmem>>, vector<16xi32>,
      %gather3A_572 = tpu.vector_load_idx %arg5[%get3A_571] : memref<100000xf32, #tpu.memory_space<vmem>>[vector<16xi32>], vector<16xf32>,
      %add3A_573 = arith.addf %add3A_531, %gather3A_572 : vector<16xf32>
      %get3A_574 = arith.index_cast %scan3A_568 : i32 to index
      %get3A_575 = arith.constant 16 : index
      %get3A_576 = tpu.vector_load %arg7[%get3A_574, %get3A_575] {strides = array<i32>} : memref<56x128xi32, #tpu.memory_space<vmem>>, vector<16xi32>,
      %gather3A_577 = tpu.vector_load_idx %arg5[%get3A_576] : memref<100000xf32, #tpu.memory_space<vmem>>[vector<16xi32>], vector<16xf32>,
      %add3A_578 = arith.addf %add3A_536, %gather3A_577 : vector<16xf32>
      %get3A_579 = arith.index_cast %scan3A_568 : i32 to index
      %get3A_580 = arith.constant 32 : index
      %get3A_581 = tpu.vector_load %arg7[%get3A_579, %get3A_580] {strides = array<i32>} : memref<56x128xi32, #tpu.memory_space<vmem>>, vector<16xi32>,
      %gather3A_582 = tpu.vector_load_idx %arg5[%get3A_581] : memref<100000xf32, #tpu.memory_space<vmem>>[vector<16xi32>], vector<16xf32>,
      %add3A_583 = arith.addf %add3A_541, %gather3A_582 : vector<16xf32>
      %get3A_584 = arith.index_cast %scan3A_568 : i32 to index
      %get3A_585 = arith.constant 48 : index
      %get3A_586 = tpu.vector_load %arg7[%get3A_584, %get3A_585] {strides = array<i32>} : memref<56x128xi32, #tpu.memory_space<vmem>>, vector<16xi32>,
      %gather3A_587 = tpu.vector_load_idx %arg5[%get3A_586] : memref<100000xf32, #tpu.memory_space<vmem>>[vector<16xi32>], vector<16xf32>,
      %add3A_588 = arith.addf %add3A_546, %gather3A_587 : vector<16xf32>
      %get3A_589 = arith.index_cast %scan3A_568 : i32 to index
      %get3A_590 = arith.constant 64 : index
      %get3A_591 = tpu.vector_load %arg7[%get3A_589, %get3A_590] {strides = array<i32>} : memref<56x128xi32, #tpu.memory_space<vmem>>, vector<16xi32>,
      %gather3A_592 = tpu.vector_load_idx %arg5[%get3A_591] : memref<100000xf32, #tpu.memory_space<vmem>>[vector<16xi32>], vector<16xf32>,
      %add3A_593 = arith.addf %add3A_551, %gather3A_592 : vector<16xf32>
      %get3A_594 = arith.index_cast %scan3A_568 : i32 to index
      %get3A_595 = arith.constant 80 : index
      %get3A_596 = tpu.vector_load %arg7[%get3A_594, %get3A_595] {strides = array<i32>} : memref<56x128xi32, #tpu.memory_space<vmem>>, vector<16xi32>,
      %gather3A_597 = tpu.vector_load_idx %arg5[%get3A_596] : memref<100000xf32, #tpu.memory_space<vmem>>[vector<16xi32>], vector<16xf32>,
      %add3A_598 = arith.addf %add3A_556, %gather3A_597 : vector<16xf32>
      %get3A_599 = arith.index_cast %scan3A_568 : i32 to index
      %get3A_600 = arith.constant 96 : index
      %get3A_601 = tpu.vector_load %arg7[%get3A_599, %get3A_600] {strides = array<i32>} : memref<56x128xi32, #tpu.memory_space<vmem>>, vector<16xi32>,
      %gather3A_602 = tpu.vector_load_idx %arg5[%get3A_601] : memref<100000xf32, #tpu.memory_space<vmem>>[vector<16xi32>], vector<16xf32>,
      %add3A_603 = arith.addf %add3A_561, %gather3A_602 : vector<16xf32>
      %get3A_604 = arith.index_cast %scan3A_568 : i32 to index
      %get3A_605 = arith.constant 112 : index
      %get3A_606 = tpu.vector_load %arg7[%get3A_604, %get3A_605] {strides = array<i32>} : memref<56x128xi32, #tpu.memory_space<vmem>>, vector<16xi32>,
      %gather3A_607 = tpu.vector_load_idx %arg5[%get3A_606] : memref<100000xf32, #tpu.memory_space<vmem>>[vector<16xi32>], vector<16xf32>,
      %add3A_608 = arith.addf %add3A_566, %gather3A_607 : vector<16xf32>
      %scan3A_609 = arith.constant 2 : i32
      %scan3A_610 = arith.addi %scan3A_520, %scan3A_609 : i32
      %get3A_611 = arith.index_cast %scan3A_610 : i32 to index
      %get3A_612 = arith.constant 0 : index
      %get3A_613 = tpu.vector_load %arg7[%get3A_611, %get3A_612] {strides = array<i32>} : memref<56x128xi32, #tpu.memory_space<vmem>>, vector<16xi32>,
      %gather3A_614 = tpu.vector_load_idx %arg5[%get3A_613] : memref<100000xf32, #tpu.memory_space<vmem>>[vector<16xi32>], vector<16xf32>,
      %add3A_615 = arith.addf %add3A_573, %gather3A_614 : vector<16xf32>
      %get3A_616 = arith.index_cast %scan3A_610 : i32 to index
      %get3A_617 = arith.constant 16 : index
      %get3A_618 = tpu.vector_load %arg7[%get3A_616, %get3A_617] {strides = array<i32>} : memref<56x128xi32, #tpu.memory_space<vmem>>, vector<16xi32>,
      %gather3A_619 = tpu.vector_load_idx %arg5[%get3A_618] : memref<100000xf32, #tpu.memory_space<vmem>>[vector<16xi32>], vector<16xf32>,
      %add3A_620 = arith.addf %add3A_578, %gather3A_619 : vector<16xf32>
      %get3A_621 = arith.index_cast %scan3A_610 : i32 to index
      %get3A_622 = arith.constant 32 : index
      %get3A_623 = tpu.vector_load %arg7[%get3A_621, %get3A_622] {strides = array<i32>} : memref<56x128xi32, #tpu.memory_space<vmem>>, vector<16xi32>,
      %gather3A_624 = tpu.vector_load_idx %arg5[%get3A_623] : memref<100000xf32, #tpu.memory_space<vmem>>[vector<16xi32>], vector<16xf32>,
      %add3A_625 = arith.addf %add3A_583, %gather3A_624 : vector<16xf32>
      %get3A_626 = arith.index_cast %scan3A_610 : i32 to index
      %get3A_627 = arith.constant 48 : index
      %get3A_628 = tpu.vector_load %arg7[%get3A_626, %get3A_627] {strides = array<i32>} : memref<56x128xi32, #tpu.memory_space<vmem>>, vector<16xi32>,
      %gather3A_629 = tpu.vector_load_idx %arg5[%get3A_628] : memref<100000xf32, #tpu.memory_space<vmem>>[vector<16xi32>], vector<16xf32>,
      %add3A_630 = arith.addf %add3A_588, %gather3A_629 : vector<16xf32>
      %get3A_631 = arith.index_cast %scan3A_610 : i32 to index
      %get3A_632 = arith.constant 64 : index
      %get3A_633 = tpu.vector_load %arg7[%get3A_631, %get3A_632] {strides = array<i32>} : memref<56x128xi32, #tpu.memory_space<vmem>>, vector<16xi32>,
      %gather3A_634 = tpu.vector_load_idx %arg5[%get3A_633] : memref<100000xf32, #tpu.memory_space<vmem>>[vector<16xi32>], vector<16xf32>,
      %add3A_635 = arith.addf %add3A_593, %gather3A_634 : vector<16xf32>
      %get3A_636 = arith.index_cast %scan3A_610 : i32 to index
      %get3A_637 = arith.constant 80 : index
      %get3A_638 = tpu.vector_load %arg7[%get3A_636, %get3A_637] {strides = array<i32>} : memref<56x128xi32, #tpu.memory_space<vmem>>, vector<16xi32>,
      %gather3A_639 = tpu.vector_load_idx %arg5[%get3A_638] : memref<100000xf32, #tpu.memory_space<vmem>>[vector<16xi32>], vector<16xf32>,
      %add3A_640 = arith.addf %add3A_598, %gather3A_639 : vector<16xf32>
      %get3A_641 = arith.index_cast %scan3A_610 : i32 to index
      %get3A_642 = arith.constant 96 : index
      %get3A_643 = tpu.vector_load %arg7[%get3A_641, %get3A_642] {strides = array<i32>} : memref<56x128xi32, #tpu.memory_space<vmem>>, vector<16xi32>,
      %gather3A_644 = tpu.vector_load_idx %arg5[%get3A_643] : memref<100000xf32, #tpu.memory_space<vmem>>[vector<16xi32>], vector<16xf32>,
      %add3A_645 = arith.addf %add3A_603, %gather3A_644 : vector<16xf32>
      %get3A_646 = arith.index_cast %scan3A_610 : i32 to index
      %get3A_647 = arith.constant 112 : index
      %get3A_648 = tpu.vector_load %arg7[%get3A_646, %get3A_647] {strides = array<i32>} : memref<56x128xi32, #tpu.memory_space<vmem>>, vector<16xi32>,
      %gather3A_649 = tpu.vector_load_idx %arg5[%get3A_648] : memref<100000xf32, #tpu.memory_space<vmem>>[vector<16xi32>], vector<16xf32>,
      %add3A_650 = arith.addf %add3A_608, %gather3A_649 : vector<16xf32>
      %scan3A_651 = arith.constant 3 : i32
      %scan3A_652 = arith.addi %scan3A_520, %scan3A_651 : i32
      %get3A_653 = arith.index_cast %scan3A_652 : i32 to index
      %get3A_654 = arith.constant 0 : index
      %get3A_655 = tpu.vector_load %arg7[%get3A_653, %get3A_654] {strides = array<i32>} : memref<56x128xi32, #tpu.memory_space<vmem>>, vector<16xi32>,
      %gather3A_656 = tpu.vector_load_idx %arg5[%get3A_655] : memref<100000xf32, #tpu.memory_space<vmem>>[vector<16xi32>], vector<16xf32>,
      %add3A_657 = arith.addf %add3A_615, %gather3A_656 : vector<16xf32>
      %get3A_658 = arith.index_cast %scan3A_652 : i32 to index
      %get3A_659 = arith.constant 16 : index
      %get3A_660 = tpu.vector_load %arg7[%get3A_658, %get3A_659] {strides = array<i32>} : memref<56x128xi32, #tpu.memory_space<vmem>>, vector<16xi32>,
      %gather3A_661 = tpu.vector_load_idx %arg5[%get3A_660] : memref<100000xf32, #tpu.memory_space<vmem>>[vector<16xi32>], vector<16xf32>,
      %add3A_662 = arith.addf %add3A_620, %gather3A_661 : vector<16xf32>
      %get3A_663 = arith.index_cast %scan3A_652 : i32 to index
      %get3A_664 = arith.constant 32 : index
      %get3A_665 = tpu.vector_load %arg7[%get3A_663, %get3A_664] {strides = array<i32>} : memref<56x128xi32, #tpu.memory_space<vmem>>, vector<16xi32>,
      %gather3A_666 = tpu.vector_load_idx %arg5[%get3A_665] : memref<100000xf32, #tpu.memory_space<vmem>>[vector<16xi32>], vector<16xf32>,
      %add3A_667 = arith.addf %add3A_625, %gather3A_666 : vector<16xf32>
      %get3A_668 = arith.index_cast %scan3A_652 : i32 to index
      %get3A_669 = arith.constant 48 : index
      %get3A_670 = tpu.vector_load %arg7[%get3A_668, %get3A_669] {strides = array<i32>} : memref<56x128xi32, #tpu.memory_space<vmem>>, vector<16xi32>,
      %gather3A_671 = tpu.vector_load_idx %arg5[%get3A_670] : memref<100000xf32, #tpu.memory_space<vmem>>[vector<16xi32>], vector<16xf32>,
      %add3A_672 = arith.addf %add3A_630, %gather3A_671 : vector<16xf32>
      %get3A_673 = arith.index_cast %scan3A_652 : i32 to index
      %get3A_674 = arith.constant 64 : index
      %get3A_675 = tpu.vector_load %arg7[%get3A_673, %get3A_674] {strides = array<i32>} : memref<56x128xi32, #tpu.memory_space<vmem>>, vector<16xi32>,
      %gather3A_676 = tpu.vector_load_idx %arg5[%get3A_675] : memref<100000xf32, #tpu.memory_space<vmem>>[vector<16xi32>], vector<16xf32>,
      %add3A_677 = arith.addf %add3A_635, %gather3A_676 : vector<16xf32>
      %get3A_678 = arith.index_cast %scan3A_652 : i32 to index
      %get3A_679 = arith.constant 80 : index
      %get3A_680 = tpu.vector_load %arg7[%get3A_678, %get3A_679] {strides = array<i32>} : memref<56x128xi32, #tpu.memory_space<vmem>>, vector<16xi32>,
      %gather3A_681 = tpu.vector_load_idx %arg5[%get3A_680] : memref<100000xf32, #tpu.memory_space<vmem>>[vector<16xi32>], vector<16xf32>,
      %add3A_682 = arith.addf %add3A_640, %gather3A_681 : vector<16xf32>
      %get3A_683 = arith.index_cast %scan3A_652 : i32 to index
      %get3A_684 = arith.constant 96 : index
      %get3A_685 = tpu.vector_load %arg7[%get3A_683, %get3A_684] {strides = array<i32>} : memref<56x128xi32, #tpu.memory_space<vmem>>, vector<16xi32>,
      %gather3A_686 = tpu.vector_load_idx %arg5[%get3A_685] : memref<100000xf32, #tpu.memory_space<vmem>>[vector<16xi32>], vector<16xf32>,
      %add3A_687 = arith.addf %add3A_645, %gather3A_686 : vector<16xf32>
      %get3A_688 = arith.index_cast %scan3A_652 : i32 to index
      %get3A_689 = arith.constant 112 : index
      %get3A_690 = tpu.vector_load %arg7[%get3A_688, %get3A_689] {strides = array<i32>} : memref<56x128xi32, #tpu.memory_space<vmem>>, vector<16xi32>,
      %gather3A_691 = tpu.vector_load_idx %arg5[%get3A_690] : memref<100000xf32, #tpu.memory_space<vmem>>[vector<16xi32>], vector<16xf32>,
      %add3A_692 = arith.addf %add3A_650, %gather3A_691 : vector<16xf32>
      scf.yield %add3A_657, %add3A_662, %add3A_667, %add3A_672, %add3A_677, %add3A_682, %add3A_687, %add3A_692 : vector<16xf32>, vector<16xf32>, vector<16xf32>, vector<16xf32>, vector<16xf32>, vector<16xf32>, vector<16xf32>, vector<16xf32>
    }
    %scan3A_171 = arith.constant 56 : i32
    %dma_wait3A_172 = arith.constant 0 : i32
    %dma_wait3A_173 = arith.constant 0 : i32
    %dma_wait3A_174 = tpu.memref_slice %arg8[%dma_wait3A_172, %dma_wait3A_173] : memref<56x128xi32, #tpu.memory_space<vmem>> -> memref<56x128xi32, #tpu.memory_space<vmem>>
    %dma_wait3A_175 = arith.constant 56 : i32
    %dma_wait3A_176 = tpu.memref_slice %arg3[%dma_wait3A_175, %add3A_153] : memref<200x16384xi32, #tpu.memory_space<hbm>> -> memref<56x128xi32, #tpu.memory_space<hbm>>
    %dma_wait3A_177 = arith.constant 0 : i32
    %dma_wait3A_178 = arith.constant 0 : i32
    %dma_wait3A_179 = tpu.memref_slice %arg8[%dma_wait3A_177, %dma_wait3A_178] : memref<56x128xi32, #tpu.memory_space<vmem>> -> memref<56x128xi32, #tpu.memory_space<vmem>>
    %dma_wait3A_180 = arith.constant 56 : i32
    %dma_wait3A_181 = tpu.memref_slice %arg3[%dma_wait3A_180, %add3A_153] : memref<200x16384xi32, #tpu.memory_space<hbm>> -> memref<56x128xi32, #tpu.memory_space<hbm>>
    tpu.wait_dma2 semaphore(%arg12 : memref<!tpu.dma_semaphore, #tpu.memory_space<semaphore_mem>>) src(%dma_wait3A_181 : memref<56x128xi32, #tpu.memory_space<hbm>>) dst(%dma_wait3A_179 : memref<56x128xi32, #tpu.memory_space<vmem>>)
    %add3A_182 = arith.constant 128 : i32
    %add3A_183 = arith.addi %mul3A_2, %add3A_182 : i32
    %dma_start3A_184 = arith.constant 0 : i32
    %dma_start3A_185 = arith.constant 0 : i32
    %dma_start3A_186 = tpu.memref_slice %arg7[%dma_start3A_184, %dma_start3A_185] : memref<56x128xi32, #tpu.memory_space<vmem>> -> memref<56x128xi32, #tpu.memory_space<vmem>>
    %dma_start3A_187 = arith.constant 112 : i32
    %dma_start3A_188 = tpu.memref_slice %arg3[%dma_start3A_187, %add3A_183] : memref<200x16384xi32, #tpu.memory_space<hbm>> -> memref<56x128xi32, #tpu.memory_space<hbm>>
    %dma_start3A_189 = arith.constant 0 : i32
    %dma_start3A_190 = arith.constant 0 : i32
    %dma_start3A_191 = tpu.memref_slice %arg7[%dma_start3A_189, %dma_start3A_190] : memref<56x128xi32, #tpu.memory_space<vmem>> -> memref<56x128xi32, #tpu.memory_space<vmem>>
    %dma_start3A_192 = arith.constant 112 : i32
    %dma_start3A_193 = tpu.memref_slice %arg3[%dma_start3A_192, %add3A_183] : memref<200x16384xi32, #tpu.memory_space<hbm>> -> memref<56x128xi32, #tpu.memory_space<hbm>>
    tpu.enqueue_dma source(%dma_start3A_193 : memref<56x128xi32, #tpu.memory_space<hbm>>) target(%dma_start3A_191 : memref<56x128xi32, #tpu.memory_space<vmem>>) target_semaphore(%arg11 : memref<!tpu.dma_semaphore, #tpu.memory_space<semaphore_mem>>)
    %scan3A_194 = arith.constant 0 : i32
    %scan3A_195 = arith.constant 56 : i32
    %scan3A_196 = arith.addi %scan3A_194, %scan3A_195 : i32
    %scan3A_197 = arith.constant 4 : i32
    %scan3A_198:8 = scf.for %scan3A_520 = %scan3A_194 to %scan3A_196 step %scan3A_197 iter_args(%scan3A_521 = %scan3A_170#0, %scan3A_522 = %scan3A_170#1, %scan3A_523 = %scan3A_170#2, %scan3A_524 = %scan3A_170#3, %scan3A_525 = %scan3A_170#4, %scan3A_526 = %scan3A_170#5, %scan3A_527 = %scan3A_170#6, %scan3A_528 = %scan3A_170#7) -> (vector<16xf32>, vector<16xf32>, vector<16xf32>, vector<16xf32>, vector<16xf32>, vector<16xf32>, vector<16xf32>, vector<16xf32>)  : i32 {
      %get3A = arith.index_cast %scan3A_520 : i32 to index
      %get3A_529 = arith.constant 0 : index
      %get3A_530 = tpu.vector_load %arg8[%get3A, %get3A_529] {strides = array<i32>} : memref<56x128xi32, #tpu.memory_space<vmem>>, vector<16xi32>,
      %gather3A = tpu.vector_load_idx %arg5[%get3A_530] : memref<100000xf32, #tpu.memory_space<vmem>>[vector<16xi32>], vector<16xf32>,
      %add3A_531 = arith.addf %scan3A_521, %gather3A : vector<16xf32>
      %get3A_532 = arith.index_cast %scan3A_520 : i32 to index
      %get3A_533 = arith.constant 16 : index
      %get3A_534 = tpu.vector_load %arg8[%get3A_532, %get3A_533] {strides = array<i32>} : memref<56x128xi32, #tpu.memory_space<vmem>>, vector<16xi32>,
      %gather3A_535 = tpu.vector_load_idx %arg5[%get3A_534] : memref<100000xf32, #tpu.memory_space<vmem>>[vector<16xi32>], vector<16xf32>,
      %add3A_536 = arith.addf %scan3A_522, %gather3A_535 : vector<16xf32>
      %get3A_537 = arith.index_cast %scan3A_520 : i32 to index
      %get3A_538 = arith.constant 32 : index
      %get3A_539 = tpu.vector_load %arg8[%get3A_537, %get3A_538] {strides = array<i32>} : memref<56x128xi32, #tpu.memory_space<vmem>>, vector<16xi32>,
      %gather3A_540 = tpu.vector_load_idx %arg5[%get3A_539] : memref<100000xf32, #tpu.memory_space<vmem>>[vector<16xi32>], vector<16xf32>,
      %add3A_541 = arith.addf %scan3A_523, %gather3A_540 : vector<16xf32>
      %get3A_542 = arith.index_cast %scan3A_520 : i32 to index
      %get3A_543 = arith.constant 48 : index
      %get3A_544 = tpu.vector_load %arg8[%get3A_542, %get3A_543] {strides = array<i32>} : memref<56x128xi32, #tpu.memory_space<vmem>>, vector<16xi32>,
      %gather3A_545 = tpu.vector_load_idx %arg5[%get3A_544] : memref<100000xf32, #tpu.memory_space<vmem>>[vector<16xi32>], vector<16xf32>,
      %add3A_546 = arith.addf %scan3A_524, %gather3A_545 : vector<16xf32>
      %get3A_547 = arith.index_cast %scan3A_520 : i32 to index
      %get3A_548 = arith.constant 64 : index
      %get3A_549 = tpu.vector_load %arg8[%get3A_547, %get3A_548] {strides = array<i32>} : memref<56x128xi32, #tpu.memory_space<vmem>>, vector<16xi32>,
      %gather3A_550 = tpu.vector_load_idx %arg5[%get3A_549] : memref<100000xf32, #tpu.memory_space<vmem>>[vector<16xi32>], vector<16xf32>,
      %add3A_551 = arith.addf %scan3A_525, %gather3A_550 : vector<16xf32>
      %get3A_552 = arith.index_cast %scan3A_520 : i32 to index
      %get3A_553 = arith.constant 80 : index
      %get3A_554 = tpu.vector_load %arg8[%get3A_552, %get3A_553] {strides = array<i32>} : memref<56x128xi32, #tpu.memory_space<vmem>>, vector<16xi32>,
      %gather3A_555 = tpu.vector_load_idx %arg5[%get3A_554] : memref<100000xf32, #tpu.memory_space<vmem>>[vector<16xi32>], vector<16xf32>,
      %add3A_556 = arith.addf %scan3A_526, %gather3A_555 : vector<16xf32>
      %get3A_557 = arith.index_cast %scan3A_520 : i32 to index
      %get3A_558 = arith.constant 96 : index
      %get3A_559 = tpu.vector_load %arg8[%get3A_557, %get3A_558] {strides = array<i32>} : memref<56x128xi32, #tpu.memory_space<vmem>>, vector<16xi32>,
      %gather3A_560 = tpu.vector_load_idx %arg5[%get3A_559] : memref<100000xf32, #tpu.memory_space<vmem>>[vector<16xi32>], vector<16xf32>,
      %add3A_561 = arith.addf %scan3A_527, %gather3A_560 : vector<16xf32>
      %get3A_562 = arith.index_cast %scan3A_520 : i32 to index
      %get3A_563 = arith.constant 112 : index
      %get3A_564 = tpu.vector_load %arg8[%get3A_562, %get3A_563] {strides = array<i32>} : memref<56x128xi32, #tpu.memory_space<vmem>>, vector<16xi32>,
      %gather3A_565 = tpu.vector_load_idx %arg5[%get3A_564] : memref<100000xf32, #tpu.memory_space<vmem>>[vector<16xi32>], vector<16xf32>,
      %add3A_566 = arith.addf %scan3A_528, %gather3A_565 : vector<16xf32>
      %scan3A_567 = arith.constant 1 : i32
      %scan3A_568 = arith.addi %scan3A_520, %scan3A_567 : i32
      %get3A_569 = arith.index_cast %scan3A_568 : i32 to index
      %get3A_570 = arith.constant 0 : index
      %get3A_571 = tpu.vector_load %arg8[%get3A_569, %get3A_570] {strides = array<i32>} : memref<56x128xi32, #tpu.memory_space<vmem>>, vector<16xi32>,
      %gather3A_572 = tpu.vector_load_idx %arg5[%get3A_571] : memref<100000xf32, #tpu.memory_space<vmem>>[vector<16xi32>], vector<16xf32>,
      %add3A_573 = arith.addf %add3A_531, %gather3A_572 : vector<16xf32>
      %get3A_574 = arith.index_cast %scan3A_568 : i32 to index
      %get3A_575 = arith.constant 16 : index
      %get3A_576 = tpu.vector_load %arg8[%get3A_574, %get3A_575] {strides = array<i32>} : memref<56x128xi32, #tpu.memory_space<vmem>>, vector<16xi32>,
      %gather3A_577 = tpu.vector_load_idx %arg5[%get3A_576] : memref<100000xf32, #tpu.memory_space<vmem>>[vector<16xi32>], vector<16xf32>,
      %add3A_578 = arith.addf %add3A_536, %gather3A_577 : vector<16xf32>
      %get3A_579 = arith.index_cast %scan3A_568 : i32 to index
      %get3A_580 = arith.constant 32 : index
      %get3A_581 = tpu.vector_load %arg8[%get3A_579, %get3A_580] {strides = array<i32>} : memref<56x128xi32, #tpu.memory_space<vmem>>, vector<16xi32>,
      %gather3A_582 = tpu.vector_load_idx %arg5[%get3A_581] : memref<100000xf32, #tpu.memory_space<vmem>>[vector<16xi32>], vector<16xf32>,
      %add3A_583 = arith.addf %add3A_541, %gather3A_582 : vector<16xf32>
      %get3A_584 = arith.index_cast %scan3A_568 : i32 to index
      %get3A_585 = arith.constant 48 : index
      %get3A_586 = tpu.vector_load %arg8[%get3A_584, %get3A_585] {strides = array<i32>} : memref<56x128xi32, #tpu.memory_space<vmem>>, vector<16xi32>,
      %gather3A_587 = tpu.vector_load_idx %arg5[%get3A_586] : memref<100000xf32, #tpu.memory_space<vmem>>[vector<16xi32>], vector<16xf32>,
      %add3A_588 = arith.addf %add3A_546, %gather3A_587 : vector<16xf32>
      %get3A_589 = arith.index_cast %scan3A_568 : i32 to index
      %get3A_590 = arith.constant 64 : index
      %get3A_591 = tpu.vector_load %arg8[%get3A_589, %get3A_590] {strides = array<i32>} : memref<56x128xi32, #tpu.memory_space<vmem>>, vector<16xi32>,
      %gather3A_592 = tpu.vector_load_idx %arg5[%get3A_591] : memref<100000xf32, #tpu.memory_space<vmem>>[vector<16xi32>], vector<16xf32>,
      %add3A_593 = arith.addf %add3A_551, %gather3A_592 : vector<16xf32>
      %get3A_594 = arith.index_cast %scan3A_568 : i32 to index
      %get3A_595 = arith.constant 80 : index
      %get3A_596 = tpu.vector_load %arg8[%get3A_594, %get3A_595] {strides = array<i32>} : memref<56x128xi32, #tpu.memory_space<vmem>>, vector<16xi32>,
      %gather3A_597 = tpu.vector_load_idx %arg5[%get3A_596] : memref<100000xf32, #tpu.memory_space<vmem>>[vector<16xi32>], vector<16xf32>,
      %add3A_598 = arith.addf %add3A_556, %gather3A_597 : vector<16xf32>
      %get3A_599 = arith.index_cast %scan3A_568 : i32 to index
      %get3A_600 = arith.constant 96 : index
      %get3A_601 = tpu.vector_load %arg8[%get3A_599, %get3A_600] {strides = array<i32>} : memref<56x128xi32, #tpu.memory_space<vmem>>, vector<16xi32>,
      %gather3A_602 = tpu.vector_load_idx %arg5[%get3A_601] : memref<100000xf32, #tpu.memory_space<vmem>>[vector<16xi32>], vector<16xf32>,
      %add3A_603 = arith.addf %add3A_561, %gather3A_602 : vector<16xf32>
      %get3A_604 = arith.index_cast %scan3A_568 : i32 to index
      %get3A_605 = arith.constant 112 : index
      %get3A_606 = tpu.vector_load %arg8[%get3A_604, %get3A_605] {strides = array<i32>} : memref<56x128xi32, #tpu.memory_space<vmem>>, vector<16xi32>,
      %gather3A_607 = tpu.vector_load_idx %arg5[%get3A_606] : memref<100000xf32, #tpu.memory_space<vmem>>[vector<16xi32>], vector<16xf32>,
      %add3A_608 = arith.addf %add3A_566, %gather3A_607 : vector<16xf32>
      %scan3A_609 = arith.constant 2 : i32
      %scan3A_610 = arith.addi %scan3A_520, %scan3A_609 : i32
      %get3A_611 = arith.index_cast %scan3A_610 : i32 to index
      %get3A_612 = arith.constant 0 : index
      %get3A_613 = tpu.vector_load %arg8[%get3A_611, %get3A_612] {strides = array<i32>} : memref<56x128xi32, #tpu.memory_space<vmem>>, vector<16xi32>,
      %gather3A_614 = tpu.vector_load_idx %arg5[%get3A_613] : memref<100000xf32, #tpu.memory_space<vmem>>[vector<16xi32>], vector<16xf32>,
      %add3A_615 = arith.addf %add3A_573, %gather3A_614 : vector<16xf32>
      %get3A_616 = arith.index_cast %scan3A_610 : i32 to index
      %get3A_617 = arith.constant 16 : index
      %get3A_618 = tpu.vector_load %arg8[%get3A_616, %get3A_617] {strides = array<i32>} : memref<56x128xi32, #tpu.memory_space<vmem>>, vector<16xi32>,
      %gather3A_619 = tpu.vector_load_idx %arg5[%get3A_618] : memref<100000xf32, #tpu.memory_space<vmem>>[vector<16xi32>], vector<16xf32>,
      %add3A_620 = arith.addf %add3A_578, %gather3A_619 : vector<16xf32>
      %get3A_621 = arith.index_cast %scan3A_610 : i32 to index
      %get3A_622 = arith.constant 32 : index
      %get3A_623 = tpu.vector_load %arg8[%get3A_621, %get3A_622] {strides = array<i32>} : memref<56x128xi32, #tpu.memory_space<vmem>>, vector<16xi32>,
      %gather3A_624 = tpu.vector_load_idx %arg5[%get3A_623] : memref<100000xf32, #tpu.memory_space<vmem>>[vector<16xi32>], vector<16xf32>,
      %add3A_625 = arith.addf %add3A_583, %gather3A_624 : vector<16xf32>
      %get3A_626 = arith.index_cast %scan3A_610 : i32 to index
      %get3A_627 = arith.constant 48 : index
      %get3A_628 = tpu.vector_load %arg8[%get3A_626, %get3A_627] {strides = array<i32>} : memref<56x128xi32, #tpu.memory_space<vmem>>, vector<16xi32>,
      %gather3A_629 = tpu.vector_load_idx %arg5[%get3A_628] : memref<100000xf32, #tpu.memory_space<vmem>>[vector<16xi32>], vector<16xf32>,
      %add3A_630 = arith.addf %add3A_588, %gather3A_629 : vector<16xf32>
      %get3A_631 = arith.index_cast %scan3A_610 : i32 to index
      %get3A_632 = arith.constant 64 : index
      %get3A_633 = tpu.vector_load %arg8[%get3A_631, %get3A_632] {strides = array<i32>} : memref<56x128xi32, #tpu.memory_space<vmem>>, vector<16xi32>,
      %gather3A_634 = tpu.vector_load_idx %arg5[%get3A_633] : memref<100000xf32, #tpu.memory_space<vmem>>[vector<16xi32>], vector<16xf32>,
      %add3A_635 = arith.addf %add3A_593, %gather3A_634 : vector<16xf32>
      %get3A_636 = arith.index_cast %scan3A_610 : i32 to index
      %get3A_637 = arith.constant 80 : index
      %get3A_638 = tpu.vector_load %arg8[%get3A_636, %get3A_637] {strides = array<i32>} : memref<56x128xi32, #tpu.memory_space<vmem>>, vector<16xi32>,
      %gather3A_639 = tpu.vector_load_idx %arg5[%get3A_638] : memref<100000xf32, #tpu.memory_space<vmem>>[vector<16xi32>], vector<16xf32>,
      %add3A_640 = arith.addf %add3A_598, %gather3A_639 : vector<16xf32>
      %get3A_641 = arith.index_cast %scan3A_610 : i32 to index
      %get3A_642 = arith.constant 96 : index
      %get3A_643 = tpu.vector_load %arg8[%get3A_641, %get3A_642] {strides = array<i32>} : memref<56x128xi32, #tpu.memory_space<vmem>>, vector<16xi32>,
      %gather3A_644 = tpu.vector_load_idx %arg5[%get3A_643] : memref<100000xf32, #tpu.memory_space<vmem>>[vector<16xi32>], vector<16xf32>,
      %add3A_645 = arith.addf %add3A_603, %gather3A_644 : vector<16xf32>
      %get3A_646 = arith.index_cast %scan3A_610 : i32 to index
      %get3A_647 = arith.constant 112 : index
      %get3A_648 = tpu.vector_load %arg8[%get3A_646, %get3A_647] {strides = array<i32>} : memref<56x128xi32, #tpu.memory_space<vmem>>, vector<16xi32>,
      %gather3A_649 = tpu.vector_load_idx %arg5[%get3A_648] : memref<100000xf32, #tpu.memory_space<vmem>>[vector<16xi32>], vector<16xf32>,
      %add3A_650 = arith.addf %add3A_608, %gather3A_649 : vector<16xf32>
      %scan3A_651 = arith.constant 3 : i32
      %scan3A_652 = arith.addi %scan3A_520, %scan3A_651 : i32
      %get3A_653 = arith.index_cast %scan3A_652 : i32 to index
      %get3A_654 = arith.constant 0 : index
      %get3A_655 = tpu.vector_load %arg8[%get3A_653, %get3A_654] {strides = array<i32>} : memref<56x128xi32, #tpu.memory_space<vmem>>, vector<16xi32>,
      %gather3A_656 = tpu.vector_load_idx %arg5[%get3A_655] : memref<100000xf32, #tpu.memory_space<vmem>>[vector<16xi32>], vector<16xf32>,
      %add3A_657 = arith.addf %add3A_615, %gather3A_656 : vector<16xf32>
      %get3A_658 = arith.index_cast %scan3A_652 : i32 to index
      %get3A_659 = arith.constant 16 : index
      %get3A_660 = tpu.vector_load %arg8[%get3A_658, %get3A_659] {strides = array<i32>} : memref<56x128xi32, #tpu.memory_space<vmem>>, vector<16xi32>,
      %gather3A_661 = tpu.vector_load_idx %arg5[%get3A_660] : memref<100000xf32, #tpu.memory_space<vmem>>[vector<16xi32>], vector<16xf32>,
      %add3A_662 = arith.addf %add3A_620, %gather3A_661 : vector<16xf32>
      %get3A_663 = arith.index_cast %scan3A_652 : i32 to index
      %get3A_664 = arith.constant 32 : index
      %get3A_665 = tpu.vector_load %arg8[%get3A_663, %get3A_664] {strides = array<i32>} : memref<56x128xi32, #tpu.memory_space<vmem>>, vector<16xi32>,
      %gather3A_666 = tpu.vector_load_idx %arg5[%get3A_665] : memref<100000xf32, #tpu.memory_space<vmem>>[vector<16xi32>], vector<16xf32>,
      %add3A_667 = arith.addf %add3A_625, %gather3A_666 : vector<16xf32>
      %get3A_668 = arith.index_cast %scan3A_652 : i32 to index
      %get3A_669 = arith.constant 48 : index
      %get3A_670 = tpu.vector_load %arg8[%get3A_668, %get3A_669] {strides = array<i32>} : memref<56x128xi32, #tpu.memory_space<vmem>>, vector<16xi32>,
      %gather3A_671 = tpu.vector_load_idx %arg5[%get3A_670] : memref<100000xf32, #tpu.memory_space<vmem>>[vector<16xi32>], vector<16xf32>,
      %add3A_672 = arith.addf %add3A_630, %gather3A_671 : vector<16xf32>
      %get3A_673 = arith.index_cast %scan3A_652 : i32 to index
      %get3A_674 = arith.constant 64 : index
      %get3A_675 = tpu.vector_load %arg8[%get3A_673, %get3A_674] {strides = array<i32>} : memref<56x128xi32, #tpu.memory_space<vmem>>, vector<16xi32>,
      %gather3A_676 = tpu.vector_load_idx %arg5[%get3A_675] : memref<100000xf32, #tpu.memory_space<vmem>>[vector<16xi32>], vector<16xf32>,
      %add3A_677 = arith.addf %add3A_635, %gather3A_676 : vector<16xf32>
      %get3A_678 = arith.index_cast %scan3A_652 : i32 to index
      %get3A_679 = arith.constant 80 : index
      %get3A_680 = tpu.vector_load %arg8[%get3A_678, %get3A_679] {strides = array<i32>} : memref<56x128xi32, #tpu.memory_space<vmem>>, vector<16xi32>,
      %gather3A_681 = tpu.vector_load_idx %arg5[%get3A_680] : memref<100000xf32, #tpu.memory_space<vmem>>[vector<16xi32>], vector<16xf32>,
      %add3A_682 = arith.addf %add3A_640, %gather3A_681 : vector<16xf32>
      %get3A_683 = arith.index_cast %scan3A_652 : i32 to index
      %get3A_684 = arith.constant 96 : index
      %get3A_685 = tpu.vector_load %arg8[%get3A_683, %get3A_684] {strides = array<i32>} : memref<56x128xi32, #tpu.memory_space<vmem>>, vector<16xi32>,
      %gather3A_686 = tpu.vector_load_idx %arg5[%get3A_685] : memref<100000xf32, #tpu.memory_space<vmem>>[vector<16xi32>], vector<16xf32>,
      %add3A_687 = arith.addf %add3A_645, %gather3A_686 : vector<16xf32>
      %get3A_688 = arith.index_cast %scan3A_652 : i32 to index
      %get3A_689 = arith.constant 112 : index
      %get3A_690 = tpu.vector_load %arg8[%get3A_688, %get3A_689] {strides = array<i32>} : memref<56x128xi32, #tpu.memory_space<vmem>>, vector<16xi32>,
      %gather3A_691 = tpu.vector_load_idx %arg5[%get3A_690] : memref<100000xf32, #tpu.memory_space<vmem>>[vector<16xi32>], vector<16xf32>,
      %add3A_692 = arith.addf %add3A_650, %gather3A_691 : vector<16xf32>
      scf.yield %add3A_657, %add3A_662, %add3A_667, %add3A_672, %add3A_677, %add3A_682, %add3A_687, %add3A_692 : vector<16xf32>, vector<16xf32>, vector<16xf32>, vector<16xf32>, vector<16xf32>, vector<16xf32>, vector<16xf32>, vector<16xf32>
    }
    %scan3A_199 = arith.constant 56 : i32
    %dma_wait3A_200 = arith.constant 0 : i32
    %dma_wait3A_201 = arith.constant 0 : i32
    %dma_wait3A_202 = tpu.memref_slice %arg7[%dma_wait3A_200, %dma_wait3A_201] : memref<56x128xi32, #tpu.memory_space<vmem>> -> memref<56x128xi32, #tpu.memory_space<vmem>>
    %dma_wait3A_203 = arith.constant 112 : i32
    %dma_wait3A_204 = tpu.memref_slice %arg3[%dma_wait3A_203, %add3A_183] : memref<200x16384xi32, #tpu.memory_space<hbm>> -> memref<56x128xi32, #tpu.memory_space<hbm>>
    %dma_wait3A_205 = arith.constant 0 : i32
    %dma_wait3A_206 = arith.constant 0 : i32
    %dma_wait3A_207 = tpu.memref_slice %arg7[%dma_wait3A_205, %dma_wait3A_206] : memref<56x128xi32, #tpu.memory_space<vmem>> -> memref<56x128xi32, #tpu.memory_space<vmem>>
    %dma_wait3A_208 = arith.constant 112 : i32
    %dma_wait3A_209 = tpu.memref_slice %arg3[%dma_wait3A_208, %add3A_183] : memref<200x16384xi32, #tpu.memory_space<hbm>> -> memref<56x128xi32, #tpu.memory_space<hbm>>
    tpu.wait_dma2 semaphore(%arg11 : memref<!tpu.dma_semaphore, #tpu.memory_space<semaphore_mem>>) src(%dma_wait3A_209 : memref<56x128xi32, #tpu.memory_space<hbm>>) dst(%dma_wait3A_207 : memref<56x128xi32, #tpu.memory_space<vmem>>)
    %add3A_210 = arith.constant 128 : i32
    %add3A_211 = arith.addi %mul3A_2, %add3A_210 : i32
    %dma_start3A_212 = arith.constant 0 : i32
    %dma_start3A_213 = arith.constant 0 : i32
    %dma_start3A_214 = tpu.memref_slice %arg8[%dma_start3A_212, %dma_start3A_213] : memref<56x128xi32, #tpu.memory_space<vmem>> -> memref<32x128xi32, #tpu.memory_space<vmem>>
    %dma_start3A_215 = arith.constant 168 : i32
    %dma_start3A_216 = tpu.memref_slice %arg3[%dma_start3A_215, %add3A_211] : memref<200x16384xi32, #tpu.memory_space<hbm>> -> memref<32x128xi32, #tpu.memory_space<hbm>>
    %dma_start3A_217 = arith.constant 0 : i32
    %dma_start3A_218 = arith.constant 0 : i32
    %dma_start3A_219 = tpu.memref_slice %arg8[%dma_start3A_217, %dma_start3A_218] : memref<56x128xi32, #tpu.memory_space<vmem>> -> memref<32x128xi32, #tpu.memory_space<vmem>>
    %dma_start3A_220 = arith.constant 168 : i32
    %dma_start3A_221 = tpu.memref_slice %arg3[%dma_start3A_220, %add3A_211] : memref<200x16384xi32, #tpu.memory_space<hbm>> -> memref<32x128xi32, #tpu.memory_space<hbm>>
    tpu.enqueue_dma source(%dma_start3A_221 : memref<32x128xi32, #tpu.memory_space<hbm>>) target(%dma_start3A_219 : memref<32x128xi32, #tpu.memory_space<vmem>>) target_semaphore(%arg12 : memref<!tpu.dma_semaphore, #tpu.memory_space<semaphore_mem>>)
    %scan3A_222 = arith.constant 0 : i32
    %scan3A_223 = arith.constant 56 : i32
    %scan3A_224 = arith.addi %scan3A_222, %scan3A_223 : i32
    %scan3A_225 = arith.constant 4 : i32
    %scan3A_226:8 = scf.for %scan3A_520 = %scan3A_222 to %scan3A_224 step %scan3A_225 iter_args(%scan3A_521 = %scan3A_198#0, %scan3A_522 = %scan3A_198#1, %scan3A_523 = %scan3A_198#2, %scan3A_524 = %scan3A_198#3, %scan3A_525 = %scan3A_198#4, %scan3A_526 = %scan3A_198#5, %scan3A_527 = %scan3A_198#6, %scan3A_528 = %scan3A_198#7) -> (vector<16xf32>, vector<16xf32>, vector<16xf32>, vector<16xf32>, vector<16xf32>, vector<16xf32>, vector<16xf32>, vector<16xf32>)  : i32 {
      %get3A = arith.index_cast %scan3A_520 : i32 to index
      %get3A_529 = arith.constant 0 : index
      %get3A_530 = tpu.vector_load %arg7[%get3A, %get3A_529] {strides = array<i32>} : memref<56x128xi32, #tpu.memory_space<vmem>>, vector<16xi32>,
      %gather3A = tpu.vector_load_idx %arg5[%get3A_530] : memref<100000xf32, #tpu.memory_space<vmem>>[vector<16xi32>], vector<16xf32>,
      %add3A_531 = arith.addf %scan3A_521, %gather3A : vector<16xf32>
      %get3A_532 = arith.index_cast %scan3A_520 : i32 to index
      %get3A_533 = arith.constant 16 : index
      %get3A_534 = tpu.vector_load %arg7[%get3A_532, %get3A_533] {strides = array<i32>} : memref<56x128xi32, #tpu.memory_space<vmem>>, vector<16xi32>,
      %gather3A_535 = tpu.vector_load_idx %arg5[%get3A_534] : memref<100000xf32, #tpu.memory_space<vmem>>[vector<16xi32>], vector<16xf32>,
      %add3A_536 = arith.addf %scan3A_522, %gather3A_535 : vector<16xf32>
      %get3A_537 = arith.index_cast %scan3A_520 : i32 to index
      %get3A_538 = arith.constant 32 : index
      %get3A_539 = tpu.vector_load %arg7[%get3A_537, %get3A_538] {strides = array<i32>} : memref<56x128xi32, #tpu.memory_space<vmem>>, vector<16xi32>,
      %gather3A_540 = tpu.vector_load_idx %arg5[%get3A_539] : memref<100000xf32, #tpu.memory_space<vmem>>[vector<16xi32>], vector<16xf32>,
      %add3A_541 = arith.addf %scan3A_523, %gather3A_540 : vector<16xf32>
      %get3A_542 = arith.index_cast %scan3A_520 : i32 to index
      %get3A_543 = arith.constant 48 : index
      %get3A_544 = tpu.vector_load %arg7[%get3A_542, %get3A_543] {strides = array<i32>} : memref<56x128xi32, #tpu.memory_space<vmem>>, vector<16xi32>,
      %gather3A_545 = tpu.vector_load_idx %arg5[%get3A_544] : memref<100000xf32, #tpu.memory_space<vmem>>[vector<16xi32>], vector<16xf32>,
      %add3A_546 = arith.addf %scan3A_524, %gather3A_545 : vector<16xf32>
      %get3A_547 = arith.index_cast %scan3A_520 : i32 to index
      %get3A_548 = arith.constant 64 : index
      %get3A_549 = tpu.vector_load %arg7[%get3A_547, %get3A_548] {strides = array<i32>} : memref<56x128xi32, #tpu.memory_space<vmem>>, vector<16xi32>,
      %gather3A_550 = tpu.vector_load_idx %arg5[%get3A_549] : memref<100000xf32, #tpu.memory_space<vmem>>[vector<16xi32>], vector<16xf32>,
      %add3A_551 = arith.addf %scan3A_525, %gather3A_550 : vector<16xf32>
      %get3A_552 = arith.index_cast %scan3A_520 : i32 to index
      %get3A_553 = arith.constant 80 : index
      %get3A_554 = tpu.vector_load %arg7[%get3A_552, %get3A_553] {strides = array<i32>} : memref<56x128xi32, #tpu.memory_space<vmem>>, vector<16xi32>,
      %gather3A_555 = tpu.vector_load_idx %arg5[%get3A_554] : memref<100000xf32, #tpu.memory_space<vmem>>[vector<16xi32>], vector<16xf32>,
      %add3A_556 = arith.addf %scan3A_526, %gather3A_555 : vector<16xf32>
      %get3A_557 = arith.index_cast %scan3A_520 : i32 to index
      %get3A_558 = arith.constant 96 : index
      %get3A_559 = tpu.vector_load %arg7[%get3A_557, %get3A_558] {strides = array<i32>} : memref<56x128xi32, #tpu.memory_space<vmem>>, vector<16xi32>,
      %gather3A_560 = tpu.vector_load_idx %arg5[%get3A_559] : memref<100000xf32, #tpu.memory_space<vmem>>[vector<16xi32>], vector<16xf32>,
      %add3A_561 = arith.addf %scan3A_527, %gather3A_560 : vector<16xf32>
      %get3A_562 = arith.index_cast %scan3A_520 : i32 to index
      %get3A_563 = arith.constant 112 : index
      %get3A_564 = tpu.vector_load %arg7[%get3A_562, %get3A_563] {strides = array<i32>} : memref<56x128xi32, #tpu.memory_space<vmem>>, vector<16xi32>,
      %gather3A_565 = tpu.vector_load_idx %arg5[%get3A_564] : memref<100000xf32, #tpu.memory_space<vmem>>[vector<16xi32>], vector<16xf32>,
      %add3A_566 = arith.addf %scan3A_528, %gather3A_565 : vector<16xf32>
      %scan3A_567 = arith.constant 1 : i32
      %scan3A_568 = arith.addi %scan3A_520, %scan3A_567 : i32
      %get3A_569 = arith.index_cast %scan3A_568 : i32 to index
      %get3A_570 = arith.constant 0 : index
      %get3A_571 = tpu.vector_load %arg7[%get3A_569, %get3A_570] {strides = array<i32>} : memref<56x128xi32, #tpu.memory_space<vmem>>, vector<16xi32>,
      %gather3A_572 = tpu.vector_load_idx %arg5[%get3A_571] : memref<100000xf32, #tpu.memory_space<vmem>>[vector<16xi32>], vector<16xf32>,
      %add3A_573 = arith.addf %add3A_531, %gather3A_572 : vector<16xf32>
      %get3A_574 = arith.index_cast %scan3A_568 : i32 to index
      %get3A_575 = arith.constant 16 : index
      %get3A_576 = tpu.vector_load %arg7[%get3A_574, %get3A_575] {strides = array<i32>} : memref<56x128xi32, #tpu.memory_space<vmem>>, vector<16xi32>,
      %gather3A_577 = tpu.vector_load_idx %arg5[%get3A_576] : memref<100000xf32, #tpu.memory_space<vmem>>[vector<16xi32>], vector<16xf32>,
      %add3A_578 = arith.addf %add3A_536, %gather3A_577 : vector<16xf32>
      %get3A_579 = arith.index_cast %scan3A_568 : i32 to index
      %get3A_580 = arith.constant 32 : index
      %get3A_581 = tpu.vector_load %arg7[%get3A_579, %get3A_580] {strides = array<i32>} : memref<56x128xi32, #tpu.memory_space<vmem>>, vector<16xi32>,
      %gather3A_582 = tpu.vector_load_idx %arg5[%get3A_581] : memref<100000xf32, #tpu.memory_space<vmem>>[vector<16xi32>], vector<16xf32>,
      %add3A_583 = arith.addf %add3A_541, %gather3A_582 : vector<16xf32>
      %get3A_584 = arith.index_cast %scan3A_568 : i32 to index
      %get3A_585 = arith.constant 48 : index
      %get3A_586 = tpu.vector_load %arg7[%get3A_584, %get3A_585] {strides = array<i32>} : memref<56x128xi32, #tpu.memory_space<vmem>>, vector<16xi32>,
      %gather3A_587 = tpu.vector_load_idx %arg5[%get3A_586] : memref<100000xf32, #tpu.memory_space<vmem>>[vector<16xi32>], vector<16xf32>,
      %add3A_588 = arith.addf %add3A_546, %gather3A_587 : vector<16xf32>
      %get3A_589 = arith.index_cast %scan3A_568 : i32 to index
      %get3A_590 = arith.constant 64 : index
      %get3A_591 = tpu.vector_load %arg7[%get3A_589, %get3A_590] {strides = array<i32>} : memref<56x128xi32, #tpu.memory_space<vmem>>, vector<16xi32>,
      %gather3A_592 = tpu.vector_load_idx %arg5[%get3A_591] : memref<100000xf32, #tpu.memory_space<vmem>>[vector<16xi32>], vector<16xf32>,
      %add3A_593 = arith.addf %add3A_551, %gather3A_592 : vector<16xf32>
      %get3A_594 = arith.index_cast %scan3A_568 : i32 to index
      %get3A_595 = arith.constant 80 : index
      %get3A_596 = tpu.vector_load %arg7[%get3A_594, %get3A_595] {strides = array<i32>} : memref<56x128xi32, #tpu.memory_space<vmem>>, vector<16xi32>,
      %gather3A_597 = tpu.vector_load_idx %arg5[%get3A_596] : memref<100000xf32, #tpu.memory_space<vmem>>[vector<16xi32>], vector<16xf32>,
      %add3A_598 = arith.addf %add3A_556, %gather3A_597 : vector<16xf32>
      %get3A_599 = arith.index_cast %scan3A_568 : i32 to index
      %get3A_600 = arith.constant 96 : index
      %get3A_601 = tpu.vector_load %arg7[%get3A_599, %get3A_600] {strides = array<i32>} : memref<56x128xi32, #tpu.memory_space<vmem>>, vector<16xi32>,
      %gather3A_602 = tpu.vector_load_idx %arg5[%get3A_601] : memref<100000xf32, #tpu.memory_space<vmem>>[vector<16xi32>], vector<16xf32>,
      %add3A_603 = arith.addf %add3A_561, %gather3A_602 : vector<16xf32>
      %get3A_604 = arith.index_cast %scan3A_568 : i32 to index
      %get3A_605 = arith.constant 112 : index
      %get3A_606 = tpu.vector_load %arg7[%get3A_604, %get3A_605] {strides = array<i32>} : memref<56x128xi32, #tpu.memory_space<vmem>>, vector<16xi32>,
      %gather3A_607 = tpu.vector_load_idx %arg5[%get3A_606] : memref<100000xf32, #tpu.memory_space<vmem>>[vector<16xi32>], vector<16xf32>,
      %add3A_608 = arith.addf %add3A_566, %gather3A_607 : vector<16xf32>
      %scan3A_609 = arith.constant 2 : i32
      %scan3A_610 = arith.addi %scan3A_520, %scan3A_609 : i32
      %get3A_611 = arith.index_cast %scan3A_610 : i32 to index
      %get3A_612 = arith.constant 0 : index
      %get3A_613 = tpu.vector_load %arg7[%get3A_611, %get3A_612] {strides = array<i32>} : memref<56x128xi32, #tpu.memory_space<vmem>>, vector<16xi32>,
      %gather3A_614 = tpu.vector_load_idx %arg5[%get3A_613] : memref<100000xf32, #tpu.memory_space<vmem>>[vector<16xi32>], vector<16xf32>,
      %add3A_615 = arith.addf %add3A_573, %gather3A_614 : vector<16xf32>
      %get3A_616 = arith.index_cast %scan3A_610 : i32 to index
      %get3A_617 = arith.constant 16 : index
      %get3A_618 = tpu.vector_load %arg7[%get3A_616, %get3A_617] {strides = array<i32>} : memref<56x128xi32, #tpu.memory_space<vmem>>, vector<16xi32>,
      %gather3A_619 = tpu.vector_load_idx %arg5[%get3A_618] : memref<100000xf32, #tpu.memory_space<vmem>>[vector<16xi32>], vector<16xf32>,
      %add3A_620 = arith.addf %add3A_578, %gather3A_619 : vector<16xf32>
      %get3A_621 = arith.index_cast %scan3A_610 : i32 to index
      %get3A_622 = arith.constant 32 : index
      %get3A_623 = tpu.vector_load %arg7[%get3A_621, %get3A_622] {strides = array<i32>} : memref<56x128xi32, #tpu.memory_space<vmem>>, vector<16xi32>,
      %gather3A_624 = tpu.vector_load_idx %arg5[%get3A_623] : memref<100000xf32, #tpu.memory_space<vmem>>[vector<16xi32>], vector<16xf32>,
      %add3A_625 = arith.addf %add3A_583, %gather3A_624 : vector<16xf32>
      %get3A_626 = arith.index_cast %scan3A_610 : i32 to index
      %get3A_627 = arith.constant 48 : index
      %get3A_628 = tpu.vector_load %arg7[%get3A_626, %get3A_627] {strides = array<i32>} : memref<56x128xi32, #tpu.memory_space<vmem>>, vector<16xi32>,
      %gather3A_629 = tpu.vector_load_idx %arg5[%get3A_628] : memref<100000xf32, #tpu.memory_space<vmem>>[vector<16xi32>], vector<16xf32>,
      %add3A_630 = arith.addf %add3A_588, %gather3A_629 : vector<16xf32>
      %get3A_631 = arith.index_cast %scan3A_610 : i32 to index
      %get3A_632 = arith.constant 64 : index
      %get3A_633 = tpu.vector_load %arg7[%get3A_631, %get3A_632] {strides = array<i32>} : memref<56x128xi32, #tpu.memory_space<vmem>>, vector<16xi32>,
      %gather3A_634 = tpu.vector_load_idx %arg5[%get3A_633] : memref<100000xf32, #tpu.memory_space<vmem>>[vector<16xi32>], vector<16xf32>,
      %add3A_635 = arith.addf %add3A_593, %gather3A_634 : vector<16xf32>
      %get3A_636 = arith.index_cast %scan3A_610 : i32 to index
      %get3A_637 = arith.constant 80 : index
      %get3A_638 = tpu.vector_load %arg7[%get3A_636, %get3A_637] {strides = array<i32>} : memref<56x128xi32, #tpu.memory_space<vmem>>, vector<16xi32>,
      %gather3A_639 = tpu.vector_load_idx %arg5[%get3A_638] : memref<100000xf32, #tpu.memory_space<vmem>>[vector<16xi32>], vector<16xf32>,
      %add3A_640 = arith.addf %add3A_598, %gather3A_639 : vector<16xf32>
      %get3A_641 = arith.index_cast %scan3A_610 : i32 to index
      %get3A_642 = arith.constant 96 : index
      %get3A_643 = tpu.vector_load %arg7[%get3A_641, %get3A_642] {strides = array<i32>} : memref<56x128xi32, #tpu.memory_space<vmem>>, vector<16xi32>,
      %gather3A_644 = tpu.vector_load_idx %arg5[%get3A_643] : memref<100000xf32, #tpu.memory_space<vmem>>[vector<16xi32>], vector<16xf32>,
      %add3A_645 = arith.addf %add3A_603, %gather3A_644 : vector<16xf32>
      %get3A_646 = arith.index_cast %scan3A_610 : i32 to index
      %get3A_647 = arith.constant 112 : index
      %get3A_648 = tpu.vector_load %arg7[%get3A_646, %get3A_647] {strides = array<i32>} : memref<56x128xi32, #tpu.memory_space<vmem>>, vector<16xi32>,
      %gather3A_649 = tpu.vector_load_idx %arg5[%get3A_648] : memref<100000xf32, #tpu.memory_space<vmem>>[vector<16xi32>], vector<16xf32>,
      %add3A_650 = arith.addf %add3A_608, %gather3A_649 : vector<16xf32>
      %scan3A_651 = arith.constant 3 : i32
      %scan3A_652 = arith.addi %scan3A_520, %scan3A_651 : i32
      %get3A_653 = arith.index_cast %scan3A_652 : i32 to index
      %get3A_654 = arith.constant 0 : index
      %get3A_655 = tpu.vector_load %arg7[%get3A_653, %get3A_654] {strides = array<i32>} : memref<56x128xi32, #tpu.memory_space<vmem>>, vector<16xi32>,
      %gather3A_656 = tpu.vector_load_idx %arg5[%get3A_655] : memref<100000xf32, #tpu.memory_space<vmem>>[vector<16xi32>], vector<16xf32>,
      %add3A_657 = arith.addf %add3A_615, %gather3A_656 : vector<16xf32>
      %get3A_658 = arith.index_cast %scan3A_652 : i32 to index
      %get3A_659 = arith.constant 16 : index
      %get3A_660 = tpu.vector_load %arg7[%get3A_658, %get3A_659] {strides = array<i32>} : memref<56x128xi32, #tpu.memory_space<vmem>>, vector<16xi32>,
      %gather3A_661 = tpu.vector_load_idx %arg5[%get3A_660] : memref<100000xf32, #tpu.memory_space<vmem>>[vector<16xi32>], vector<16xf32>,
      %add3A_662 = arith.addf %add3A_620, %gather3A_661 : vector<16xf32>
      %get3A_663 = arith.index_cast %scan3A_652 : i32 to index
      %get3A_664 = arith.constant 32 : index
      %get3A_665 = tpu.vector_load %arg7[%get3A_663, %get3A_664] {strides = array<i32>} : memref<56x128xi32, #tpu.memory_space<vmem>>, vector<16xi32>,
      %gather3A_666 = tpu.vector_load_idx %arg5[%get3A_665] : memref<100000xf32, #tpu.memory_space<vmem>>[vector<16xi32>], vector<16xf32>,
      %add3A_667 = arith.addf %add3A_625, %gather3A_666 : vector<16xf32>
      %get3A_668 = arith.index_cast %scan3A_652 : i32 to index
      %get3A_669 = arith.constant 48 : index
      %get3A_670 = tpu.vector_load %arg7[%get3A_668, %get3A_669] {strides = array<i32>} : memref<56x128xi32, #tpu.memory_space<vmem>>, vector<16xi32>,
      %gather3A_671 = tpu.vector_load_idx %arg5[%get3A_670] : memref<100000xf32, #tpu.memory_space<vmem>>[vector<16xi32>], vector<16xf32>,
      %add3A_672 = arith.addf %add3A_630, %gather3A_671 : vector<16xf32>
      %get3A_673 = arith.index_cast %scan3A_652 : i32 to index
      %get3A_674 = arith.constant 64 : index
      %get3A_675 = tpu.vector_load %arg7[%get3A_673, %get3A_674] {strides = array<i32>} : memref<56x128xi32, #tpu.memory_space<vmem>>, vector<16xi32>,
      %gather3A_676 = tpu.vector_load_idx %arg5[%get3A_675] : memref<100000xf32, #tpu.memory_space<vmem>>[vector<16xi32>], vector<16xf32>,
      %add3A_677 = arith.addf %add3A_635, %gather3A_676 : vector<16xf32>
      %get3A_678 = arith.index_cast %scan3A_652 : i32 to index
      %get3A_679 = arith.constant 80 : index
      %get3A_680 = tpu.vector_load %arg7[%get3A_678, %get3A_679] {strides = array<i32>} : memref<56x128xi32, #tpu.memory_space<vmem>>, vector<16xi32>,
      %gather3A_681 = tpu.vector_load_idx %arg5[%get3A_680] : memref<100000xf32, #tpu.memory_space<vmem>>[vector<16xi32>], vector<16xf32>,
      %add3A_682 = arith.addf %add3A_640, %gather3A_681 : vector<16xf32>
      %get3A_683 = arith.index_cast %scan3A_652 : i32 to index
      %get3A_684 = arith.constant 96 : index
      %get3A_685 = tpu.vector_load %arg7[%get3A_683, %get3A_684] {strides = array<i32>} : memref<56x128xi32, #tpu.memory_space<vmem>>, vector<16xi32>,
      %gather3A_686 = tpu.vector_load_idx %arg5[%get3A_685] : memref<100000xf32, #tpu.memory_space<vmem>>[vector<16xi32>], vector<16xf32>,
      %add3A_687 = arith.addf %add3A_645, %gather3A_686 : vector<16xf32>
      %get3A_688 = arith.index_cast %scan3A_652 : i32 to index
      %get3A_689 = arith.constant 112 : index
      %get3A_690 = tpu.vector_load %arg7[%get3A_688, %get3A_689] {strides = array<i32>} : memref<56x128xi32, #tpu.memory_space<vmem>>, vector<16xi32>,
      %gather3A_691 = tpu.vector_load_idx %arg5[%get3A_690] : memref<100000xf32, #tpu.memory_space<vmem>>[vector<16xi32>], vector<16xf32>,
      %add3A_692 = arith.addf %add3A_650, %gather3A_691 : vector<16xf32>
      scf.yield %add3A_657, %add3A_662, %add3A_667, %add3A_672, %add3A_677, %add3A_682, %add3A_687, %add3A_692 : vector<16xf32>, vector<16xf32>, vector<16xf32>, vector<16xf32>, vector<16xf32>, vector<16xf32>, vector<16xf32>, vector<16xf32>
    }
    %scan3A_227 = arith.constant 56 : i32
    %dma_wait3A_228 = arith.constant 0 : i32
    %dma_wait3A_229 = arith.constant 0 : i32
    %dma_wait3A_230 = tpu.memref_slice %arg8[%dma_wait3A_228, %dma_wait3A_229] : memref<56x128xi32, #tpu.memory_space<vmem>> -> memref<32x128xi32, #tpu.memory_space<vmem>>
    %dma_wait3A_231 = arith.constant 168 : i32
    %dma_wait3A_232 = tpu.memref_slice %arg3[%dma_wait3A_231, %add3A_211] : memref<200x16384xi32, #tpu.memory_space<hbm>> -> memref<32x128xi32, #tpu.memory_space<hbm>>
    %dma_wait3A_233 = arith.constant 0 : i32
    %dma_wait3A_234 = arith.constant 0 : i32
    %dma_wait3A_235 = tpu.memref_slice %arg8[%dma_wait3A_233, %dma_wait3A_234] : memref<56x128xi32, #tpu.memory_space<vmem>> -> memref<32x128xi32, #tpu.memory_space<vmem>>
    %dma_wait3A_236 = arith.constant 168 : i32
    %dma_wait3A_237 = tpu.memref_slice %arg3[%dma_wait3A_236, %add3A_211] : memref<200x16384xi32, #tpu.memory_space<hbm>> -> memref<32x128xi32, #tpu.memory_space<hbm>>
    tpu.wait_dma2 semaphore(%arg12 : memref<!tpu.dma_semaphore, #tpu.memory_space<semaphore_mem>>) src(%dma_wait3A_237 : memref<32x128xi32, #tpu.memory_space<hbm>>) dst(%dma_wait3A_235 : memref<32x128xi32, #tpu.memory_space<vmem>>)
    %add3A_238 = arith.constant 256 : i32
    %add3A_239 = arith.addi %mul3A_2, %add3A_238 : i32
    %dma_start3A_240 = arith.constant 0 : i32
    %dma_start3A_241 = arith.constant 0 : i32
    %dma_start3A_242 = tpu.memref_slice %arg7[%dma_start3A_240, %dma_start3A_241] : memref<56x128xi32, #tpu.memory_space<vmem>> -> memref<56x128xi32, #tpu.memory_space<vmem>>
    %dma_start3A_243 = arith.constant 0 : i32
    %dma_start3A_244 = tpu.memref_slice %arg3[%dma_start3A_243, %add3A_239] : memref<200x16384xi32, #tpu.memory_space<hbm>> -> memref<56x128xi32, #tpu.memory_space<hbm>>
    %dma_start3A_245 = arith.constant 0 : i32
    %dma_start3A_246 = arith.constant 0 : i32
    %dma_start3A_247 = tpu.memref_slice %arg7[%dma_start3A_245, %dma_start3A_246] : memref<56x128xi32, #tpu.memory_space<vmem>> -> memref<56x128xi32, #tpu.memory_space<vmem>>
    %dma_start3A_248 = arith.constant 0 : i32
    %dma_start3A_249 = tpu.memref_slice %arg3[%dma_start3A_248, %add3A_239] : memref<200x16384xi32, #tpu.memory_space<hbm>> -> memref<56x128xi32, #tpu.memory_space<hbm>>
    tpu.enqueue_dma source(%dma_start3A_249 : memref<56x128xi32, #tpu.memory_space<hbm>>) target(%dma_start3A_247 : memref<56x128xi32, #tpu.memory_space<vmem>>) target_semaphore(%arg11 : memref<!tpu.dma_semaphore, #tpu.memory_space<semaphore_mem>>)
    %scan3A_250 = arith.constant 0 : i32
    %scan3A_251 = arith.constant 32 : i32
    %scan3A_252 = arith.addi %scan3A_250, %scan3A_251 : i32
    %scan3A_253 = arith.constant 4 : i32
    %scan3A_254:8 = scf.for %scan3A_520 = %scan3A_250 to %scan3A_252 step %scan3A_253 iter_args(%scan3A_521 = %scan3A_226#0, %scan3A_522 = %scan3A_226#1, %scan3A_523 = %scan3A_226#2, %scan3A_524 = %scan3A_226#3, %scan3A_525 = %scan3A_226#4, %scan3A_526 = %scan3A_226#5, %scan3A_527 = %scan3A_226#6, %scan3A_528 = %scan3A_226#7) -> (vector<16xf32>, vector<16xf32>, vector<16xf32>, vector<16xf32>, vector<16xf32>, vector<16xf32>, vector<16xf32>, vector<16xf32>)  : i32 {
      %get3A = arith.index_cast %scan3A_520 : i32 to index
      %get3A_529 = arith.constant 0 : index
      %get3A_530 = tpu.vector_load %arg8[%get3A, %get3A_529] {strides = array<i32>} : memref<56x128xi32, #tpu.memory_space<vmem>>, vector<16xi32>,
      %gather3A = tpu.vector_load_idx %arg5[%get3A_530] : memref<100000xf32, #tpu.memory_space<vmem>>[vector<16xi32>], vector<16xf32>,
      %add3A_531 = arith.addf %scan3A_521, %gather3A : vector<16xf32>
      %get3A_532 = arith.index_cast %scan3A_520 : i32 to index
      %get3A_533 = arith.constant 16 : index
      %get3A_534 = tpu.vector_load %arg8[%get3A_532, %get3A_533] {strides = array<i32>} : memref<56x128xi32, #tpu.memory_space<vmem>>, vector<16xi32>,
      %gather3A_535 = tpu.vector_load_idx %arg5[%get3A_534] : memref<100000xf32, #tpu.memory_space<vmem>>[vector<16xi32>], vector<16xf32>,
      %add3A_536 = arith.addf %scan3A_522, %gather3A_535 : vector<16xf32>
      %get3A_537 = arith.index_cast %scan3A_520 : i32 to index
      %get3A_538 = arith.constant 32 : index
      %get3A_539 = tpu.vector_load %arg8[%get3A_537, %get3A_538] {strides = array<i32>} : memref<56x128xi32, #tpu.memory_space<vmem>>, vector<16xi32>,
      %gather3A_540 = tpu.vector_load_idx %arg5[%get3A_539] : memref<100000xf32, #tpu.memory_space<vmem>>[vector<16xi32>], vector<16xf32>,
      %add3A_541 = arith.addf %scan3A_523, %gather3A_540 : vector<16xf32>
      %get3A_542 = arith.index_cast %scan3A_520 : i32 to index
      %get3A_543 = arith.constant 48 : index
      %get3A_544 = tpu.vector_load %arg8[%get3A_542, %get3A_543] {strides = array<i32>} : memref<56x128xi32, #tpu.memory_space<vmem>>, vector<16xi32>,
      %gather3A_545 = tpu.vector_load_idx %arg5[%get3A_544] : memref<100000xf32, #tpu.memory_space<vmem>>[vector<16xi32>], vector<16xf32>,
      %add3A_546 = arith.addf %scan3A_524, %gather3A_545 : vector<16xf32>
      %get3A_547 = arith.index_cast %scan3A_520 : i32 to index
      %get3A_548 = arith.constant 64 : index
      %get3A_549 = tpu.vector_load %arg8[%get3A_547, %get3A_548] {strides = array<i32>} : memref<56x128xi32, #tpu.memory_space<vmem>>, vector<16xi32>,
      %gather3A_550 = tpu.vector_load_idx %arg5[%get3A_549] : memref<100000xf32, #tpu.memory_space<vmem>>[vector<16xi32>], vector<16xf32>,
      %add3A_551 = arith.addf %scan3A_525, %gather3A_550 : vector<16xf32>
      %get3A_552 = arith.index_cast %scan3A_520 : i32 to index
      %get3A_553 = arith.constant 80 : index
      %get3A_554 = tpu.vector_load %arg8[%get3A_552, %get3A_553] {strides = array<i32>} : memref<56x128xi32, #tpu.memory_space<vmem>>, vector<16xi32>,
      %gather3A_555 = tpu.vector_load_idx %arg5[%get3A_554] : memref<100000xf32, #tpu.memory_space<vmem>>[vector<16xi32>], vector<16xf32>,
      %add3A_556 = arith.addf %scan3A_526, %gather3A_555 : vector<16xf32>
      %get3A_557 = arith.index_cast %scan3A_520 : i32 to index
      %get3A_558 = arith.constant 96 : index
      %get3A_559 = tpu.vector_load %arg8[%get3A_557, %get3A_558] {strides = array<i32>} : memref<56x128xi32, #tpu.memory_space<vmem>>, vector<16xi32>,
      %gather3A_560 = tpu.vector_load_idx %arg5[%get3A_559] : memref<100000xf32, #tpu.memory_space<vmem>>[vector<16xi32>], vector<16xf32>,
      %add3A_561 = arith.addf %scan3A_527, %gather3A_560 : vector<16xf32>
      %get3A_562 = arith.index_cast %scan3A_520 : i32 to index
      %get3A_563 = arith.constant 112 : index
      %get3A_564 = tpu.vector_load %arg8[%get3A_562, %get3A_563] {strides = array<i32>} : memref<56x128xi32, #tpu.memory_space<vmem>>, vector<16xi32>,
      %gather3A_565 = tpu.vector_load_idx %arg5[%get3A_564] : memref<100000xf32, #tpu.memory_space<vmem>>[vector<16xi32>], vector<16xf32>,
      %add3A_566 = arith.addf %scan3A_528, %gather3A_565 : vector<16xf32>
      %scan3A_567 = arith.constant 1 : i32
      %scan3A_568 = arith.addi %scan3A_520, %scan3A_567 : i32
      %get3A_569 = arith.index_cast %scan3A_568 : i32 to index
      %get3A_570 = arith.constant 0 : index
      %get3A_571 = tpu.vector_load %arg8[%get3A_569, %get3A_570] {strides = array<i32>} : memref<56x128xi32, #tpu.memory_space<vmem>>, vector<16xi32>,
      %gather3A_572 = tpu.vector_load_idx %arg5[%get3A_571] : memref<100000xf32, #tpu.memory_space<vmem>>[vector<16xi32>], vector<16xf32>,
      %add3A_573 = arith.addf %add3A_531, %gather3A_572 : vector<16xf32>
      %get3A_574 = arith.index_cast %scan3A_568 : i32 to index
      %get3A_575 = arith.constant 16 : index
      %get3A_576 = tpu.vector_load %arg8[%get3A_574, %get3A_575] {strides = array<i32>} : memref<56x128xi32, #tpu.memory_space<vmem>>, vector<16xi32>,
      %gather3A_577 = tpu.vector_load_idx %arg5[%get3A_576] : memref<100000xf32, #tpu.memory_space<vmem>>[vector<16xi32>], vector<16xf32>,
      %add3A_578 = arith.addf %add3A_536, %gather3A_577 : vector<16xf32>
      %get3A_579 = arith.index_cast %scan3A_568 : i32 to index
      %get3A_580 = arith.constant 32 : index
      %get3A_581 = tpu.vector_load %arg8[%get3A_579, %get3A_580] {strides = array<i32>} : memref<56x128xi32, #tpu.memory_space<vmem>>, vector<16xi32>,
      %gather3A_582 = tpu.vector_load_idx %arg5[%get3A_581] : memref<100000xf32, #tpu.memory_space<vmem>>[vector<16xi32>], vector<16xf32>,
      %add3A_583 = arith.addf %add3A_541, %gather3A_582 : vector<16xf32>
      %get3A_584 = arith.index_cast %scan3A_568 : i32 to index
      %get3A_585 = arith.constant 48 : index
      %get3A_586 = tpu.vector_load %arg8[%get3A_584, %get3A_585] {strides = array<i32>} : memref<56x128xi32, #tpu.memory_space<vmem>>, vector<16xi32>,
      %gather3A_587 = tpu.vector_load_idx %arg5[%get3A_586] : memref<100000xf32, #tpu.memory_space<vmem>>[vector<16xi32>], vector<16xf32>,
      %add3A_588 = arith.addf %add3A_546, %gather3A_587 : vector<16xf32>
      %get3A_589 = arith.index_cast %scan3A_568 : i32 to index
      %get3A_590 = arith.constant 64 : index
      %get3A_591 = tpu.vector_load %arg8[%get3A_589, %get3A_590] {strides = array<i32>} : memref<56x128xi32, #tpu.memory_space<vmem>>, vector<16xi32>,
      %gather3A_592 = tpu.vector_load_idx %arg5[%get3A_591] : memref<100000xf32, #tpu.memory_space<vmem>>[vector<16xi32>], vector<16xf32>,
      %add3A_593 = arith.addf %add3A_551, %gather3A_592 : vector<16xf32>
      %get3A_594 = arith.index_cast %scan3A_568 : i32 to index
      %get3A_595 = arith.constant 80 : index
      %get3A_596 = tpu.vector_load %arg8[%get3A_594, %get3A_595] {strides = array<i32>} : memref<56x128xi32, #tpu.memory_space<vmem>>, vector<16xi32>,
      %gather3A_597 = tpu.vector_load_idx %arg5[%get3A_596] : memref<100000xf32, #tpu.memory_space<vmem>>[vector<16xi32>], vector<16xf32>,
      %add3A_598 = arith.addf %add3A_556, %gather3A_597 : vector<16xf32>
      %get3A_599 = arith.index_cast %scan3A_568 : i32 to index
      %get3A_600 = arith.constant 96 : index
      %get3A_601 = tpu.vector_load %arg8[%get3A_599, %get3A_600] {strides = array<i32>} : memref<56x128xi32, #tpu.memory_space<vmem>>, vector<16xi32>,
      %gather3A_602 = tpu.vector_load_idx %arg5[%get3A_601] : memref<100000xf32, #tpu.memory_space<vmem>>[vector<16xi32>], vector<16xf32>,
      %add3A_603 = arith.addf %add3A_561, %gather3A_602 : vector<16xf32>
      %get3A_604 = arith.index_cast %scan3A_568 : i32 to index
      %get3A_605 = arith.constant 112 : index
      %get3A_606 = tpu.vector_load %arg8[%get3A_604, %get3A_605] {strides = array<i32>} : memref<56x128xi32, #tpu.memory_space<vmem>>, vector<16xi32>,
      %gather3A_607 = tpu.vector_load_idx %arg5[%get3A_606] : memref<100000xf32, #tpu.memory_space<vmem>>[vector<16xi32>], vector<16xf32>,
      %add3A_608 = arith.addf %add3A_566, %gather3A_607 : vector<16xf32>
      %scan3A_609 = arith.constant 2 : i32
      %scan3A_610 = arith.addi %scan3A_520, %scan3A_609 : i32
      %get3A_611 = arith.index_cast %scan3A_610 : i32 to index
      %get3A_612 = arith.constant 0 : index
      %get3A_613 = tpu.vector_load %arg8[%get3A_611, %get3A_612] {strides = array<i32>} : memref<56x128xi32, #tpu.memory_space<vmem>>, vector<16xi32>,
      %gather3A_614 = tpu.vector_load_idx %arg5[%get3A_613] : memref<100000xf32, #tpu.memory_space<vmem>>[vector<16xi32>], vector<16xf32>,
      %add3A_615 = arith.addf %add3A_573, %gather3A_614 : vector<16xf32>
      %get3A_616 = arith.index_cast %scan3A_610 : i32 to index
      %get3A_617 = arith.constant 16 : index
      %get3A_618 = tpu.vector_load %arg8[%get3A_616, %get3A_617] {strides = array<i32>} : memref<56x128xi32, #tpu.memory_space<vmem>>, vector<16xi32>,
      %gather3A_619 = tpu.vector_load_idx %arg5[%get3A_618] : memref<100000xf32, #tpu.memory_space<vmem>>[vector<16xi32>], vector<16xf32>,
      %add3A_620 = arith.addf %add3A_578, %gather3A_619 : vector<16xf32>
      %get3A_621 = arith.index_cast %scan3A_610 : i32 to index
      %get3A_622 = arith.constant 32 : index
      %get3A_623 = tpu.vector_load %arg8[%get3A_621, %get3A_622] {strides = array<i32>} : memref<56x128xi32, #tpu.memory_space<vmem>>, vector<16xi32>,
      %gather3A_624 = tpu.vector_load_idx %arg5[%get3A_623] : memref<100000xf32, #tpu.memory_space<vmem>>[vector<16xi32>], vector<16xf32>,
      %add3A_625 = arith.addf %add3A_583, %gather3A_624 : vector<16xf32>
      %get3A_626 = arith.index_cast %scan3A_610 : i32 to index
      %get3A_627 = arith.constant 48 : index
      %get3A_628 = tpu.vector_load %arg8[%get3A_626, %get3A_627] {strides = array<i32>} : memref<56x128xi32, #tpu.memory_space<vmem>>, vector<16xi32>,
      %gather3A_629 = tpu.vector_load_idx %arg5[%get3A_628] : memref<100000xf32, #tpu.memory_space<vmem>>[vector<16xi32>], vector<16xf32>,
      %add3A_630 = arith.addf %add3A_588, %gather3A_629 : vector<16xf32>
      %get3A_631 = arith.index_cast %scan3A_610 : i32 to index
      %get3A_632 = arith.constant 64 : index
      %get3A_633 = tpu.vector_load %arg8[%get3A_631, %get3A_632] {strides = array<i32>} : memref<56x128xi32, #tpu.memory_space<vmem>>, vector<16xi32>,
      %gather3A_634 = tpu.vector_load_idx %arg5[%get3A_633] : memref<100000xf32, #tpu.memory_space<vmem>>[vector<16xi32>], vector<16xf32>,
      %add3A_635 = arith.addf %add3A_593, %gather3A_634 : vector<16xf32>
      %get3A_636 = arith.index_cast %scan3A_610 : i32 to index
      %get3A_637 = arith.constant 80 : index
      %get3A_638 = tpu.vector_load %arg8[%get3A_636, %get3A_637] {strides = array<i32>} : memref<56x128xi32, #tpu.memory_space<vmem>>, vector<16xi32>,
      %gather3A_639 = tpu.vector_load_idx %arg5[%get3A_638] : memref<100000xf32, #tpu.memory_space<vmem>>[vector<16xi32>], vector<16xf32>,
      %add3A_640 = arith.addf %add3A_598, %gather3A_639 : vector<16xf32>
      %get3A_641 = arith.index_cast %scan3A_610 : i32 to index
      %get3A_642 = arith.constant 96 : index
      %get3A_643 = tpu.vector_load %arg8[%get3A_641, %get3A_642] {strides = array<i32>} : memref<56x128xi32, #tpu.memory_space<vmem>>, vector<16xi32>,
      %gather3A_644 = tpu.vector_load_idx %arg5[%get3A_643] : memref<100000xf32, #tpu.memory_space<vmem>>[vector<16xi32>], vector<16xf32>,
      %add3A_645 = arith.addf %add3A_603, %gather3A_644 : vector<16xf32>
      %get3A_646 = arith.index_cast %scan3A_610 : i32 to index
      %get3A_647 = arith.constant 112 : index
      %get3A_648 = tpu.vector_load %arg8[%get3A_646, %get3A_647] {strides = array<i32>} : memref<56x128xi32, #tpu.memory_space<vmem>>, vector<16xi32>,
      %gather3A_649 = tpu.vector_load_idx %arg5[%get3A_648] : memref<100000xf32, #tpu.memory_space<vmem>>[vector<16xi32>], vector<16xf32>,
      %add3A_650 = arith.addf %add3A_608, %gather3A_649 : vector<16xf32>
      %scan3A_651 = arith.constant 3 : i32
      %scan3A_652 = arith.addi %scan3A_520, %scan3A_651 : i32
      %get3A_653 = arith.index_cast %scan3A_652 : i32 to index
      %get3A_654 = arith.constant 0 : index
      %get3A_655 = tpu.vector_load %arg8[%get3A_653, %get3A_654] {strides = array<i32>} : memref<56x128xi32, #tpu.memory_space<vmem>>, vector<16xi32>,
      %gather3A_656 = tpu.vector_load_idx %arg5[%get3A_655] : memref<100000xf32, #tpu.memory_space<vmem>>[vector<16xi32>], vector<16xf32>,
      %add3A_657 = arith.addf %add3A_615, %gather3A_656 : vector<16xf32>
      %get3A_658 = arith.index_cast %scan3A_652 : i32 to index
      %get3A_659 = arith.constant 16 : index
      %get3A_660 = tpu.vector_load %arg8[%get3A_658, %get3A_659] {strides = array<i32>} : memref<56x128xi32, #tpu.memory_space<vmem>>, vector<16xi32>,
      %gather3A_661 = tpu.vector_load_idx %arg5[%get3A_660] : memref<100000xf32, #tpu.memory_space<vmem>>[vector<16xi32>], vector<16xf32>,
      %add3A_662 = arith.addf %add3A_620, %gather3A_661 : vector<16xf32>
      %get3A_663 = arith.index_cast %scan3A_652 : i32 to index
      %get3A_664 = arith.constant 32 : index
      %get3A_665 = tpu.vector_load %arg8[%get3A_663, %get3A_664] {strides = array<i32>} : memref<56x128xi32, #tpu.memory_space<vmem>>, vector<16xi32>,
      %gather3A_666 = tpu.vector_load_idx %arg5[%get3A_665] : memref<100000xf32, #tpu.memory_space<vmem>>[vector<16xi32>], vector<16xf32>,
      %add3A_667 = arith.addf %add3A_625, %gather3A_666 : vector<16xf32>
      %get3A_668 = arith.index_cast %scan3A_652 : i32 to index
      %get3A_669 = arith.constant 48 : index
      %get3A_670 = tpu.vector_load %arg8[%get3A_668, %get3A_669] {strides = array<i32>} : memref<56x128xi32, #tpu.memory_space<vmem>>, vector<16xi32>,
      %gather3A_671 = tpu.vector_load_idx %arg5[%get3A_670] : memref<100000xf32, #tpu.memory_space<vmem>>[vector<16xi32>], vector<16xf32>,
      %add3A_672 = arith.addf %add3A_630, %gather3A_671 : vector<16xf32>
      %get3A_673 = arith.index_cast %scan3A_652 : i32 to index
      %get3A_674 = arith.constant 64 : index
      %get3A_675 = tpu.vector_load %arg8[%get3A_673, %get3A_674] {strides = array<i32>} : memref<56x128xi32, #tpu.memory_space<vmem>>, vector<16xi32>,
      %gather3A_676 = tpu.vector_load_idx %arg5[%get3A_675] : memref<100000xf32, #tpu.memory_space<vmem>>[vector<16xi32>], vector<16xf32>,
      %add3A_677 = arith.addf %add3A_635, %gather3A_676 : vector<16xf32>
      %get3A_678 = arith.index_cast %scan3A_652 : i32 to index
      %get3A_679 = arith.constant 80 : index
      %get3A_680 = tpu.vector_load %arg8[%get3A_678, %get3A_679] {strides = array<i32>} : memref<56x128xi32, #tpu.memory_space<vmem>>, vector<16xi32>,
      %gather3A_681 = tpu.vector_load_idx %arg5[%get3A_680] : memref<100000xf32, #tpu.memory_space<vmem>>[vector<16xi32>], vector<16xf32>,
      %add3A_682 = arith.addf %add3A_640, %gather3A_681 : vector<16xf32>
      %get3A_683 = arith.index_cast %scan3A_652 : i32 to index
      %get3A_684 = arith.constant 96 : index
      %get3A_685 = tpu.vector_load %arg8[%get3A_683, %get3A_684] {strides = array<i32>} : memref<56x128xi32, #tpu.memory_space<vmem>>, vector<16xi32>,
      %gather3A_686 = tpu.vector_load_idx %arg5[%get3A_685] : memref<100000xf32, #tpu.memory_space<vmem>>[vector<16xi32>], vector<16xf32>,
      %add3A_687 = arith.addf %add3A_645, %gather3A_686 : vector<16xf32>
      %get3A_688 = arith.index_cast %scan3A_652 : i32 to index
      %get3A_689 = arith.constant 112 : index
      %get3A_690 = tpu.vector_load %arg8[%get3A_688, %get3A_689] {strides = array<i32>} : memref<56x128xi32, #tpu.memory_space<vmem>>, vector<16xi32>,
      %gather3A_691 = tpu.vector_load_idx %arg5[%get3A_690] : memref<100000xf32, #tpu.memory_space<vmem>>[vector<16xi32>], vector<16xf32>,
      %add3A_692 = arith.addf %add3A_650, %gather3A_691 : vector<16xf32>
      scf.yield %add3A_657, %add3A_662, %add3A_667, %add3A_672, %add3A_677, %add3A_682, %add3A_687, %add3A_692 : vector<16xf32>, vector<16xf32>, vector<16xf32>, vector<16xf32>, vector<16xf32>, vector<16xf32>, vector<16xf32>, vector<16xf32>
    }
    %scan3A_255 = arith.constant 32 : i32
    %swap3A_256 = arith.constant 128 : index
    %swap3A_257 = tpu.vector_load %arg9[%swap3A_256] {strides = array<i32>} : memref<512xf32, #tpu.memory_space<vmem>>, vector<16xf32>,
    tpu.vector_store %arg9[%swap3A_256], %scan3A_254#0 {strides = array<i32>} : memref<512xf32, #tpu.memory_space<vmem>>, vector<16xf32>,
    %swap3A_258 = arith.constant 144 : index
    %swap3A_259 = tpu.vector_load %arg9[%swap3A_258] {strides = array<i32>} : memref<512xf32, #tpu.memory_space<vmem>>, vector<16xf32>,
    tpu.vector_store %arg9[%swap3A_258], %scan3A_254#1 {strides = array<i32>} : memref<512xf32, #tpu.memory_space<vmem>>, vector<16xf32>,
    %swap3A_260 = arith.constant 160 : index
    %swap3A_261 = tpu.vector_load %arg9[%swap3A_260] {strides = array<i32>} : memref<512xf32, #tpu.memory_space<vmem>>, vector<16xf32>,
    tpu.vector_store %arg9[%swap3A_260], %scan3A_254#2 {strides = array<i32>} : memref<512xf32, #tpu.memory_space<vmem>>, vector<16xf32>,
    %swap3A_262 = arith.constant 176 : index
    %swap3A_263 = tpu.vector_load %arg9[%swap3A_262] {strides = array<i32>} : memref<512xf32, #tpu.memory_space<vmem>>, vector<16xf32>,
    tpu.vector_store %arg9[%swap3A_262], %scan3A_254#3 {strides = array<i32>} : memref<512xf32, #tpu.memory_space<vmem>>, vector<16xf32>,
    %swap3A_264 = arith.constant 192 : index
    %swap3A_265 = tpu.vector_load %arg9[%swap3A_264] {strides = array<i32>} : memref<512xf32, #tpu.memory_space<vmem>>, vector<16xf32>,
    tpu.vector_store %arg9[%swap3A_264], %scan3A_254#4 {strides = array<i32>} : memref<512xf32, #tpu.memory_space<vmem>>, vector<16xf32>,
    %swap3A_266 = arith.constant 208 : index
    %swap3A_267 = tpu.vector_load %arg9[%swap3A_266] {strides = array<i32>} : memref<512xf32, #tpu.memory_space<vmem>>, vector<16xf32>,
    tpu.vector_store %arg9[%swap3A_266], %scan3A_254#5 {strides = array<i32>} : memref<512xf32, #tpu.memory_space<vmem>>, vector<16xf32>,
    %swap3A_268 = arith.constant 224 : index
    %swap3A_269 = tpu.vector_load %arg9[%swap3A_268] {strides = array<i32>} : memref<512xf32, #tpu.memory_space<vmem>>, vector<16xf32>,
    tpu.vector_store %arg9[%swap3A_268], %scan3A_254#6 {strides = array<i32>} : memref<512xf32, #tpu.memory_space<vmem>>, vector<16xf32>,
    %swap3A_270 = arith.constant 240 : index
    %swap3A_271 = tpu.vector_load %arg9[%swap3A_270] {strides = array<i32>} : memref<512xf32, #tpu.memory_space<vmem>>, vector<16xf32>,
    tpu.vector_store %arg9[%swap3A_270], %scan3A_254#7 {strides = array<i32>} : memref<512xf32, #tpu.memory_space<vmem>>, vector<16xf32>,
    %dma_wait3A_272 = arith.constant 0 : i32
    %dma_wait3A_273 = arith.constant 0 : i32
    %dma_wait3A_274 = tpu.memref_slice %arg7[%dma_wait3A_272, %dma_wait3A_273] : memref<56x128xi32, #tpu.memory_space<vmem>> -> memref<56x128xi32, #tpu.memory_space<vmem>>
    %dma_wait3A_275 = arith.constant 0 : i32
    %dma_wait3A_276 = tpu.memref_slice %arg3[%dma_wait3A_275, %add3A_239] : memref<200x16384xi32, #tpu.memory_space<hbm>> -> memref<56x128xi32, #tpu.memory_space<hbm>>
    %dma_wait3A_277 = arith.constant 0 : i32
    %dma_wait3A_278 = arith.constant 0 : i32
    %dma_wait3A_279 = tpu.memref_slice %arg7[%dma_wait3A_277, %dma_wait3A_278] : memref<56x128xi32, #tpu.memory_space<vmem>> -> memref<56x128xi32, #tpu.memory_space<vmem>>
    %dma_wait3A_280 = arith.constant 0 : i32
    %dma_wait3A_281 = tpu.memref_slice %arg3[%dma_wait3A_280, %add3A_239] : memref<200x16384xi32, #tpu.memory_space<hbm>> -> memref<56x128xi32, #tpu.memory_space<hbm>>
    tpu.wait_dma2 semaphore(%arg11 : memref<!tpu.dma_semaphore, #tpu.memory_space<semaphore_mem>>) src(%dma_wait3A_281 : memref<56x128xi32, #tpu.memory_space<hbm>>) dst(%dma_wait3A_279 : memref<56x128xi32, #tpu.memory_space<vmem>>)
    %add3A_282 = arith.constant 256 : i32
    %add3A_283 = arith.addi %mul3A_2, %add3A_282 : i32
    %dma_start3A_284 = arith.constant 0 : i32
    %dma_start3A_285 = arith.constant 0 : i32
    %dma_start3A_286 = tpu.memref_slice %arg8[%dma_start3A_284, %dma_start3A_285] : memref<56x128xi32, #tpu.memory_space<vmem>> -> memref<56x128xi32, #tpu.memory_space<vmem>>
    %dma_start3A_287 = arith.constant 56 : i32
    %dma_start3A_288 = tpu.memref_slice %arg3[%dma_start3A_287, %add3A_283] : memref<200x16384xi32, #tpu.memory_space<hbm>> -> memref<56x128xi32, #tpu.memory_space<hbm>>
    %dma_start3A_289 = arith.constant 0 : i32
    %dma_start3A_290 = arith.constant 0 : i32
    %dma_start3A_291 = tpu.memref_slice %arg8[%dma_start3A_289, %dma_start3A_290] : memref<56x128xi32, #tpu.memory_space<vmem>> -> memref<56x128xi32, #tpu.memory_space<vmem>>
    %dma_start3A_292 = arith.constant 56 : i32
    %dma_start3A_293 = tpu.memref_slice %arg3[%dma_start3A_292, %add3A_283] : memref<200x16384xi32, #tpu.memory_space<hbm>> -> memref<56x128xi32, #tpu.memory_space<hbm>>
    tpu.enqueue_dma source(%dma_start3A_293 : memref<56x128xi32, #tpu.memory_space<hbm>>) target(%dma_start3A_291 : memref<56x128xi32, #tpu.memory_space<vmem>>) target_semaphore(%arg12 : memref<!tpu.dma_semaphore, #tpu.memory_space<semaphore_mem>>)
    %broadcast_in_dim3A_294 = arith.constant 0.000000e+00 : f32
    %broadcast_in_dim3A_295 = vector.broadcast %broadcast_in_dim3A_294 : f32 to vector<16xf32>
    %scan3A_296 = arith.constant 0 : i32
    %scan3A_297 = arith.constant 56 : i32
    %scan3A_298 = arith.addi %scan3A_296, %scan3A_297 : i32
    %scan3A_299 = arith.constant 4 : i32
    %scan3A_300:8 = scf.for %scan3A_520 = %scan3A_296 to %scan3A_298 step %scan3A_299 iter_args(%scan3A_521 = %broadcast_in_dim3A_295, %scan3A_522 = %broadcast_in_dim3A_295, %scan3A_523 = %broadcast_in_dim3A_295, %scan3A_524 = %broadcast_in_dim3A_295, %scan3A_525 = %broadcast_in_dim3A_295, %scan3A_526 = %broadcast_in_dim3A_295, %scan3A_527 = %broadcast_in_dim3A_295, %scan3A_528 = %broadcast_in_dim3A_295) -> (vector<16xf32>, vector<16xf32>, vector<16xf32>, vector<16xf32>, vector<16xf32>, vector<16xf32>, vector<16xf32>, vector<16xf32>)  : i32 {
      %get3A = arith.index_cast %scan3A_520 : i32 to index
      %get3A_529 = arith.constant 0 : index
      %get3A_530 = tpu.vector_load %arg7[%get3A, %get3A_529] {strides = array<i32>} : memref<56x128xi32, #tpu.memory_space<vmem>>, vector<16xi32>,
      %gather3A = tpu.vector_load_idx %arg5[%get3A_530] : memref<100000xf32, #tpu.memory_space<vmem>>[vector<16xi32>], vector<16xf32>,
      %add3A_531 = arith.addf %scan3A_521, %gather3A : vector<16xf32>
      %get3A_532 = arith.index_cast %scan3A_520 : i32 to index
      %get3A_533 = arith.constant 16 : index
      %get3A_534 = tpu.vector_load %arg7[%get3A_532, %get3A_533] {strides = array<i32>} : memref<56x128xi32, #tpu.memory_space<vmem>>, vector<16xi32>,
      %gather3A_535 = tpu.vector_load_idx %arg5[%get3A_534] : memref<100000xf32, #tpu.memory_space<vmem>>[vector<16xi32>], vector<16xf32>,
      %add3A_536 = arith.addf %scan3A_522, %gather3A_535 : vector<16xf32>
      %get3A_537 = arith.index_cast %scan3A_520 : i32 to index
      %get3A_538 = arith.constant 32 : index
      %get3A_539 = tpu.vector_load %arg7[%get3A_537, %get3A_538] {strides = array<i32>} : memref<56x128xi32, #tpu.memory_space<vmem>>, vector<16xi32>,
      %gather3A_540 = tpu.vector_load_idx %arg5[%get3A_539] : memref<100000xf32, #tpu.memory_space<vmem>>[vector<16xi32>], vector<16xf32>,
      %add3A_541 = arith.addf %scan3A_523, %gather3A_540 : vector<16xf32>
      %get3A_542 = arith.index_cast %scan3A_520 : i32 to index
      %get3A_543 = arith.constant 48 : index
      %get3A_544 = tpu.vector_load %arg7[%get3A_542, %get3A_543] {strides = array<i32>} : memref<56x128xi32, #tpu.memory_space<vmem>>, vector<16xi32>,
      %gather3A_545 = tpu.vector_load_idx %arg5[%get3A_544] : memref<100000xf32, #tpu.memory_space<vmem>>[vector<16xi32>], vector<16xf32>,
      %add3A_546 = arith.addf %scan3A_524, %gather3A_545 : vector<16xf32>
      %get3A_547 = arith.index_cast %scan3A_520 : i32 to index
      %get3A_548 = arith.constant 64 : index
      %get3A_549 = tpu.vector_load %arg7[%get3A_547, %get3A_548] {strides = array<i32>} : memref<56x128xi32, #tpu.memory_space<vmem>>, vector<16xi32>,
      %gather3A_550 = tpu.vector_load_idx %arg5[%get3A_549] : memref<100000xf32, #tpu.memory_space<vmem>>[vector<16xi32>], vector<16xf32>,
      %add3A_551 = arith.addf %scan3A_525, %gather3A_550 : vector<16xf32>
      %get3A_552 = arith.index_cast %scan3A_520 : i32 to index
      %get3A_553 = arith.constant 80 : index
      %get3A_554 = tpu.vector_load %arg7[%get3A_552, %get3A_553] {strides = array<i32>} : memref<56x128xi32, #tpu.memory_space<vmem>>, vector<16xi32>,
      %gather3A_555 = tpu.vector_load_idx %arg5[%get3A_554] : memref<100000xf32, #tpu.memory_space<vmem>>[vector<16xi32>], vector<16xf32>,
      %add3A_556 = arith.addf %scan3A_526, %gather3A_555 : vector<16xf32>
      %get3A_557 = arith.index_cast %scan3A_520 : i32 to index
      %get3A_558 = arith.constant 96 : index
      %get3A_559 = tpu.vector_load %arg7[%get3A_557, %get3A_558] {strides = array<i32>} : memref<56x128xi32, #tpu.memory_space<vmem>>, vector<16xi32>,
      %gather3A_560 = tpu.vector_load_idx %arg5[%get3A_559] : memref<100000xf32, #tpu.memory_space<vmem>>[vector<16xi32>], vector<16xf32>,
      %add3A_561 = arith.addf %scan3A_527, %gather3A_560 : vector<16xf32>
      %get3A_562 = arith.index_cast %scan3A_520 : i32 to index
      %get3A_563 = arith.constant 112 : index
      %get3A_564 = tpu.vector_load %arg7[%get3A_562, %get3A_563] {strides = array<i32>} : memref<56x128xi32, #tpu.memory_space<vmem>>, vector<16xi32>,
      %gather3A_565 = tpu.vector_load_idx %arg5[%get3A_564] : memref<100000xf32, #tpu.memory_space<vmem>>[vector<16xi32>], vector<16xf32>,
      %add3A_566 = arith.addf %scan3A_528, %gather3A_565 : vector<16xf32>
      %scan3A_567 = arith.constant 1 : i32
      %scan3A_568 = arith.addi %scan3A_520, %scan3A_567 : i32
      %get3A_569 = arith.index_cast %scan3A_568 : i32 to index
      %get3A_570 = arith.constant 0 : index
      %get3A_571 = tpu.vector_load %arg7[%get3A_569, %get3A_570] {strides = array<i32>} : memref<56x128xi32, #tpu.memory_space<vmem>>, vector<16xi32>,
      %gather3A_572 = tpu.vector_load_idx %arg5[%get3A_571] : memref<100000xf32, #tpu.memory_space<vmem>>[vector<16xi32>], vector<16xf32>,
      %add3A_573 = arith.addf %add3A_531, %gather3A_572 : vector<16xf32>
      %get3A_574 = arith.index_cast %scan3A_568 : i32 to index
      %get3A_575 = arith.constant 16 : index
      %get3A_576 = tpu.vector_load %arg7[%get3A_574, %get3A_575] {strides = array<i32>} : memref<56x128xi32, #tpu.memory_space<vmem>>, vector<16xi32>,
      %gather3A_577 = tpu.vector_load_idx %arg5[%get3A_576] : memref<100000xf32, #tpu.memory_space<vmem>>[vector<16xi32>], vector<16xf32>,
      %add3A_578 = arith.addf %add3A_536, %gather3A_577 : vector<16xf32>
      %get3A_579 = arith.index_cast %scan3A_568 : i32 to index
      %get3A_580 = arith.constant 32 : index
      %get3A_581 = tpu.vector_load %arg7[%get3A_579, %get3A_580] {strides = array<i32>} : memref<56x128xi32, #tpu.memory_space<vmem>>, vector<16xi32>,
      %gather3A_582 = tpu.vector_load_idx %arg5[%get3A_581] : memref<100000xf32, #tpu.memory_space<vmem>>[vector<16xi32>], vector<16xf32>,
      %add3A_583 = arith.addf %add3A_541, %gather3A_582 : vector<16xf32>
      %get3A_584 = arith.index_cast %scan3A_568 : i32 to index
      %get3A_585 = arith.constant 48 : index
      %get3A_586 = tpu.vector_load %arg7[%get3A_584, %get3A_585] {strides = array<i32>} : memref<56x128xi32, #tpu.memory_space<vmem>>, vector<16xi32>,
      %gather3A_587 = tpu.vector_load_idx %arg5[%get3A_586] : memref<100000xf32, #tpu.memory_space<vmem>>[vector<16xi32>], vector<16xf32>,
      %add3A_588 = arith.addf %add3A_546, %gather3A_587 : vector<16xf32>
      %get3A_589 = arith.index_cast %scan3A_568 : i32 to index
      %get3A_590 = arith.constant 64 : index
      %get3A_591 = tpu.vector_load %arg7[%get3A_589, %get3A_590] {strides = array<i32>} : memref<56x128xi32, #tpu.memory_space<vmem>>, vector<16xi32>,
      %gather3A_592 = tpu.vector_load_idx %arg5[%get3A_591] : memref<100000xf32, #tpu.memory_space<vmem>>[vector<16xi32>], vector<16xf32>,
      %add3A_593 = arith.addf %add3A_551, %gather3A_592 : vector<16xf32>
      %get3A_594 = arith.index_cast %scan3A_568 : i32 to index
      %get3A_595 = arith.constant 80 : index
      %get3A_596 = tpu.vector_load %arg7[%get3A_594, %get3A_595] {strides = array<i32>} : memref<56x128xi32, #tpu.memory_space<vmem>>, vector<16xi32>,
      %gather3A_597 = tpu.vector_load_idx %arg5[%get3A_596] : memref<100000xf32, #tpu.memory_space<vmem>>[vector<16xi32>], vector<16xf32>,
      %add3A_598 = arith.addf %add3A_556, %gather3A_597 : vector<16xf32>
      %get3A_599 = arith.index_cast %scan3A_568 : i32 to index
      %get3A_600 = arith.constant 96 : index
      %get3A_601 = tpu.vector_load %arg7[%get3A_599, %get3A_600] {strides = array<i32>} : memref<56x128xi32, #tpu.memory_space<vmem>>, vector<16xi32>,
      %gather3A_602 = tpu.vector_load_idx %arg5[%get3A_601] : memref<100000xf32, #tpu.memory_space<vmem>>[vector<16xi32>], vector<16xf32>,
      %add3A_603 = arith.addf %add3A_561, %gather3A_602 : vector<16xf32>
      %get3A_604 = arith.index_cast %scan3A_568 : i32 to index
      %get3A_605 = arith.constant 112 : index
      %get3A_606 = tpu.vector_load %arg7[%get3A_604, %get3A_605] {strides = array<i32>} : memref<56x128xi32, #tpu.memory_space<vmem>>, vector<16xi32>,
      %gather3A_607 = tpu.vector_load_idx %arg5[%get3A_606] : memref<100000xf32, #tpu.memory_space<vmem>>[vector<16xi32>], vector<16xf32>,
      %add3A_608 = arith.addf %add3A_566, %gather3A_607 : vector<16xf32>
      %scan3A_609 = arith.constant 2 : i32
      %scan3A_610 = arith.addi %scan3A_520, %scan3A_609 : i32
      %get3A_611 = arith.index_cast %scan3A_610 : i32 to index
      %get3A_612 = arith.constant 0 : index
      %get3A_613 = tpu.vector_load %arg7[%get3A_611, %get3A_612] {strides = array<i32>} : memref<56x128xi32, #tpu.memory_space<vmem>>, vector<16xi32>,
      %gather3A_614 = tpu.vector_load_idx %arg5[%get3A_613] : memref<100000xf32, #tpu.memory_space<vmem>>[vector<16xi32>], vector<16xf32>,
      %add3A_615 = arith.addf %add3A_573, %gather3A_614 : vector<16xf32>
      %get3A_616 = arith.index_cast %scan3A_610 : i32 to index
      %get3A_617 = arith.constant 16 : index
      %get3A_618 = tpu.vector_load %arg7[%get3A_616, %get3A_617] {strides = array<i32>} : memref<56x128xi32, #tpu.memory_space<vmem>>, vector<16xi32>,
      %gather3A_619 = tpu.vector_load_idx %arg5[%get3A_618] : memref<100000xf32, #tpu.memory_space<vmem>>[vector<16xi32>], vector<16xf32>,
      %add3A_620 = arith.addf %add3A_578, %gather3A_619 : vector<16xf32>
      %get3A_621 = arith.index_cast %scan3A_610 : i32 to index
      %get3A_622 = arith.constant 32 : index
      %get3A_623 = tpu.vector_load %arg7[%get3A_621, %get3A_622] {strides = array<i32>} : memref<56x128xi32, #tpu.memory_space<vmem>>, vector<16xi32>,
      %gather3A_624 = tpu.vector_load_idx %arg5[%get3A_623] : memref<100000xf32, #tpu.memory_space<vmem>>[vector<16xi32>], vector<16xf32>,
      %add3A_625 = arith.addf %add3A_583, %gather3A_624 : vector<16xf32>
      %get3A_626 = arith.index_cast %scan3A_610 : i32 to index
      %get3A_627 = arith.constant 48 : index
      %get3A_628 = tpu.vector_load %arg7[%get3A_626, %get3A_627] {strides = array<i32>} : memref<56x128xi32, #tpu.memory_space<vmem>>, vector<16xi32>,
      %gather3A_629 = tpu.vector_load_idx %arg5[%get3A_628] : memref<100000xf32, #tpu.memory_space<vmem>>[vector<16xi32>], vector<16xf32>,
      %add3A_630 = arith.addf %add3A_588, %gather3A_629 : vector<16xf32>
      %get3A_631 = arith.index_cast %scan3A_610 : i32 to index
      %get3A_632 = arith.constant 64 : index
      %get3A_633 = tpu.vector_load %arg7[%get3A_631, %get3A_632] {strides = array<i32>} : memref<56x128xi32, #tpu.memory_space<vmem>>, vector<16xi32>,
      %gather3A_634 = tpu.vector_load_idx %arg5[%get3A_633] : memref<100000xf32, #tpu.memory_space<vmem>>[vector<16xi32>], vector<16xf32>,
      %add3A_635 = arith.addf %add3A_593, %gather3A_634 : vector<16xf32>
      %get3A_636 = arith.index_cast %scan3A_610 : i32 to index
      %get3A_637 = arith.constant 80 : index
      %get3A_638 = tpu.vector_load %arg7[%get3A_636, %get3A_637] {strides = array<i32>} : memref<56x128xi32, #tpu.memory_space<vmem>>, vector<16xi32>,
      %gather3A_639 = tpu.vector_load_idx %arg5[%get3A_638] : memref<100000xf32, #tpu.memory_space<vmem>>[vector<16xi32>], vector<16xf32>,
      %add3A_640 = arith.addf %add3A_598, %gather3A_639 : vector<16xf32>
      %get3A_641 = arith.index_cast %scan3A_610 : i32 to index
      %get3A_642 = arith.constant 96 : index
      %get3A_643 = tpu.vector_load %arg7[%get3A_641, %get3A_642] {strides = array<i32>} : memref<56x128xi32, #tpu.memory_space<vmem>>, vector<16xi32>,
      %gather3A_644 = tpu.vector_load_idx %arg5[%get3A_643] : memref<100000xf32, #tpu.memory_space<vmem>>[vector<16xi32>], vector<16xf32>,
      %add3A_645 = arith.addf %add3A_603, %gather3A_644 : vector<16xf32>
      %get3A_646 = arith.index_cast %scan3A_610 : i32 to index
      %get3A_647 = arith.constant 112 : index
      %get3A_648 = tpu.vector_load %arg7[%get3A_646, %get3A_647] {strides = array<i32>} : memref<56x128xi32, #tpu.memory_space<vmem>>, vector<16xi32>,
      %gather3A_649 = tpu.vector_load_idx %arg5[%get3A_648] : memref<100000xf32, #tpu.memory_space<vmem>>[vector<16xi32>], vector<16xf32>,
      %add3A_650 = arith.addf %add3A_608, %gather3A_649 : vector<16xf32>
      %scan3A_651 = arith.constant 3 : i32
      %scan3A_652 = arith.addi %scan3A_520, %scan3A_651 : i32
      %get3A_653 = arith.index_cast %scan3A_652 : i32 to index
      %get3A_654 = arith.constant 0 : index
      %get3A_655 = tpu.vector_load %arg7[%get3A_653, %get3A_654] {strides = array<i32>} : memref<56x128xi32, #tpu.memory_space<vmem>>, vector<16xi32>,
      %gather3A_656 = tpu.vector_load_idx %arg5[%get3A_655] : memref<100000xf32, #tpu.memory_space<vmem>>[vector<16xi32>], vector<16xf32>,
      %add3A_657 = arith.addf %add3A_615, %gather3A_656 : vector<16xf32>
      %get3A_658 = arith.index_cast %scan3A_652 : i32 to index
      %get3A_659 = arith.constant 16 : index
      %get3A_660 = tpu.vector_load %arg7[%get3A_658, %get3A_659] {strides = array<i32>} : memref<56x128xi32, #tpu.memory_space<vmem>>, vector<16xi32>,
      %gather3A_661 = tpu.vector_load_idx %arg5[%get3A_660] : memref<100000xf32, #tpu.memory_space<vmem>>[vector<16xi32>], vector<16xf32>,
      %add3A_662 = arith.addf %add3A_620, %gather3A_661 : vector<16xf32>
      %get3A_663 = arith.index_cast %scan3A_652 : i32 to index
      %get3A_664 = arith.constant 32 : index
      %get3A_665 = tpu.vector_load %arg7[%get3A_663, %get3A_664] {strides = array<i32>} : memref<56x128xi32, #tpu.memory_space<vmem>>, vector<16xi32>,
      %gather3A_666 = tpu.vector_load_idx %arg5[%get3A_665] : memref<100000xf32, #tpu.memory_space<vmem>>[vector<16xi32>], vector<16xf32>,
      %add3A_667 = arith.addf %add3A_625, %gather3A_666 : vector<16xf32>
      %get3A_668 = arith.index_cast %scan3A_652 : i32 to index
      %get3A_669 = arith.constant 48 : index
      %get3A_670 = tpu.vector_load %arg7[%get3A_668, %get3A_669] {strides = array<i32>} : memref<56x128xi32, #tpu.memory_space<vmem>>, vector<16xi32>,
      %gather3A_671 = tpu.vector_load_idx %arg5[%get3A_670] : memref<100000xf32, #tpu.memory_space<vmem>>[vector<16xi32>], vector<16xf32>,
      %add3A_672 = arith.addf %add3A_630, %gather3A_671 : vector<16xf32>
      %get3A_673 = arith.index_cast %scan3A_652 : i32 to index
      %get3A_674 = arith.constant 64 : index
      %get3A_675 = tpu.vector_load %arg7[%get3A_673, %get3A_674] {strides = array<i32>} : memref<56x128xi32, #tpu.memory_space<vmem>>, vector<16xi32>,
      %gather3A_676 = tpu.vector_load_idx %arg5[%get3A_675] : memref<100000xf32, #tpu.memory_space<vmem>>[vector<16xi32>], vector<16xf32>,
      %add3A_677 = arith.addf %add3A_635, %gather3A_676 : vector<16xf32>
      %get3A_678 = arith.index_cast %scan3A_652 : i32 to index
      %get3A_679 = arith.constant 80 : index
      %get3A_680 = tpu.vector_load %arg7[%get3A_678, %get3A_679] {strides = array<i32>} : memref<56x128xi32, #tpu.memory_space<vmem>>, vector<16xi32>,
      %gather3A_681 = tpu.vector_load_idx %arg5[%get3A_680] : memref<100000xf32, #tpu.memory_space<vmem>>[vector<16xi32>], vector<16xf32>,
      %add3A_682 = arith.addf %add3A_640, %gather3A_681 : vector<16xf32>
      %get3A_683 = arith.index_cast %scan3A_652 : i32 to index
      %get3A_684 = arith.constant 96 : index
      %get3A_685 = tpu.vector_load %arg7[%get3A_683, %get3A_684] {strides = array<i32>} : memref<56x128xi32, #tpu.memory_space<vmem>>, vector<16xi32>,
      %gather3A_686 = tpu.vector_load_idx %arg5[%get3A_685] : memref<100000xf32, #tpu.memory_space<vmem>>[vector<16xi32>], vector<16xf32>,
      %add3A_687 = arith.addf %add3A_645, %gather3A_686 : vector<16xf32>
      %get3A_688 = arith.index_cast %scan3A_652 : i32 to index
      %get3A_689 = arith.constant 112 : index
      %get3A_690 = tpu.vector_load %arg7[%get3A_688, %get3A_689] {strides = array<i32>} : memref<56x128xi32, #tpu.memory_space<vmem>>, vector<16xi32>,
      %gather3A_691 = tpu.vector_load_idx %arg5[%get3A_690] : memref<100000xf32, #tpu.memory_space<vmem>>[vector<16xi32>], vector<16xf32>,
      %add3A_692 = arith.addf %add3A_650, %gather3A_691 : vector<16xf32>
      scf.yield %add3A_657, %add3A_662, %add3A_667, %add3A_672, %add3A_677, %add3A_682, %add3A_687, %add3A_692 : vector<16xf32>, vector<16xf32>, vector<16xf32>, vector<16xf32>, vector<16xf32>, vector<16xf32>, vector<16xf32>, vector<16xf32>
    }
    %scan3A_301 = arith.constant 56 : i32
    %dma_wait3A_302 = arith.constant 0 : i32
    %dma_wait3A_303 = arith.constant 0 : i32
    %dma_wait3A_304 = tpu.memref_slice %arg8[%dma_wait3A_302, %dma_wait3A_303] : memref<56x128xi32, #tpu.memory_space<vmem>> -> memref<56x128xi32, #tpu.memory_space<vmem>>
    %dma_wait3A_305 = arith.constant 56 : i32
    %dma_wait3A_306 = tpu.memref_slice %arg3[%dma_wait3A_305, %add3A_283] : memref<200x16384xi32, #tpu.memory_space<hbm>> -> memref<56x128xi32, #tpu.memory_space<hbm>>
    %dma_wait3A_307 = arith.constant 0 : i32
    %dma_wait3A_308 = arith.constant 0 : i32
    %dma_wait3A_309 = tpu.memref_slice %arg8[%dma_wait3A_307, %dma_wait3A_308] : memref<56x128xi32, #tpu.memory_space<vmem>> -> memref<56x128xi32, #tpu.memory_space<vmem>>
    %dma_wait3A_310 = arith.constant 56 : i32
    %dma_wait3A_311 = tpu.memref_slice %arg3[%dma_wait3A_310, %add3A_283] : memref<200x16384xi32, #tpu.memory_space<hbm>> -> memref<56x128xi32, #tpu.memory_space<hbm>>
    tpu.wait_dma2 semaphore(%arg12 : memref<!tpu.dma_semaphore, #tpu.memory_space<semaphore_mem>>) src(%dma_wait3A_311 : memref<56x128xi32, #tpu.memory_space<hbm>>) dst(%dma_wait3A_309 : memref<56x128xi32, #tpu.memory_space<vmem>>)
    %add3A_312 = arith.constant 256 : i32
    %add3A_313 = arith.addi %mul3A_2, %add3A_312 : i32
    %dma_start3A_314 = arith.constant 0 : i32
    %dma_start3A_315 = arith.constant 0 : i32
    %dma_start3A_316 = tpu.memref_slice %arg7[%dma_start3A_314, %dma_start3A_315] : memref<56x128xi32, #tpu.memory_space<vmem>> -> memref<56x128xi32, #tpu.memory_space<vmem>>
    %dma_start3A_317 = arith.constant 112 : i32
    %dma_start3A_318 = tpu.memref_slice %arg3[%dma_start3A_317, %add3A_313] : memref<200x16384xi32, #tpu.memory_space<hbm>> -> memref<56x128xi32, #tpu.memory_space<hbm>>
    %dma_start3A_319 = arith.constant 0 : i32
    %dma_start3A_320 = arith.constant 0 : i32
    %dma_start3A_321 = tpu.memref_slice %arg7[%dma_start3A_319, %dma_start3A_320] : memref<56x128xi32, #tpu.memory_space<vmem>> -> memref<56x128xi32, #tpu.memory_space<vmem>>
    %dma_start3A_322 = arith.constant 112 : i32
    %dma_start3A_323 = tpu.memref_slice %arg3[%dma_start3A_322, %add3A_313] : memref<200x16384xi32, #tpu.memory_space<hbm>> -> memref<56x128xi32, #tpu.memory_space<hbm>>
    tpu.enqueue_dma source(%dma_start3A_323 : memref<56x128xi32, #tpu.memory_space<hbm>>) target(%dma_start3A_321 : memref<56x128xi32, #tpu.memory_space<vmem>>) target_semaphore(%arg11 : memref<!tpu.dma_semaphore, #tpu.memory_space<semaphore_mem>>)
    %scan3A_324 = arith.constant 0 : i32
    %scan3A_325 = arith.constant 56 : i32
    %scan3A_326 = arith.addi %scan3A_324, %scan3A_325 : i32
    %scan3A_327 = arith.constant 4 : i32
    %scan3A_328:8 = scf.for %scan3A_520 = %scan3A_324 to %scan3A_326 step %scan3A_327 iter_args(%scan3A_521 = %scan3A_300#0, %scan3A_522 = %scan3A_300#1, %scan3A_523 = %scan3A_300#2, %scan3A_524 = %scan3A_300#3, %scan3A_525 = %scan3A_300#4, %scan3A_526 = %scan3A_300#5, %scan3A_527 = %scan3A_300#6, %scan3A_528 = %scan3A_300#7) -> (vector<16xf32>, vector<16xf32>, vector<16xf32>, vector<16xf32>, vector<16xf32>, vector<16xf32>, vector<16xf32>, vector<16xf32>)  : i32 {
      %get3A = arith.index_cast %scan3A_520 : i32 to index
      %get3A_529 = arith.constant 0 : index
      %get3A_530 = tpu.vector_load %arg8[%get3A, %get3A_529] {strides = array<i32>} : memref<56x128xi32, #tpu.memory_space<vmem>>, vector<16xi32>,
      %gather3A = tpu.vector_load_idx %arg5[%get3A_530] : memref<100000xf32, #tpu.memory_space<vmem>>[vector<16xi32>], vector<16xf32>,
      %add3A_531 = arith.addf %scan3A_521, %gather3A : vector<16xf32>
      %get3A_532 = arith.index_cast %scan3A_520 : i32 to index
      %get3A_533 = arith.constant 16 : index
      %get3A_534 = tpu.vector_load %arg8[%get3A_532, %get3A_533] {strides = array<i32>} : memref<56x128xi32, #tpu.memory_space<vmem>>, vector<16xi32>,
      %gather3A_535 = tpu.vector_load_idx %arg5[%get3A_534] : memref<100000xf32, #tpu.memory_space<vmem>>[vector<16xi32>], vector<16xf32>,
      %add3A_536 = arith.addf %scan3A_522, %gather3A_535 : vector<16xf32>
      %get3A_537 = arith.index_cast %scan3A_520 : i32 to index
      %get3A_538 = arith.constant 32 : index
      %get3A_539 = tpu.vector_load %arg8[%get3A_537, %get3A_538] {strides = array<i32>} : memref<56x128xi32, #tpu.memory_space<vmem>>, vector<16xi32>,
      %gather3A_540 = tpu.vector_load_idx %arg5[%get3A_539] : memref<100000xf32, #tpu.memory_space<vmem>>[vector<16xi32>], vector<16xf32>,
      %add3A_541 = arith.addf %scan3A_523, %gather3A_540 : vector<16xf32>
      %get3A_542 = arith.index_cast %scan3A_520 : i32 to index
      %get3A_543 = arith.constant 48 : index
      %get3A_544 = tpu.vector_load %arg8[%get3A_542, %get3A_543] {strides = array<i32>} : memref<56x128xi32, #tpu.memory_space<vmem>>, vector<16xi32>,
      %gather3A_545 = tpu.vector_load_idx %arg5[%get3A_544] : memref<100000xf32, #tpu.memory_space<vmem>>[vector<16xi32>], vector<16xf32>,
      %add3A_546 = arith.addf %scan3A_524, %gather3A_545 : vector<16xf32>
      %get3A_547 = arith.index_cast %scan3A_520 : i32 to index
      %get3A_548 = arith.constant 64 : index
      %get3A_549 = tpu.vector_load %arg8[%get3A_547, %get3A_548] {strides = array<i32>} : memref<56x128xi32, #tpu.memory_space<vmem>>, vector<16xi32>,
      %gather3A_550 = tpu.vector_load_idx %arg5[%get3A_549] : memref<100000xf32, #tpu.memory_space<vmem>>[vector<16xi32>], vector<16xf32>,
      %add3A_551 = arith.addf %scan3A_525, %gather3A_550 : vector<16xf32>
      %get3A_552 = arith.index_cast %scan3A_520 : i32 to index
      %get3A_553 = arith.constant 80 : index
      %get3A_554 = tpu.vector_load %arg8[%get3A_552, %get3A_553] {strides = array<i32>} : memref<56x128xi32, #tpu.memory_space<vmem>>, vector<16xi32>,
      %gather3A_555 = tpu.vector_load_idx %arg5[%get3A_554] : memref<100000xf32, #tpu.memory_space<vmem>>[vector<16xi32>], vector<16xf32>,
      %add3A_556 = arith.addf %scan3A_526, %gather3A_555 : vector<16xf32>
      %get3A_557 = arith.index_cast %scan3A_520 : i32 to index
      %get3A_558 = arith.constant 96 : index
      %get3A_559 = tpu.vector_load %arg8[%get3A_557, %get3A_558] {strides = array<i32>} : memref<56x128xi32, #tpu.memory_space<vmem>>, vector<16xi32>,
      %gather3A_560 = tpu.vector_load_idx %arg5[%get3A_559] : memref<100000xf32, #tpu.memory_space<vmem>>[vector<16xi32>], vector<16xf32>,
      %add3A_561 = arith.addf %scan3A_527, %gather3A_560 : vector<16xf32>
      %get3A_562 = arith.index_cast %scan3A_520 : i32 to index
      %get3A_563 = arith.constant 112 : index
      %get3A_564 = tpu.vector_load %arg8[%get3A_562, %get3A_563] {strides = array<i32>} : memref<56x128xi32, #tpu.memory_space<vmem>>, vector<16xi32>,
      %gather3A_565 = tpu.vector_load_idx %arg5[%get3A_564] : memref<100000xf32, #tpu.memory_space<vmem>>[vector<16xi32>], vector<16xf32>,
      %add3A_566 = arith.addf %scan3A_528, %gather3A_565 : vector<16xf32>
      %scan3A_567 = arith.constant 1 : i32
      %scan3A_568 = arith.addi %scan3A_520, %scan3A_567 : i32
      %get3A_569 = arith.index_cast %scan3A_568 : i32 to index
      %get3A_570 = arith.constant 0 : index
      %get3A_571 = tpu.vector_load %arg8[%get3A_569, %get3A_570] {strides = array<i32>} : memref<56x128xi32, #tpu.memory_space<vmem>>, vector<16xi32>,
      %gather3A_572 = tpu.vector_load_idx %arg5[%get3A_571] : memref<100000xf32, #tpu.memory_space<vmem>>[vector<16xi32>], vector<16xf32>,
      %add3A_573 = arith.addf %add3A_531, %gather3A_572 : vector<16xf32>
      %get3A_574 = arith.index_cast %scan3A_568 : i32 to index
      %get3A_575 = arith.constant 16 : index
      %get3A_576 = tpu.vector_load %arg8[%get3A_574, %get3A_575] {strides = array<i32>} : memref<56x128xi32, #tpu.memory_space<vmem>>, vector<16xi32>,
      %gather3A_577 = tpu.vector_load_idx %arg5[%get3A_576] : memref<100000xf32, #tpu.memory_space<vmem>>[vector<16xi32>], vector<16xf32>,
      %add3A_578 = arith.addf %add3A_536, %gather3A_577 : vector<16xf32>
      %get3A_579 = arith.index_cast %scan3A_568 : i32 to index
      %get3A_580 = arith.constant 32 : index
      %get3A_581 = tpu.vector_load %arg8[%get3A_579, %get3A_580] {strides = array<i32>} : memref<56x128xi32, #tpu.memory_space<vmem>>, vector<16xi32>,
      %gather3A_582 = tpu.vector_load_idx %arg5[%get3A_581] : memref<100000xf32, #tpu.memory_space<vmem>>[vector<16xi32>], vector<16xf32>,
      %add3A_583 = arith.addf %add3A_541, %gather3A_582 : vector<16xf32>
      %get3A_584 = arith.index_cast %scan3A_568 : i32 to index
      %get3A_585 = arith.constant 48 : index
      %get3A_586 = tpu.vector_load %arg8[%get3A_584, %get3A_585] {strides = array<i32>} : memref<56x128xi32, #tpu.memory_space<vmem>>, vector<16xi32>,
      %gather3A_587 = tpu.vector_load_idx %arg5[%get3A_586] : memref<100000xf32, #tpu.memory_space<vmem>>[vector<16xi32>], vector<16xf32>,
      %add3A_588 = arith.addf %add3A_546, %gather3A_587 : vector<16xf32>
      %get3A_589 = arith.index_cast %scan3A_568 : i32 to index
      %get3A_590 = arith.constant 64 : index
      %get3A_591 = tpu.vector_load %arg8[%get3A_589, %get3A_590] {strides = array<i32>} : memref<56x128xi32, #tpu.memory_space<vmem>>, vector<16xi32>,
      %gather3A_592 = tpu.vector_load_idx %arg5[%get3A_591] : memref<100000xf32, #tpu.memory_space<vmem>>[vector<16xi32>], vector<16xf32>,
      %add3A_593 = arith.addf %add3A_551, %gather3A_592 : vector<16xf32>
      %get3A_594 = arith.index_cast %scan3A_568 : i32 to index
      %get3A_595 = arith.constant 80 : index
      %get3A_596 = tpu.vector_load %arg8[%get3A_594, %get3A_595] {strides = array<i32>} : memref<56x128xi32, #tpu.memory_space<vmem>>, vector<16xi32>,
      %gather3A_597 = tpu.vector_load_idx %arg5[%get3A_596] : memref<100000xf32, #tpu.memory_space<vmem>>[vector<16xi32>], vector<16xf32>,
      %add3A_598 = arith.addf %add3A_556, %gather3A_597 : vector<16xf32>
      %get3A_599 = arith.index_cast %scan3A_568 : i32 to index
      %get3A_600 = arith.constant 96 : index
      %get3A_601 = tpu.vector_load %arg8[%get3A_599, %get3A_600] {strides = array<i32>} : memref<56x128xi32, #tpu.memory_space<vmem>>, vector<16xi32>,
      %gather3A_602 = tpu.vector_load_idx %arg5[%get3A_601] : memref<100000xf32, #tpu.memory_space<vmem>>[vector<16xi32>], vector<16xf32>,
      %add3A_603 = arith.addf %add3A_561, %gather3A_602 : vector<16xf32>
      %get3A_604 = arith.index_cast %scan3A_568 : i32 to index
      %get3A_605 = arith.constant 112 : index
      %get3A_606 = tpu.vector_load %arg8[%get3A_604, %get3A_605] {strides = array<i32>} : memref<56x128xi32, #tpu.memory_space<vmem>>, vector<16xi32>,
      %gather3A_607 = tpu.vector_load_idx %arg5[%get3A_606] : memref<100000xf32, #tpu.memory_space<vmem>>[vector<16xi32>], vector<16xf32>,
      %add3A_608 = arith.addf %add3A_566, %gather3A_607 : vector<16xf32>
      %scan3A_609 = arith.constant 2 : i32
      %scan3A_610 = arith.addi %scan3A_520, %scan3A_609 : i32
      %get3A_611 = arith.index_cast %scan3A_610 : i32 to index
      %get3A_612 = arith.constant 0 : index
      %get3A_613 = tpu.vector_load %arg8[%get3A_611, %get3A_612] {strides = array<i32>} : memref<56x128xi32, #tpu.memory_space<vmem>>, vector<16xi32>,
      %gather3A_614 = tpu.vector_load_idx %arg5[%get3A_613] : memref<100000xf32, #tpu.memory_space<vmem>>[vector<16xi32>], vector<16xf32>,
      %add3A_615 = arith.addf %add3A_573, %gather3A_614 : vector<16xf32>
      %get3A_616 = arith.index_cast %scan3A_610 : i32 to index
      %get3A_617 = arith.constant 16 : index
      %get3A_618 = tpu.vector_load %arg8[%get3A_616, %get3A_617] {strides = array<i32>} : memref<56x128xi32, #tpu.memory_space<vmem>>, vector<16xi32>,
      %gather3A_619 = tpu.vector_load_idx %arg5[%get3A_618] : memref<100000xf32, #tpu.memory_space<vmem>>[vector<16xi32>], vector<16xf32>,
      %add3A_620 = arith.addf %add3A_578, %gather3A_619 : vector<16xf32>
      %get3A_621 = arith.index_cast %scan3A_610 : i32 to index
      %get3A_622 = arith.constant 32 : index
      %get3A_623 = tpu.vector_load %arg8[%get3A_621, %get3A_622] {strides = array<i32>} : memref<56x128xi32, #tpu.memory_space<vmem>>, vector<16xi32>,
      %gather3A_624 = tpu.vector_load_idx %arg5[%get3A_623] : memref<100000xf32, #tpu.memory_space<vmem>>[vector<16xi32>], vector<16xf32>,
      %add3A_625 = arith.addf %add3A_583, %gather3A_624 : vector<16xf32>
      %get3A_626 = arith.index_cast %scan3A_610 : i32 to index
      %get3A_627 = arith.constant 48 : index
      %get3A_628 = tpu.vector_load %arg8[%get3A_626, %get3A_627] {strides = array<i32>} : memref<56x128xi32, #tpu.memory_space<vmem>>, vector<16xi32>,
      %gather3A_629 = tpu.vector_load_idx %arg5[%get3A_628] : memref<100000xf32, #tpu.memory_space<vmem>>[vector<16xi32>], vector<16xf32>,
      %add3A_630 = arith.addf %add3A_588, %gather3A_629 : vector<16xf32>
      %get3A_631 = arith.index_cast %scan3A_610 : i32 to index
      %get3A_632 = arith.constant 64 : index
      %get3A_633 = tpu.vector_load %arg8[%get3A_631, %get3A_632] {strides = array<i32>} : memref<56x128xi32, #tpu.memory_space<vmem>>, vector<16xi32>,
      %gather3A_634 = tpu.vector_load_idx %arg5[%get3A_633] : memref<100000xf32, #tpu.memory_space<vmem>>[vector<16xi32>], vector<16xf32>,
      %add3A_635 = arith.addf %add3A_593, %gather3A_634 : vector<16xf32>
      %get3A_636 = arith.index_cast %scan3A_610 : i32 to index
      %get3A_637 = arith.constant 80 : index
      %get3A_638 = tpu.vector_load %arg8[%get3A_636, %get3A_637] {strides = array<i32>} : memref<56x128xi32, #tpu.memory_space<vmem>>, vector<16xi32>,
      %gather3A_639 = tpu.vector_load_idx %arg5[%get3A_638] : memref<100000xf32, #tpu.memory_space<vmem>>[vector<16xi32>], vector<16xf32>,
      %add3A_640 = arith.addf %add3A_598, %gather3A_639 : vector<16xf32>
      %get3A_641 = arith.index_cast %scan3A_610 : i32 to index
      %get3A_642 = arith.constant 96 : index
      %get3A_643 = tpu.vector_load %arg8[%get3A_641, %get3A_642] {strides = array<i32>} : memref<56x128xi32, #tpu.memory_space<vmem>>, vector<16xi32>,
      %gather3A_644 = tpu.vector_load_idx %arg5[%get3A_643] : memref<100000xf32, #tpu.memory_space<vmem>>[vector<16xi32>], vector<16xf32>,
      %add3A_645 = arith.addf %add3A_603, %gather3A_644 : vector<16xf32>
      %get3A_646 = arith.index_cast %scan3A_610 : i32 to index
      %get3A_647 = arith.constant 112 : index
      %get3A_648 = tpu.vector_load %arg8[%get3A_646, %get3A_647] {strides = array<i32>} : memref<56x128xi32, #tpu.memory_space<vmem>>, vector<16xi32>,
      %gather3A_649 = tpu.vector_load_idx %arg5[%get3A_648] : memref<100000xf32, #tpu.memory_space<vmem>>[vector<16xi32>], vector<16xf32>,
      %add3A_650 = arith.addf %add3A_608, %gather3A_649 : vector<16xf32>
      %scan3A_651 = arith.constant 3 : i32
      %scan3A_652 = arith.addi %scan3A_520, %scan3A_651 : i32
      %get3A_653 = arith.index_cast %scan3A_652 : i32 to index
      %get3A_654 = arith.constant 0 : index
      %get3A_655 = tpu.vector_load %arg8[%get3A_653, %get3A_654] {strides = array<i32>} : memref<56x128xi32, #tpu.memory_space<vmem>>, vector<16xi32>,
      %gather3A_656 = tpu.vector_load_idx %arg5[%get3A_655] : memref<100000xf32, #tpu.memory_space<vmem>>[vector<16xi32>], vector<16xf32>,
      %add3A_657 = arith.addf %add3A_615, %gather3A_656 : vector<16xf32>
      %get3A_658 = arith.index_cast %scan3A_652 : i32 to index
      %get3A_659 = arith.constant 16 : index
      %get3A_660 = tpu.vector_load %arg8[%get3A_658, %get3A_659] {strides = array<i32>} : memref<56x128xi32, #tpu.memory_space<vmem>>, vector<16xi32>,
      %gather3A_661 = tpu.vector_load_idx %arg5[%get3A_660] : memref<100000xf32, #tpu.memory_space<vmem>>[vector<16xi32>], vector<16xf32>,
      %add3A_662 = arith.addf %add3A_620, %gather3A_661 : vector<16xf32>
      %get3A_663 = arith.index_cast %scan3A_652 : i32 to index
      %get3A_664 = arith.constant 32 : index
      %get3A_665 = tpu.vector_load %arg8[%get3A_663, %get3A_664] {strides = array<i32>} : memref<56x128xi32, #tpu.memory_space<vmem>>, vector<16xi32>,
      %gather3A_666 = tpu.vector_load_idx %arg5[%get3A_665] : memref<100000xf32, #tpu.memory_space<vmem>>[vector<16xi32>], vector<16xf32>,
      %add3A_667 = arith.addf %add3A_625, %gather3A_666 : vector<16xf32>
      %get3A_668 = arith.index_cast %scan3A_652 : i32 to index
      %get3A_669 = arith.constant 48 : index
      %get3A_670 = tpu.vector_load %arg8[%get3A_668, %get3A_669] {strides = array<i32>} : memref<56x128xi32, #tpu.memory_space<vmem>>, vector<16xi32>,
      %gather3A_671 = tpu.vector_load_idx %arg5[%get3A_670] : memref<100000xf32, #tpu.memory_space<vmem>>[vector<16xi32>], vector<16xf32>,
      %add3A_672 = arith.addf %add3A_630, %gather3A_671 : vector<16xf32>
      %get3A_673 = arith.index_cast %scan3A_652 : i32 to index
      %get3A_674 = arith.constant 64 : index
      %get3A_675 = tpu.vector_load %arg8[%get3A_673, %get3A_674] {strides = array<i32>} : memref<56x128xi32, #tpu.memory_space<vmem>>, vector<16xi32>,
      %gather3A_676 = tpu.vector_load_idx %arg5[%get3A_675] : memref<100000xf32, #tpu.memory_space<vmem>>[vector<16xi32>], vector<16xf32>,
      %add3A_677 = arith.addf %add3A_635, %gather3A_676 : vector<16xf32>
      %get3A_678 = arith.index_cast %scan3A_652 : i32 to index
      %get3A_679 = arith.constant 80 : index
      %get3A_680 = tpu.vector_load %arg8[%get3A_678, %get3A_679] {strides = array<i32>} : memref<56x128xi32, #tpu.memory_space<vmem>>, vector<16xi32>,
      %gather3A_681 = tpu.vector_load_idx %arg5[%get3A_680] : memref<100000xf32, #tpu.memory_space<vmem>>[vector<16xi32>], vector<16xf32>,
      %add3A_682 = arith.addf %add3A_640, %gather3A_681 : vector<16xf32>
      %get3A_683 = arith.index_cast %scan3A_652 : i32 to index
      %get3A_684 = arith.constant 96 : index
      %get3A_685 = tpu.vector_load %arg8[%get3A_683, %get3A_684] {strides = array<i32>} : memref<56x128xi32, #tpu.memory_space<vmem>>, vector<16xi32>,
      %gather3A_686 = tpu.vector_load_idx %arg5[%get3A_685] : memref<100000xf32, #tpu.memory_space<vmem>>[vector<16xi32>], vector<16xf32>,
      %add3A_687 = arith.addf %add3A_645, %gather3A_686 : vector<16xf32>
      %get3A_688 = arith.index_cast %scan3A_652 : i32 to index
      %get3A_689 = arith.constant 112 : index
      %get3A_690 = tpu.vector_load %arg8[%get3A_688, %get3A_689] {strides = array<i32>} : memref<56x128xi32, #tpu.memory_space<vmem>>, vector<16xi32>,
      %gather3A_691 = tpu.vector_load_idx %arg5[%get3A_690] : memref<100000xf32, #tpu.memory_space<vmem>>[vector<16xi32>], vector<16xf32>,
      %add3A_692 = arith.addf %add3A_650, %gather3A_691 : vector<16xf32>
      scf.yield %add3A_657, %add3A_662, %add3A_667, %add3A_672, %add3A_677, %add3A_682, %add3A_687, %add3A_692 : vector<16xf32>, vector<16xf32>, vector<16xf32>, vector<16xf32>, vector<16xf32>, vector<16xf32>, vector<16xf32>, vector<16xf32>
    }
    %scan3A_329 = arith.constant 56 : i32
    %dma_wait3A_330 = arith.constant 0 : i32
    %dma_wait3A_331 = arith.constant 0 : i32
    %dma_wait3A_332 = tpu.memref_slice %arg7[%dma_wait3A_330, %dma_wait3A_331] : memref<56x128xi32, #tpu.memory_space<vmem>> -> memref<56x128xi32, #tpu.memory_space<vmem>>
    %dma_wait3A_333 = arith.constant 112 : i32
    %dma_wait3A_334 = tpu.memref_slice %arg3[%dma_wait3A_333, %add3A_313] : memref<200x16384xi32, #tpu.memory_space<hbm>> -> memref<56x128xi32, #tpu.memory_space<hbm>>
    %dma_wait3A_335 = arith.constant 0 : i32
    %dma_wait3A_336 = arith.constant 0 : i32
    %dma_wait3A_337 = tpu.memref_slice %arg7[%dma_wait3A_335, %dma_wait3A_336] : memref<56x128xi32, #tpu.memory_space<vmem>> -> memref<56x128xi32, #tpu.memory_space<vmem>>
    %dma_wait3A_338 = arith.constant 112 : i32
    %dma_wait3A_339 = tpu.memref_slice %arg3[%dma_wait3A_338, %add3A_313] : memref<200x16384xi32, #tpu.memory_space<hbm>> -> memref<56x128xi32, #tpu.memory_space<hbm>>
    tpu.wait_dma2 semaphore(%arg11 : memref<!tpu.dma_semaphore, #tpu.memory_space<semaphore_mem>>) src(%dma_wait3A_339 : memref<56x128xi32, #tpu.memory_space<hbm>>) dst(%dma_wait3A_337 : memref<56x128xi32, #tpu.memory_space<vmem>>)
    %add3A_340 = arith.constant 256 : i32
    %add3A_341 = arith.addi %mul3A_2, %add3A_340 : i32
    %dma_start3A_342 = arith.constant 0 : i32
    %dma_start3A_343 = arith.constant 0 : i32
    %dma_start3A_344 = tpu.memref_slice %arg8[%dma_start3A_342, %dma_start3A_343] : memref<56x128xi32, #tpu.memory_space<vmem>> -> memref<32x128xi32, #tpu.memory_space<vmem>>
    %dma_start3A_345 = arith.constant 168 : i32
    %dma_start3A_346 = tpu.memref_slice %arg3[%dma_start3A_345, %add3A_341] : memref<200x16384xi32, #tpu.memory_space<hbm>> -> memref<32x128xi32, #tpu.memory_space<hbm>>
    %dma_start3A_347 = arith.constant 0 : i32
    %dma_start3A_348 = arith.constant 0 : i32
    %dma_start3A_349 = tpu.memref_slice %arg8[%dma_start3A_347, %dma_start3A_348] : memref<56x128xi32, #tpu.memory_space<vmem>> -> memref<32x128xi32, #tpu.memory_space<vmem>>
    %dma_start3A_350 = arith.constant 168 : i32
    %dma_start3A_351 = tpu.memref_slice %arg3[%dma_start3A_350, %add3A_341] : memref<200x16384xi32, #tpu.memory_space<hbm>> -> memref<32x128xi32, #tpu.memory_space<hbm>>
    tpu.enqueue_dma source(%dma_start3A_351 : memref<32x128xi32, #tpu.memory_space<hbm>>) target(%dma_start3A_349 : memref<32x128xi32, #tpu.memory_space<vmem>>) target_semaphore(%arg12 : memref<!tpu.dma_semaphore, #tpu.memory_space<semaphore_mem>>)
    %scan3A_352 = arith.constant 0 : i32
    %scan3A_353 = arith.constant 56 : i32
    %scan3A_354 = arith.addi %scan3A_352, %scan3A_353 : i32
    %scan3A_355 = arith.constant 4 : i32
    %scan3A_356:8 = scf.for %scan3A_520 = %scan3A_352 to %scan3A_354 step %scan3A_355 iter_args(%scan3A_521 = %scan3A_328#0, %scan3A_522 = %scan3A_328#1, %scan3A_523 = %scan3A_328#2, %scan3A_524 = %scan3A_328#3, %scan3A_525 = %scan3A_328#4, %scan3A_526 = %scan3A_328#5, %scan3A_527 = %scan3A_328#6, %scan3A_528 = %scan3A_328#7) -> (vector<16xf32>, vector<16xf32>, vector<16xf32>, vector<16xf32>, vector<16xf32>, vector<16xf32>, vector<16xf32>, vector<16xf32>)  : i32 {
      %get3A = arith.index_cast %scan3A_520 : i32 to index
      %get3A_529 = arith.constant 0 : index
      %get3A_530 = tpu.vector_load %arg7[%get3A, %get3A_529] {strides = array<i32>} : memref<56x128xi32, #tpu.memory_space<vmem>>, vector<16xi32>,
      %gather3A = tpu.vector_load_idx %arg5[%get3A_530] : memref<100000xf32, #tpu.memory_space<vmem>>[vector<16xi32>], vector<16xf32>,
      %add3A_531 = arith.addf %scan3A_521, %gather3A : vector<16xf32>
      %get3A_532 = arith.index_cast %scan3A_520 : i32 to index
      %get3A_533 = arith.constant 16 : index
      %get3A_534 = tpu.vector_load %arg7[%get3A_532, %get3A_533] {strides = array<i32>} : memref<56x128xi32, #tpu.memory_space<vmem>>, vector<16xi32>,
      %gather3A_535 = tpu.vector_load_idx %arg5[%get3A_534] : memref<100000xf32, #tpu.memory_space<vmem>>[vector<16xi32>], vector<16xf32>,
      %add3A_536 = arith.addf %scan3A_522, %gather3A_535 : vector<16xf32>
      %get3A_537 = arith.index_cast %scan3A_520 : i32 to index
      %get3A_538 = arith.constant 32 : index
      %get3A_539 = tpu.vector_load %arg7[%get3A_537, %get3A_538] {strides = array<i32>} : memref<56x128xi32, #tpu.memory_space<vmem>>, vector<16xi32>,
      %gather3A_540 = tpu.vector_load_idx %arg5[%get3A_539] : memref<100000xf32, #tpu.memory_space<vmem>>[vector<16xi32>], vector<16xf32>,
      %add3A_541 = arith.addf %scan3A_523, %gather3A_540 : vector<16xf32>
      %get3A_542 = arith.index_cast %scan3A_520 : i32 to index
      %get3A_543 = arith.constant 48 : index
      %get3A_544 = tpu.vector_load %arg7[%get3A_542, %get3A_543] {strides = array<i32>} : memref<56x128xi32, #tpu.memory_space<vmem>>, vector<16xi32>,
      %gather3A_545 = tpu.vector_load_idx %arg5[%get3A_544] : memref<100000xf32, #tpu.memory_space<vmem>>[vector<16xi32>], vector<16xf32>,
      %add3A_546 = arith.addf %scan3A_524, %gather3A_545 : vector<16xf32>
      %get3A_547 = arith.index_cast %scan3A_520 : i32 to index
      %get3A_548 = arith.constant 64 : index
      %get3A_549 = tpu.vector_load %arg7[%get3A_547, %get3A_548] {strides = array<i32>} : memref<56x128xi32, #tpu.memory_space<vmem>>, vector<16xi32>,
      %gather3A_550 = tpu.vector_load_idx %arg5[%get3A_549] : memref<100000xf32, #tpu.memory_space<vmem>>[vector<16xi32>], vector<16xf32>,
      %add3A_551 = arith.addf %scan3A_525, %gather3A_550 : vector<16xf32>
      %get3A_552 = arith.index_cast %scan3A_520 : i32 to index
      %get3A_553 = arith.constant 80 : index
      %get3A_554 = tpu.vector_load %arg7[%get3A_552, %get3A_553] {strides = array<i32>} : memref<56x128xi32, #tpu.memory_space<vmem>>, vector<16xi32>,
      %gather3A_555 = tpu.vector_load_idx %arg5[%get3A_554] : memref<100000xf32, #tpu.memory_space<vmem>>[vector<16xi32>], vector<16xf32>,
      %add3A_556 = arith.addf %scan3A_526, %gather3A_555 : vector<16xf32>
      %get3A_557 = arith.index_cast %scan3A_520 : i32 to index
      %get3A_558 = arith.constant 96 : index
      %get3A_559 = tpu.vector_load %arg7[%get3A_557, %get3A_558] {strides = array<i32>} : memref<56x128xi32, #tpu.memory_space<vmem>>, vector<16xi32>,
      %gather3A_560 = tpu.vector_load_idx %arg5[%get3A_559] : memref<100000xf32, #tpu.memory_space<vmem>>[vector<16xi32>], vector<16xf32>,
      %add3A_561 = arith.addf %scan3A_527, %gather3A_560 : vector<16xf32>
      %get3A_562 = arith.index_cast %scan3A_520 : i32 to index
      %get3A_563 = arith.constant 112 : index
      %get3A_564 = tpu.vector_load %arg7[%get3A_562, %get3A_563] {strides = array<i32>} : memref<56x128xi32, #tpu.memory_space<vmem>>, vector<16xi32>,
      %gather3A_565 = tpu.vector_load_idx %arg5[%get3A_564] : memref<100000xf32, #tpu.memory_space<vmem>>[vector<16xi32>], vector<16xf32>,
      %add3A_566 = arith.addf %scan3A_528, %gather3A_565 : vector<16xf32>
      %scan3A_567 = arith.constant 1 : i32
      %scan3A_568 = arith.addi %scan3A_520, %scan3A_567 : i32
      %get3A_569 = arith.index_cast %scan3A_568 : i32 to index
      %get3A_570 = arith.constant 0 : index
      %get3A_571 = tpu.vector_load %arg7[%get3A_569, %get3A_570] {strides = array<i32>} : memref<56x128xi32, #tpu.memory_space<vmem>>, vector<16xi32>,
      %gather3A_572 = tpu.vector_load_idx %arg5[%get3A_571] : memref<100000xf32, #tpu.memory_space<vmem>>[vector<16xi32>], vector<16xf32>,
      %add3A_573 = arith.addf %add3A_531, %gather3A_572 : vector<16xf32>
      %get3A_574 = arith.index_cast %scan3A_568 : i32 to index
      %get3A_575 = arith.constant 16 : index
      %get3A_576 = tpu.vector_load %arg7[%get3A_574, %get3A_575] {strides = array<i32>} : memref<56x128xi32, #tpu.memory_space<vmem>>, vector<16xi32>,
      %gather3A_577 = tpu.vector_load_idx %arg5[%get3A_576] : memref<100000xf32, #tpu.memory_space<vmem>>[vector<16xi32>], vector<16xf32>,
      %add3A_578 = arith.addf %add3A_536, %gather3A_577 : vector<16xf32>
      %get3A_579 = arith.index_cast %scan3A_568 : i32 to index
      %get3A_580 = arith.constant 32 : index
      %get3A_581 = tpu.vector_load %arg7[%get3A_579, %get3A_580] {strides = array<i32>} : memref<56x128xi32, #tpu.memory_space<vmem>>, vector<16xi32>,
      %gather3A_582 = tpu.vector_load_idx %arg5[%get3A_581] : memref<100000xf32, #tpu.memory_space<vmem>>[vector<16xi32>], vector<16xf32>,
      %add3A_583 = arith.addf %add3A_541, %gather3A_582 : vector<16xf32>
      %get3A_584 = arith.index_cast %scan3A_568 : i32 to index
      %get3A_585 = arith.constant 48 : index
      %get3A_586 = tpu.vector_load %arg7[%get3A_584, %get3A_585] {strides = array<i32>} : memref<56x128xi32, #tpu.memory_space<vmem>>, vector<16xi32>,
      %gather3A_587 = tpu.vector_load_idx %arg5[%get3A_586] : memref<100000xf32, #tpu.memory_space<vmem>>[vector<16xi32>], vector<16xf32>,
      %add3A_588 = arith.addf %add3A_546, %gather3A_587 : vector<16xf32>
      %get3A_589 = arith.index_cast %scan3A_568 : i32 to index
      %get3A_590 = arith.constant 64 : index
      %get3A_591 = tpu.vector_load %arg7[%get3A_589, %get3A_590] {strides = array<i32>} : memref<56x128xi32, #tpu.memory_space<vmem>>, vector<16xi32>,
      %gather3A_592 = tpu.vector_load_idx %arg5[%get3A_591] : memref<100000xf32, #tpu.memory_space<vmem>>[vector<16xi32>], vector<16xf32>,
      %add3A_593 = arith.addf %add3A_551, %gather3A_592 : vector<16xf32>
      %get3A_594 = arith.index_cast %scan3A_568 : i32 to index
      %get3A_595 = arith.constant 80 : index
      %get3A_596 = tpu.vector_load %arg7[%get3A_594, %get3A_595] {strides = array<i32>} : memref<56x128xi32, #tpu.memory_space<vmem>>, vector<16xi32>,
      %gather3A_597 = tpu.vector_load_idx %arg5[%get3A_596] : memref<100000xf32, #tpu.memory_space<vmem>>[vector<16xi32>], vector<16xf32>,
      %add3A_598 = arith.addf %add3A_556, %gather3A_597 : vector<16xf32>
      %get3A_599 = arith.index_cast %scan3A_568 : i32 to index
      %get3A_600 = arith.constant 96 : index
      %get3A_601 = tpu.vector_load %arg7[%get3A_599, %get3A_600] {strides = array<i32>} : memref<56x128xi32, #tpu.memory_space<vmem>>, vector<16xi32>,
      %gather3A_602 = tpu.vector_load_idx %arg5[%get3A_601] : memref<100000xf32, #tpu.memory_space<vmem>>[vector<16xi32>], vector<16xf32>,
      %add3A_603 = arith.addf %add3A_561, %gather3A_602 : vector<16xf32>
      %get3A_604 = arith.index_cast %scan3A_568 : i32 to index
      %get3A_605 = arith.constant 112 : index
      %get3A_606 = tpu.vector_load %arg7[%get3A_604, %get3A_605] {strides = array<i32>} : memref<56x128xi32, #tpu.memory_space<vmem>>, vector<16xi32>,
      %gather3A_607 = tpu.vector_load_idx %arg5[%get3A_606] : memref<100000xf32, #tpu.memory_space<vmem>>[vector<16xi32>], vector<16xf32>,
      %add3A_608 = arith.addf %add3A_566, %gather3A_607 : vector<16xf32>
      %scan3A_609 = arith.constant 2 : i32
      %scan3A_610 = arith.addi %scan3A_520, %scan3A_609 : i32
      %get3A_611 = arith.index_cast %scan3A_610 : i32 to index
      %get3A_612 = arith.constant 0 : index
      %get3A_613 = tpu.vector_load %arg7[%get3A_611, %get3A_612] {strides = array<i32>} : memref<56x128xi32, #tpu.memory_space<vmem>>, vector<16xi32>,
      %gather3A_614 = tpu.vector_load_idx %arg5[%get3A_613] : memref<100000xf32, #tpu.memory_space<vmem>>[vector<16xi32>], vector<16xf32>,
      %add3A_615 = arith.addf %add3A_573, %gather3A_614 : vector<16xf32>
      %get3A_616 = arith.index_cast %scan3A_610 : i32 to index
      %get3A_617 = arith.constant 16 : index
      %get3A_618 = tpu.vector_load %arg7[%get3A_616, %get3A_617] {strides = array<i32>} : memref<56x128xi32, #tpu.memory_space<vmem>>, vector<16xi32>,
      %gather3A_619 = tpu.vector_load_idx %arg5[%get3A_618] : memref<100000xf32, #tpu.memory_space<vmem>>[vector<16xi32>], vector<16xf32>,
      %add3A_620 = arith.addf %add3A_578, %gather3A_619 : vector<16xf32>
      %get3A_621 = arith.index_cast %scan3A_610 : i32 to index
      %get3A_622 = arith.constant 32 : index
      %get3A_623 = tpu.vector_load %arg7[%get3A_621, %get3A_622] {strides = array<i32>} : memref<56x128xi32, #tpu.memory_space<vmem>>, vector<16xi32>,
      %gather3A_624 = tpu.vector_load_idx %arg5[%get3A_623] : memref<100000xf32, #tpu.memory_space<vmem>>[vector<16xi32>], vector<16xf32>,
      %add3A_625 = arith.addf %add3A_583, %gather3A_624 : vector<16xf32>
      %get3A_626 = arith.index_cast %scan3A_610 : i32 to index
      %get3A_627 = arith.constant 48 : index
      %get3A_628 = tpu.vector_load %arg7[%get3A_626, %get3A_627] {strides = array<i32>} : memref<56x128xi32, #tpu.memory_space<vmem>>, vector<16xi32>,
      %gather3A_629 = tpu.vector_load_idx %arg5[%get3A_628] : memref<100000xf32, #tpu.memory_space<vmem>>[vector<16xi32>], vector<16xf32>,
      %add3A_630 = arith.addf %add3A_588, %gather3A_629 : vector<16xf32>
      %get3A_631 = arith.index_cast %scan3A_610 : i32 to index
      %get3A_632 = arith.constant 64 : index
      %get3A_633 = tpu.vector_load %arg7[%get3A_631, %get3A_632] {strides = array<i32>} : memref<56x128xi32, #tpu.memory_space<vmem>>, vector<16xi32>,
      %gather3A_634 = tpu.vector_load_idx %arg5[%get3A_633] : memref<100000xf32, #tpu.memory_space<vmem>>[vector<16xi32>], vector<16xf32>,
      %add3A_635 = arith.addf %add3A_593, %gather3A_634 : vector<16xf32>
      %get3A_636 = arith.index_cast %scan3A_610 : i32 to index
      %get3A_637 = arith.constant 80 : index
      %get3A_638 = tpu.vector_load %arg7[%get3A_636, %get3A_637] {strides = array<i32>} : memref<56x128xi32, #tpu.memory_space<vmem>>, vector<16xi32>,
      %gather3A_639 = tpu.vector_load_idx %arg5[%get3A_638] : memref<100000xf32, #tpu.memory_space<vmem>>[vector<16xi32>], vector<16xf32>,
      %add3A_640 = arith.addf %add3A_598, %gather3A_639 : vector<16xf32>
      %get3A_641 = arith.index_cast %scan3A_610 : i32 to index
      %get3A_642 = arith.constant 96 : index
      %get3A_643 = tpu.vector_load %arg7[%get3A_641, %get3A_642] {strides = array<i32>} : memref<56x128xi32, #tpu.memory_space<vmem>>, vector<16xi32>,
      %gather3A_644 = tpu.vector_load_idx %arg5[%get3A_643] : memref<100000xf32, #tpu.memory_space<vmem>>[vector<16xi32>], vector<16xf32>,
      %add3A_645 = arith.addf %add3A_603, %gather3A_644 : vector<16xf32>
      %get3A_646 = arith.index_cast %scan3A_610 : i32 to index
      %get3A_647 = arith.constant 112 : index
      %get3A_648 = tpu.vector_load %arg7[%get3A_646, %get3A_647] {strides = array<i32>} : memref<56x128xi32, #tpu.memory_space<vmem>>, vector<16xi32>,
      %gather3A_649 = tpu.vector_load_idx %arg5[%get3A_648] : memref<100000xf32, #tpu.memory_space<vmem>>[vector<16xi32>], vector<16xf32>,
      %add3A_650 = arith.addf %add3A_608, %gather3A_649 : vector<16xf32>
      %scan3A_651 = arith.constant 3 : i32
      %scan3A_652 = arith.addi %scan3A_520, %scan3A_651 : i32
      %get3A_653 = arith.index_cast %scan3A_652 : i32 to index
      %get3A_654 = arith.constant 0 : index
      %get3A_655 = tpu.vector_load %arg7[%get3A_653, %get3A_654] {strides = array<i32>} : memref<56x128xi32, #tpu.memory_space<vmem>>, vector<16xi32>,
      %gather3A_656 = tpu.vector_load_idx %arg5[%get3A_655] : memref<100000xf32, #tpu.memory_space<vmem>>[vector<16xi32>], vector<16xf32>,
      %add3A_657 = arith.addf %add3A_615, %gather3A_656 : vector<16xf32>
      %get3A_658 = arith.index_cast %scan3A_652 : i32 to index
      %get3A_659 = arith.constant 16 : index
      %get3A_660 = tpu.vector_load %arg7[%get3A_658, %get3A_659] {strides = array<i32>} : memref<56x128xi32, #tpu.memory_space<vmem>>, vector<16xi32>,
      %gather3A_661 = tpu.vector_load_idx %arg5[%get3A_660] : memref<100000xf32, #tpu.memory_space<vmem>>[vector<16xi32>], vector<16xf32>,
      %add3A_662 = arith.addf %add3A_620, %gather3A_661 : vector<16xf32>
      %get3A_663 = arith.index_cast %scan3A_652 : i32 to index
      %get3A_664 = arith.constant 32 : index
      %get3A_665 = tpu.vector_load %arg7[%get3A_663, %get3A_664] {strides = array<i32>} : memref<56x128xi32, #tpu.memory_space<vmem>>, vector<16xi32>,
      %gather3A_666 = tpu.vector_load_idx %arg5[%get3A_665] : memref<100000xf32, #tpu.memory_space<vmem>>[vector<16xi32>], vector<16xf32>,
      %add3A_667 = arith.addf %add3A_625, %gather3A_666 : vector<16xf32>
      %get3A_668 = arith.index_cast %scan3A_652 : i32 to index
      %get3A_669 = arith.constant 48 : index
      %get3A_670 = tpu.vector_load %arg7[%get3A_668, %get3A_669] {strides = array<i32>} : memref<56x128xi32, #tpu.memory_space<vmem>>, vector<16xi32>,
      %gather3A_671 = tpu.vector_load_idx %arg5[%get3A_670] : memref<100000xf32, #tpu.memory_space<vmem>>[vector<16xi32>], vector<16xf32>,
      %add3A_672 = arith.addf %add3A_630, %gather3A_671 : vector<16xf32>
      %get3A_673 = arith.index_cast %scan3A_652 : i32 to index
      %get3A_674 = arith.constant 64 : index
      %get3A_675 = tpu.vector_load %arg7[%get3A_673, %get3A_674] {strides = array<i32>} : memref<56x128xi32, #tpu.memory_space<vmem>>, vector<16xi32>,
      %gather3A_676 = tpu.vector_load_idx %arg5[%get3A_675] : memref<100000xf32, #tpu.memory_space<vmem>>[vector<16xi32>], vector<16xf32>,
      %add3A_677 = arith.addf %add3A_635, %gather3A_676 : vector<16xf32>
      %get3A_678 = arith.index_cast %scan3A_652 : i32 to index
      %get3A_679 = arith.constant 80 : index
      %get3A_680 = tpu.vector_load %arg7[%get3A_678, %get3A_679] {strides = array<i32>} : memref<56x128xi32, #tpu.memory_space<vmem>>, vector<16xi32>,
      %gather3A_681 = tpu.vector_load_idx %arg5[%get3A_680] : memref<100000xf32, #tpu.memory_space<vmem>>[vector<16xi32>], vector<16xf32>,
      %add3A_682 = arith.addf %add3A_640, %gather3A_681 : vector<16xf32>
      %get3A_683 = arith.index_cast %scan3A_652 : i32 to index
      %get3A_684 = arith.constant 96 : index
      %get3A_685 = tpu.vector_load %arg7[%get3A_683, %get3A_684] {strides = array<i32>} : memref<56x128xi32, #tpu.memory_space<vmem>>, vector<16xi32>,
      %gather3A_686 = tpu.vector_load_idx %arg5[%get3A_685] : memref<100000xf32, #tpu.memory_space<vmem>>[vector<16xi32>], vector<16xf32>,
      %add3A_687 = arith.addf %add3A_645, %gather3A_686 : vector<16xf32>
      %get3A_688 = arith.index_cast %scan3A_652 : i32 to index
      %get3A_689 = arith.constant 112 : index
      %get3A_690 = tpu.vector_load %arg7[%get3A_688, %get3A_689] {strides = array<i32>} : memref<56x128xi32, #tpu.memory_space<vmem>>, vector<16xi32>,
      %gather3A_691 = tpu.vector_load_idx %arg5[%get3A_690] : memref<100000xf32, #tpu.memory_space<vmem>>[vector<16xi32>], vector<16xf32>,
      %add3A_692 = arith.addf %add3A_650, %gather3A_691 : vector<16xf32>
      scf.yield %add3A_657, %add3A_662, %add3A_667, %add3A_672, %add3A_677, %add3A_682, %add3A_687, %add3A_692 : vector<16xf32>, vector<16xf32>, vector<16xf32>, vector<16xf32>, vector<16xf32>, vector<16xf32>, vector<16xf32>, vector<16xf32>
    }
    %scan3A_357 = arith.constant 56 : i32
    %dma_wait3A_358 = arith.constant 0 : i32
    %dma_wait3A_359 = arith.constant 0 : i32
    %dma_wait3A_360 = tpu.memref_slice %arg8[%dma_wait3A_358, %dma_wait3A_359] : memref<56x128xi32, #tpu.memory_space<vmem>> -> memref<32x128xi32, #tpu.memory_space<vmem>>
    %dma_wait3A_361 = arith.constant 168 : i32
    %dma_wait3A_362 = tpu.memref_slice %arg3[%dma_wait3A_361, %add3A_341] : memref<200x16384xi32, #tpu.memory_space<hbm>> -> memref<32x128xi32, #tpu.memory_space<hbm>>
    %dma_wait3A_363 = arith.constant 0 : i32
    %dma_wait3A_364 = arith.constant 0 : i32
    %dma_wait3A_365 = tpu.memref_slice %arg8[%dma_wait3A_363, %dma_wait3A_364] : memref<56x128xi32, #tpu.memory_space<vmem>> -> memref<32x128xi32, #tpu.memory_space<vmem>>
    %dma_wait3A_366 = arith.constant 168 : i32
    %dma_wait3A_367 = tpu.memref_slice %arg3[%dma_wait3A_366, %add3A_341] : memref<200x16384xi32, #tpu.memory_space<hbm>> -> memref<32x128xi32, #tpu.memory_space<hbm>>
    tpu.wait_dma2 semaphore(%arg12 : memref<!tpu.dma_semaphore, #tpu.memory_space<semaphore_mem>>) src(%dma_wait3A_367 : memref<32x128xi32, #tpu.memory_space<hbm>>) dst(%dma_wait3A_365 : memref<32x128xi32, #tpu.memory_space<vmem>>)
    %add3A_368 = arith.constant 384 : i32
    %add3A_369 = arith.addi %mul3A_2, %add3A_368 : i32
    %dma_start3A_370 = arith.constant 0 : i32
    %dma_start3A_371 = arith.constant 0 : i32
    %dma_start3A_372 = tpu.memref_slice %arg7[%dma_start3A_370, %dma_start3A_371] : memref<56x128xi32, #tpu.memory_space<vmem>> -> memref<56x128xi32, #tpu.memory_space<vmem>>
    %dma_start3A_373 = arith.constant 0 : i32
    %dma_start3A_374 = tpu.memref_slice %arg3[%dma_start3A_373, %add3A_369] : memref<200x16384xi32, #tpu.memory_space<hbm>> -> memref<56x128xi32, #tpu.memory_space<hbm>>
    %dma_start3A_375 = arith.constant 0 : i32
    %dma_start3A_376 = arith.constant 0 : i32
    %dma_start3A_377 = tpu.memref_slice %arg7[%dma_start3A_375, %dma_start3A_376] : memref<56x128xi32, #tpu.memory_space<vmem>> -> memref<56x128xi32, #tpu.memory_space<vmem>>
    %dma_start3A_378 = arith.constant 0 : i32
    %dma_start3A_379 = tpu.memref_slice %arg3[%dma_start3A_378, %add3A_369] : memref<200x16384xi32, #tpu.memory_space<hbm>> -> memref<56x128xi32, #tpu.memory_space<hbm>>
    tpu.enqueue_dma source(%dma_start3A_379 : memref<56x128xi32, #tpu.memory_space<hbm>>) target(%dma_start3A_377 : memref<56x128xi32, #tpu.memory_space<vmem>>) target_semaphore(%arg11 : memref<!tpu.dma_semaphore, #tpu.memory_space<semaphore_mem>>)
    %scan3A_380 = arith.constant 0 : i32
    %scan3A_381 = arith.constant 32 : i32
    %scan3A_382 = arith.addi %scan3A_380, %scan3A_381 : i32
    %scan3A_383 = arith.constant 4 : i32
    %scan3A_384:8 = scf.for %scan3A_520 = %scan3A_380 to %scan3A_382 step %scan3A_383 iter_args(%scan3A_521 = %scan3A_356#0, %scan3A_522 = %scan3A_356#1, %scan3A_523 = %scan3A_356#2, %scan3A_524 = %scan3A_356#3, %scan3A_525 = %scan3A_356#4, %scan3A_526 = %scan3A_356#5, %scan3A_527 = %scan3A_356#6, %scan3A_528 = %scan3A_356#7) -> (vector<16xf32>, vector<16xf32>, vector<16xf32>, vector<16xf32>, vector<16xf32>, vector<16xf32>, vector<16xf32>, vector<16xf32>)  : i32 {
      %get3A = arith.index_cast %scan3A_520 : i32 to index
      %get3A_529 = arith.constant 0 : index
      %get3A_530 = tpu.vector_load %arg8[%get3A, %get3A_529] {strides = array<i32>} : memref<56x128xi32, #tpu.memory_space<vmem>>, vector<16xi32>,
      %gather3A = tpu.vector_load_idx %arg5[%get3A_530] : memref<100000xf32, #tpu.memory_space<vmem>>[vector<16xi32>], vector<16xf32>,
      %add3A_531 = arith.addf %scan3A_521, %gather3A : vector<16xf32>
      %get3A_532 = arith.index_cast %scan3A_520 : i32 to index
      %get3A_533 = arith.constant 16 : index
      %get3A_534 = tpu.vector_load %arg8[%get3A_532, %get3A_533] {strides = array<i32>} : memref<56x128xi32, #tpu.memory_space<vmem>>, vector<16xi32>,
      %gather3A_535 = tpu.vector_load_idx %arg5[%get3A_534] : memref<100000xf32, #tpu.memory_space<vmem>>[vector<16xi32>], vector<16xf32>,
      %add3A_536 = arith.addf %scan3A_522, %gather3A_535 : vector<16xf32>
      %get3A_537 = arith.index_cast %scan3A_520 : i32 to index
      %get3A_538 = arith.constant 32 : index
      %get3A_539 = tpu.vector_load %arg8[%get3A_537, %get3A_538] {strides = array<i32>} : memref<56x128xi32, #tpu.memory_space<vmem>>, vector<16xi32>,
      %gather3A_540 = tpu.vector_load_idx %arg5[%get3A_539] : memref<100000xf32, #tpu.memory_space<vmem>>[vector<16xi32>], vector<16xf32>,
      %add3A_541 = arith.addf %scan3A_523, %gather3A_540 : vector<16xf32>
      %get3A_542 = arith.index_cast %scan3A_520 : i32 to index
      %get3A_543 = arith.constant 48 : index
      %get3A_544 = tpu.vector_load %arg8[%get3A_542, %get3A_543] {strides = array<i32>} : memref<56x128xi32, #tpu.memory_space<vmem>>, vector<16xi32>,
      %gather3A_545 = tpu.vector_load_idx %arg5[%get3A_544] : memref<100000xf32, #tpu.memory_space<vmem>>[vector<16xi32>], vector<16xf32>,
      %add3A_546 = arith.addf %scan3A_524, %gather3A_545 : vector<16xf32>
      %get3A_547 = arith.index_cast %scan3A_520 : i32 to index
      %get3A_548 = arith.constant 64 : index
      %get3A_549 = tpu.vector_load %arg8[%get3A_547, %get3A_548] {strides = array<i32>} : memref<56x128xi32, #tpu.memory_space<vmem>>, vector<16xi32>,
      %gather3A_550 = tpu.vector_load_idx %arg5[%get3A_549] : memref<100000xf32, #tpu.memory_space<vmem>>[vector<16xi32>], vector<16xf32>,
      %add3A_551 = arith.addf %scan3A_525, %gather3A_550 : vector<16xf32>
      %get3A_552 = arith.index_cast %scan3A_520 : i32 to index
      %get3A_553 = arith.constant 80 : index
      %get3A_554 = tpu.vector_load %arg8[%get3A_552, %get3A_553] {strides = array<i32>} : memref<56x128xi32, #tpu.memory_space<vmem>>, vector<16xi32>,
      %gather3A_555 = tpu.vector_load_idx %arg5[%get3A_554] : memref<100000xf32, #tpu.memory_space<vmem>>[vector<16xi32>], vector<16xf32>,
      %add3A_556 = arith.addf %scan3A_526, %gather3A_555 : vector<16xf32>
      %get3A_557 = arith.index_cast %scan3A_520 : i32 to index
      %get3A_558 = arith.constant 96 : index
      %get3A_559 = tpu.vector_load %arg8[%get3A_557, %get3A_558] {strides = array<i32>} : memref<56x128xi32, #tpu.memory_space<vmem>>, vector<16xi32>,
      %gather3A_560 = tpu.vector_load_idx %arg5[%get3A_559] : memref<100000xf32, #tpu.memory_space<vmem>>[vector<16xi32>], vector<16xf32>,
      %add3A_561 = arith.addf %scan3A_527, %gather3A_560 : vector<16xf32>
      %get3A_562 = arith.index_cast %scan3A_520 : i32 to index
      %get3A_563 = arith.constant 112 : index
      %get3A_564 = tpu.vector_load %arg8[%get3A_562, %get3A_563] {strides = array<i32>} : memref<56x128xi32, #tpu.memory_space<vmem>>, vector<16xi32>,
      %gather3A_565 = tpu.vector_load_idx %arg5[%get3A_564] : memref<100000xf32, #tpu.memory_space<vmem>>[vector<16xi32>], vector<16xf32>,
      %add3A_566 = arith.addf %scan3A_528, %gather3A_565 : vector<16xf32>
      %scan3A_567 = arith.constant 1 : i32
      %scan3A_568 = arith.addi %scan3A_520, %scan3A_567 : i32
      %get3A_569 = arith.index_cast %scan3A_568 : i32 to index
      %get3A_570 = arith.constant 0 : index
      %get3A_571 = tpu.vector_load %arg8[%get3A_569, %get3A_570] {strides = array<i32>} : memref<56x128xi32, #tpu.memory_space<vmem>>, vector<16xi32>,
      %gather3A_572 = tpu.vector_load_idx %arg5[%get3A_571] : memref<100000xf32, #tpu.memory_space<vmem>>[vector<16xi32>], vector<16xf32>,
      %add3A_573 = arith.addf %add3A_531, %gather3A_572 : vector<16xf32>
      %get3A_574 = arith.index_cast %scan3A_568 : i32 to index
      %get3A_575 = arith.constant 16 : index
      %get3A_576 = tpu.vector_load %arg8[%get3A_574, %get3A_575] {strides = array<i32>} : memref<56x128xi32, #tpu.memory_space<vmem>>, vector<16xi32>,
      %gather3A_577 = tpu.vector_load_idx %arg5[%get3A_576] : memref<100000xf32, #tpu.memory_space<vmem>>[vector<16xi32>], vector<16xf32>,
      %add3A_578 = arith.addf %add3A_536, %gather3A_577 : vector<16xf32>
      %get3A_579 = arith.index_cast %scan3A_568 : i32 to index
      %get3A_580 = arith.constant 32 : index
      %get3A_581 = tpu.vector_load %arg8[%get3A_579, %get3A_580] {strides = array<i32>} : memref<56x128xi32, #tpu.memory_space<vmem>>, vector<16xi32>,
      %gather3A_582 = tpu.vector_load_idx %arg5[%get3A_581] : memref<100000xf32, #tpu.memory_space<vmem>>[vector<16xi32>], vector<16xf32>,
      %add3A_583 = arith.addf %add3A_541, %gather3A_582 : vector<16xf32>
      %get3A_584 = arith.index_cast %scan3A_568 : i32 to index
      %get3A_585 = arith.constant 48 : index
      %get3A_586 = tpu.vector_load %arg8[%get3A_584, %get3A_585] {strides = array<i32>} : memref<56x128xi32, #tpu.memory_space<vmem>>, vector<16xi32>,
      %gather3A_587 = tpu.vector_load_idx %arg5[%get3A_586] : memref<100000xf32, #tpu.memory_space<vmem>>[vector<16xi32>], vector<16xf32>,
      %add3A_588 = arith.addf %add3A_546, %gather3A_587 : vector<16xf32>
      %get3A_589 = arith.index_cast %scan3A_568 : i32 to index
      %get3A_590 = arith.constant 64 : index
      %get3A_591 = tpu.vector_load %arg8[%get3A_589, %get3A_590] {strides = array<i32>} : memref<56x128xi32, #tpu.memory_space<vmem>>, vector<16xi32>,
      %gather3A_592 = tpu.vector_load_idx %arg5[%get3A_591] : memref<100000xf32, #tpu.memory_space<vmem>>[vector<16xi32>], vector<16xf32>,
      %add3A_593 = arith.addf %add3A_551, %gather3A_592 : vector<16xf32>
      %get3A_594 = arith.index_cast %scan3A_568 : i32 to index
      %get3A_595 = arith.constant 80 : index
      %get3A_596 = tpu.vector_load %arg8[%get3A_594, %get3A_595] {strides = array<i32>} : memref<56x128xi32, #tpu.memory_space<vmem>>, vector<16xi32>,
      %gather3A_597 = tpu.vector_load_idx %arg5[%get3A_596] : memref<100000xf32, #tpu.memory_space<vmem>>[vector<16xi32>], vector<16xf32>,
      %add3A_598 = arith.addf %add3A_556, %gather3A_597 : vector<16xf32>
      %get3A_599 = arith.index_cast %scan3A_568 : i32 to index
      %get3A_600 = arith.constant 96 : index
      %get3A_601 = tpu.vector_load %arg8[%get3A_599, %get3A_600] {strides = array<i32>} : memref<56x128xi32, #tpu.memory_space<vmem>>, vector<16xi32>,
      %gather3A_602 = tpu.vector_load_idx %arg5[%get3A_601] : memref<100000xf32, #tpu.memory_space<vmem>>[vector<16xi32>], vector<16xf32>,
      %add3A_603 = arith.addf %add3A_561, %gather3A_602 : vector<16xf32>
      %get3A_604 = arith.index_cast %scan3A_568 : i32 to index
      %get3A_605 = arith.constant 112 : index
      %get3A_606 = tpu.vector_load %arg8[%get3A_604, %get3A_605] {strides = array<i32>} : memref<56x128xi32, #tpu.memory_space<vmem>>, vector<16xi32>,
      %gather3A_607 = tpu.vector_load_idx %arg5[%get3A_606] : memref<100000xf32, #tpu.memory_space<vmem>>[vector<16xi32>], vector<16xf32>,
      %add3A_608 = arith.addf %add3A_566, %gather3A_607 : vector<16xf32>
      %scan3A_609 = arith.constant 2 : i32
      %scan3A_610 = arith.addi %scan3A_520, %scan3A_609 : i32
      %get3A_611 = arith.index_cast %scan3A_610 : i32 to index
      %get3A_612 = arith.constant 0 : index
      %get3A_613 = tpu.vector_load %arg8[%get3A_611, %get3A_612] {strides = array<i32>} : memref<56x128xi32, #tpu.memory_space<vmem>>, vector<16xi32>,
      %gather3A_614 = tpu.vector_load_idx %arg5[%get3A_613] : memref<100000xf32, #tpu.memory_space<vmem>>[vector<16xi32>], vector<16xf32>,
      %add3A_615 = arith.addf %add3A_573, %gather3A_614 : vector<16xf32>
      %get3A_616 = arith.index_cast %scan3A_610 : i32 to index
      %get3A_617 = arith.constant 16 : index
      %get3A_618 = tpu.vector_load %arg8[%get3A_616, %get3A_617] {strides = array<i32>} : memref<56x128xi32, #tpu.memory_space<vmem>>, vector<16xi32>,
      %gather3A_619 = tpu.vector_load_idx %arg5[%get3A_618] : memref<100000xf32, #tpu.memory_space<vmem>>[vector<16xi32>], vector<16xf32>,
      %add3A_620 = arith.addf %add3A_578, %gather3A_619 : vector<16xf32>
      %get3A_621 = arith.index_cast %scan3A_610 : i32 to index
      %get3A_622 = arith.constant 32 : index
      %get3A_623 = tpu.vector_load %arg8[%get3A_621, %get3A_622] {strides = array<i32>} : memref<56x128xi32, #tpu.memory_space<vmem>>, vector<16xi32>,
      %gather3A_624 = tpu.vector_load_idx %arg5[%get3A_623] : memref<100000xf32, #tpu.memory_space<vmem>>[vector<16xi32>], vector<16xf32>,
      %add3A_625 = arith.addf %add3A_583, %gather3A_624 : vector<16xf32>
      %get3A_626 = arith.index_cast %scan3A_610 : i32 to index
      %get3A_627 = arith.constant 48 : index
      %get3A_628 = tpu.vector_load %arg8[%get3A_626, %get3A_627] {strides = array<i32>} : memref<56x128xi32, #tpu.memory_space<vmem>>, vector<16xi32>,
      %gather3A_629 = tpu.vector_load_idx %arg5[%get3A_628] : memref<100000xf32, #tpu.memory_space<vmem>>[vector<16xi32>], vector<16xf32>,
      %add3A_630 = arith.addf %add3A_588, %gather3A_629 : vector<16xf32>
      %get3A_631 = arith.index_cast %scan3A_610 : i32 to index
      %get3A_632 = arith.constant 64 : index
      %get3A_633 = tpu.vector_load %arg8[%get3A_631, %get3A_632] {strides = array<i32>} : memref<56x128xi32, #tpu.memory_space<vmem>>, vector<16xi32>,
      %gather3A_634 = tpu.vector_load_idx %arg5[%get3A_633] : memref<100000xf32, #tpu.memory_space<vmem>>[vector<16xi32>], vector<16xf32>,
      %add3A_635 = arith.addf %add3A_593, %gather3A_634 : vector<16xf32>
      %get3A_636 = arith.index_cast %scan3A_610 : i32 to index
      %get3A_637 = arith.constant 80 : index
      %get3A_638 = tpu.vector_load %arg8[%get3A_636, %get3A_637] {strides = array<i32>} : memref<56x128xi32, #tpu.memory_space<vmem>>, vector<16xi32>,
      %gather3A_639 = tpu.vector_load_idx %arg5[%get3A_638] : memref<100000xf32, #tpu.memory_space<vmem>>[vector<16xi32>], vector<16xf32>,
      %add3A_640 = arith.addf %add3A_598, %gather3A_639 : vector<16xf32>
      %get3A_641 = arith.index_cast %scan3A_610 : i32 to index
      %get3A_642 = arith.constant 96 : index
      %get3A_643 = tpu.vector_load %arg8[%get3A_641, %get3A_642] {strides = array<i32>} : memref<56x128xi32, #tpu.memory_space<vmem>>, vector<16xi32>,
      %gather3A_644 = tpu.vector_load_idx %arg5[%get3A_643] : memref<100000xf32, #tpu.memory_space<vmem>>[vector<16xi32>], vector<16xf32>,
      %add3A_645 = arith.addf %add3A_603, %gather3A_644 : vector<16xf32>
      %get3A_646 = arith.index_cast %scan3A_610 : i32 to index
      %get3A_647 = arith.constant 112 : index
      %get3A_648 = tpu.vector_load %arg8[%get3A_646, %get3A_647] {strides = array<i32>} : memref<56x128xi32, #tpu.memory_space<vmem>>, vector<16xi32>,
      %gather3A_649 = tpu.vector_load_idx %arg5[%get3A_648] : memref<100000xf32, #tpu.memory_space<vmem>>[vector<16xi32>], vector<16xf32>,
      %add3A_650 = arith.addf %add3A_608, %gather3A_649 : vector<16xf32>
      %scan3A_651 = arith.constant 3 : i32
      %scan3A_652 = arith.addi %scan3A_520, %scan3A_651 : i32
      %get3A_653 = arith.index_cast %scan3A_652 : i32 to index
      %get3A_654 = arith.constant 0 : index
      %get3A_655 = tpu.vector_load %arg8[%get3A_653, %get3A_654] {strides = array<i32>} : memref<56x128xi32, #tpu.memory_space<vmem>>, vector<16xi32>,
      %gather3A_656 = tpu.vector_load_idx %arg5[%get3A_655] : memref<100000xf32, #tpu.memory_space<vmem>>[vector<16xi32>], vector<16xf32>,
      %add3A_657 = arith.addf %add3A_615, %gather3A_656 : vector<16xf32>
      %get3A_658 = arith.index_cast %scan3A_652 : i32 to index
      %get3A_659 = arith.constant 16 : index
      %get3A_660 = tpu.vector_load %arg8[%get3A_658, %get3A_659] {strides = array<i32>} : memref<56x128xi32, #tpu.memory_space<vmem>>, vector<16xi32>,
      %gather3A_661 = tpu.vector_load_idx %arg5[%get3A_660] : memref<100000xf32, #tpu.memory_space<vmem>>[vector<16xi32>], vector<16xf32>,
      %add3A_662 = arith.addf %add3A_620, %gather3A_661 : vector<16xf32>
      %get3A_663 = arith.index_cast %scan3A_652 : i32 to index
      %get3A_664 = arith.constant 32 : index
      %get3A_665 = tpu.vector_load %arg8[%get3A_663, %get3A_664] {strides = array<i32>} : memref<56x128xi32, #tpu.memory_space<vmem>>, vector<16xi32>,
      %gather3A_666 = tpu.vector_load_idx %arg5[%get3A_665] : memref<100000xf32, #tpu.memory_space<vmem>>[vector<16xi32>], vector<16xf32>,
      %add3A_667 = arith.addf %add3A_625, %gather3A_666 : vector<16xf32>
      %get3A_668 = arith.index_cast %scan3A_652 : i32 to index
      %get3A_669 = arith.constant 48 : index
      %get3A_670 = tpu.vector_load %arg8[%get3A_668, %get3A_669] {strides = array<i32>} : memref<56x128xi32, #tpu.memory_space<vmem>>, vector<16xi32>,
      %gather3A_671 = tpu.vector_load_idx %arg5[%get3A_670] : memref<100000xf32, #tpu.memory_space<vmem>>[vector<16xi32>], vector<16xf32>,
      %add3A_672 = arith.addf %add3A_630, %gather3A_671 : vector<16xf32>
      %get3A_673 = arith.index_cast %scan3A_652 : i32 to index
      %get3A_674 = arith.constant 64 : index
      %get3A_675 = tpu.vector_load %arg8[%get3A_673, %get3A_674] {strides = array<i32>} : memref<56x128xi32, #tpu.memory_space<vmem>>, vector<16xi32>,
      %gather3A_676 = tpu.vector_load_idx %arg5[%get3A_675] : memref<100000xf32, #tpu.memory_space<vmem>>[vector<16xi32>], vector<16xf32>,
      %add3A_677 = arith.addf %add3A_635, %gather3A_676 : vector<16xf32>
      %get3A_678 = arith.index_cast %scan3A_652 : i32 to index
      %get3A_679 = arith.constant 80 : index
      %get3A_680 = tpu.vector_load %arg8[%get3A_678, %get3A_679] {strides = array<i32>} : memref<56x128xi32, #tpu.memory_space<vmem>>, vector<16xi32>,
      %gather3A_681 = tpu.vector_load_idx %arg5[%get3A_680] : memref<100000xf32, #tpu.memory_space<vmem>>[vector<16xi32>], vector<16xf32>,
      %add3A_682 = arith.addf %add3A_640, %gather3A_681 : vector<16xf32>
      %get3A_683 = arith.index_cast %scan3A_652 : i32 to index
      %get3A_684 = arith.constant 96 : index
      %get3A_685 = tpu.vector_load %arg8[%get3A_683, %get3A_684] {strides = array<i32>} : memref<56x128xi32, #tpu.memory_space<vmem>>, vector<16xi32>,
      %gather3A_686 = tpu.vector_load_idx %arg5[%get3A_685] : memref<100000xf32, #tpu.memory_space<vmem>>[vector<16xi32>], vector<16xf32>,
      %add3A_687 = arith.addf %add3A_645, %gather3A_686 : vector<16xf32>
      %get3A_688 = arith.index_cast %scan3A_652 : i32 to index
      %get3A_689 = arith.constant 112 : index
      %get3A_690 = tpu.vector_load %arg8[%get3A_688, %get3A_689] {strides = array<i32>} : memref<56x128xi32, #tpu.memory_space<vmem>>, vector<16xi32>,
      %gather3A_691 = tpu.vector_load_idx %arg5[%get3A_690] : memref<100000xf32, #tpu.memory_space<vmem>>[vector<16xi32>], vector<16xf32>,
      %add3A_692 = arith.addf %add3A_650, %gather3A_691 : vector<16xf32>
      scf.yield %add3A_657, %add3A_662, %add3A_667, %add3A_672, %add3A_677, %add3A_682, %add3A_687, %add3A_692 : vector<16xf32>, vector<16xf32>, vector<16xf32>, vector<16xf32>, vector<16xf32>, vector<16xf32>, vector<16xf32>, vector<16xf32>
    }
    %scan3A_385 = arith.constant 32 : i32
    %swap3A_386 = arith.constant 256 : index
    %swap3A_387 = tpu.vector_load %arg9[%swap3A_386] {strides = array<i32>} : memref<512xf32, #tpu.memory_space<vmem>>, vector<16xf32>,
    tpu.vector_store %arg9[%swap3A_386], %scan3A_384#0 {strides = array<i32>} : memref<512xf32, #tpu.memory_space<vmem>>, vector<16xf32>,
    %swap3A_388 = arith.constant 272 : index
    %swap3A_389 = tpu.vector_load %arg9[%swap3A_388] {strides = array<i32>} : memref<512xf32, #tpu.memory_space<vmem>>, vector<16xf32>,
    tpu.vector_store %arg9[%swap3A_388], %scan3A_384#1 {strides = array<i32>} : memref<512xf32, #tpu.memory_space<vmem>>, vector<16xf32>,
    %swap3A_390 = arith.constant 288 : index
    %swap3A_391 = tpu.vector_load %arg9[%swap3A_390] {strides = array<i32>} : memref<512xf32, #tpu.memory_space<vmem>>, vector<16xf32>,
    tpu.vector_store %arg9[%swap3A_390], %scan3A_384#2 {strides = array<i32>} : memref<512xf32, #tpu.memory_space<vmem>>, vector<16xf32>,
    %swap3A_392 = arith.constant 304 : index
    %swap3A_393 = tpu.vector_load %arg9[%swap3A_392] {strides = array<i32>} : memref<512xf32, #tpu.memory_space<vmem>>, vector<16xf32>,
    tpu.vector_store %arg9[%swap3A_392], %scan3A_384#3 {strides = array<i32>} : memref<512xf32, #tpu.memory_space<vmem>>, vector<16xf32>,
    %swap3A_394 = arith.constant 320 : index
    %swap3A_395 = tpu.vector_load %arg9[%swap3A_394] {strides = array<i32>} : memref<512xf32, #tpu.memory_space<vmem>>, vector<16xf32>,
    tpu.vector_store %arg9[%swap3A_394], %scan3A_384#4 {strides = array<i32>} : memref<512xf32, #tpu.memory_space<vmem>>, vector<16xf32>,
    %swap3A_396 = arith.constant 336 : index
    %swap3A_397 = tpu.vector_load %arg9[%swap3A_396] {strides = array<i32>} : memref<512xf32, #tpu.memory_space<vmem>>, vector<16xf32>,
    tpu.vector_store %arg9[%swap3A_396], %scan3A_384#5 {strides = array<i32>} : memref<512xf32, #tpu.memory_space<vmem>>, vector<16xf32>,
    %swap3A_398 = arith.constant 352 : index
    %swap3A_399 = tpu.vector_load %arg9[%swap3A_398] {strides = array<i32>} : memref<512xf32, #tpu.memory_space<vmem>>, vector<16xf32>,
    tpu.vector_store %arg9[%swap3A_398], %scan3A_384#6 {strides = array<i32>} : memref<512xf32, #tpu.memory_space<vmem>>, vector<16xf32>,
    %swap3A_400 = arith.constant 368 : index
    %swap3A_401 = tpu.vector_load %arg9[%swap3A_400] {strides = array<i32>} : memref<512xf32, #tpu.memory_space<vmem>>, vector<16xf32>,
    tpu.vector_store %arg9[%swap3A_400], %scan3A_384#7 {strides = array<i32>} : memref<512xf32, #tpu.memory_space<vmem>>, vector<16xf32>,
    %dma_wait3A_402 = arith.constant 0 : i32
    %dma_wait3A_403 = arith.constant 0 : i32
    %dma_wait3A_404 = tpu.memref_slice %arg7[%dma_wait3A_402, %dma_wait3A_403] : memref<56x128xi32, #tpu.memory_space<vmem>> -> memref<56x128xi32, #tpu.memory_space<vmem>>
    %dma_wait3A_405 = arith.constant 0 : i32
    %dma_wait3A_406 = tpu.memref_slice %arg3[%dma_wait3A_405, %add3A_369] : memref<200x16384xi32, #tpu.memory_space<hbm>> -> memref<56x128xi32, #tpu.memory_space<hbm>>
    %dma_wait3A_407 = arith.constant 0 : i32
    %dma_wait3A_408 = arith.constant 0 : i32
    %dma_wait3A_409 = tpu.memref_slice %arg7[%dma_wait3A_407, %dma_wait3A_408] : memref<56x128xi32, #tpu.memory_space<vmem>> -> memref<56x128xi32, #tpu.memory_space<vmem>>
    %dma_wait3A_410 = arith.constant 0 : i32
    %dma_wait3A_411 = tpu.memref_slice %arg3[%dma_wait3A_410, %add3A_369] : memref<200x16384xi32, #tpu.memory_space<hbm>> -> memref<56x128xi32, #tpu.memory_space<hbm>>
    tpu.wait_dma2 semaphore(%arg11 : memref<!tpu.dma_semaphore, #tpu.memory_space<semaphore_mem>>) src(%dma_wait3A_411 : memref<56x128xi32, #tpu.memory_space<hbm>>) dst(%dma_wait3A_409 : memref<56x128xi32, #tpu.memory_space<vmem>>)
    %add3A_412 = arith.constant 384 : i32
    %add3A_413 = arith.addi %mul3A_2, %add3A_412 : i32
    %dma_start3A_414 = arith.constant 0 : i32
    %dma_start3A_415 = arith.constant 0 : i32
    %dma_start3A_416 = tpu.memref_slice %arg8[%dma_start3A_414, %dma_start3A_415] : memref<56x128xi32, #tpu.memory_space<vmem>> -> memref<56x128xi32, #tpu.memory_space<vmem>>
    %dma_start3A_417 = arith.constant 56 : i32
    %dma_start3A_418 = tpu.memref_slice %arg3[%dma_start3A_417, %add3A_413] : memref<200x16384xi32, #tpu.memory_space<hbm>> -> memref<56x128xi32, #tpu.memory_space<hbm>>
    %dma_start3A_419 = arith.constant 0 : i32
    %dma_start3A_420 = arith.constant 0 : i32
    %dma_start3A_421 = tpu.memref_slice %arg8[%dma_start3A_419, %dma_start3A_420] : memref<56x128xi32, #tpu.memory_space<vmem>> -> memref<56x128xi32, #tpu.memory_space<vmem>>
    %dma_start3A_422 = arith.constant 56 : i32
    %dma_start3A_423 = tpu.memref_slice %arg3[%dma_start3A_422, %add3A_413] : memref<200x16384xi32, #tpu.memory_space<hbm>> -> memref<56x128xi32, #tpu.memory_space<hbm>>
    tpu.enqueue_dma source(%dma_start3A_423 : memref<56x128xi32, #tpu.memory_space<hbm>>) target(%dma_start3A_421 : memref<56x128xi32, #tpu.memory_space<vmem>>) target_semaphore(%arg12 : memref<!tpu.dma_semaphore, #tpu.memory_space<semaphore_mem>>)
    %broadcast_in_dim3A_424 = arith.constant 0.000000e+00 : f32
    %broadcast_in_dim3A_425 = vector.broadcast %broadcast_in_dim3A_424 : f32 to vector<16xf32>
    %scan3A_426 = arith.constant 0 : i32
    %scan3A_427 = arith.constant 56 : i32
    %scan3A_428 = arith.addi %scan3A_426, %scan3A_427 : i32
    %scan3A_429 = arith.constant 4 : i32
    %scan3A_430:8 = scf.for %scan3A_520 = %scan3A_426 to %scan3A_428 step %scan3A_429 iter_args(%scan3A_521 = %broadcast_in_dim3A_425, %scan3A_522 = %broadcast_in_dim3A_425, %scan3A_523 = %broadcast_in_dim3A_425, %scan3A_524 = %broadcast_in_dim3A_425, %scan3A_525 = %broadcast_in_dim3A_425, %scan3A_526 = %broadcast_in_dim3A_425, %scan3A_527 = %broadcast_in_dim3A_425, %scan3A_528 = %broadcast_in_dim3A_425) -> (vector<16xf32>, vector<16xf32>, vector<16xf32>, vector<16xf32>, vector<16xf32>, vector<16xf32>, vector<16xf32>, vector<16xf32>)  : i32 {
      %get3A = arith.index_cast %scan3A_520 : i32 to index
      %get3A_529 = arith.constant 0 : index
      %get3A_530 = tpu.vector_load %arg7[%get3A, %get3A_529] {strides = array<i32>} : memref<56x128xi32, #tpu.memory_space<vmem>>, vector<16xi32>,
      %gather3A = tpu.vector_load_idx %arg5[%get3A_530] : memref<100000xf32, #tpu.memory_space<vmem>>[vector<16xi32>], vector<16xf32>,
      %add3A_531 = arith.addf %scan3A_521, %gather3A : vector<16xf32>
      %get3A_532 = arith.index_cast %scan3A_520 : i32 to index
      %get3A_533 = arith.constant 16 : index
      %get3A_534 = tpu.vector_load %arg7[%get3A_532, %get3A_533] {strides = array<i32>} : memref<56x128xi32, #tpu.memory_space<vmem>>, vector<16xi32>,
      %gather3A_535 = tpu.vector_load_idx %arg5[%get3A_534] : memref<100000xf32, #tpu.memory_space<vmem>>[vector<16xi32>], vector<16xf32>,
      %add3A_536 = arith.addf %scan3A_522, %gather3A_535 : vector<16xf32>
      %get3A_537 = arith.index_cast %scan3A_520 : i32 to index
      %get3A_538 = arith.constant 32 : index
      %get3A_539 = tpu.vector_load %arg7[%get3A_537, %get3A_538] {strides = array<i32>} : memref<56x128xi32, #tpu.memory_space<vmem>>, vector<16xi32>,
      %gather3A_540 = tpu.vector_load_idx %arg5[%get3A_539] : memref<100000xf32, #tpu.memory_space<vmem>>[vector<16xi32>], vector<16xf32>,
      %add3A_541 = arith.addf %scan3A_523, %gather3A_540 : vector<16xf32>
      %get3A_542 = arith.index_cast %scan3A_520 : i32 to index
      %get3A_543 = arith.constant 48 : index
      %get3A_544 = tpu.vector_load %arg7[%get3A_542, %get3A_543] {strides = array<i32>} : memref<56x128xi32, #tpu.memory_space<vmem>>, vector<16xi32>,
      %gather3A_545 = tpu.vector_load_idx %arg5[%get3A_544] : memref<100000xf32, #tpu.memory_space<vmem>>[vector<16xi32>], vector<16xf32>,
      %add3A_546 = arith.addf %scan3A_524, %gather3A_545 : vector<16xf32>
      %get3A_547 = arith.index_cast %scan3A_520 : i32 to index
      %get3A_548 = arith.constant 64 : index
      %get3A_549 = tpu.vector_load %arg7[%get3A_547, %get3A_548] {strides = array<i32>} : memref<56x128xi32, #tpu.memory_space<vmem>>, vector<16xi32>,
      %gather3A_550 = tpu.vector_load_idx %arg5[%get3A_549] : memref<100000xf32, #tpu.memory_space<vmem>>[vector<16xi32>], vector<16xf32>,
      %add3A_551 = arith.addf %scan3A_525, %gather3A_550 : vector<16xf32>
      %get3A_552 = arith.index_cast %scan3A_520 : i32 to index
      %get3A_553 = arith.constant 80 : index
      %get3A_554 = tpu.vector_load %arg7[%get3A_552, %get3A_553] {strides = array<i32>} : memref<56x128xi32, #tpu.memory_space<vmem>>, vector<16xi32>,
      %gather3A_555 = tpu.vector_load_idx %arg5[%get3A_554] : memref<100000xf32, #tpu.memory_space<vmem>>[vector<16xi32>], vector<16xf32>,
      %add3A_556 = arith.addf %scan3A_526, %gather3A_555 : vector<16xf32>
      %get3A_557 = arith.index_cast %scan3A_520 : i32 to index
      %get3A_558 = arith.constant 96 : index
      %get3A_559 = tpu.vector_load %arg7[%get3A_557, %get3A_558] {strides = array<i32>} : memref<56x128xi32, #tpu.memory_space<vmem>>, vector<16xi32>,
      %gather3A_560 = tpu.vector_load_idx %arg5[%get3A_559] : memref<100000xf32, #tpu.memory_space<vmem>>[vector<16xi32>], vector<16xf32>,
      %add3A_561 = arith.addf %scan3A_527, %gather3A_560 : vector<16xf32>
      %get3A_562 = arith.index_cast %scan3A_520 : i32 to index
      %get3A_563 = arith.constant 112 : index
      %get3A_564 = tpu.vector_load %arg7[%get3A_562, %get3A_563] {strides = array<i32>} : memref<56x128xi32, #tpu.memory_space<vmem>>, vector<16xi32>,
      %gather3A_565 = tpu.vector_load_idx %arg5[%get3A_564] : memref<100000xf32, #tpu.memory_space<vmem>>[vector<16xi32>], vector<16xf32>,
      %add3A_566 = arith.addf %scan3A_528, %gather3A_565 : vector<16xf32>
      %scan3A_567 = arith.constant 1 : i32
      %scan3A_568 = arith.addi %scan3A_520, %scan3A_567 : i32
      %get3A_569 = arith.index_cast %scan3A_568 : i32 to index
      %get3A_570 = arith.constant 0 : index
      %get3A_571 = tpu.vector_load %arg7[%get3A_569, %get3A_570] {strides = array<i32>} : memref<56x128xi32, #tpu.memory_space<vmem>>, vector<16xi32>,
      %gather3A_572 = tpu.vector_load_idx %arg5[%get3A_571] : memref<100000xf32, #tpu.memory_space<vmem>>[vector<16xi32>], vector<16xf32>,
      %add3A_573 = arith.addf %add3A_531, %gather3A_572 : vector<16xf32>
      %get3A_574 = arith.index_cast %scan3A_568 : i32 to index
      %get3A_575 = arith.constant 16 : index
      %get3A_576 = tpu.vector_load %arg7[%get3A_574, %get3A_575] {strides = array<i32>} : memref<56x128xi32, #tpu.memory_space<vmem>>, vector<16xi32>,
      %gather3A_577 = tpu.vector_load_idx %arg5[%get3A_576] : memref<100000xf32, #tpu.memory_space<vmem>>[vector<16xi32>], vector<16xf32>,
      %add3A_578 = arith.addf %add3A_536, %gather3A_577 : vector<16xf32>
      %get3A_579 = arith.index_cast %scan3A_568 : i32 to index
      %get3A_580 = arith.constant 32 : index
      %get3A_581 = tpu.vector_load %arg7[%get3A_579, %get3A_580] {strides = array<i32>} : memref<56x128xi32, #tpu.memory_space<vmem>>, vector<16xi32>,
      %gather3A_582 = tpu.vector_load_idx %arg5[%get3A_581] : memref<100000xf32, #tpu.memory_space<vmem>>[vector<16xi32>], vector<16xf32>,
      %add3A_583 = arith.addf %add3A_541, %gather3A_582 : vector<16xf32>
      %get3A_584 = arith.index_cast %scan3A_568 : i32 to index
      %get3A_585 = arith.constant 48 : index
      %get3A_586 = tpu.vector_load %arg7[%get3A_584, %get3A_585] {strides = array<i32>} : memref<56x128xi32, #tpu.memory_space<vmem>>, vector<16xi32>,
      %gather3A_587 = tpu.vector_load_idx %arg5[%get3A_586] : memref<100000xf32, #tpu.memory_space<vmem>>[vector<16xi32>], vector<16xf32>,
      %add3A_588 = arith.addf %add3A_546, %gather3A_587 : vector<16xf32>
      %get3A_589 = arith.index_cast %scan3A_568 : i32 to index
      %get3A_590 = arith.constant 64 : index
      %get3A_591 = tpu.vector_load %arg7[%get3A_589, %get3A_590] {strides = array<i32>} : memref<56x128xi32, #tpu.memory_space<vmem>>, vector<16xi32>,
      %gather3A_592 = tpu.vector_load_idx %arg5[%get3A_591] : memref<100000xf32, #tpu.memory_space<vmem>>[vector<16xi32>], vector<16xf32>,
      %add3A_593 = arith.addf %add3A_551, %gather3A_592 : vector<16xf32>
      %get3A_594 = arith.index_cast %scan3A_568 : i32 to index
      %get3A_595 = arith.constant 80 : index
      %get3A_596 = tpu.vector_load %arg7[%get3A_594, %get3A_595] {strides = array<i32>} : memref<56x128xi32, #tpu.memory_space<vmem>>, vector<16xi32>,
      %gather3A_597 = tpu.vector_load_idx %arg5[%get3A_596] : memref<100000xf32, #tpu.memory_space<vmem>>[vector<16xi32>], vector<16xf32>,
      %add3A_598 = arith.addf %add3A_556, %gather3A_597 : vector<16xf32>
      %get3A_599 = arith.index_cast %scan3A_568 : i32 to index
      %get3A_600 = arith.constant 96 : index
      %get3A_601 = tpu.vector_load %arg7[%get3A_599, %get3A_600] {strides = array<i32>} : memref<56x128xi32, #tpu.memory_space<vmem>>, vector<16xi32>,
      %gather3A_602 = tpu.vector_load_idx %arg5[%get3A_601] : memref<100000xf32, #tpu.memory_space<vmem>>[vector<16xi32>], vector<16xf32>,
      %add3A_603 = arith.addf %add3A_561, %gather3A_602 : vector<16xf32>
      %get3A_604 = arith.index_cast %scan3A_568 : i32 to index
      %get3A_605 = arith.constant 112 : index
      %get3A_606 = tpu.vector_load %arg7[%get3A_604, %get3A_605] {strides = array<i32>} : memref<56x128xi32, #tpu.memory_space<vmem>>, vector<16xi32>,
      %gather3A_607 = tpu.vector_load_idx %arg5[%get3A_606] : memref<100000xf32, #tpu.memory_space<vmem>>[vector<16xi32>], vector<16xf32>,
      %add3A_608 = arith.addf %add3A_566, %gather3A_607 : vector<16xf32>
      %scan3A_609 = arith.constant 2 : i32
      %scan3A_610 = arith.addi %scan3A_520, %scan3A_609 : i32
      %get3A_611 = arith.index_cast %scan3A_610 : i32 to index
      %get3A_612 = arith.constant 0 : index
      %get3A_613 = tpu.vector_load %arg7[%get3A_611, %get3A_612] {strides = array<i32>} : memref<56x128xi32, #tpu.memory_space<vmem>>, vector<16xi32>,
      %gather3A_614 = tpu.vector_load_idx %arg5[%get3A_613] : memref<100000xf32, #tpu.memory_space<vmem>>[vector<16xi32>], vector<16xf32>,
      %add3A_615 = arith.addf %add3A_573, %gather3A_614 : vector<16xf32>
      %get3A_616 = arith.index_cast %scan3A_610 : i32 to index
      %get3A_617 = arith.constant 16 : index
      %get3A_618 = tpu.vector_load %arg7[%get3A_616, %get3A_617] {strides = array<i32>} : memref<56x128xi32, #tpu.memory_space<vmem>>, vector<16xi32>,
      %gather3A_619 = tpu.vector_load_idx %arg5[%get3A_618] : memref<100000xf32, #tpu.memory_space<vmem>>[vector<16xi32>], vector<16xf32>,
      %add3A_620 = arith.addf %add3A_578, %gather3A_619 : vector<16xf32>
      %get3A_621 = arith.index_cast %scan3A_610 : i32 to index
      %get3A_622 = arith.constant 32 : index
      %get3A_623 = tpu.vector_load %arg7[%get3A_621, %get3A_622] {strides = array<i32>} : memref<56x128xi32, #tpu.memory_space<vmem>>, vector<16xi32>,
      %gather3A_624 = tpu.vector_load_idx %arg5[%get3A_623] : memref<100000xf32, #tpu.memory_space<vmem>>[vector<16xi32>], vector<16xf32>,
      %add3A_625 = arith.addf %add3A_583, %gather3A_624 : vector<16xf32>
      %get3A_626 = arith.index_cast %scan3A_610 : i32 to index
      %get3A_627 = arith.constant 48 : index
      %get3A_628 = tpu.vector_load %arg7[%get3A_626, %get3A_627] {strides = array<i32>} : memref<56x128xi32, #tpu.memory_space<vmem>>, vector<16xi32>,
      %gather3A_629 = tpu.vector_load_idx %arg5[%get3A_628] : memref<100000xf32, #tpu.memory_space<vmem>>[vector<16xi32>], vector<16xf32>,
      %add3A_630 = arith.addf %add3A_588, %gather3A_629 : vector<16xf32>
      %get3A_631 = arith.index_cast %scan3A_610 : i32 to index
      %get3A_632 = arith.constant 64 : index
      %get3A_633 = tpu.vector_load %arg7[%get3A_631, %get3A_632] {strides = array<i32>} : memref<56x128xi32, #tpu.memory_space<vmem>>, vector<16xi32>,
      %gather3A_634 = tpu.vector_load_idx %arg5[%get3A_633] : memref<100000xf32, #tpu.memory_space<vmem>>[vector<16xi32>], vector<16xf32>,
      %add3A_635 = arith.addf %add3A_593, %gather3A_634 : vector<16xf32>
      %get3A_636 = arith.index_cast %scan3A_610 : i32 to index
      %get3A_637 = arith.constant 80 : index
      %get3A_638 = tpu.vector_load %arg7[%get3A_636, %get3A_637] {strides = array<i32>} : memref<56x128xi32, #tpu.memory_space<vmem>>, vector<16xi32>,
      %gather3A_639 = tpu.vector_load_idx %arg5[%get3A_638] : memref<100000xf32, #tpu.memory_space<vmem>>[vector<16xi32>], vector<16xf32>,
      %add3A_640 = arith.addf %add3A_598, %gather3A_639 : vector<16xf32>
      %get3A_641 = arith.index_cast %scan3A_610 : i32 to index
      %get3A_642 = arith.constant 96 : index
      %get3A_643 = tpu.vector_load %arg7[%get3A_641, %get3A_642] {strides = array<i32>} : memref<56x128xi32, #tpu.memory_space<vmem>>, vector<16xi32>,
      %gather3A_644 = tpu.vector_load_idx %arg5[%get3A_643] : memref<100000xf32, #tpu.memory_space<vmem>>[vector<16xi32>], vector<16xf32>,
      %add3A_645 = arith.addf %add3A_603, %gather3A_644 : vector<16xf32>
      %get3A_646 = arith.index_cast %scan3A_610 : i32 to index
      %get3A_647 = arith.constant 112 : index
      %get3A_648 = tpu.vector_load %arg7[%get3A_646, %get3A_647] {strides = array<i32>} : memref<56x128xi32, #tpu.memory_space<vmem>>, vector<16xi32>,
      %gather3A_649 = tpu.vector_load_idx %arg5[%get3A_648] : memref<100000xf32, #tpu.memory_space<vmem>>[vector<16xi32>], vector<16xf32>,
      %add3A_650 = arith.addf %add3A_608, %gather3A_649 : vector<16xf32>
      %scan3A_651 = arith.constant 3 : i32
      %scan3A_652 = arith.addi %scan3A_520, %scan3A_651 : i32
      %get3A_653 = arith.index_cast %scan3A_652 : i32 to index
      %get3A_654 = arith.constant 0 : index
      %get3A_655 = tpu.vector_load %arg7[%get3A_653, %get3A_654] {strides = array<i32>} : memref<56x128xi32, #tpu.memory_space<vmem>>, vector<16xi32>,
      %gather3A_656 = tpu.vector_load_idx %arg5[%get3A_655] : memref<100000xf32, #tpu.memory_space<vmem>>[vector<16xi32>], vector<16xf32>,
      %add3A_657 = arith.addf %add3A_615, %gather3A_656 : vector<16xf32>
      %get3A_658 = arith.index_cast %scan3A_652 : i32 to index
      %get3A_659 = arith.constant 16 : index
      %get3A_660 = tpu.vector_load %arg7[%get3A_658, %get3A_659] {strides = array<i32>} : memref<56x128xi32, #tpu.memory_space<vmem>>, vector<16xi32>,
      %gather3A_661 = tpu.vector_load_idx %arg5[%get3A_660] : memref<100000xf32, #tpu.memory_space<vmem>>[vector<16xi32>], vector<16xf32>,
      %add3A_662 = arith.addf %add3A_620, %gather3A_661 : vector<16xf32>
      %get3A_663 = arith.index_cast %scan3A_652 : i32 to index
      %get3A_664 = arith.constant 32 : index
      %get3A_665 = tpu.vector_load %arg7[%get3A_663, %get3A_664] {strides = array<i32>} : memref<56x128xi32, #tpu.memory_space<vmem>>, vector<16xi32>,
      %gather3A_666 = tpu.vector_load_idx %arg5[%get3A_665] : memref<100000xf32, #tpu.memory_space<vmem>>[vector<16xi32>], vector<16xf32>,
      %add3A_667 = arith.addf %add3A_625, %gather3A_666 : vector<16xf32>
      %get3A_668 = arith.index_cast %scan3A_652 : i32 to index
      %get3A_669 = arith.constant 48 : index
      %get3A_670 = tpu.vector_load %arg7[%get3A_668, %get3A_669] {strides = array<i32>} : memref<56x128xi32, #tpu.memory_space<vmem>>, vector<16xi32>,
      %gather3A_671 = tpu.vector_load_idx %arg5[%get3A_670] : memref<100000xf32, #tpu.memory_space<vmem>>[vector<16xi32>], vector<16xf32>,
      %add3A_672 = arith.addf %add3A_630, %gather3A_671 : vector<16xf32>
      %get3A_673 = arith.index_cast %scan3A_652 : i32 to index
      %get3A_674 = arith.constant 64 : index
      %get3A_675 = tpu.vector_load %arg7[%get3A_673, %get3A_674] {strides = array<i32>} : memref<56x128xi32, #tpu.memory_space<vmem>>, vector<16xi32>,
      %gather3A_676 = tpu.vector_load_idx %arg5[%get3A_675] : memref<100000xf32, #tpu.memory_space<vmem>>[vector<16xi32>], vector<16xf32>,
      %add3A_677 = arith.addf %add3A_635, %gather3A_676 : vector<16xf32>
      %get3A_678 = arith.index_cast %scan3A_652 : i32 to index
      %get3A_679 = arith.constant 80 : index
      %get3A_680 = tpu.vector_load %arg7[%get3A_678, %get3A_679] {strides = array<i32>} : memref<56x128xi32, #tpu.memory_space<vmem>>, vector<16xi32>,
      %gather3A_681 = tpu.vector_load_idx %arg5[%get3A_680] : memref<100000xf32, #tpu.memory_space<vmem>>[vector<16xi32>], vector<16xf32>,
      %add3A_682 = arith.addf %add3A_640, %gather3A_681 : vector<16xf32>
      %get3A_683 = arith.index_cast %scan3A_652 : i32 to index
      %get3A_684 = arith.constant 96 : index
      %get3A_685 = tpu.vector_load %arg7[%get3A_683, %get3A_684] {strides = array<i32>} : memref<56x128xi32, #tpu.memory_space<vmem>>, vector<16xi32>,
      %gather3A_686 = tpu.vector_load_idx %arg5[%get3A_685] : memref<100000xf32, #tpu.memory_space<vmem>>[vector<16xi32>], vector<16xf32>,
      %add3A_687 = arith.addf %add3A_645, %gather3A_686 : vector<16xf32>
      %get3A_688 = arith.index_cast %scan3A_652 : i32 to index
      %get3A_689 = arith.constant 112 : index
      %get3A_690 = tpu.vector_load %arg7[%get3A_688, %get3A_689] {strides = array<i32>} : memref<56x128xi32, #tpu.memory_space<vmem>>, vector<16xi32>,
      %gather3A_691 = tpu.vector_load_idx %arg5[%get3A_690] : memref<100000xf32, #tpu.memory_space<vmem>>[vector<16xi32>], vector<16xf32>,
      %add3A_692 = arith.addf %add3A_650, %gather3A_691 : vector<16xf32>
      scf.yield %add3A_657, %add3A_662, %add3A_667, %add3A_672, %add3A_677, %add3A_682, %add3A_687, %add3A_692 : vector<16xf32>, vector<16xf32>, vector<16xf32>, vector<16xf32>, vector<16xf32>, vector<16xf32>, vector<16xf32>, vector<16xf32>
    }
    %scan3A_431 = arith.constant 56 : i32
    %dma_wait3A_432 = arith.constant 0 : i32
    %dma_wait3A_433 = arith.constant 0 : i32
    %dma_wait3A_434 = tpu.memref_slice %arg8[%dma_wait3A_432, %dma_wait3A_433] : memref<56x128xi32, #tpu.memory_space<vmem>> -> memref<56x128xi32, #tpu.memory_space<vmem>>
    %dma_wait3A_435 = arith.constant 56 : i32
    %dma_wait3A_436 = tpu.memref_slice %arg3[%dma_wait3A_435, %add3A_413] : memref<200x16384xi32, #tpu.memory_space<hbm>> -> memref<56x128xi32, #tpu.memory_space<hbm>>
    %dma_wait3A_437 = arith.constant 0 : i32
    %dma_wait3A_438 = arith.constant 0 : i32
    %dma_wait3A_439 = tpu.memref_slice %arg8[%dma_wait3A_437, %dma_wait3A_438] : memref<56x128xi32, #tpu.memory_space<vmem>> -> memref<56x128xi32, #tpu.memory_space<vmem>>
    %dma_wait3A_440 = arith.constant 56 : i32
    %dma_wait3A_441 = tpu.memref_slice %arg3[%dma_wait3A_440, %add3A_413] : memref<200x16384xi32, #tpu.memory_space<hbm>> -> memref<56x128xi32, #tpu.memory_space<hbm>>
    tpu.wait_dma2 semaphore(%arg12 : memref<!tpu.dma_semaphore, #tpu.memory_space<semaphore_mem>>) src(%dma_wait3A_441 : memref<56x128xi32, #tpu.memory_space<hbm>>) dst(%dma_wait3A_439 : memref<56x128xi32, #tpu.memory_space<vmem>>)
    %add3A_442 = arith.constant 384 : i32
    %add3A_443 = arith.addi %mul3A_2, %add3A_442 : i32
    %dma_start3A_444 = arith.constant 0 : i32
    %dma_start3A_445 = arith.constant 0 : i32
    %dma_start3A_446 = tpu.memref_slice %arg7[%dma_start3A_444, %dma_start3A_445] : memref<56x128xi32, #tpu.memory_space<vmem>> -> memref<56x128xi32, #tpu.memory_space<vmem>>
    %dma_start3A_447 = arith.constant 112 : i32
    %dma_start3A_448 = tpu.memref_slice %arg3[%dma_start3A_447, %add3A_443] : memref<200x16384xi32, #tpu.memory_space<hbm>> -> memref<56x128xi32, #tpu.memory_space<hbm>>
    %dma_start3A_449 = arith.constant 0 : i32
    %dma_start3A_450 = arith.constant 0 : i32
    %dma_start3A_451 = tpu.memref_slice %arg7[%dma_start3A_449, %dma_start3A_450] : memref<56x128xi32, #tpu.memory_space<vmem>> -> memref<56x128xi32, #tpu.memory_space<vmem>>
    %dma_start3A_452 = arith.constant 112 : i32
    %dma_start3A_453 = tpu.memref_slice %arg3[%dma_start3A_452, %add3A_443] : memref<200x16384xi32, #tpu.memory_space<hbm>> -> memref<56x128xi32, #tpu.memory_space<hbm>>
    tpu.enqueue_dma source(%dma_start3A_453 : memref<56x128xi32, #tpu.memory_space<hbm>>) target(%dma_start3A_451 : memref<56x128xi32, #tpu.memory_space<vmem>>) target_semaphore(%arg11 : memref<!tpu.dma_semaphore, #tpu.memory_space<semaphore_mem>>)
    %scan3A_454 = arith.constant 0 : i32
    %scan3A_455 = arith.constant 56 : i32
    %scan3A_456 = arith.addi %scan3A_454, %scan3A_455 : i32
    %scan3A_457 = arith.constant 4 : i32
    %scan3A_458:8 = scf.for %scan3A_520 = %scan3A_454 to %scan3A_456 step %scan3A_457 iter_args(%scan3A_521 = %scan3A_430#0, %scan3A_522 = %scan3A_430#1, %scan3A_523 = %scan3A_430#2, %scan3A_524 = %scan3A_430#3, %scan3A_525 = %scan3A_430#4, %scan3A_526 = %scan3A_430#5, %scan3A_527 = %scan3A_430#6, %scan3A_528 = %scan3A_430#7) -> (vector<16xf32>, vector<16xf32>, vector<16xf32>, vector<16xf32>, vector<16xf32>, vector<16xf32>, vector<16xf32>, vector<16xf32>)  : i32 {
      %get3A = arith.index_cast %scan3A_520 : i32 to index
      %get3A_529 = arith.constant 0 : index
      %get3A_530 = tpu.vector_load %arg8[%get3A, %get3A_529] {strides = array<i32>} : memref<56x128xi32, #tpu.memory_space<vmem>>, vector<16xi32>,
      %gather3A = tpu.vector_load_idx %arg5[%get3A_530] : memref<100000xf32, #tpu.memory_space<vmem>>[vector<16xi32>], vector<16xf32>,
      %add3A_531 = arith.addf %scan3A_521, %gather3A : vector<16xf32>
      %get3A_532 = arith.index_cast %scan3A_520 : i32 to index
      %get3A_533 = arith.constant 16 : index
      %get3A_534 = tpu.vector_load %arg8[%get3A_532, %get3A_533] {strides = array<i32>} : memref<56x128xi32, #tpu.memory_space<vmem>>, vector<16xi32>,
      %gather3A_535 = tpu.vector_load_idx %arg5[%get3A_534] : memref<100000xf32, #tpu.memory_space<vmem>>[vector<16xi32>], vector<16xf32>,
      %add3A_536 = arith.addf %scan3A_522, %gather3A_535 : vector<16xf32>
      %get3A_537 = arith.index_cast %scan3A_520 : i32 to index
      %get3A_538 = arith.constant 32 : index
      %get3A_539 = tpu.vector_load %arg8[%get3A_537, %get3A_538] {strides = array<i32>} : memref<56x128xi32, #tpu.memory_space<vmem>>, vector<16xi32>,
      %gather3A_540 = tpu.vector_load_idx %arg5[%get3A_539] : memref<100000xf32, #tpu.memory_space<vmem>>[vector<16xi32>], vector<16xf32>,
      %add3A_541 = arith.addf %scan3A_523, %gather3A_540 : vector<16xf32>
      %get3A_542 = arith.index_cast %scan3A_520 : i32 to index
      %get3A_543 = arith.constant 48 : index
      %get3A_544 = tpu.vector_load %arg8[%get3A_542, %get3A_543] {strides = array<i32>} : memref<56x128xi32, #tpu.memory_space<vmem>>, vector<16xi32>,
      %gather3A_545 = tpu.vector_load_idx %arg5[%get3A_544] : memref<100000xf32, #tpu.memory_space<vmem>>[vector<16xi32>], vector<16xf32>,
      %add3A_546 = arith.addf %scan3A_524, %gather3A_545 : vector<16xf32>
      %get3A_547 = arith.index_cast %scan3A_520 : i32 to index
      %get3A_548 = arith.constant 64 : index
      %get3A_549 = tpu.vector_load %arg8[%get3A_547, %get3A_548] {strides = array<i32>} : memref<56x128xi32, #tpu.memory_space<vmem>>, vector<16xi32>,
      %gather3A_550 = tpu.vector_load_idx %arg5[%get3A_549] : memref<100000xf32, #tpu.memory_space<vmem>>[vector<16xi32>], vector<16xf32>,
      %add3A_551 = arith.addf %scan3A_525, %gather3A_550 : vector<16xf32>
      %get3A_552 = arith.index_cast %scan3A_520 : i32 to index
      %get3A_553 = arith.constant 80 : index
      %get3A_554 = tpu.vector_load %arg8[%get3A_552, %get3A_553] {strides = array<i32>} : memref<56x128xi32, #tpu.memory_space<vmem>>, vector<16xi32>,
      %gather3A_555 = tpu.vector_load_idx %arg5[%get3A_554] : memref<100000xf32, #tpu.memory_space<vmem>>[vector<16xi32>], vector<16xf32>,
      %add3A_556 = arith.addf %scan3A_526, %gather3A_555 : vector<16xf32>
      %get3A_557 = arith.index_cast %scan3A_520 : i32 to index
      %get3A_558 = arith.constant 96 : index
      %get3A_559 = tpu.vector_load %arg8[%get3A_557, %get3A_558] {strides = array<i32>} : memref<56x128xi32, #tpu.memory_space<vmem>>, vector<16xi32>,
      %gather3A_560 = tpu.vector_load_idx %arg5[%get3A_559] : memref<100000xf32, #tpu.memory_space<vmem>>[vector<16xi32>], vector<16xf32>,
      %add3A_561 = arith.addf %scan3A_527, %gather3A_560 : vector<16xf32>
      %get3A_562 = arith.index_cast %scan3A_520 : i32 to index
      %get3A_563 = arith.constant 112 : index
      %get3A_564 = tpu.vector_load %arg8[%get3A_562, %get3A_563] {strides = array<i32>} : memref<56x128xi32, #tpu.memory_space<vmem>>, vector<16xi32>,
      %gather3A_565 = tpu.vector_load_idx %arg5[%get3A_564] : memref<100000xf32, #tpu.memory_space<vmem>>[vector<16xi32>], vector<16xf32>,
      %add3A_566 = arith.addf %scan3A_528, %gather3A_565 : vector<16xf32>
      %scan3A_567 = arith.constant 1 : i32
      %scan3A_568 = arith.addi %scan3A_520, %scan3A_567 : i32
      %get3A_569 = arith.index_cast %scan3A_568 : i32 to index
      %get3A_570 = arith.constant 0 : index
      %get3A_571 = tpu.vector_load %arg8[%get3A_569, %get3A_570] {strides = array<i32>} : memref<56x128xi32, #tpu.memory_space<vmem>>, vector<16xi32>,
      %gather3A_572 = tpu.vector_load_idx %arg5[%get3A_571] : memref<100000xf32, #tpu.memory_space<vmem>>[vector<16xi32>], vector<16xf32>,
      %add3A_573 = arith.addf %add3A_531, %gather3A_572 : vector<16xf32>
      %get3A_574 = arith.index_cast %scan3A_568 : i32 to index
      %get3A_575 = arith.constant 16 : index
      %get3A_576 = tpu.vector_load %arg8[%get3A_574, %get3A_575] {strides = array<i32>} : memref<56x128xi32, #tpu.memory_space<vmem>>, vector<16xi32>,
      %gather3A_577 = tpu.vector_load_idx %arg5[%get3A_576] : memref<100000xf32, #tpu.memory_space<vmem>>[vector<16xi32>], vector<16xf32>,
      %add3A_578 = arith.addf %add3A_536, %gather3A_577 : vector<16xf32>
      %get3A_579 = arith.index_cast %scan3A_568 : i32 to index
      %get3A_580 = arith.constant 32 : index
      %get3A_581 = tpu.vector_load %arg8[%get3A_579, %get3A_580] {strides = array<i32>} : memref<56x128xi32, #tpu.memory_space<vmem>>, vector<16xi32>,
      %gather3A_582 = tpu.vector_load_idx %arg5[%get3A_581] : memref<100000xf32, #tpu.memory_space<vmem>>[vector<16xi32>], vector<16xf32>,
      %add3A_583 = arith.addf %add3A_541, %gather3A_582 : vector<16xf32>
      %get3A_584 = arith.index_cast %scan3A_568 : i32 to index
      %get3A_585 = arith.constant 48 : index
      %get3A_586 = tpu.vector_load %arg8[%get3A_584, %get3A_585] {strides = array<i32>} : memref<56x128xi32, #tpu.memory_space<vmem>>, vector<16xi32>,
      %gather3A_587 = tpu.vector_load_idx %arg5[%get3A_586] : memref<100000xf32, #tpu.memory_space<vmem>>[vector<16xi32>], vector<16xf32>,
      %add3A_588 = arith.addf %add3A_546, %gather3A_587 : vector<16xf32>
      %get3A_589 = arith.index_cast %scan3A_568 : i32 to index
      %get3A_590 = arith.constant 64 : index
      %get3A_591 = tpu.vector_load %arg8[%get3A_589, %get3A_590] {strides = array<i32>} : memref<56x128xi32, #tpu.memory_space<vmem>>, vector<16xi32>,
      %gather3A_592 = tpu.vector_load_idx %arg5[%get3A_591] : memref<100000xf32, #tpu.memory_space<vmem>>[vector<16xi32>], vector<16xf32>,
      %add3A_593 = arith.addf %add3A_551, %gather3A_592 : vector<16xf32>
      %get3A_594 = arith.index_cast %scan3A_568 : i32 to index
      %get3A_595 = arith.constant 80 : index
      %get3A_596 = tpu.vector_load %arg8[%get3A_594, %get3A_595] {strides = array<i32>} : memref<56x128xi32, #tpu.memory_space<vmem>>, vector<16xi32>,
      %gather3A_597 = tpu.vector_load_idx %arg5[%get3A_596] : memref<100000xf32, #tpu.memory_space<vmem>>[vector<16xi32>], vector<16xf32>,
      %add3A_598 = arith.addf %add3A_556, %gather3A_597 : vector<16xf32>
      %get3A_599 = arith.index_cast %scan3A_568 : i32 to index
      %get3A_600 = arith.constant 96 : index
      %get3A_601 = tpu.vector_load %arg8[%get3A_599, %get3A_600] {strides = array<i32>} : memref<56x128xi32, #tpu.memory_space<vmem>>, vector<16xi32>,
      %gather3A_602 = tpu.vector_load_idx %arg5[%get3A_601] : memref<100000xf32, #tpu.memory_space<vmem>>[vector<16xi32>], vector<16xf32>,
      %add3A_603 = arith.addf %add3A_561, %gather3A_602 : vector<16xf32>
      %get3A_604 = arith.index_cast %scan3A_568 : i32 to index
      %get3A_605 = arith.constant 112 : index
      %get3A_606 = tpu.vector_load %arg8[%get3A_604, %get3A_605] {strides = array<i32>} : memref<56x128xi32, #tpu.memory_space<vmem>>, vector<16xi32>,
      %gather3A_607 = tpu.vector_load_idx %arg5[%get3A_606] : memref<100000xf32, #tpu.memory_space<vmem>>[vector<16xi32>], vector<16xf32>,
      %add3A_608 = arith.addf %add3A_566, %gather3A_607 : vector<16xf32>
      %scan3A_609 = arith.constant 2 : i32
      %scan3A_610 = arith.addi %scan3A_520, %scan3A_609 : i32
      %get3A_611 = arith.index_cast %scan3A_610 : i32 to index
      %get3A_612 = arith.constant 0 : index
      %get3A_613 = tpu.vector_load %arg8[%get3A_611, %get3A_612] {strides = array<i32>} : memref<56x128xi32, #tpu.memory_space<vmem>>, vector<16xi32>,
      %gather3A_614 = tpu.vector_load_idx %arg5[%get3A_613] : memref<100000xf32, #tpu.memory_space<vmem>>[vector<16xi32>], vector<16xf32>,
      %add3A_615 = arith.addf %add3A_573, %gather3A_614 : vector<16xf32>
      %get3A_616 = arith.index_cast %scan3A_610 : i32 to index
      %get3A_617 = arith.constant 16 : index
      %get3A_618 = tpu.vector_load %arg8[%get3A_616, %get3A_617] {strides = array<i32>} : memref<56x128xi32, #tpu.memory_space<vmem>>, vector<16xi32>,
      %gather3A_619 = tpu.vector_load_idx %arg5[%get3A_618] : memref<100000xf32, #tpu.memory_space<vmem>>[vector<16xi32>], vector<16xf32>,
      %add3A_620 = arith.addf %add3A_578, %gather3A_619 : vector<16xf32>
      %get3A_621 = arith.index_cast %scan3A_610 : i32 to index
      %get3A_622 = arith.constant 32 : index
      %get3A_623 = tpu.vector_load %arg8[%get3A_621, %get3A_622] {strides = array<i32>} : memref<56x128xi32, #tpu.memory_space<vmem>>, vector<16xi32>,
      %gather3A_624 = tpu.vector_load_idx %arg5[%get3A_623] : memref<100000xf32, #tpu.memory_space<vmem>>[vector<16xi32>], vector<16xf32>,
      %add3A_625 = arith.addf %add3A_583, %gather3A_624 : vector<16xf32>
      %get3A_626 = arith.index_cast %scan3A_610 : i32 to index
      %get3A_627 = arith.constant 48 : index
      %get3A_628 = tpu.vector_load %arg8[%get3A_626, %get3A_627] {strides = array<i32>} : memref<56x128xi32, #tpu.memory_space<vmem>>, vector<16xi32>,
      %gather3A_629 = tpu.vector_load_idx %arg5[%get3A_628] : memref<100000xf32, #tpu.memory_space<vmem>>[vector<16xi32>], vector<16xf32>,
      %add3A_630 = arith.addf %add3A_588, %gather3A_629 : vector<16xf32>
      %get3A_631 = arith.index_cast %scan3A_610 : i32 to index
      %get3A_632 = arith.constant 64 : index
      %get3A_633 = tpu.vector_load %arg8[%get3A_631, %get3A_632] {strides = array<i32>} : memref<56x128xi32, #tpu.memory_space<vmem>>, vector<16xi32>,
      %gather3A_634 = tpu.vector_load_idx %arg5[%get3A_633] : memref<100000xf32, #tpu.memory_space<vmem>>[vector<16xi32>], vector<16xf32>,
      %add3A_635 = arith.addf %add3A_593, %gather3A_634 : vector<16xf32>
      %get3A_636 = arith.index_cast %scan3A_610 : i32 to index
      %get3A_637 = arith.constant 80 : index
      %get3A_638 = tpu.vector_load %arg8[%get3A_636, %get3A_637] {strides = array<i32>} : memref<56x128xi32, #tpu.memory_space<vmem>>, vector<16xi32>,
      %gather3A_639 = tpu.vector_load_idx %arg5[%get3A_638] : memref<100000xf32, #tpu.memory_space<vmem>>[vector<16xi32>], vector<16xf32>,
      %add3A_640 = arith.addf %add3A_598, %gather3A_639 : vector<16xf32>
      %get3A_641 = arith.index_cast %scan3A_610 : i32 to index
      %get3A_642 = arith.constant 96 : index
      %get3A_643 = tpu.vector_load %arg8[%get3A_641, %get3A_642] {strides = array<i32>} : memref<56x128xi32, #tpu.memory_space<vmem>>, vector<16xi32>,
      %gather3A_644 = tpu.vector_load_idx %arg5[%get3A_643] : memref<100000xf32, #tpu.memory_space<vmem>>[vector<16xi32>], vector<16xf32>,
      %add3A_645 = arith.addf %add3A_603, %gather3A_644 : vector<16xf32>
      %get3A_646 = arith.index_cast %scan3A_610 : i32 to index
      %get3A_647 = arith.constant 112 : index
      %get3A_648 = tpu.vector_load %arg8[%get3A_646, %get3A_647] {strides = array<i32>} : memref<56x128xi32, #tpu.memory_space<vmem>>, vector<16xi32>,
      %gather3A_649 = tpu.vector_load_idx %arg5[%get3A_648] : memref<100000xf32, #tpu.memory_space<vmem>>[vector<16xi32>], vector<16xf32>,
      %add3A_650 = arith.addf %add3A_608, %gather3A_649 : vector<16xf32>
      %scan3A_651 = arith.constant 3 : i32
      %scan3A_652 = arith.addi %scan3A_520, %scan3A_651 : i32
      %get3A_653 = arith.index_cast %scan3A_652 : i32 to index
      %get3A_654 = arith.constant 0 : index
      %get3A_655 = tpu.vector_load %arg8[%get3A_653, %get3A_654] {strides = array<i32>} : memref<56x128xi32, #tpu.memory_space<vmem>>, vector<16xi32>,
      %gather3A_656 = tpu.vector_load_idx %arg5[%get3A_655] : memref<100000xf32, #tpu.memory_space<vmem>>[vector<16xi32>], vector<16xf32>,
      %add3A_657 = arith.addf %add3A_615, %gather3A_656 : vector<16xf32>
      %get3A_658 = arith.index_cast %scan3A_652 : i32 to index
      %get3A_659 = arith.constant 16 : index
      %get3A_660 = tpu.vector_load %arg8[%get3A_658, %get3A_659] {strides = array<i32>} : memref<56x128xi32, #tpu.memory_space<vmem>>, vector<16xi32>,
      %gather3A_661 = tpu.vector_load_idx %arg5[%get3A_660] : memref<100000xf32, #tpu.memory_space<vmem>>[vector<16xi32>], vector<16xf32>,
      %add3A_662 = arith.addf %add3A_620, %gather3A_661 : vector<16xf32>
      %get3A_663 = arith.index_cast %scan3A_652 : i32 to index
      %get3A_664 = arith.constant 32 : index
      %get3A_665 = tpu.vector_load %arg8[%get3A_663, %get3A_664] {strides = array<i32>} : memref<56x128xi32, #tpu.memory_space<vmem>>, vector<16xi32>,
      %gather3A_666 = tpu.vector_load_idx %arg5[%get3A_665] : memref<100000xf32, #tpu.memory_space<vmem>>[vector<16xi32>], vector<16xf32>,
      %add3A_667 = arith.addf %add3A_625, %gather3A_666 : vector<16xf32>
      %get3A_668 = arith.index_cast %scan3A_652 : i32 to index
      %get3A_669 = arith.constant 48 : index
      %get3A_670 = tpu.vector_load %arg8[%get3A_668, %get3A_669] {strides = array<i32>} : memref<56x128xi32, #tpu.memory_space<vmem>>, vector<16xi32>,
      %gather3A_671 = tpu.vector_load_idx %arg5[%get3A_670] : memref<100000xf32, #tpu.memory_space<vmem>>[vector<16xi32>], vector<16xf32>,
      %add3A_672 = arith.addf %add3A_630, %gather3A_671 : vector<16xf32>
      %get3A_673 = arith.index_cast %scan3A_652 : i32 to index
      %get3A_674 = arith.constant 64 : index
      %get3A_675 = tpu.vector_load %arg8[%get3A_673, %get3A_674] {strides = array<i32>} : memref<56x128xi32, #tpu.memory_space<vmem>>, vector<16xi32>,
      %gather3A_676 = tpu.vector_load_idx %arg5[%get3A_675] : memref<100000xf32, #tpu.memory_space<vmem>>[vector<16xi32>], vector<16xf32>,
      %add3A_677 = arith.addf %add3A_635, %gather3A_676 : vector<16xf32>
      %get3A_678 = arith.index_cast %scan3A_652 : i32 to index
      %get3A_679 = arith.constant 80 : index
      %get3A_680 = tpu.vector_load %arg8[%get3A_678, %get3A_679] {strides = array<i32>} : memref<56x128xi32, #tpu.memory_space<vmem>>, vector<16xi32>,
      %gather3A_681 = tpu.vector_load_idx %arg5[%get3A_680] : memref<100000xf32, #tpu.memory_space<vmem>>[vector<16xi32>], vector<16xf32>,
      %add3A_682 = arith.addf %add3A_640, %gather3A_681 : vector<16xf32>
      %get3A_683 = arith.index_cast %scan3A_652 : i32 to index
      %get3A_684 = arith.constant 96 : index
      %get3A_685 = tpu.vector_load %arg8[%get3A_683, %get3A_684] {strides = array<i32>} : memref<56x128xi32, #tpu.memory_space<vmem>>, vector<16xi32>,
      %gather3A_686 = tpu.vector_load_idx %arg5[%get3A_685] : memref<100000xf32, #tpu.memory_space<vmem>>[vector<16xi32>], vector<16xf32>,
      %add3A_687 = arith.addf %add3A_645, %gather3A_686 : vector<16xf32>
      %get3A_688 = arith.index_cast %scan3A_652 : i32 to index
      %get3A_689 = arith.constant 112 : index
      %get3A_690 = tpu.vector_load %arg8[%get3A_688, %get3A_689] {strides = array<i32>} : memref<56x128xi32, #tpu.memory_space<vmem>>, vector<16xi32>,
      %gather3A_691 = tpu.vector_load_idx %arg5[%get3A_690] : memref<100000xf32, #tpu.memory_space<vmem>>[vector<16xi32>], vector<16xf32>,
      %add3A_692 = arith.addf %add3A_650, %gather3A_691 : vector<16xf32>
      scf.yield %add3A_657, %add3A_662, %add3A_667, %add3A_672, %add3A_677, %add3A_682, %add3A_687, %add3A_692 : vector<16xf32>, vector<16xf32>, vector<16xf32>, vector<16xf32>, vector<16xf32>, vector<16xf32>, vector<16xf32>, vector<16xf32>
    }
    %scan3A_459 = arith.constant 56 : i32
    %dma_wait3A_460 = arith.constant 0 : i32
    %dma_wait3A_461 = arith.constant 0 : i32
    %dma_wait3A_462 = tpu.memref_slice %arg7[%dma_wait3A_460, %dma_wait3A_461] : memref<56x128xi32, #tpu.memory_space<vmem>> -> memref<56x128xi32, #tpu.memory_space<vmem>>
    %dma_wait3A_463 = arith.constant 112 : i32
    %dma_wait3A_464 = tpu.memref_slice %arg3[%dma_wait3A_463, %add3A_443] : memref<200x16384xi32, #tpu.memory_space<hbm>> -> memref<56x128xi32, #tpu.memory_space<hbm>>
    %dma_wait3A_465 = arith.constant 0 : i32
    %dma_wait3A_466 = arith.constant 0 : i32
    %dma_wait3A_467 = tpu.memref_slice %arg7[%dma_wait3A_465, %dma_wait3A_466] : memref<56x128xi32, #tpu.memory_space<vmem>> -> memref<56x128xi32, #tpu.memory_space<vmem>>
    %dma_wait3A_468 = arith.constant 112 : i32
    %dma_wait3A_469 = tpu.memref_slice %arg3[%dma_wait3A_468, %add3A_443] : memref<200x16384xi32, #tpu.memory_space<hbm>> -> memref<56x128xi32, #tpu.memory_space<hbm>>
    tpu.wait_dma2 semaphore(%arg11 : memref<!tpu.dma_semaphore, #tpu.memory_space<semaphore_mem>>) src(%dma_wait3A_469 : memref<56x128xi32, #tpu.memory_space<hbm>>) dst(%dma_wait3A_467 : memref<56x128xi32, #tpu.memory_space<vmem>>)
    %add3A_470 = arith.constant 384 : i32
    %add3A_471 = arith.addi %mul3A_2, %add3A_470 : i32
    %dma_start3A_472 = arith.constant 0 : i32
    %dma_start3A_473 = arith.constant 0 : i32
    %dma_start3A_474 = tpu.memref_slice %arg8[%dma_start3A_472, %dma_start3A_473] : memref<56x128xi32, #tpu.memory_space<vmem>> -> memref<32x128xi32, #tpu.memory_space<vmem>>
    %dma_start3A_475 = arith.constant 168 : i32
    %dma_start3A_476 = tpu.memref_slice %arg3[%dma_start3A_475, %add3A_471] : memref<200x16384xi32, #tpu.memory_space<hbm>> -> memref<32x128xi32, #tpu.memory_space<hbm>>
    %dma_start3A_477 = arith.constant 0 : i32
    %dma_start3A_478 = arith.constant 0 : i32
    %dma_start3A_479 = tpu.memref_slice %arg8[%dma_start3A_477, %dma_start3A_478] : memref<56x128xi32, #tpu.memory_space<vmem>> -> memref<32x128xi32, #tpu.memory_space<vmem>>
    %dma_start3A_480 = arith.constant 168 : i32
    %dma_start3A_481 = tpu.memref_slice %arg3[%dma_start3A_480, %add3A_471] : memref<200x16384xi32, #tpu.memory_space<hbm>> -> memref<32x128xi32, #tpu.memory_space<hbm>>
    tpu.enqueue_dma source(%dma_start3A_481 : memref<32x128xi32, #tpu.memory_space<hbm>>) target(%dma_start3A_479 : memref<32x128xi32, #tpu.memory_space<vmem>>) target_semaphore(%arg12 : memref<!tpu.dma_semaphore, #tpu.memory_space<semaphore_mem>>)
    %scan3A_482 = arith.constant 0 : i32
    %scan3A_483 = arith.constant 56 : i32
    %scan3A_484 = arith.addi %scan3A_482, %scan3A_483 : i32
    %scan3A_485 = arith.constant 4 : i32
    %scan3A_486:8 = scf.for %scan3A_520 = %scan3A_482 to %scan3A_484 step %scan3A_485 iter_args(%scan3A_521 = %scan3A_458#0, %scan3A_522 = %scan3A_458#1, %scan3A_523 = %scan3A_458#2, %scan3A_524 = %scan3A_458#3, %scan3A_525 = %scan3A_458#4, %scan3A_526 = %scan3A_458#5, %scan3A_527 = %scan3A_458#6, %scan3A_528 = %scan3A_458#7) -> (vector<16xf32>, vector<16xf32>, vector<16xf32>, vector<16xf32>, vector<16xf32>, vector<16xf32>, vector<16xf32>, vector<16xf32>)  : i32 {
      %get3A = arith.index_cast %scan3A_520 : i32 to index
      %get3A_529 = arith.constant 0 : index
      %get3A_530 = tpu.vector_load %arg7[%get3A, %get3A_529] {strides = array<i32>} : memref<56x128xi32, #tpu.memory_space<vmem>>, vector<16xi32>,
      %gather3A = tpu.vector_load_idx %arg5[%get3A_530] : memref<100000xf32, #tpu.memory_space<vmem>>[vector<16xi32>], vector<16xf32>,
      %add3A_531 = arith.addf %scan3A_521, %gather3A : vector<16xf32>
      %get3A_532 = arith.index_cast %scan3A_520 : i32 to index
      %get3A_533 = arith.constant 16 : index
      %get3A_534 = tpu.vector_load %arg7[%get3A_532, %get3A_533] {strides = array<i32>} : memref<56x128xi32, #tpu.memory_space<vmem>>, vector<16xi32>,
      %gather3A_535 = tpu.vector_load_idx %arg5[%get3A_534] : memref<100000xf32, #tpu.memory_space<vmem>>[vector<16xi32>], vector<16xf32>,
      %add3A_536 = arith.addf %scan3A_522, %gather3A_535 : vector<16xf32>
      %get3A_537 = arith.index_cast %scan3A_520 : i32 to index
      %get3A_538 = arith.constant 32 : index
      %get3A_539 = tpu.vector_load %arg7[%get3A_537, %get3A_538] {strides = array<i32>} : memref<56x128xi32, #tpu.memory_space<vmem>>, vector<16xi32>,
      %gather3A_540 = tpu.vector_load_idx %arg5[%get3A_539] : memref<100000xf32, #tpu.memory_space<vmem>>[vector<16xi32>], vector<16xf32>,
      %add3A_541 = arith.addf %scan3A_523, %gather3A_540 : vector<16xf32>
      %get3A_542 = arith.index_cast %scan3A_520 : i32 to index
      %get3A_543 = arith.constant 48 : index
      %get3A_544 = tpu.vector_load %arg7[%get3A_542, %get3A_543] {strides = array<i32>} : memref<56x128xi32, #tpu.memory_space<vmem>>, vector<16xi32>,
      %gather3A_545 = tpu.vector_load_idx %arg5[%get3A_544] : memref<100000xf32, #tpu.memory_space<vmem>>[vector<16xi32>], vector<16xf32>,
      %add3A_546 = arith.addf %scan3A_524, %gather3A_545 : vector<16xf32>
      %get3A_547 = arith.index_cast %scan3A_520 : i32 to index
      %get3A_548 = arith.constant 64 : index
      %get3A_549 = tpu.vector_load %arg7[%get3A_547, %get3A_548] {strides = array<i32>} : memref<56x128xi32, #tpu.memory_space<vmem>>, vector<16xi32>,
      %gather3A_550 = tpu.vector_load_idx %arg5[%get3A_549] : memref<100000xf32, #tpu.memory_space<vmem>>[vector<16xi32>], vector<16xf32>,
      %add3A_551 = arith.addf %scan3A_525, %gather3A_550 : vector<16xf32>
      %get3A_552 = arith.index_cast %scan3A_520 : i32 to index
      %get3A_553 = arith.constant 80 : index
      %get3A_554 = tpu.vector_load %arg7[%get3A_552, %get3A_553] {strides = array<i32>} : memref<56x128xi32, #tpu.memory_space<vmem>>, vector<16xi32>,
      %gather3A_555 = tpu.vector_load_idx %arg5[%get3A_554] : memref<100000xf32, #tpu.memory_space<vmem>>[vector<16xi32>], vector<16xf32>,
      %add3A_556 = arith.addf %scan3A_526, %gather3A_555 : vector<16xf32>
      %get3A_557 = arith.index_cast %scan3A_520 : i32 to index
      %get3A_558 = arith.constant 96 : index
      %get3A_559 = tpu.vector_load %arg7[%get3A_557, %get3A_558] {strides = array<i32>} : memref<56x128xi32, #tpu.memory_space<vmem>>, vector<16xi32>,
      %gather3A_560 = tpu.vector_load_idx %arg5[%get3A_559] : memref<100000xf32, #tpu.memory_space<vmem>>[vector<16xi32>], vector<16xf32>,
      %add3A_561 = arith.addf %scan3A_527, %gather3A_560 : vector<16xf32>
      %get3A_562 = arith.index_cast %scan3A_520 : i32 to index
      %get3A_563 = arith.constant 112 : index
      %get3A_564 = tpu.vector_load %arg7[%get3A_562, %get3A_563] {strides = array<i32>} : memref<56x128xi32, #tpu.memory_space<vmem>>, vector<16xi32>,
      %gather3A_565 = tpu.vector_load_idx %arg5[%get3A_564] : memref<100000xf32, #tpu.memory_space<vmem>>[vector<16xi32>], vector<16xf32>,
      %add3A_566 = arith.addf %scan3A_528, %gather3A_565 : vector<16xf32>
      %scan3A_567 = arith.constant 1 : i32
      %scan3A_568 = arith.addi %scan3A_520, %scan3A_567 : i32
      %get3A_569 = arith.index_cast %scan3A_568 : i32 to index
      %get3A_570 = arith.constant 0 : index
      %get3A_571 = tpu.vector_load %arg7[%get3A_569, %get3A_570] {strides = array<i32>} : memref<56x128xi32, #tpu.memory_space<vmem>>, vector<16xi32>,
      %gather3A_572 = tpu.vector_load_idx %arg5[%get3A_571] : memref<100000xf32, #tpu.memory_space<vmem>>[vector<16xi32>], vector<16xf32>,
      %add3A_573 = arith.addf %add3A_531, %gather3A_572 : vector<16xf32>
      %get3A_574 = arith.index_cast %scan3A_568 : i32 to index
      %get3A_575 = arith.constant 16 : index
      %get3A_576 = tpu.vector_load %arg7[%get3A_574, %get3A_575] {strides = array<i32>} : memref<56x128xi32, #tpu.memory_space<vmem>>, vector<16xi32>,
      %gather3A_577 = tpu.vector_load_idx %arg5[%get3A_576] : memref<100000xf32, #tpu.memory_space<vmem>>[vector<16xi32>], vector<16xf32>,
      %add3A_578 = arith.addf %add3A_536, %gather3A_577 : vector<16xf32>
      %get3A_579 = arith.index_cast %scan3A_568 : i32 to index
      %get3A_580 = arith.constant 32 : index
      %get3A_581 = tpu.vector_load %arg7[%get3A_579, %get3A_580] {strides = array<i32>} : memref<56x128xi32, #tpu.memory_space<vmem>>, vector<16xi32>,
      %gather3A_582 = tpu.vector_load_idx %arg5[%get3A_581] : memref<100000xf32, #tpu.memory_space<vmem>>[vector<16xi32>], vector<16xf32>,
      %add3A_583 = arith.addf %add3A_541, %gather3A_582 : vector<16xf32>
      %get3A_584 = arith.index_cast %scan3A_568 : i32 to index
      %get3A_585 = arith.constant 48 : index
      %get3A_586 = tpu.vector_load %arg7[%get3A_584, %get3A_585] {strides = array<i32>} : memref<56x128xi32, #tpu.memory_space<vmem>>, vector<16xi32>,
      %gather3A_587 = tpu.vector_load_idx %arg5[%get3A_586] : memref<100000xf32, #tpu.memory_space<vmem>>[vector<16xi32>], vector<16xf32>,
      %add3A_588 = arith.addf %add3A_546, %gather3A_587 : vector<16xf32>
      %get3A_589 = arith.index_cast %scan3A_568 : i32 to index
      %get3A_590 = arith.constant 64 : index
      %get3A_591 = tpu.vector_load %arg7[%get3A_589, %get3A_590] {strides = array<i32>} : memref<56x128xi32, #tpu.memory_space<vmem>>, vector<16xi32>,
      %gather3A_592 = tpu.vector_load_idx %arg5[%get3A_591] : memref<100000xf32, #tpu.memory_space<vmem>>[vector<16xi32>], vector<16xf32>,
      %add3A_593 = arith.addf %add3A_551, %gather3A_592 : vector<16xf32>
      %get3A_594 = arith.index_cast %scan3A_568 : i32 to index
      %get3A_595 = arith.constant 80 : index
      %get3A_596 = tpu.vector_load %arg7[%get3A_594, %get3A_595] {strides = array<i32>} : memref<56x128xi32, #tpu.memory_space<vmem>>, vector<16xi32>,
      %gather3A_597 = tpu.vector_load_idx %arg5[%get3A_596] : memref<100000xf32, #tpu.memory_space<vmem>>[vector<16xi32>], vector<16xf32>,
      %add3A_598 = arith.addf %add3A_556, %gather3A_597 : vector<16xf32>
      %get3A_599 = arith.index_cast %scan3A_568 : i32 to index
      %get3A_600 = arith.constant 96 : index
      %get3A_601 = tpu.vector_load %arg7[%get3A_599, %get3A_600] {strides = array<i32>} : memref<56x128xi32, #tpu.memory_space<vmem>>, vector<16xi32>,
      %gather3A_602 = tpu.vector_load_idx %arg5[%get3A_601] : memref<100000xf32, #tpu.memory_space<vmem>>[vector<16xi32>], vector<16xf32>,
      %add3A_603 = arith.addf %add3A_561, %gather3A_602 : vector<16xf32>
      %get3A_604 = arith.index_cast %scan3A_568 : i32 to index
      %get3A_605 = arith.constant 112 : index
      %get3A_606 = tpu.vector_load %arg7[%get3A_604, %get3A_605] {strides = array<i32>} : memref<56x128xi32, #tpu.memory_space<vmem>>, vector<16xi32>,
      %gather3A_607 = tpu.vector_load_idx %arg5[%get3A_606] : memref<100000xf32, #tpu.memory_space<vmem>>[vector<16xi32>], vector<16xf32>,
      %add3A_608 = arith.addf %add3A_566, %gather3A_607 : vector<16xf32>
      %scan3A_609 = arith.constant 2 : i32
      %scan3A_610 = arith.addi %scan3A_520, %scan3A_609 : i32
      %get3A_611 = arith.index_cast %scan3A_610 : i32 to index
      %get3A_612 = arith.constant 0 : index
      %get3A_613 = tpu.vector_load %arg7[%get3A_611, %get3A_612] {strides = array<i32>} : memref<56x128xi32, #tpu.memory_space<vmem>>, vector<16xi32>,
      %gather3A_614 = tpu.vector_load_idx %arg5[%get3A_613] : memref<100000xf32, #tpu.memory_space<vmem>>[vector<16xi32>], vector<16xf32>,
      %add3A_615 = arith.addf %add3A_573, %gather3A_614 : vector<16xf32>
      %get3A_616 = arith.index_cast %scan3A_610 : i32 to index
      %get3A_617 = arith.constant 16 : index
      %get3A_618 = tpu.vector_load %arg7[%get3A_616, %get3A_617] {strides = array<i32>} : memref<56x128xi32, #tpu.memory_space<vmem>>, vector<16xi32>,
      %gather3A_619 = tpu.vector_load_idx %arg5[%get3A_618] : memref<100000xf32, #tpu.memory_space<vmem>>[vector<16xi32>], vector<16xf32>,
      %add3A_620 = arith.addf %add3A_578, %gather3A_619 : vector<16xf32>
      %get3A_621 = arith.index_cast %scan3A_610 : i32 to index
      %get3A_622 = arith.constant 32 : index
      %get3A_623 = tpu.vector_load %arg7[%get3A_621, %get3A_622] {strides = array<i32>} : memref<56x128xi32, #tpu.memory_space<vmem>>, vector<16xi32>,
      %gather3A_624 = tpu.vector_load_idx %arg5[%get3A_623] : memref<100000xf32, #tpu.memory_space<vmem>>[vector<16xi32>], vector<16xf32>,
      %add3A_625 = arith.addf %add3A_583, %gather3A_624 : vector<16xf32>
      %get3A_626 = arith.index_cast %scan3A_610 : i32 to index
      %get3A_627 = arith.constant 48 : index
      %get3A_628 = tpu.vector_load %arg7[%get3A_626, %get3A_627] {strides = array<i32>} : memref<56x128xi32, #tpu.memory_space<vmem>>, vector<16xi32>,
      %gather3A_629 = tpu.vector_load_idx %arg5[%get3A_628] : memref<100000xf32, #tpu.memory_space<vmem>>[vector<16xi32>], vector<16xf32>,
      %add3A_630 = arith.addf %add3A_588, %gather3A_629 : vector<16xf32>
      %get3A_631 = arith.index_cast %scan3A_610 : i32 to index
      %get3A_632 = arith.constant 64 : index
      %get3A_633 = tpu.vector_load %arg7[%get3A_631, %get3A_632] {strides = array<i32>} : memref<56x128xi32, #tpu.memory_space<vmem>>, vector<16xi32>,
      %gather3A_634 = tpu.vector_load_idx %arg5[%get3A_633] : memref<100000xf32, #tpu.memory_space<vmem>>[vector<16xi32>], vector<16xf32>,
      %add3A_635 = arith.addf %add3A_593, %gather3A_634 : vector<16xf32>
      %get3A_636 = arith.index_cast %scan3A_610 : i32 to index
      %get3A_637 = arith.constant 80 : index
      %get3A_638 = tpu.vector_load %arg7[%get3A_636, %get3A_637] {strides = array<i32>} : memref<56x128xi32, #tpu.memory_space<vmem>>, vector<16xi32>,
      %gather3A_639 = tpu.vector_load_idx %arg5[%get3A_638] : memref<100000xf32, #tpu.memory_space<vmem>>[vector<16xi32>], vector<16xf32>,
      %add3A_640 = arith.addf %add3A_598, %gather3A_639 : vector<16xf32>
      %get3A_641 = arith.index_cast %scan3A_610 : i32 to index
      %get3A_642 = arith.constant 96 : index
      %get3A_643 = tpu.vector_load %arg7[%get3A_641, %get3A_642] {strides = array<i32>} : memref<56x128xi32, #tpu.memory_space<vmem>>, vector<16xi32>,
      %gather3A_644 = tpu.vector_load_idx %arg5[%get3A_643] : memref<100000xf32, #tpu.memory_space<vmem>>[vector<16xi32>], vector<16xf32>,
      %add3A_645 = arith.addf %add3A_603, %gather3A_644 : vector<16xf32>
      %get3A_646 = arith.index_cast %scan3A_610 : i32 to index
      %get3A_647 = arith.constant 112 : index
      %get3A_648 = tpu.vector_load %arg7[%get3A_646, %get3A_647] {strides = array<i32>} : memref<56x128xi32, #tpu.memory_space<vmem>>, vector<16xi32>,
      %gather3A_649 = tpu.vector_load_idx %arg5[%get3A_648] : memref<100000xf32, #tpu.memory_space<vmem>>[vector<16xi32>], vector<16xf32>,
      %add3A_650 = arith.addf %add3A_608, %gather3A_649 : vector<16xf32>
      %scan3A_651 = arith.constant 3 : i32
      %scan3A_652 = arith.addi %scan3A_520, %scan3A_651 : i32
      %get3A_653 = arith.index_cast %scan3A_652 : i32 to index
      %get3A_654 = arith.constant 0 : index
      %get3A_655 = tpu.vector_load %arg7[%get3A_653, %get3A_654] {strides = array<i32>} : memref<56x128xi32, #tpu.memory_space<vmem>>, vector<16xi32>,
      %gather3A_656 = tpu.vector_load_idx %arg5[%get3A_655] : memref<100000xf32, #tpu.memory_space<vmem>>[vector<16xi32>], vector<16xf32>,
      %add3A_657 = arith.addf %add3A_615, %gather3A_656 : vector<16xf32>
      %get3A_658 = arith.index_cast %scan3A_652 : i32 to index
      %get3A_659 = arith.constant 16 : index
      %get3A_660 = tpu.vector_load %arg7[%get3A_658, %get3A_659] {strides = array<i32>} : memref<56x128xi32, #tpu.memory_space<vmem>>, vector<16xi32>,
      %gather3A_661 = tpu.vector_load_idx %arg5[%get3A_660] : memref<100000xf32, #tpu.memory_space<vmem>>[vector<16xi32>], vector<16xf32>,
      %add3A_662 = arith.addf %add3A_620, %gather3A_661 : vector<16xf32>
      %get3A_663 = arith.index_cast %scan3A_652 : i32 to index
      %get3A_664 = arith.constant 32 : index
      %get3A_665 = tpu.vector_load %arg7[%get3A_663, %get3A_664] {strides = array<i32>} : memref<56x128xi32, #tpu.memory_space<vmem>>, vector<16xi32>,
      %gather3A_666 = tpu.vector_load_idx %arg5[%get3A_665] : memref<100000xf32, #tpu.memory_space<vmem>>[vector<16xi32>], vector<16xf32>,
      %add3A_667 = arith.addf %add3A_625, %gather3A_666 : vector<16xf32>
      %get3A_668 = arith.index_cast %scan3A_652 : i32 to index
      %get3A_669 = arith.constant 48 : index
      %get3A_670 = tpu.vector_load %arg7[%get3A_668, %get3A_669] {strides = array<i32>} : memref<56x128xi32, #tpu.memory_space<vmem>>, vector<16xi32>,
      %gather3A_671 = tpu.vector_load_idx %arg5[%get3A_670] : memref<100000xf32, #tpu.memory_space<vmem>>[vector<16xi32>], vector<16xf32>,
      %add3A_672 = arith.addf %add3A_630, %gather3A_671 : vector<16xf32>
      %get3A_673 = arith.index_cast %scan3A_652 : i32 to index
      %get3A_674 = arith.constant 64 : index
      %get3A_675 = tpu.vector_load %arg7[%get3A_673, %get3A_674] {strides = array<i32>} : memref<56x128xi32, #tpu.memory_space<vmem>>, vector<16xi32>,
      %gather3A_676 = tpu.vector_load_idx %arg5[%get3A_675] : memref<100000xf32, #tpu.memory_space<vmem>>[vector<16xi32>], vector<16xf32>,
      %add3A_677 = arith.addf %add3A_635, %gather3A_676 : vector<16xf32>
      %get3A_678 = arith.index_cast %scan3A_652 : i32 to index
      %get3A_679 = arith.constant 80 : index
      %get3A_680 = tpu.vector_load %arg7[%get3A_678, %get3A_679] {strides = array<i32>} : memref<56x128xi32, #tpu.memory_space<vmem>>, vector<16xi32>,
      %gather3A_681 = tpu.vector_load_idx %arg5[%get3A_680] : memref<100000xf32, #tpu.memory_space<vmem>>[vector<16xi32>], vector<16xf32>,
      %add3A_682 = arith.addf %add3A_640, %gather3A_681 : vector<16xf32>
      %get3A_683 = arith.index_cast %scan3A_652 : i32 to index
      %get3A_684 = arith.constant 96 : index
      %get3A_685 = tpu.vector_load %arg7[%get3A_683, %get3A_684] {strides = array<i32>} : memref<56x128xi32, #tpu.memory_space<vmem>>, vector<16xi32>,
      %gather3A_686 = tpu.vector_load_idx %arg5[%get3A_685] : memref<100000xf32, #tpu.memory_space<vmem>>[vector<16xi32>], vector<16xf32>,
      %add3A_687 = arith.addf %add3A_645, %gather3A_686 : vector<16xf32>
      %get3A_688 = arith.index_cast %scan3A_652 : i32 to index
      %get3A_689 = arith.constant 112 : index
      %get3A_690 = tpu.vector_load %arg7[%get3A_688, %get3A_689] {strides = array<i32>} : memref<56x128xi32, #tpu.memory_space<vmem>>, vector<16xi32>,
      %gather3A_691 = tpu.vector_load_idx %arg5[%get3A_690] : memref<100000xf32, #tpu.memory_space<vmem>>[vector<16xi32>], vector<16xf32>,
      %add3A_692 = arith.addf %add3A_650, %gather3A_691 : vector<16xf32>
      scf.yield %add3A_657, %add3A_662, %add3A_667, %add3A_672, %add3A_677, %add3A_682, %add3A_687, %add3A_692 : vector<16xf32>, vector<16xf32>, vector<16xf32>, vector<16xf32>, vector<16xf32>, vector<16xf32>, vector<16xf32>, vector<16xf32>
    }
    %scan3A_487 = arith.constant 56 : i32
    %dma_wait3A_488 = arith.constant 0 : i32
    %dma_wait3A_489 = arith.constant 0 : i32
    %dma_wait3A_490 = tpu.memref_slice %arg8[%dma_wait3A_488, %dma_wait3A_489] : memref<56x128xi32, #tpu.memory_space<vmem>> -> memref<32x128xi32, #tpu.memory_space<vmem>>
    %dma_wait3A_491 = arith.constant 168 : i32
    %dma_wait3A_492 = tpu.memref_slice %arg3[%dma_wait3A_491, %add3A_471] : memref<200x16384xi32, #tpu.memory_space<hbm>> -> memref<32x128xi32, #tpu.memory_space<hbm>>
    %dma_wait3A_493 = arith.constant 0 : i32
    %dma_wait3A_494 = arith.constant 0 : i32
    %dma_wait3A_495 = tpu.memref_slice %arg8[%dma_wait3A_493, %dma_wait3A_494] : memref<56x128xi32, #tpu.memory_space<vmem>> -> memref<32x128xi32, #tpu.memory_space<vmem>>
    %dma_wait3A_496 = arith.constant 168 : i32
    %dma_wait3A_497 = tpu.memref_slice %arg3[%dma_wait3A_496, %add3A_471] : memref<200x16384xi32, #tpu.memory_space<hbm>> -> memref<32x128xi32, #tpu.memory_space<hbm>>
    tpu.wait_dma2 semaphore(%arg12 : memref<!tpu.dma_semaphore, #tpu.memory_space<semaphore_mem>>) src(%dma_wait3A_497 : memref<32x128xi32, #tpu.memory_space<hbm>>) dst(%dma_wait3A_495 : memref<32x128xi32, #tpu.memory_space<vmem>>)
    %scan3A_498 = arith.constant 0 : i32
    %scan3A_499 = arith.constant 32 : i32
    %scan3A_500 = arith.addi %scan3A_498, %scan3A_499 : i32
    %scan3A_501 = arith.constant 4 : i32
    %scan3A_502:8 = scf.for %scan3A_520 = %scan3A_498 to %scan3A_500 step %scan3A_501 iter_args(%scan3A_521 = %scan3A_486#0, %scan3A_522 = %scan3A_486#1, %scan3A_523 = %scan3A_486#2, %scan3A_524 = %scan3A_486#3, %scan3A_525 = %scan3A_486#4, %scan3A_526 = %scan3A_486#5, %scan3A_527 = %scan3A_486#6, %scan3A_528 = %scan3A_486#7) -> (vector<16xf32>, vector<16xf32>, vector<16xf32>, vector<16xf32>, vector<16xf32>, vector<16xf32>, vector<16xf32>, vector<16xf32>)  : i32 {
      %get3A = arith.index_cast %scan3A_520 : i32 to index
      %get3A_529 = arith.constant 0 : index
      %get3A_530 = tpu.vector_load %arg8[%get3A, %get3A_529] {strides = array<i32>} : memref<56x128xi32, #tpu.memory_space<vmem>>, vector<16xi32>,
      %gather3A = tpu.vector_load_idx %arg5[%get3A_530] : memref<100000xf32, #tpu.memory_space<vmem>>[vector<16xi32>], vector<16xf32>,
      %add3A_531 = arith.addf %scan3A_521, %gather3A : vector<16xf32>
      %get3A_532 = arith.index_cast %scan3A_520 : i32 to index
      %get3A_533 = arith.constant 16 : index
      %get3A_534 = tpu.vector_load %arg8[%get3A_532, %get3A_533] {strides = array<i32>} : memref<56x128xi32, #tpu.memory_space<vmem>>, vector<16xi32>,
      %gather3A_535 = tpu.vector_load_idx %arg5[%get3A_534] : memref<100000xf32, #tpu.memory_space<vmem>>[vector<16xi32>], vector<16xf32>,
      %add3A_536 = arith.addf %scan3A_522, %gather3A_535 : vector<16xf32>
      %get3A_537 = arith.index_cast %scan3A_520 : i32 to index
      %get3A_538 = arith.constant 32 : index
      %get3A_539 = tpu.vector_load %arg8[%get3A_537, %get3A_538] {strides = array<i32>} : memref<56x128xi32, #tpu.memory_space<vmem>>, vector<16xi32>,
      %gather3A_540 = tpu.vector_load_idx %arg5[%get3A_539] : memref<100000xf32, #tpu.memory_space<vmem>>[vector<16xi32>], vector<16xf32>,
      %add3A_541 = arith.addf %scan3A_523, %gather3A_540 : vector<16xf32>
      %get3A_542 = arith.index_cast %scan3A_520 : i32 to index
      %get3A_543 = arith.constant 48 : index
      %get3A_544 = tpu.vector_load %arg8[%get3A_542, %get3A_543] {strides = array<i32>} : memref<56x128xi32, #tpu.memory_space<vmem>>, vector<16xi32>,
      %gather3A_545 = tpu.vector_load_idx %arg5[%get3A_544] : memref<100000xf32, #tpu.memory_space<vmem>>[vector<16xi32>], vector<16xf32>,
      %add3A_546 = arith.addf %scan3A_524, %gather3A_545 : vector<16xf32>
      %get3A_547 = arith.index_cast %scan3A_520 : i32 to index
      %get3A_548 = arith.constant 64 : index
      %get3A_549 = tpu.vector_load %arg8[%get3A_547, %get3A_548] {strides = array<i32>} : memref<56x128xi32, #tpu.memory_space<vmem>>, vector<16xi32>,
      %gather3A_550 = tpu.vector_load_idx %arg5[%get3A_549] : memref<100000xf32, #tpu.memory_space<vmem>>[vector<16xi32>], vector<16xf32>,
      %add3A_551 = arith.addf %scan3A_525, %gather3A_550 : vector<16xf32>
      %get3A_552 = arith.index_cast %scan3A_520 : i32 to index
      %get3A_553 = arith.constant 80 : index
      %get3A_554 = tpu.vector_load %arg8[%get3A_552, %get3A_553] {strides = array<i32>} : memref<56x128xi32, #tpu.memory_space<vmem>>, vector<16xi32>,
      %gather3A_555 = tpu.vector_load_idx %arg5[%get3A_554] : memref<100000xf32, #tpu.memory_space<vmem>>[vector<16xi32>], vector<16xf32>,
      %add3A_556 = arith.addf %scan3A_526, %gather3A_555 : vector<16xf32>
      %get3A_557 = arith.index_cast %scan3A_520 : i32 to index
      %get3A_558 = arith.constant 96 : index
      %get3A_559 = tpu.vector_load %arg8[%get3A_557, %get3A_558] {strides = array<i32>} : memref<56x128xi32, #tpu.memory_space<vmem>>, vector<16xi32>,
      %gather3A_560 = tpu.vector_load_idx %arg5[%get3A_559] : memref<100000xf32, #tpu.memory_space<vmem>>[vector<16xi32>], vector<16xf32>,
      %add3A_561 = arith.addf %scan3A_527, %gather3A_560 : vector<16xf32>
      %get3A_562 = arith.index_cast %scan3A_520 : i32 to index
      %get3A_563 = arith.constant 112 : index
      %get3A_564 = tpu.vector_load %arg8[%get3A_562, %get3A_563] {strides = array<i32>} : memref<56x128xi32, #tpu.memory_space<vmem>>, vector<16xi32>,
      %gather3A_565 = tpu.vector_load_idx %arg5[%get3A_564] : memref<100000xf32, #tpu.memory_space<vmem>>[vector<16xi32>], vector<16xf32>,
      %add3A_566 = arith.addf %scan3A_528, %gather3A_565 : vector<16xf32>
      %scan3A_567 = arith.constant 1 : i32
      %scan3A_568 = arith.addi %scan3A_520, %scan3A_567 : i32
      %get3A_569 = arith.index_cast %scan3A_568 : i32 to index
      %get3A_570 = arith.constant 0 : index
      %get3A_571 = tpu.vector_load %arg8[%get3A_569, %get3A_570] {strides = array<i32>} : memref<56x128xi32, #tpu.memory_space<vmem>>, vector<16xi32>,
      %gather3A_572 = tpu.vector_load_idx %arg5[%get3A_571] : memref<100000xf32, #tpu.memory_space<vmem>>[vector<16xi32>], vector<16xf32>,
      %add3A_573 = arith.addf %add3A_531, %gather3A_572 : vector<16xf32>
      %get3A_574 = arith.index_cast %scan3A_568 : i32 to index
      %get3A_575 = arith.constant 16 : index
      %get3A_576 = tpu.vector_load %arg8[%get3A_574, %get3A_575] {strides = array<i32>} : memref<56x128xi32, #tpu.memory_space<vmem>>, vector<16xi32>,
      %gather3A_577 = tpu.vector_load_idx %arg5[%get3A_576] : memref<100000xf32, #tpu.memory_space<vmem>>[vector<16xi32>], vector<16xf32>,
      %add3A_578 = arith.addf %add3A_536, %gather3A_577 : vector<16xf32>
      %get3A_579 = arith.index_cast %scan3A_568 : i32 to index
      %get3A_580 = arith.constant 32 : index
      %get3A_581 = tpu.vector_load %arg8[%get3A_579, %get3A_580] {strides = array<i32>} : memref<56x128xi32, #tpu.memory_space<vmem>>, vector<16xi32>,
      %gather3A_582 = tpu.vector_load_idx %arg5[%get3A_581] : memref<100000xf32, #tpu.memory_space<vmem>>[vector<16xi32>], vector<16xf32>,
      %add3A_583 = arith.addf %add3A_541, %gather3A_582 : vector<16xf32>
      %get3A_584 = arith.index_cast %scan3A_568 : i32 to index
      %get3A_585 = arith.constant 48 : index
      %get3A_586 = tpu.vector_load %arg8[%get3A_584, %get3A_585] {strides = array<i32>} : memref<56x128xi32, #tpu.memory_space<vmem>>, vector<16xi32>,
      %gather3A_587 = tpu.vector_load_idx %arg5[%get3A_586] : memref<100000xf32, #tpu.memory_space<vmem>>[vector<16xi32>], vector<16xf32>,
      %add3A_588 = arith.addf %add3A_546, %gather3A_587 : vector<16xf32>
      %get3A_589 = arith.index_cast %scan3A_568 : i32 to index
      %get3A_590 = arith.constant 64 : index
      %get3A_591 = tpu.vector_load %arg8[%get3A_589, %get3A_590] {strides = array<i32>} : memref<56x128xi32, #tpu.memory_space<vmem>>, vector<16xi32>,
      %gather3A_592 = tpu.vector_load_idx %arg5[%get3A_591] : memref<100000xf32, #tpu.memory_space<vmem>>[vector<16xi32>], vector<16xf32>,
      %add3A_593 = arith.addf %add3A_551, %gather3A_592 : vector<16xf32>
      %get3A_594 = arith.index_cast %scan3A_568 : i32 to index
      %get3A_595 = arith.constant 80 : index
      %get3A_596 = tpu.vector_load %arg8[%get3A_594, %get3A_595] {strides = array<i32>} : memref<56x128xi32, #tpu.memory_space<vmem>>, vector<16xi32>,
      %gather3A_597 = tpu.vector_load_idx %arg5[%get3A_596] : memref<100000xf32, #tpu.memory_space<vmem>>[vector<16xi32>], vector<16xf32>,
      %add3A_598 = arith.addf %add3A_556, %gather3A_597 : vector<16xf32>
      %get3A_599 = arith.index_cast %scan3A_568 : i32 to index
      %get3A_600 = arith.constant 96 : index
      %get3A_601 = tpu.vector_load %arg8[%get3A_599, %get3A_600] {strides = array<i32>} : memref<56x128xi32, #tpu.memory_space<vmem>>, vector<16xi32>,
      %gather3A_602 = tpu.vector_load_idx %arg5[%get3A_601] : memref<100000xf32, #tpu.memory_space<vmem>>[vector<16xi32>], vector<16xf32>,
      %add3A_603 = arith.addf %add3A_561, %gather3A_602 : vector<16xf32>
      %get3A_604 = arith.index_cast %scan3A_568 : i32 to index
      %get3A_605 = arith.constant 112 : index
      %get3A_606 = tpu.vector_load %arg8[%get3A_604, %get3A_605] {strides = array<i32>} : memref<56x128xi32, #tpu.memory_space<vmem>>, vector<16xi32>,
      %gather3A_607 = tpu.vector_load_idx %arg5[%get3A_606] : memref<100000xf32, #tpu.memory_space<vmem>>[vector<16xi32>], vector<16xf32>,
      %add3A_608 = arith.addf %add3A_566, %gather3A_607 : vector<16xf32>
      %scan3A_609 = arith.constant 2 : i32
      %scan3A_610 = arith.addi %scan3A_520, %scan3A_609 : i32
      %get3A_611 = arith.index_cast %scan3A_610 : i32 to index
      %get3A_612 = arith.constant 0 : index
      %get3A_613 = tpu.vector_load %arg8[%get3A_611, %get3A_612] {strides = array<i32>} : memref<56x128xi32, #tpu.memory_space<vmem>>, vector<16xi32>,
      %gather3A_614 = tpu.vector_load_idx %arg5[%get3A_613] : memref<100000xf32, #tpu.memory_space<vmem>>[vector<16xi32>], vector<16xf32>,
      %add3A_615 = arith.addf %add3A_573, %gather3A_614 : vector<16xf32>
      %get3A_616 = arith.index_cast %scan3A_610 : i32 to index
      %get3A_617 = arith.constant 16 : index
      %get3A_618 = tpu.vector_load %arg8[%get3A_616, %get3A_617] {strides = array<i32>} : memref<56x128xi32, #tpu.memory_space<vmem>>, vector<16xi32>,
      %gather3A_619 = tpu.vector_load_idx %arg5[%get3A_618] : memref<100000xf32, #tpu.memory_space<vmem>>[vector<16xi32>], vector<16xf32>,
      %add3A_620 = arith.addf %add3A_578, %gather3A_619 : vector<16xf32>
      %get3A_621 = arith.index_cast %scan3A_610 : i32 to index
      %get3A_622 = arith.constant 32 : index
      %get3A_623 = tpu.vector_load %arg8[%get3A_621, %get3A_622] {strides = array<i32>} : memref<56x128xi32, #tpu.memory_space<vmem>>, vector<16xi32>,
      %gather3A_624 = tpu.vector_load_idx %arg5[%get3A_623] : memref<100000xf32, #tpu.memory_space<vmem>>[vector<16xi32>], vector<16xf32>,
      %add3A_625 = arith.addf %add3A_583, %gather3A_624 : vector<16xf32>
      %get3A_626 = arith.index_cast %scan3A_610 : i32 to index
      %get3A_627 = arith.constant 48 : index
      %get3A_628 = tpu.vector_load %arg8[%get3A_626, %get3A_627] {strides = array<i32>} : memref<56x128xi32, #tpu.memory_space<vmem>>, vector<16xi32>,
      %gather3A_629 = tpu.vector_load_idx %arg5[%get3A_628] : memref<100000xf32, #tpu.memory_space<vmem>>[vector<16xi32>], vector<16xf32>,
      %add3A_630 = arith.addf %add3A_588, %gather3A_629 : vector<16xf32>
      %get3A_631 = arith.index_cast %scan3A_610 : i32 to index
      %get3A_632 = arith.constant 64 : index
      %get3A_633 = tpu.vector_load %arg8[%get3A_631, %get3A_632] {strides = array<i32>} : memref<56x128xi32, #tpu.memory_space<vmem>>, vector<16xi32>,
      %gather3A_634 = tpu.vector_load_idx %arg5[%get3A_633] : memref<100000xf32, #tpu.memory_space<vmem>>[vector<16xi32>], vector<16xf32>,
      %add3A_635 = arith.addf %add3A_593, %gather3A_634 : vector<16xf32>
      %get3A_636 = arith.index_cast %scan3A_610 : i32 to index
      %get3A_637 = arith.constant 80 : index
      %get3A_638 = tpu.vector_load %arg8[%get3A_636, %get3A_637] {strides = array<i32>} : memref<56x128xi32, #tpu.memory_space<vmem>>, vector<16xi32>,
      %gather3A_639 = tpu.vector_load_idx %arg5[%get3A_638] : memref<100000xf32, #tpu.memory_space<vmem>>[vector<16xi32>], vector<16xf32>,
      %add3A_640 = arith.addf %add3A_598, %gather3A_639 : vector<16xf32>
      %get3A_641 = arith.index_cast %scan3A_610 : i32 to index
      %get3A_642 = arith.constant 96 : index
      %get3A_643 = tpu.vector_load %arg8[%get3A_641, %get3A_642] {strides = array<i32>} : memref<56x128xi32, #tpu.memory_space<vmem>>, vector<16xi32>,
      %gather3A_644 = tpu.vector_load_idx %arg5[%get3A_643] : memref<100000xf32, #tpu.memory_space<vmem>>[vector<16xi32>], vector<16xf32>,
      %add3A_645 = arith.addf %add3A_603, %gather3A_644 : vector<16xf32>
      %get3A_646 = arith.index_cast %scan3A_610 : i32 to index
      %get3A_647 = arith.constant 112 : index
      %get3A_648 = tpu.vector_load %arg8[%get3A_646, %get3A_647] {strides = array<i32>} : memref<56x128xi32, #tpu.memory_space<vmem>>, vector<16xi32>,
      %gather3A_649 = tpu.vector_load_idx %arg5[%get3A_648] : memref<100000xf32, #tpu.memory_space<vmem>>[vector<16xi32>], vector<16xf32>,
      %add3A_650 = arith.addf %add3A_608, %gather3A_649 : vector<16xf32>
      %scan3A_651 = arith.constant 3 : i32
      %scan3A_652 = arith.addi %scan3A_520, %scan3A_651 : i32
      %get3A_653 = arith.index_cast %scan3A_652 : i32 to index
      %get3A_654 = arith.constant 0 : index
      %get3A_655 = tpu.vector_load %arg8[%get3A_653, %get3A_654] {strides = array<i32>} : memref<56x128xi32, #tpu.memory_space<vmem>>, vector<16xi32>,
      %gather3A_656 = tpu.vector_load_idx %arg5[%get3A_655] : memref<100000xf32, #tpu.memory_space<vmem>>[vector<16xi32>], vector<16xf32>,
      %add3A_657 = arith.addf %add3A_615, %gather3A_656 : vector<16xf32>
      %get3A_658 = arith.index_cast %scan3A_652 : i32 to index
      %get3A_659 = arith.constant 16 : index
      %get3A_660 = tpu.vector_load %arg8[%get3A_658, %get3A_659] {strides = array<i32>} : memref<56x128xi32, #tpu.memory_space<vmem>>, vector<16xi32>,
      %gather3A_661 = tpu.vector_load_idx %arg5[%get3A_660] : memref<100000xf32, #tpu.memory_space<vmem>>[vector<16xi32>], vector<16xf32>,
      %add3A_662 = arith.addf %add3A_620, %gather3A_661 : vector<16xf32>
      %get3A_663 = arith.index_cast %scan3A_652 : i32 to index
      %get3A_664 = arith.constant 32 : index
      %get3A_665 = tpu.vector_load %arg8[%get3A_663, %get3A_664] {strides = array<i32>} : memref<56x128xi32, #tpu.memory_space<vmem>>, vector<16xi32>,
      %gather3A_666 = tpu.vector_load_idx %arg5[%get3A_665] : memref<100000xf32, #tpu.memory_space<vmem>>[vector<16xi32>], vector<16xf32>,
      %add3A_667 = arith.addf %add3A_625, %gather3A_666 : vector<16xf32>
      %get3A_668 = arith.index_cast %scan3A_652 : i32 to index
      %get3A_669 = arith.constant 48 : index
      %get3A_670 = tpu.vector_load %arg8[%get3A_668, %get3A_669] {strides = array<i32>} : memref<56x128xi32, #tpu.memory_space<vmem>>, vector<16xi32>,
      %gather3A_671 = tpu.vector_load_idx %arg5[%get3A_670] : memref<100000xf32, #tpu.memory_space<vmem>>[vector<16xi32>], vector<16xf32>,
      %add3A_672 = arith.addf %add3A_630, %gather3A_671 : vector<16xf32>
      %get3A_673 = arith.index_cast %scan3A_652 : i32 to index
      %get3A_674 = arith.constant 64 : index
      %get3A_675 = tpu.vector_load %arg8[%get3A_673, %get3A_674] {strides = array<i32>} : memref<56x128xi32, #tpu.memory_space<vmem>>, vector<16xi32>,
      %gather3A_676 = tpu.vector_load_idx %arg5[%get3A_675] : memref<100000xf32, #tpu.memory_space<vmem>>[vector<16xi32>], vector<16xf32>,
      %add3A_677 = arith.addf %add3A_635, %gather3A_676 : vector<16xf32>
      %get3A_678 = arith.index_cast %scan3A_652 : i32 to index
      %get3A_679 = arith.constant 80 : index
      %get3A_680 = tpu.vector_load %arg8[%get3A_678, %get3A_679] {strides = array<i32>} : memref<56x128xi32, #tpu.memory_space<vmem>>, vector<16xi32>,
      %gather3A_681 = tpu.vector_load_idx %arg5[%get3A_680] : memref<100000xf32, #tpu.memory_space<vmem>>[vector<16xi32>], vector<16xf32>,
      %add3A_682 = arith.addf %add3A_640, %gather3A_681 : vector<16xf32>
      %get3A_683 = arith.index_cast %scan3A_652 : i32 to index
      %get3A_684 = arith.constant 96 : index
      %get3A_685 = tpu.vector_load %arg8[%get3A_683, %get3A_684] {strides = array<i32>} : memref<56x128xi32, #tpu.memory_space<vmem>>, vector<16xi32>,
      %gather3A_686 = tpu.vector_load_idx %arg5[%get3A_685] : memref<100000xf32, #tpu.memory_space<vmem>>[vector<16xi32>], vector<16xf32>,
      %add3A_687 = arith.addf %add3A_645, %gather3A_686 : vector<16xf32>
      %get3A_688 = arith.index_cast %scan3A_652 : i32 to index
      %get3A_689 = arith.constant 112 : index
      %get3A_690 = tpu.vector_load %arg8[%get3A_688, %get3A_689] {strides = array<i32>} : memref<56x128xi32, #tpu.memory_space<vmem>>, vector<16xi32>,
      %gather3A_691 = tpu.vector_load_idx %arg5[%get3A_690] : memref<100000xf32, #tpu.memory_space<vmem>>[vector<16xi32>], vector<16xf32>,
      %add3A_692 = arith.addf %add3A_650, %gather3A_691 : vector<16xf32>
      scf.yield %add3A_657, %add3A_662, %add3A_667, %add3A_672, %add3A_677, %add3A_682, %add3A_687, %add3A_692 : vector<16xf32>, vector<16xf32>, vector<16xf32>, vector<16xf32>, vector<16xf32>, vector<16xf32>, vector<16xf32>, vector<16xf32>
    }
    %scan3A_503 = arith.constant 32 : i32
    %swap3A_504 = arith.constant 384 : index
    %swap3A_505 = tpu.vector_load %arg9[%swap3A_504] {strides = array<i32>} : memref<512xf32, #tpu.memory_space<vmem>>, vector<16xf32>,
    tpu.vector_store %arg9[%swap3A_504], %scan3A_502#0 {strides = array<i32>} : memref<512xf32, #tpu.memory_space<vmem>>, vector<16xf32>,
    %swap3A_506 = arith.constant 400 : index
    %swap3A_507 = tpu.vector_load %arg9[%swap3A_506] {strides = array<i32>} : memref<512xf32, #tpu.memory_space<vmem>>, vector<16xf32>,
    tpu.vector_store %arg9[%swap3A_506], %scan3A_502#1 {strides = array<i32>} : memref<512xf32, #tpu.memory_space<vmem>>, vector<16xf32>,
    %swap3A_508 = arith.constant 416 : index
    %swap3A_509 = tpu.vector_load %arg9[%swap3A_508] {strides = array<i32>} : memref<512xf32, #tpu.memory_space<vmem>>, vector<16xf32>,
    tpu.vector_store %arg9[%swap3A_508], %scan3A_502#2 {strides = array<i32>} : memref<512xf32, #tpu.memory_space<vmem>>, vector<16xf32>,
    %swap3A_510 = arith.constant 432 : index
    %swap3A_511 = tpu.vector_load %arg9[%swap3A_510] {strides = array<i32>} : memref<512xf32, #tpu.memory_space<vmem>>, vector<16xf32>,
    tpu.vector_store %arg9[%swap3A_510], %scan3A_502#3 {strides = array<i32>} : memref<512xf32, #tpu.memory_space<vmem>>, vector<16xf32>,
    %swap3A_512 = arith.constant 448 : index
    %swap3A_513 = tpu.vector_load %arg9[%swap3A_512] {strides = array<i32>} : memref<512xf32, #tpu.memory_space<vmem>>, vector<16xf32>,
    tpu.vector_store %arg9[%swap3A_512], %scan3A_502#4 {strides = array<i32>} : memref<512xf32, #tpu.memory_space<vmem>>, vector<16xf32>,
    %swap3A_514 = arith.constant 464 : index
    %swap3A_515 = tpu.vector_load %arg9[%swap3A_514] {strides = array<i32>} : memref<512xf32, #tpu.memory_space<vmem>>, vector<16xf32>,
    tpu.vector_store %arg9[%swap3A_514], %scan3A_502#5 {strides = array<i32>} : memref<512xf32, #tpu.memory_space<vmem>>, vector<16xf32>,
    %swap3A_516 = arith.constant 480 : index
    %swap3A_517 = tpu.vector_load %arg9[%swap3A_516] {strides = array<i32>} : memref<512xf32, #tpu.memory_space<vmem>>, vector<16xf32>,
    tpu.vector_store %arg9[%swap3A_516], %scan3A_502#6 {strides = array<i32>} : memref<512xf32, #tpu.memory_space<vmem>>, vector<16xf32>,
    %swap3A_518 = arith.constant 496 : index
    %swap3A_519 = tpu.vector_load %arg9[%swap3A_518] {strides = array<i32>} : memref<512xf32, #tpu.memory_space<vmem>>, vector<16xf32>,
    tpu.vector_store %arg9[%swap3A_518], %scan3A_502#7 {strides = array<i32>} : memref<512xf32, #tpu.memory_space<vmem>>, vector<16xf32>,
    "tpu.region"() ({
      %run_scoped3A = tpu.sem_alloc : memref<!tpu.dma_semaphore, #tpu.memory_space<semaphore_mem>>
      %dma_start3A_520 = tpu.memref_slice %arg4[%mul3A_2] : memref<16384xf32, #tpu.memory_space<hbm>> -> memref<512xf32, #tpu.memory_space<hbm>>
      %dma_start3A_521 = tpu.memref_slice %arg4[%mul3A_2] : memref<16384xf32, #tpu.memory_space<hbm>> -> memref<512xf32, #tpu.memory_space<hbm>>
      tpu.enqueue_dma source(%arg9 : memref<512xf32, #tpu.memory_space<vmem>>) target(%dma_start3A_521 : memref<512xf32, #tpu.memory_space<hbm>>) target_semaphore(%run_scoped3A : memref<!tpu.dma_semaphore, #tpu.memory_space<semaphore_mem>>)
      %dma_wait3A_522 = tpu.memref_slice %arg4[%mul3A_2] : memref<16384xf32, #tpu.memory_space<hbm>> -> memref<512xf32, #tpu.memory_space<hbm>>
      %dma_wait3A_523 = tpu.memref_slice %arg4[%mul3A_2] : memref<16384xf32, #tpu.memory_space<hbm>> -> memref<512xf32, #tpu.memory_space<hbm>>
      tpu.wait_dma2 semaphore(%run_scoped3A : memref<!tpu.dma_semaphore, #tpu.memory_space<semaphore_mem>>) src(%arg9 : memref<512xf32, #tpu.memory_space<vmem>>) dst(%dma_wait3A_523 : memref<512xf32, #tpu.memory_space<hbm>>)
      tpu.yield
    }) : () -> ()
    return
  }
}

module attributes {stable_mosaic.version = 14 : i64} {
  func.func @_diff_body(%arg0: memref<1x100000xf32, #tpu.memory_space<vmem>>, %arg1: memref<1x100000xf32, #tpu.memory_space<vmem>>, %arg2: memref<100000xf32, #tpu.memory_space<vmem>>) attributes {dimension_semantics = [], scalar_prefetch = 0 : i64, scratch_operands = 0 : i64, tpu.core_type = #tpu.core_type<tc>} {
    %get3A = arith.constant 0 : index
    %get3A_0 = arith.constant 0 : index
    %get3A_1 = vector.load %arg0[%get3A, %get3A_0] : memref<1x100000xf32, #tpu.memory_space<vmem>>, vector<1x100000xf32>
    %get3A_2 = arith.constant 0 : index
    %get3A_3 = arith.constant 0 : index
    %get3A_4 = vector.load %arg1[%get3A_2, %get3A_3] : memref<1x100000xf32, #tpu.memory_space<vmem>>, vector<1x100000xf32>
    %sub3A = arith.subf %get3A_1, %get3A_4 : vector<1x100000xf32>
    %reshape3A = vector.shape_cast %sub3A : vector<1x100000xf32> to vector<100000xf32>
    %swap3A = arith.constant 0 : index
    %swap3A_5 = vector.load %arg2[%swap3A] : memref<100000xf32, #tpu.memory_space<vmem>>, vector<100000xf32>
    tpu.vector_store %arg2[%swap3A], %reshape3A {strides = array<i32>} : memref<100000xf32, #tpu.memory_space<vmem>>, vector<100000xf32>,
    return
  }
}

</mosaic_0001>

<sc_bundles>
// kernel: kernel.4.cloned.1.call-start
scs
__scs_entry_jumppad:
0x0: {  	(pc) =	sbr.rel $0x88, $3  }
0x1: {  	(tag) =	ssettag $0x0;
	lr =	simm.s32 $0x1  }
0x2: {  	[smem:$0x3F9E] =	sst lr;
	_ =	strace $0xD0000000  }
0x3: {  	_ = 	snop  }
0x4: {  	_ = 	snop  }
0x5: {  	_ = 	snop  }
0x6: {  	_ = 	snop  }
0x7: {  	_ = 	snop  }
__scs_overlays_trampoline_lowered:
0x8: {  	[smem:$0x3FAD] =	sst s0  }
0x9: {  	[smem:$0x3FAE] =	sst s1  }
0xa: {  	[smem:$0x3FAF] =	sst s2  }
0xb: {  	[smem:$0x3FB0] =	sst s3  }
0xc: {  	[smem:$0x3FB1] =	sst s4  }
0xd: {  	[smem:$0x3FB2] =	sst s5  }
0xe: {  	[smem:$0x3FB3] =	sst s6  }
0xf: {  	[smem:$0x3FB4] =	sst s7  }
0x10: {  	[smem:$0x3FB5] =	sst s8  }
0x11: {  	[smem:$0x3FB6] =	sst s9;
	s0 =	simm.s32 @!p0 $0x0  }
0x12: {  	s1 =	sld [smem:$0x3F9C];
	s0 =	simm.s32 @p0 $0x1  }
0x13: {  	[smem:$0x3FB7] =	sst s0;
	s0 =	simm.s32 @!p1 $0x0  }
0x14: {  	s2 =	sld [smem:$0x3F9B];
	s0 =	simm.s32 @p1 $0x1  }
0x15: {  	[smem:$0x3FB8] =	sst s0;
	s0 =	simm.s32 @!p2 $0x0  }
0x16: {  	s3 =	sld [smem:$0x3FDB];
	s0 =	simm.s32 @p2 $0x1  }
0x17: {  	s4 =	simm.s32 $0x1BF5;
	[smem:$0x3FBA] =	sst s0  }
0x18: {  	s0 =	sld [smem:$0x3F9D];
	_ =	swait.ge [sflag:s4], $0x0  }
0x19: {  	s7 =	sld [smem:$0x3F9E]  }
0x1a: {  	s8 =	sadd.s32 $0xFFFFE003, lr  }
0x1b: {  	s9 =	sadd.s32 $0xFFFFFEF7, lr;
	s5 =	simm.s32 $0xFFFFFFFF;
	p2 =	slt.u32 s8, $0xFFFFF086  }
0x1c: {  	p1 =	slt.u32 s9, $0xF7A;
	s5 =	simm.s32 @!p2 $0x0  }
0x1d: {  	s5 =	simm.s32 @p1 $0x1;
	p0 =	seq.s32 s7, s2  }
0x1e: {  	s7 =	smul.u32 @!p0 $0xF7A, s2;
	p2 =	seq.s32 @!p0 s5, $0x0  }
0x1f: {  	s9 =	smul.u32 $0xF7A, s1;
	s8 =	simm.s32 @!p0 $0x1BF5;
	p2 =	por !p2, p0  }
0x20: {  	[sflag:s8] =	ssyncset.s32 @!p0 $0xFFFFF086;
	s6 =	sadd.s32 @!p0 s3, s7;
	s7 =	simm.s32 @!p0 $0x108  }
0x21: {  	s3 =	sadd.s32 s3, s9;
	s6 =	sadd.s32 @!p0 $0x88, s6;
	s7 =	simm.s32 @p2 $0x1082  }
0x22: {  	[simem:s7], [sflag:s8] =	dma.local @!p0 [hbm:s6], $0xF7A  }
0x23: {  	s9 =	sor.u32 $0xD0000000, s2;
	s6 =	simm.s32 $0x108;
	_ =	swait.ge @!p0 [sflag:s8], $0x0  }
0x24: {  	s3 =	sadd.s32 $0x88, s3;
	s6 =	simm.s32 @!p1 $0x1082;
	[sflag:s4] =	ssyncset.s32 $0xFFFFF086  }
0x25: {  	[simem:s6], [sflag:s4] =	dma.local [hbm:s3], $0xF7A  }
0x26: {  	[smem:$0x3F9E] =	sst s1;
	(tag) =	ssettag s2;
	_ =	strace s9  }
0x27: {  	s1 =	sld [smem:$0x3FAE]  }
0x28: {  	s2 =	sld [smem:$0x3FAF]  }
0x29: {  	s4 =	sld [smem:$0x3FB1]  }
0x2a: {  	p0 =	seq.s32 s5, $0x0;
	s5 =	sld [smem:$0x3FB2]  }
0x2b: {  	s6 =	sld [smem:$0x3FB3]  }
0x2c: {  	s7 =	sld [smem:$0x3FB4]  }
0x2d: {  	s3 =	simm.s32 $0x108;
	s8 =	sld [smem:$0x3FB5]  }
0x2e: {  	s3 =	simm.s32 @!p0 $0x1082;
	s9 =	sld [smem:$0x3FB6]  }
0x2f: {  	lr =	sadd.s32 s0, s3;
	s0 =	sld [smem:$0x3FAD]  }
0x30: {  	s3 =	sld [smem:$0x3FB0]  }
0x31: {  	[smem:$0x3FB9] =	sst s10  }
0x32: {  	s10 =	sld [smem:$0x3FB7];
	_ =	sdelay $0x3  }
0x33: {  	p0 =	seq.s32 s10, $0x1;
	s10 =	sld [smem:$0x3FB9];
	_ =	sdelay $0x3  }
0x34: {  	[smem:$0x3FB9] =	sst s10  }
0x35: {  	s10 =	sld [smem:$0x3FB8];
	_ =	sdelay $0x3  }
0x36: {  	p1 =	seq.s32 s10, $0x1;
	s10 =	sld [smem:$0x3FB9];
	_ =	sdelay $0x3  }
0x37: {  	[smem:$0x3FB9] =	sst s10  }
0x38: {  	s10 =	sld [smem:$0x3FBA]  }
0x39: {  	_ = 	snop;
	(pc) =	sbr.ind lr, $3  }
0x3a: {  	_ = 	snop  }
0x3b: {  	_ = 	snop  }
0x3c: {  	p2 =	seq.s32 s10, $0x1;
	s10 =	sld [smem:$0x3FB9]  }
0x3d: {  	_ =	shalt  }
0x3e: {  	_ =	shalt  }
0x3f: {  	_ =	shalt  }
0x40: {  	_ =	shalt  }
0x41: {  	_ =	shalt  }
0x42: {  	_ =	shalt  }
0x43: {  	_ =	shalt  }
0x44: {  	_ =	shalt  }
0x45: {  	_ =	shalt  }
0x46: {  	_ =	shalt  }
0x47: {  	_ =	shalt  }
0x48: {  	_ =	shalt  }
0x49: {  	_ =	shalt  }
0x4a: {  	_ =	shalt  }
0x4b: {  	_ =	shalt  }
0x4c: {  	_ =	shalt  }
0x4d: {  	_ =	shalt  }
0x4e: {  	_ =	shalt  }
0x4f: {  	_ =	shalt  }
0x50: {  	_ =	shalt  }
0x51: {  	_ =	shalt  }
0x52: {  	_ =	shalt  }
0x53: {  	_ =	shalt  }
0x54: {  	_ =	shalt  }
0x55: {  	_ =	shalt  }
0x56: {  	_ =	shalt  }
0x57: {  	_ =	shalt  }
0x58: {  	_ =	shalt  }
0x59: {  	_ =	shalt  }
0x5a: {  	_ =	shalt  }
0x5b: {  	_ =	shalt  }
0x5c: {  	_ =	shalt  }
0x5d: {  	_ =	shalt  }
0x5e: {  	_ =	shalt  }
0x5f: {  	_ =	shalt  }
0x60: {  	_ =	shalt  }
0x61: {  	_ =	shalt  }
0x62: {  	_ =	shalt  }
0x63: {  	_ =	shalt  }
0x64: {  	_ =	shalt  }
0x65: {  	_ =	shalt  }
0x66: {  	_ =	shalt  }
0x67: {  	_ =	shalt  }
0x68: {  	_ =	shalt  }
0x69: {  	_ =	shalt  }
0x6a: {  	_ =	shalt  }
0x6b: {  	_ =	shalt  }
0x6c: {  	_ =	shalt  }
0x6d: {  	_ =	shalt  }
0x6e: {  	_ =	shalt  }
0x6f: {  	_ =	shalt  }
0x70: {  	_ =	shalt  }
0x71: {  	_ =	shalt  }
0x72: {  	_ =	shalt  }
0x73: {  	_ =	shalt  }
0x74: {  	_ =	shalt  }
0x75: {  	_ =	shalt  }
0x76: {  	_ =	shalt  }
0x77: {  	_ =	shalt  }
0x78: {  	_ =	shalt  }
0x79: {  	_ =	shalt  }
0x7a: {  	_ =	shalt  }
0x7b: {  	_ =	shalt  }
0x7c: {  	_ =	shalt  }
0x7d: {  	_ =	shalt  }
0x7e: {  	_ =	shalt  }
0x7f: {  	_ =	shalt  }
0x80: {  	_ =	shalt  }
0x81: {  	_ =	shalt  }
0x82: {  	_ =	shalt  }
0x83: {  	_ =	shalt  }
0x84: {  	_ =	shalt  }
0x85: {  	_ =	shalt  }
0x86: {  	_ =	shalt  }
0x87: {  	_ =	shalt  }
.Lfunc_end0:
.L_simem_size_0:
called_computation_lowered:
.L_overlay_start_0:
0x88: {  	s2 =	sld [smem:$0x3FD9]  }
0x89: {  	s3 =	sld [smem:$0x3FFE];
	_ =	sdelay $0x1  }
0x8a: {  	s1 =	srdreg.scid  }
0x8b: {  	s0 =	sand.u32 $0x1, s1  }
0x8c: {  	s17 =	sshll.u32 s0, $0xA;
	s2 =	sadd.s32 s3, s2  }
0x8d: {  	s2 =	sadd.s32 s2, s17  }
0x8e: {  	[smem:$0x3FC5] =	sst s2  }
0x8f: {  	_ = 	snop  }
0x90: {  	s2 =	sld [smem:$0x3FC9]  }
0x91: {  	s18 =	sld [smem:$0x3FD0];
	(tm) =	ssettm $0x1  }
0x92: {  	s4 =	sld [smem:$0x3FFB];
	_ =	sdelay $0x3  }
0x93: {  	_ =	strace s4  }
0x94: {  	s4 =	sld [smem:$0x3FFC];
	_ =	sdelay $0x3  }
0x95: {  	_ =	strace s4  }
0x96: {  	s4 =	sld [smem:$0x3FFD];
	_ =	sdelay $0x3  }
0x97: {  	_ =	strace s4  }
0x98: {  	_ =	strace $0x8FFFFFFF  }
0x99: {  	s19 =	sld [smem:$0x3FDB];
	_ =	sdelay $0x1  }
0x9a: {  	s5 =	simm.s32 $_scs_section_size  }
0x9b: {  	s6 =	simm.s32 $_size__tile_overlayer_lowered;
	s7 =	simm.s32 $_tile_overlayer_lowered  }
0x9c: {  	s22 =	simm.s32 $0x1BFF;
	s21 =	sshll.u32 s7, $0x1;
	s4 =	sadd.s32 s5, s19  }
0x9d: {  	s8 =	simm.s32 $0x0;
	s20 =	sshll.u32 s6, $0x1;
	s6 =	sadd.s32 s21, s4  }
0x9e: {  	[timem:s8], [sflag:s22] =	dma.local [hbm:s6], s20  }
0x9f: {  	_ =	swait.ge [sflag:s22], s20  }
0xa0: {  	s5 =	ssub.s32 $0x0, s20;
	[sflag:s22] =	ssyncset.done $0x0  }
0xa1: {  	[sflag:s22] =	ssyncadd.s32 s5;
	_ =	sdelay $0x1  }
0xa2: {  	s23 =	simm.s32 $0x1B8B  }
0xa3: {  	_ =	swait.ge [sflag:s23], $0x1  }
0xa4: {  	[sflag:s23] =	ssyncset.done $0x0  }
0xa5: {  	s25 =	simm.s32 $0x1B8E;
	s24 =	sld [smem:$0x3FFE];
	[sflag:s23] =	ssyncadd.s32 $0xFFFFFFFF  }
0xa6: {  	s26 =	simm.s32 $execute0_lowered;
	[smem:$0x3FD2] =	sst s25  }
0xa7: {  	s6 =	sshll.u32 s26, $0x1;
	_ =	strace $0x80000046;
	[dreg:$0x1] =	wrdreg $0xFFFFFFFF  }
0xa8: {  	s28 =	simm.s32 $_size_execute0_lowered;
	s4 =	sadd.s32 s4, s6;
	[dreg:$0x0] =	wrdreg $0x0  }
0xa9: {  	s6 =	sshll.u32 s28, $0x1;
	[dreg:$0x2] =	wrdreg s4  }
0xaa: {  	[dreg:$0x3] =	wrdreg s6  }
0xab: {  	[dreg:$0x4] =	wrdreg $0xC0  }
0xac: {  	_ =	task [dreg:s8], $0x5FFFF  }
0xad: {  	[dreg:$0x1] =	wrdreg $0xFFFFFFFF  }
0xae: {  	[dreg:$0x0] =	wrdreg $0x60  }
0xaf: {  	[dreg:$0x2] =	wrdreg s24  }
0xb0: {  	[dreg:$0x3] =	wrdreg s2  }
0xb1: {  	[dreg:$0x4] =	wrdreg s18  }
0xb2: {  	[dreg:$0x5] =	wrdreg $0x187000  }
0xb3: {  	[dreg:$0x6] =	wrdreg $0x9  }
0xb4: {  	_ =	task.clear_ibuf [dreg:s8], $0x7FFFF;
	_ =	strace $0x90000046  }
0xb5: {  	s29 =	simm.s32 $0x9;
	_ =	strace $0x80000048  }
0xb6: {  	_ =	swait.ge [sflag:s29], $0x1  }
0xb7: {  	[sflag:s29] =	ssyncadd.s32 $0xFFFFFFFF  }
0xb8: {  	_ =	strace $0x90000048  }
0xb9: {  	_ =	sfence  }
0xba: {  	s30 =	sld [smem:$0x0];
	_ =	sdelay $0x2  }
0xbb: {  	s31 =	sshll.u32 s1, $0xD;
	s1 =	sshrl.u32 s1, $0x2  }
0xbc: {  	s3 =	sand.u32 $0x4000, s31;
	s1 =	sadd.s32 s1, s30  }
0xbd: {  	s0 =	sor.u32 s3, s0;
	s1 =	sshll.u32 s1, $0x11  }
0xbe: {  	s0 =	sor.u32 s1, s0  }
0xbf: {  	s0 =	sadd.s32 $0x8F2B, s0  }
0xc0: {  	[sflag:s0] =	ssyncadd.remote.s32 $0x1  }
0xc1: {  	_ =	sfence.sel $0xFFFF  }
0xc2: {  	[dreg:$0x0] =	wrdreg $0xFFFFFFFF;
	(pc) =	sbr.abs _section_cstart, $3  }
0xc3: {  	[dreg:$0x1] =	wrdreg $0xFFFFFFFF  }
0xc4: {  	_ =	task.clear_ibuf [dreg:s8], $0x2FFFF;
	_ =	strace $0x9FFFFFFF  }
0xc5: {  	(tm) =	ssettm $0x7FFFFFFF  }
tec
execute0_lowered:
.L_overlay_start_1:
0x0: {  	(tag) =	ssettag $0x1  }
0x1: {  	s0 =	rddreg [dreg:$0x0]  }
0x2: {  	s1 =	rddreg [dreg:$0x1]  }
0x3: {  	s3 =	rddreg [dreg:$0x2]  }
0x4: {  	s22 =	rddreg [dreg:$0x3];
	s2 =	simm.s32 $0x0;
	s4 =	srdreg.scid  }
0x5: {  	s21 =	stileid.u32;
	s23 =	simm.s32 $0x400;
	s24 =	simm.s32 $0x20000  }
0x6: {  	s28 =	simm.s32 $0x2;
	s29 =	simm.s32 $0x1BB70;
	s30 =	simm.s32 $0x3  }
0x7: {  	s31 =	simm.s32 $0x0;
	[smem:$0x7FF] =	sst s2;
	s4 =	sand.u32 $0x1, s4  }
0x8: {  	s6 =	sshll.u32 s21, $0xA;
	s0 =	sadd.s32 $0xA00, s0;
	p0 =	sne.s32 s21, $0x0  }
0x9: {  	s5 =	ssub.s32 $0x2, s4;
	s4 =	sshll.u32 s4, $0x9;
	_ =	strace $0x80000047  }
0xa: {  	[dreg:$0x5] =	wrdreg s0;
	s22 =	sshrl.u32 @!p0 s22, $0x3;
	s19 =	sor.u32 s4, s6  }
0xb: {  	s0 =	simm.s32 $0x4;
	s7 =	sshrl.u32 s5, $0x1;
	s4 =	sadd.s32 s1, s19  }
0xc: {  	s25 =	ssub.s32 s5, s7;
	s26 =	sshrl.u32 s19, $0x3;
	s5 =	sadd.s32 $0x1C000, s4  }
0xd: {  	s6 =	sadd.s32 $0x38000, s4;
	s7 =	sadd.s32 $0x54000, s4;
	s8 =	sadd.s32 $0x80, s4  }
0xe: {  	s9 =	sadd.s32 $0x1C080, s4;
	s10 =	sadd.s32 $0x38080, s4;
	s11 =	sadd.s32 $0x54080, s4  }
0xf: {  	s12 =	sadd.s32 $0x100, s4;
	s13 =	sadd.s32 $0x1C100, s4;
	s14 =	sadd.s32 $0x38100, s4  }
0x10: {  	s15 =	sadd.s32 $0x54100, s4;
	s16 =	sadd.s32 $0x180, s4;
	s17 =	sadd.s32 $0x1C180, s4  }
0x11: {  	s18 =	sadd.s32 $0x38180, s4;
	s19 =	sadd.s32 $0x54180, s4;
	s20 =	sadd.s32 s3, s26  }
0x12: {  	s21 =	smax.u32 s25, $0x1;
	s25 =	simm.s32 $0x19F70;
	s26 =	simm.s32 $0x1  }
.LBB2_1:
0x13: {  	s1 =	simm.s32 @!p0 $0x1C04;
	s3 =	rddreg [dreg:$0x5]  }
0x14: {  	[spmem:s22], [sflag:s1] =	dma.local @!p0 [hbm:s3], $0x30E0  }
0x15: {  	s1 =	simm.s32 @!p0 $0x4  }
0x16: {  	_ =	swait.ge @!p0 [sflag:s1], $0x30E0  }
0x17: {  	[sflag:s1] =	ssyncset.done @!p0 $0x0  }
0x18: {  	[sflag:s1] =	ssyncadd.s32 @!p0 $0xFFFFCF20  }
0x19: {  	[tilespmem:s25], [sflag:$0x2] =	stream.strided.gather [hbm4b:s4+s23], $0x1C00, s24, s23, $0x38;
	[tilespmem:$0x1D970] =	vst v63  }
0x1a: {  	[bflag:$0x0] =	sbarrier.arrive $0xFFFF  }
0x1b: {  	s3 =	rddreg [dreg:$0x3]  }
0x1c: {  	[tilespmem:s2], [sflag:$0x1] =	stream.linear.gather [spmem:s3], $0x18700, $0x38;
	[tilespmem:$0x1D970] =	vst v63  }
0x1d: {  	_ =	swait.ge [sflag:s26], $0x18700  }
0x1e: {  	[sflag:s26] =	ssyncset.done $0x0  }
0x1f: {  	[sflag:s26] =	ssyncadd.s32 $0xFFFE7900  }
0x20: {  	_ =	swait.ge [sflag:s28], $0x1C00  }
0x21: {  	[sflag:s28] =	ssyncset.done $0x0  }
0x22: {  	s3 =	simm.s32 $0x1A070;
	[sflag:s28] =	ssyncadd.s32 $0xFFFFE400  }
0x23: {  	[tilespmem:s29], [sflag:$0x3] =	stream.strided.gather [hbm4b:s5+s23], $0x1C00, s24, s23, $0x38;
	[tilespmem:$0x1D970] =	vst v63  }
0x24: {  	v0 =	vld [tilespmem:s3+$0x80]  }
0x25: {  	v1 =	vld [tilespmem:s3+$0x90]  }
0x26: {  	v2 =	vld [tilespmem:s3+$0xA0]  }
0x27: {  	v3 =	vld [tilespmem:s3+$0xB0]  }
0x28: {  	v4 =	vld [tilespmem:s3+$0xC0]  }
0x29: {  	v5 =	vld [tilespmem:s3+$0xD0]  }
0x2a: {  	v8 =	vld [tilespmem:s3+$0xE0]  }
0x2b: {  	v10 =	vld [tilespmem:s3+$0xF0]  }
0x2c: {  	v9 =	vld [tilespmem:s3+$0x0]  }
0x2d: {  	v11 =	vld [tilespmem:s3+$0x10]  }
0x2e: {  	v12 =	vld [tilespmem:s3+$0x20]  }
0x2f: {  	v13 =	vld [tilespmem:s3+$0x30]  }
0x30: {  	v14 =	vld [tilespmem:s3+$0x40]  }
0x31: {  	v15 =	vld [tilespmem:s3+$0x50]  }
0x32: {  	v17 =	vld [tilespmem:s3+$0x60]  }
0x33: {  	v19 =	vld [tilespmem:s3+$0x70]  }
0x34: {  	v16 =	vld [tilespmem:s3+$0xFFFFFF80]  }
0x35: {  	v18 =	vld [tilespmem:s3+$0xFFFFFF90]  }
0x36: {  	v20 =	vld [tilespmem:s3+$0xFFFFFFA0]  }
0x37: {  	v21 =	vld [tilespmem:s3+$0xFFFFFFB0]  }
0x38: {  	v22 =	vld [tilespmem:s3+$0xFFFFFFC0]  }
0x39: {  	v23 =	vld [tilespmem:s3+$0xFFFFFFD0]  }
0x3a: {  	v24 =	vld [tilespmem:s3+$0xFFFFFFE0]  }
0x3b: {  	v25 =	vld [tilespmem:s3+$0xFFFFFFF0]  }
0x3c: {  	v26 =	vld [tilespmem:s3+$0xFFFFFF00]  }
0x3d: {  	v27 =	vld [tilespmem:s3+$0xFFFFFF10]  }
0x3e: {  	v28 =	vld [tilespmem:s3+$0xFFFFFF20]  }
0x3f: {  	v29 =	vld [tilespmem:s3+$0xFFFFFF30]  }
0x40: {  	v30 =	vld [tilespmem:s3+$0xFFFFFF40]  }
0x41: {  	v31 =	vld [tilespmem:s3+$0xFFFFFF50]  }
0x42: {  	v32 =	vld [tilespmem:s3+$0xFFFFFF60]  }
0x43: {  	v33 =	vld [tilespmem:s3+$0xFFFFFF70]  }
0x44: {  	v34 =	vld.idx.msk [tilespmem:v1+s2+$0x0], $0xffff  }
0x45: {  	v35 =	vld.idx.msk [tilespmem:v2+s2+$0x0], $0xffff  }
0x46: {  	v36 =	vld.idx.msk [tilespmem:v3+s2+$0x0], $0xffff  }
0x47: {  	v6 =	vld.idx.msk [tilespmem:v4+s2+$0x0], $0xffff  }
0x48: {  	v7 =	vld.idx.msk [tilespmem:v5+s2+$0x0], $0xffff  }
0x49: {  	v1 =	vld.idx.msk [tilespmem:v9+s2+$0x0], $0xffff  }
0x4a: {  	v2 =	vld.idx.msk [tilespmem:v11+s2+$0x0], $0xffff  }
0x4b: {  	v3 =	vld.idx.msk [tilespmem:v12+s2+$0x0], $0xffff  }
0x4c: {  	v4 =	vld.idx.msk [tilespmem:v13+s2+$0x0], $0xffff  }
0x4d: {  	v9 =	vld.idx.msk [tilespmem:v14+s2+$0x0], $0xffff  }
0x4e: {  	v11 =	vld.idx.msk [tilespmem:v15+s2+$0x0], $0xffff  }
0x4f: {  	v5 =	vld.idx.msk [tilespmem:v16+s2+$0x0], $0xffff  }
0x50: {  	v14 =	vld.idx.msk [tilespmem:v18+s2+$0x0], $0xffff  }
0x51: {  	v15 =	vld.idx.msk [tilespmem:v26+s2+$0x0], $0xffff  }
0x52: {  	v16 =	vld.idx.msk [tilespmem:v27+s2+$0x0], $0xffff  }
0x53: {  	v18 =	vld.idx.msk [tilespmem:v28+s2+$0x0], $0xffff  }
0x54: {  	v59 =	vld.idx.msk [tilespmem:v29+s2+$0x0], $0xffff  }
0x55: {  	v20 =	vld.idx.msk [tilespmem:v20+s2+$0x0], $0xffff  }
0x56: {  	v21 =	vld.idx.msk [tilespmem:v21+s2+$0x0], $0xffff  }
0x57: {  	v12 =	vld.idx.msk [tilespmem:v22+s2+$0x0], $0xffff  }
0x58: {  	v61 =	vld.idx.msk [tilespmem:v31+s2+$0x0], $0xffff  }
0x59: {  	v60 =	vimm.f32 $0.0e+00;
	v63 =	vld.idx.msk [tilespmem:v33+s2+$0x0], $0xffff  }
0x5a: {  	v13 =	vld.idx.msk [tilespmem:v23+s2+$0x0], $0xffff;
	v15 =	vadd.f32 v15, v60;
	v16 =	vadd.f32 v16, v60  }
0x5b: {  	v22 =	vld.idx.msk [tilespmem:v30+s2+$0x0], $0xffff;
	v18 =	vadd.f32 v18, v60;
	v23 =	vadd.f32 v59, v60  }
0x5c: {  	v62 =	vld.idx.msk [tilespmem:v32+s2+$0x0], $0xffff;
	v5 =	vadd.f32 v5, v15;
	v14 =	vadd.f32 v14, v16  }
0x5d: {  	v0 =	vld.idx.msk [tilespmem:v0+s2+$0x0], $0xffff;
	v15 =	vadd.f32 v20, v18;
	v20 =	vadd.f32 v21, v23  }
0x5e: {  	v17 =	vld.idx.msk [tilespmem:v17+s2+$0x0], $0xffff;
	v21 =	vadd.f32 v61, v60;
	v23 =	vadd.f32 v63, v60  }
0x5f: {  	v16 =	vld.idx.msk [tilespmem:v24+s2+$0x0], $0xffff;
	v1 =	vadd.f32 v1, v5;
	v2 =	vadd.f32 v2, v14  }
0x60: {  	v18 =	vld.idx.msk [tilespmem:v25+s2+$0x0], $0xffff;
	v3 =	vadd.f32 v3, v15;
	v4 =	vadd.f32 v4, v20  }
0x61: {  	v19 =	vld.idx.msk [tilespmem:v19+s2+$0x0], $0xffff;
	v20 =	vadd.f32 v22, v60;
	v22 =	vadd.f32 v62, v60  }
0x62: {  	v15 =	vld.idx.msk [tilespmem:v8+s2+$0x0], $0xffff;
	v1 =	vadd.f32 v0, v1;
	v2 =	vadd.f32 v34, v2  }
0x63: {  	s1 =	simm.s32 $0x0;
	s3 =	simm.s32 $0x1A270;
	v14 =	vld.idx.msk [tilespmem:v10+s2+$0x0], $0xffff;
	v3 =	vadd.f32 v35, v3;
	v4 =	vadd.f32 v36, v4  }
.LBB2_2:
0x64: {  	v24 =	vld [tilespmem:s3+$0x80];
	v0 =	vadd.f32 v12, v20;
	v5 =	vadd.f32 v13, v21  }
0x65: {  	v12 =	vld [tilespmem:s3+$0x90];
	v8 =	vadd.f32 v16, v22;
	v10 =	vadd.f32 v18, v23  }
0x66: {  	v13 =	vld [tilespmem:s3+$0xA0];
	v0 =	vadd.f32 v9, v0;
	v5 =	vadd.f32 v11, v5  }
0x67: {  	v9 =	vld [tilespmem:s3+$0xB0];
	v8 =	vadd.f32 v17, v8;
	v10 =	vadd.f32 v19, v10  }
0x68: {  	v11 =	vld [tilespmem:s3+$0xC0];
	v0 =	vadd.f32 v6, v0;
	v5 =	vadd.f32 v7, v5  }
0x69: {  	v7 =	vld [tilespmem:s3+$0xD0];
	v8 =	vadd.f32 v15, v8;
	v10 =	vadd.f32 v14, v10  }
0x6a: {  	v15 =	vld [tilespmem:s3+$0xE0]  }
0x6b: {  	v14 =	vld [tilespmem:s3+$0xF0]  }
0x6c: {  	v16 =	vld [tilespmem:s3+$0x0]  }
0x6d: {  	v17 =	vld [tilespmem:s3+$0x10]  }
0x6e: {  	v18 =	vld [tilespmem:s3+$0x20]  }
0x6f: {  	v19 =	vld [tilespmem:s3+$0x30]  }
0x70: {  	v20 =	vld [tilespmem:s3+$0x40]  }
0x71: {  	v21 =	vld [tilespmem:s3+$0x50]  }
0x72: {  	v22 =	vld [tilespmem:s3+$0x60]  }
0x73: {  	v23 =	vld [tilespmem:s3+$0x70]  }
0x74: {  	v25 =	vld [tilespmem:s3+$0xFFFFFF80]  }
0x75: {  	v26 =	vld [tilespmem:s3+$0xFFFFFF90]  }
0x76: {  	v27 =	vld [tilespmem:s3+$0xFFFFFFA0]  }
0x77: {  	v28 =	vld [tilespmem:s3+$0xFFFFFFB0]  }
0x78: {  	v29 =	vld [tilespmem:s3+$0xFFFFFFC0]  }
0x79: {  	v30 =	vld [tilespmem:s3+$0xFFFFFFD0]  }
0x7a: {  	v31 =	vld [tilespmem:s3+$0xFFFFFFE0]  }
0x7b: {  	v32 =	vld [tilespmem:s3+$0xFFFFFFF0]  }
0x7c: {  	v33 =	vld [tilespmem:s3+$0xFFFFFF00]  }
0x7d: {  	v34 =	vld [tilespmem:s3+$0xFFFFFF10]  }
0x7e: {  	v35 =	vld [tilespmem:s3+$0xFFFFFF20]  }
0x7f: {  	v36 =	vld [tilespmem:s3+$0xFFFFFF30]  }
0x80: {  	v37 =	vld [tilespmem:s3+$0xFFFFFF40]  }
0x81: {  	v38 =	vld [tilespmem:s3+$0xFFFFFF50]  }
0x82: {  	v39 =	vld [tilespmem:s3+$0xFFFFFF60]  }
0x83: {  	v40 =	vld [tilespmem:s3+$0xFFFFFF70]  }
0x84: {  	v24 =	vld.idx.msk [tilespmem:v24+s2+$0x0], $0xffff  }
0x85: {  	v41 =	vld.idx.msk [tilespmem:v12+s2+$0x0], $0xffff  }
0x86: {  	v42 =	vld.idx.msk [tilespmem:v13+s2+$0x0], $0xffff  }
0x87: {  	v43 =	vld.idx.msk [tilespmem:v9+s2+$0x0], $0xffff  }
0x88: {  	v6 =	vld.idx.msk [tilespmem:v11+s2+$0x0], $0xffff  }
0x89: {  	v7 =	vld.idx.msk [tilespmem:v7+s2+$0x0], $0xffff  }
0x8a: {  	v44 =	vld.idx.msk [tilespmem:v16+s2+$0x0], $0xffff  }
0x8b: {  	v17 =	vld.idx.msk [tilespmem:v17+s2+$0x0], $0xffff  }
0x8c: {  	v45 =	vld.idx.msk [tilespmem:v18+s2+$0x0], $0xffff  }
0x8d: {  	v19 =	vld.idx.msk [tilespmem:v19+s2+$0x0], $0xffff  }
0x8e: {  	v9 =	vld.idx.msk [tilespmem:v20+s2+$0x0], $0xffff  }
0x8f: {  	v11 =	vld.idx.msk [tilespmem:v21+s2+$0x0], $0xffff  }
0x90: {  	v16 =	vld.idx.msk [tilespmem:v25+s2+$0x0], $0xffff  }
0x91: {  	v18 =	vld.idx.msk [tilespmem:v26+s2+$0x0], $0xffff  }
0x92: {  	v20 =	vld.idx.msk [tilespmem:v33+s2+$0x0], $0xffff  }
0x93: {  	v21 =	vld.idx.msk [tilespmem:v34+s2+$0x0], $0xffff  }
0x94: {  	v25 =	vld.idx.msk [tilespmem:v35+s2+$0x0], $0xffff  }
0x95: {  	s1 =	sadd.s32 $0x4, s1;
	v26 =	vld.idx.msk [tilespmem:v36+s2+$0x0], $0xffff  }
0x96: {  	p1 =	slt.u32 s1, $0x34;
	v27 =	vld.idx.msk [tilespmem:v27+s2+$0x0], $0xffff  }
0x97: {  	v28 =	vld.idx.msk [tilespmem:v28+s2+$0x0], $0xffff  }
0x98: {  	v12 =	vld.idx.msk [tilespmem:v29+s2+$0x0], $0xffff  }
0x99: {  	v13 =	vld.idx.msk [tilespmem:v30+s2+$0x0], $0xffff  }
0x9a: {  	v1 =	vadd.f32 v20, v1;
	v2 =	vadd.f32 v21, v2;
	v20 =	vld.idx.msk [tilespmem:v37+s2+$0x0], $0xffff  }
0x9b: {  	v3 =	vadd.f32 v25, v3;
	v4 =	vadd.f32 v26, v4;
	v21 =	vld.idx.msk [tilespmem:v38+s2+$0x0], $0xffff  }
0x9c: {  	v1 =	vadd.f32 v16, v1;
	v2 =	vadd.f32 v18, v2;
	v25 =	vld.idx.msk [tilespmem:v39+s2+$0x0], $0xffff  }
0x9d: {  	v3 =	vadd.f32 v27, v3;
	v4 =	vadd.f32 v28, v4;
	v26 =	vld.idx.msk [tilespmem:v40+s2+$0x0], $0xffff  }
0x9e: {  	v1 =	vadd.f32 v44, v1;
	v2 =	vadd.f32 v17, v2;
	v16 =	vld.idx.msk [tilespmem:v31+s2+$0x0], $0xffff  }
.Ltmp0:
0x9f: {  	v3 =	vadd.f32 v45, v3;
	v4 =	vadd.f32 v19, v4;
	v18 =	vld.idx.msk [tilespmem:v32+s2+$0x0], $0xffff;
	(pc) =	sbr.rel @p1 .LBB2_2-.Ltmp0, $4  }
0xa0: {  	v1 =	vadd.f32 v24, v1;
	v2 =	vadd.f32 v41, v2;
	v17 =	vld.idx.msk [tilespmem:v22+s2+$0x0], $0xffff  }
0xa1: {  	v3 =	vadd.f32 v42, v3;
	v4 =	vadd.f32 v43, v4;
	v19 =	vld.idx.msk [tilespmem:v23+s2+$0x0], $0xffff  }
0xa2: {  	v20 =	vadd.f32 v20, v0;
	v21 =	vadd.f32 v21, v5;
	v15 =	vld.idx.msk [tilespmem:v15+s2+$0x0], $0xffff  }
0xa3: {  	s3 =	sadd.s32 $0x200, s3;
	v22 =	vadd.f32 v25, v8;
	v23 =	vadd.f32 v26, v10;
	v14 =	vld.idx.msk [tilespmem:v14+s2+$0x0], $0xffff  }
0xa4: {  	_ =	swait.ge [sflag:s30], $0x1C00  }
0xa5: {  	[sflag:s30] =	ssyncset.done $0x0  }
0xa6: {  	s1 =	simm.s32 $0x1BC70;
	[sflag:s30] =	ssyncadd.s32 $0xFFFFE400  }
0xa7: {  	[tilespmem:s25], [sflag:$0x2] =	stream.strided.gather [hbm4b:s6+s23], $0x1C00, s24, s23, $0x38;
	[tilespmem:$0x1D970] =	vst v63  }
0xa8: {  	v0 =	vld [tilespmem:s1+$0x80]  }
0xa9: {  	v5 =	vld [tilespmem:s1+$0x90]  }
0xaa: {  	v8 =	vld [tilespmem:s1+$0xA0]  }
0xab: {  	v10 =	vld [tilespmem:s1+$0xB0]  }
0xac: {  	v24 =	vld [tilespmem:s1+$0xC0]  }
0xad: {  	v25 =	vld [tilespmem:s1+$0xD0]  }
0xae: {  	v26 =	vld [tilespmem:s1+$0xE0]  }
0xaf: {  	v27 =	vld [tilespmem:s1+$0xF0]  }
0xb0: {  	v28 =	vld [tilespmem:s1+$0x0]  }
0xb1: {  	v29 =	vld [tilespmem:s1+$0x10]  }
0xb2: {  	v30 =	vld [tilespmem:s1+$0x20]  }
0xb3: {  	v31 =	vld [tilespmem:s1+$0x30]  }
0xb4: {  	v32 =	vld [tilespmem:s1+$0x40]  }
0xb5: {  	v33 =	vld [tilespmem:s1+$0x50]  }
0xb6: {  	v34 =	vld [tilespmem:s1+$0x60]  }
0xb7: {  	v35 =	vld [tilespmem:s1+$0x70]  }
0xb8: {  	v36 =	vld [tilespmem:s1+$0xFFFFFF80]  }
0xb9: {  	v37 =	vld [tilespmem:s1+$0xFFFFFF90]  }
0xba: {  	v38 =	vld [tilespmem:s1+$0xFFFFFFA0]  }
0xbb: {  	v39 =	vld [tilespmem:s1+$0xFFFFFFB0]  }
0xbc: {  	v40 =	vld [tilespmem:s1+$0xFFFFFFC0]  }
0xbd: {  	v41 =	vld [tilespmem:s1+$0xFFFFFFD0]  }
0xbe: {  	v42 =	vld [tilespmem:s1+$0xFFFFFFE0]  }
0xbf: {  	v43 =	vld [tilespmem:s1+$0xFFFFFFF0]  }
0xc0: {  	v44 =	vld [tilespmem:s1+$0xFFFFFF00]  }
0xc1: {  	v45 =	vld [tilespmem:s1+$0xFFFFFF10]  }
0xc2: {  	v46 =	vld [tilespmem:s1+$0xFFFFFF20]  }
0xc3: {  	v47 =	vld [tilespmem:s1+$0xFFFFFF30]  }
0xc4: {  	v48 =	vld [tilespmem:s1+$0xFFFFFF40]  }
0xc5: {  	v49 =	vld [tilespmem:s1+$0xFFFFFF50]  }
0xc6: {  	v50 =	vld [tilespmem:s1+$0xFFFFFF60]  }
0xc7: {  	v51 =	vld [tilespmem:s1+$0xFFFFFF70]  }
0xc8: {  	v52 =	vld.idx.msk [tilespmem:v0+s2+$0x0], $0xffff  }
0xc9: {  	v53 =	vld.idx.msk [tilespmem:v5+s2+$0x0], $0xffff  }
0xca: {  	v54 =	vld.idx.msk [tilespmem:v8+s2+$0x0], $0xffff  }
0xcb: {  	v55 =	vld.idx.msk [tilespmem:v10+s2+$0x0], $0xffff  }
0xcc: {  	v0 =	vld.idx.msk [tilespmem:v24+s2+$0x0], $0xffff  }
0xcd: {  	v5 =	vld.idx.msk [tilespmem:v25+s2+$0x0], $0xffff  }
0xce: {  	v24 =	vld.idx.msk [tilespmem:v28+s2+$0x0], $0xffff  }
0xcf: {  	v56 =	vld.idx.msk [tilespmem:v29+s2+$0x0], $0xffff  }
0xd0: {  	v57 =	vld.idx.msk [tilespmem:v30+s2+$0x0], $0xffff  }
0xd1: {  	v58 =	vld.idx.msk [tilespmem:v31+s2+$0x0], $0xffff  }
0xd2: {  	v8 =	vld.idx.msk [tilespmem:v32+s2+$0x0], $0xffff  }
0xd3: {  	v10 =	vld.idx.msk [tilespmem:v33+s2+$0x0], $0xffff  }
0xd4: {  	v59 =	vld.idx.msk [tilespmem:v36+s2+$0x0], $0xffff  }
0xd5: {  	v60 =	vld.idx.msk [tilespmem:v37+s2+$0x0], $0xffff  }
0xd6: {  	v61 =	vld.idx.msk [tilespmem:v44+s2+$0x0], $0xffff  }
0xd7: {  	v62 =	vld.idx.msk [tilespmem:v45+s2+$0x0], $0xffff  }
0xd8: {  	v12 =	vadd.f32 v12, v20;
	v13 =	vadd.f32 v13, v21;
	v20 =	vld.idx.msk [tilespmem:v46+s2+$0x0], $0xffff  }
0xd9: {  	v16 =	vadd.f32 v16, v22;
	v18 =	vadd.f32 v18, v23;
	v21 =	vld.idx.msk [tilespmem:v47+s2+$0x0], $0xffff  }
0xda: {  	v9 =	vadd.f32 v9, v12;
	v11 =	vadd.f32 v11, v13;
	v22 =	vld.idx.msk [tilespmem:v38+s2+$0x0], $0xffff  }
0xdb: {  	v13 =	vadd.f32 v17, v16;
	v16 =	vadd.f32 v19, v18;
	v17 =	vld.idx.msk [tilespmem:v39+s2+$0x0], $0xffff  }
0xdc: {  	v9 =	vadd.f32 v6, v9;
	v7 =	vadd.f32 v7, v11;
	v12 =	vld.idx.msk [tilespmem:v40+s2+$0x0], $0xffff  }
0xdd: {  	v11 =	vadd.f32 v15, v13;
	v14 =	vadd.f32 v14, v16;
	v13 =	vld.idx.msk [tilespmem:v41+s2+$0x0], $0xffff  }
0xde: {  	v15 =	vld.idx.msk [tilespmem:v48+s2+$0x0], $0xffff;
	v1 =	vadd.f32 v61, v1;
	v2 =	vadd.f32 v62, v2  }
0xdf: {  	v3 =	vadd.f32 v20, v3;
	v4 =	vadd.f32 v21, v4;
	v21 =	vld.idx.msk [tilespmem:v49+s2+$0x0], $0xffff  }
0xe0: {  	v23 =	vld.idx.msk [tilespmem:v50+s2+$0x0], $0xffff;
	v1 =	vadd.f32 v59, v1;
	v2 =	vadd.f32 v60, v2  }
0xe1: {  	v63 =	vld.idx.msk [tilespmem:v51+s2+$0x0], $0xffff;
	v3 =	vadd.f32 v22, v3;
	v4 =	vadd.f32 v17, v4  }
0xe2: {  	v16 =	vld.idx.msk [tilespmem:v42+s2+$0x0], $0xffff;
	v1 =	vadd.f32 v24, v1;
	v6 =	vadd.f32 v56, v2  }
0xe3: {  	v18 =	vld.idx.msk [tilespmem:v43+s2+$0x0], $0xffff;
	v20 =	vadd.f32 v57, v3;
	v22 =	vadd.f32 v58, v4  }
0xe4: {  	v19 =	vld.idx.msk [tilespmem:v35+s2+$0x0], $0xffff;
	v21 =	vadd.f32 v21, v7;
	v2 =	vadd.f32 v52, v1  }
0xe5: {  	v17 =	vld.idx.msk [tilespmem:v34+s2+$0x0], $0xffff;
	v3 =	vadd.f32 v53, v6;
	v4 =	vadd.f32 v54, v20  }
0xe6: {  	v6 =	vadd.f32 v55, v22;
	v20 =	vadd.f32 v15, v9;
	v15 =	vld.idx.msk [tilespmem:v26+s2+$0x0], $0xffff  }
0xe7: {  	s3 =	simm.s32 $0x1BE70;
	s1 =	simm.s32 $0x0;
	v22 =	vadd.f32 v23, v11;
	v23 =	vadd.f32 v63, v14;
	v14 =	vld.idx.msk [tilespmem:v27+s2+$0x0], $0xffff  }
.LBB2_4:
0xe8: {  	v24 =	vld [tilespmem:s3+$0x80];
	v1 =	vadd.f32 v12, v20;
	v7 =	vadd.f32 v13, v21  }
0xe9: {  	v12 =	vld [tilespmem:s3+$0x90];
	v9 =	vadd.f32 v16, v22;
	v11 =	vadd.f32 v18, v23  }
0xea: {  	v13 =	vld [tilespmem:s3+$0xA0];
	v1 =	vadd.f32 v8, v1;
	v7 =	vadd.f32 v10, v7  }
0xeb: {  	v8 =	vld [tilespmem:s3+$0xB0];
	v9 =	vadd.f32 v17, v9;
	v10 =	vadd.f32 v19, v11  }
0xec: {  	v16 =	vld [tilespmem:s3+$0xC0];
	v1 =	vadd.f32 v0, v1;
	v7 =	vadd.f32 v5, v7  }
0xed: {  	v5 =	vld [tilespmem:s3+$0xD0];
	v9 =	vadd.f32 v15, v9;
	v11 =	vadd.f32 v14, v10  }
0xee: {  	v15 =	vld [tilespmem:s3+$0xE0]  }
0xef: {  	v14 =	vld [tilespmem:s3+$0xF0]  }
0xf0: {  	v10 =	vld [tilespmem:s3+$0x0]  }
0xf1: {  	v17 =	vld [tilespmem:s3+$0x10]  }
0xf2: {  	v18 =	vld [tilespmem:s3+$0x20]  }
0xf3: {  	v19 =	vld [tilespmem:s3+$0x30]  }
0xf4: {  	v20 =	vld [tilespmem:s3+$0x40]  }
0xf5: {  	v21 =	vld [tilespmem:s3+$0x50]  }
0xf6: {  	v22 =	vld [tilespmem:s3+$0x60]  }
0xf7: {  	v23 =	vld [tilespmem:s3+$0x70]  }
0xf8: {  	v25 =	vld [tilespmem:s3+$0xFFFFFF80]  }
0xf9: {  	v26 =	vld [tilespmem:s3+$0xFFFFFF90]  }
0xfa: {  	v27 =	vld [tilespmem:s3+$0xFFFFFFA0]  }
0xfb: {  	v28 =	vld [tilespmem:s3+$0xFFFFFFB0]  }
0xfc: {  	v29 =	vld [tilespmem:s3+$0xFFFFFFC0]  }
0xfd: {  	v30 =	vld [tilespmem:s3+$0xFFFFFFD0]  }
0xfe: {  	v31 =	vld [tilespmem:s3+$0xFFFFFFE0]  }
0xff: {  	v32 =	vld [tilespmem:s3+$0xFFFFFFF0]  }
0x100: {  	v33 =	vld [tilespmem:s3+$0xFFFFFF00]  }
0x101: {  	v34 =	vld [tilespmem:s3+$0xFFFFFF10]  }
0x102: {  	v35 =	vld [tilespmem:s3+$0xFFFFFF20]  }
0x103: {  	v36 =	vld [tilespmem:s3+$0xFFFFFF30]  }
0x104: {  	v37 =	vld [tilespmem:s3+$0xFFFFFF40]  }
0x105: {  	v38 =	vld [tilespmem:s3+$0xFFFFFF50]  }
0x106: {  	v39 =	vld [tilespmem:s3+$0xFFFFFF60]  }
0x107: {  	v40 =	vld [tilespmem:s3+$0xFFFFFF70]  }
0x108: {  	v24 =	vld.idx.msk [tilespmem:v24+s2+$0x0], $0xffff  }
0x109: {  	v41 =	vld.idx.msk [tilespmem:v12+s2+$0x0], $0xffff  }
0x10a: {  	v42 =	vld.idx.msk [tilespmem:v13+s2+$0x0], $0xffff  }
0x10b: {  	v43 =	vld.idx.msk [tilespmem:v8+s2+$0x0], $0xffff  }
0x10c: {  	v0 =	vld.idx.msk [tilespmem:v16+s2+$0x0], $0xffff  }
0x10d: {  	v5 =	vld.idx.msk [tilespmem:v5+s2+$0x0], $0xffff  }
0x10e: {  	v44 =	vld.idx.msk [tilespmem:v10+s2+$0x0], $0xffff  }
0x10f: {  	v17 =	vld.idx.msk [tilespmem:v17+s2+$0x0], $0xffff  }
0x110: {  	v45 =	vld.idx.msk [tilespmem:v18+s2+$0x0], $0xffff  }
0x111: {  	v19 =	vld.idx.msk [tilespmem:v19+s2+$0x0], $0xffff  }
0x112: {  	v8 =	vld.idx.msk [tilespmem:v20+s2+$0x0], $0xffff  }
0x113: {  	v10 =	vld.idx.msk [tilespmem:v21+s2+$0x0], $0xffff  }
0x114: {  	v16 =	vld.idx.msk [tilespmem:v25+s2+$0x0], $0xffff  }
0x115: {  	v18 =	vld.idx.msk [tilespmem:v26+s2+$0x0], $0xffff  }
0x116: {  	v20 =	vld.idx.msk [tilespmem:v33+s2+$0x0], $0xffff  }
0x117: {  	v21 =	vld.idx.msk [tilespmem:v34+s2+$0x0], $0xffff  }
0x118: {  	v25 =	vld.idx.msk [tilespmem:v35+s2+$0x0], $0xffff  }
0x119: {  	s1 =	sadd.s32 $0x4, s1;
	v26 =	vld.idx.msk [tilespmem:v36+s2+$0x0], $0xffff  }
0x11a: {  	p1 =	slt.u32 s1, $0x34;
	v27 =	vld.idx.msk [tilespmem:v27+s2+$0x0], $0xffff  }
0x11b: {  	v28 =	vld.idx.msk [tilespmem:v28+s2+$0x0], $0xffff  }
0x11c: {  	v12 =	vld.idx.msk [tilespmem:v29+s2+$0x0], $0xffff  }
0x11d: {  	v13 =	vld.idx.msk [tilespmem:v30+s2+$0x0], $0xffff  }
0x11e: {  	v2 =	vadd.f32 v20, v2;
	v3 =	vadd.f32 v21, v3;
	v20 =	vld.idx.msk [tilespmem:v37+s2+$0x0], $0xffff  }
0x11f: {  	v4 =	vadd.f32 v25, v4;
	v6 =	vadd.f32 v26, v6;
	v21 =	vld.idx.msk [tilespmem:v38+s2+$0x0], $0xffff  }
0x120: {  	v2 =	vadd.f32 v16, v2;
	v3 =	vadd.f32 v18, v3;
	v25 =	vld.idx.msk [tilespmem:v39+s2+$0x0], $0xffff  }
0x121: {  	v4 =	vadd.f32 v27, v4;
	v6 =	vadd.f32 v28, v6;
	v26 =	vld.idx.msk [tilespmem:v40+s2+$0x0], $0xffff  }
0x122: {  	v2 =	vadd.f32 v44, v2;
	v3 =	vadd.f32 v17, v3;
	v16 =	vld.idx.msk [tilespmem:v31+s2+$0x0], $0xffff  }
.Ltmp1:
0x123: {  	v4 =	vadd.f32 v45, v4;
	v6 =	vadd.f32 v19, v6;
	v18 =	vld.idx.msk [tilespmem:v32+s2+$0x0], $0xffff;
	(pc) =	sbr.rel @p1 .LBB2_4-.Ltmp1, $4  }
0x124: {  	v2 =	vadd.f32 v24, v2;
	v3 =	vadd.f32 v41, v3;
	v17 =	vld.idx.msk [tilespmem:v22+s2+$0x0], $0xffff  }
0x125: {  	v4 =	vadd.f32 v42, v4;
	v6 =	vadd.f32 v43, v6;
	v19 =	vld.idx.msk [tilespmem:v23+s2+$0x0], $0xffff  }
0x126: {  	v20 =	vadd.f32 v20, v1;
	v21 =	vadd.f32 v21, v7;
	v15 =	vld.idx.msk [tilespmem:v15+s2+$0x0], $0xffff  }
0x127: {  	s3 =	sadd.s32 $0x200, s3;
	v22 =	vadd.f32 v25, v9;
	v23 =	vadd.f32 v26, v11;
	v14 =	vld.idx.msk [tilespmem:v14+s2+$0x0], $0xffff  }
0x128: {  	_ =	swait.ge [sflag:s28], $0x1C00  }
0x129: {  	[sflag:s28] =	ssyncset.done $0x0  }
0x12a: {  	s1 =	simm.s32 $0x1A070;
	[sflag:s28] =	ssyncadd.s32 $0xFFFFE400  }
0x12b: {  	[tilespmem:s29], [sflag:$0x3] =	stream.strided.gather [hbm4b:s7+s23], $0x1000, s24, s23, $0x38;
	[tilespmem:$0x1D970] =	vst v63  }
0x12c: {  	v1 =	vld [tilespmem:s1+$0x80]  }
0x12d: {  	v7 =	vld [tilespmem:s1+$0x90]  }
0x12e: {  	v9 =	vld [tilespmem:s1+$0xA0]  }
0x12f: {  	v11 =	vld [tilespmem:s1+$0xB0]  }
0x130: {  	v24 =	vld [tilespmem:s1+$0xC0]  }
0x131: {  	v25 =	vld [tilespmem:s1+$0xD0]  }
0x132: {  	v26 =	vld [tilespmem:s1+$0xE0]  }
0x133: {  	v27 =	vld [tilespmem:s1+$0xF0]  }
0x134: {  	v28 =	vld [tilespmem:s1+$0x0]  }
0x135: {  	v29 =	vld [tilespmem:s1+$0x10]  }
0x136: {  	v30 =	vld [tilespmem:s1+$0x20]  }
0x137: {  	v31 =	vld [tilespmem:s1+$0x30]  }
0x138: {  	v32 =	vld [tilespmem:s1+$0x40]  }
0x139: {  	v33 =	vld [tilespmem:s1+$0x50]  }
0x13a: {  	v34 =	vld [tilespmem:s1+$0x60]  }
0x13b: {  	v35 =	vld [tilespmem:s1+$0x70]  }
0x13c: {  	v36 =	vld [tilespmem:s1+$0xFFFFFF80]  }
0x13d: {  	v37 =	vld [tilespmem:s1+$0xFFFFFF90]  }
0x13e: {  	v38 =	vld [tilespmem:s1+$0xFFFFFFA0]  }
0x13f: {  	v39 =	vld [tilespmem:s1+$0xFFFFFFB0]  }
0x140: {  	v40 =	vld [tilespmem:s1+$0xFFFFFFC0]  }
0x141: {  	v41 =	vld [tilespmem:s1+$0xFFFFFFD0]  }
0x142: {  	v42 =	vld [tilespmem:s1+$0xFFFFFFE0]  }
0x143: {  	v43 =	vld [tilespmem:s1+$0xFFFFFFF0]  }
0x144: {  	v44 =	vld [tilespmem:s1+$0xFFFFFF00]  }
0x145: {  	v45 =	vld [tilespmem:s1+$0xFFFFFF10]  }
0x146: {  	v46 =	vld [tilespmem:s1+$0xFFFFFF20]  }
0x147: {  	v47 =	vld [tilespmem:s1+$0xFFFFFF30]  }
0x148: {  	v48 =	vld [tilespmem:s1+$0xFFFFFF40]  }
0x149: {  	v49 =	vld [tilespmem:s1+$0xFFFFFF50]  }
0x14a: {  	v50 =	vld [tilespmem:s1+$0xFFFFFF60]  }
0x14b: {  	v51 =	vld [tilespmem:s1+$0xFFFFFF70]  }
0x14c: {  	v52 =	vld.idx.msk [tilespmem:v1+s2+$0x0], $0xffff  }
0x14d: {  	v53 =	vld.idx.msk [tilespmem:v7+s2+$0x0], $0xffff  }
0x14e: {  	v54 =	vld.idx.msk [tilespmem:v9+s2+$0x0], $0xffff  }
0x14f: {  	v55 =	vld.idx.msk [tilespmem:v11+s2+$0x0], $0xffff  }
0x150: {  	v1 =	vld.idx.msk [tilespmem:v24+s2+$0x0], $0xffff  }
0x151: {  	v7 =	vld.idx.msk [tilespmem:v25+s2+$0x0], $0xffff  }
0x152: {  	v24 =	vld.idx.msk [tilespmem:v28+s2+$0x0], $0xffff  }
0x153: {  	v56 =	vld.idx.msk [tilespmem:v29+s2+$0x0], $0xffff  }
0x154: {  	v57 =	vld.idx.msk [tilespmem:v30+s2+$0x0], $0xffff  }
0x155: {  	v58 =	vld.idx.msk [tilespmem:v31+s2+$0x0], $0xffff  }
0x156: {  	v9 =	vld.idx.msk [tilespmem:v32+s2+$0x0], $0xffff  }
0x157: {  	v11 =	vld.idx.msk [tilespmem:v33+s2+$0x0], $0xffff  }
0x158: {  	v59 =	vld.idx.msk [tilespmem:v36+s2+$0x0], $0xffff  }
0x159: {  	v60 =	vld.idx.msk [tilespmem:v37+s2+$0x0], $0xffff  }
0x15a: {  	v13 =	vadd.f32 v13, v21;
	v16 =	vadd.f32 v16, v22;
	v61 =	vld.idx.msk [tilespmem:v44+s2+$0x0], $0xffff  }
0x15b: {  	v12 =	vadd.f32 v12, v20;
	v62 =	vld.idx.msk [tilespmem:v45+s2+$0x0], $0xffff  }
0x15c: {  	v10 =	vadd.f32 v10, v13;
	v13 =	vadd.f32 v17, v16;
	v20 =	vld.idx.msk [tilespmem:v46+s2+$0x0], $0xffff  }
0x15d: {  	v18 =	vadd.f32 v18, v23;
	v21 =	vld.idx.msk [tilespmem:v47+s2+$0x0], $0xffff  }
0x15e: {  	v8 =	vadd.f32 v8, v12;
	v22 =	vadd.f32 v15, v13;
	v15 =	vld.idx.msk [tilespmem:v48+s2+$0x0], $0xffff  }
0x15f: {  	v16 =	vadd.f32 v19, v18;
	v23 =	vld.idx.msk [tilespmem:v50+s2+$0x0], $0xffff  }
0x160: {  	v8 =	vadd.f32 v0, v8;
	v63 =	vld.idx.msk [tilespmem:v51+s2+$0x0], $0xffff  }
0x161: {  	v5 =	vadd.f32 v5, v10;
	v14 =	vadd.f32 v14, v16;
	v12 =	vld.idx.msk [tilespmem:v38+s2+$0x0], $0xffff  }
0x162: {  	v17 =	vld.idx.msk [tilespmem:v39+s2+$0x0], $0xffff;
	v0 =	vadd.f32 v61, v2;
	v2 =	vadd.f32 v62, v3  }
0x163: {  	v10 =	vld.idx.msk [tilespmem:v40+s2+$0x0], $0xffff;
	v3 =	vadd.f32 v20, v4;
	v4 =	vadd.f32 v21, v6  }
0x164: {  	v6 =	vld.idx.msk [tilespmem:v49+s2+$0x0], $0xffff;
	v20 =	vadd.f32 v15, v8;
	v22 =	vadd.f32 v23, v22  }
0x165: {  	v13 =	vld.idx.msk [tilespmem:v41+s2+$0x0], $0xffff;
	v23 =	vadd.f32 v63, v14;
	v0 =	vadd.f32 v59, v0  }
0x166: {  	v16 =	vld.idx.msk [tilespmem:v42+s2+$0x0], $0xffff;
	v2 =	vadd.f32 v60, v2;
	v3 =	vadd.f32 v12, v3  }
0x167: {  	v18 =	vld.idx.msk [tilespmem:v43+s2+$0x0], $0xffff;
	v4 =	vadd.f32 v17, v4;
	v0 =	vadd.f32 v24, v0  }
0x168: {  	v19 =	vld.idx.msk [tilespmem:v35+s2+$0x0], $0xffff;
	v2 =	vadd.f32 v56, v2;
	v3 =	vadd.f32 v57, v3  }
0x169: {  	v15 =	vld.idx.msk [tilespmem:v26+s2+$0x0], $0xffff;
	v4 =	vadd.f32 v58, v4;
	v21 =	vadd.f32 v6, v5  }
0x16a: {  	v17 =	vld.idx.msk [tilespmem:v34+s2+$0x0], $0xffff;
	v0 =	vadd.f32 v52, v0;
	v2 =	vadd.f32 v53, v2  }
0x16b: {  	s3 =	simm.s32 $0x1A270;
	s1 =	simm.s32 $0x0;
	v14 =	vld.idx.msk [tilespmem:v27+s2+$0x0], $0xffff;
	v3 =	vadd.f32 v54, v3;
	v4 =	vadd.f32 v55, v4  }
.LBB2_6:
0x16c: {  	v24 =	vld [tilespmem:s3+$0x80];
	v5 =	vadd.f32 v10, v20;
	v6 =	vadd.f32 v13, v21  }
0x16d: {  	v10 =	vld [tilespmem:s3+$0x90];
	v8 =	vadd.f32 v16, v22;
	v12 =	vadd.f32 v18, v23  }
0x16e: {  	v13 =	vld [tilespmem:s3+$0xA0];
	v5 =	vadd.f32 v9, v5;
	v6 =	vadd.f32 v11, v6  }
0x16f: {  	v9 =	vld [tilespmem:s3+$0xB0];
	v8 =	vadd.f32 v17, v8;
	v11 =	vadd.f32 v19, v12  }
0x170: {  	v16 =	vld [tilespmem:s3+$0xC0];
	v5 =	vadd.f32 v1, v5;
	v6 =	vadd.f32 v7, v6  }
0x171: {  	v7 =	vld [tilespmem:s3+$0xD0];
	v8 =	vadd.f32 v15, v8;
	v12 =	vadd.f32 v14, v11  }
0x172: {  	v15 =	vld [tilespmem:s3+$0xE0]  }
0x173: {  	v14 =	vld [tilespmem:s3+$0xF0]  }
0x174: {  	v11 =	vld [tilespmem:s3+$0x0]  }
0x175: {  	v17 =	vld [tilespmem:s3+$0x10]  }
0x176: {  	v18 =	vld [tilespmem:s3+$0x20]  }
0x177: {  	v19 =	vld [tilespmem:s3+$0x30]  }
0x178: {  	v20 =	vld [tilespmem:s3+$0x40]  }
0x179: {  	v21 =	vld [tilespmem:s3+$0x50]  }
0x17a: {  	v22 =	vld [tilespmem:s3+$0x60]  }
0x17b: {  	v23 =	vld [tilespmem:s3+$0x70]  }
0x17c: {  	v25 =	vld [tilespmem:s3+$0xFFFFFF80]  }
0x17d: {  	v26 =	vld [tilespmem:s3+$0xFFFFFF90]  }
0x17e: {  	v27 =	vld [tilespmem:s3+$0xFFFFFFA0]  }
0x17f: {  	v28 =	vld [tilespmem:s3+$0xFFFFFFB0]  }
0x180: {  	v29 =	vld [tilespmem:s3+$0xFFFFFFC0]  }
0x181: {  	v30 =	vld [tilespmem:s3+$0xFFFFFFD0]  }
0x182: {  	v31 =	vld [tilespmem:s3+$0xFFFFFFE0]  }
0x183: {  	v32 =	vld [tilespmem:s3+$0xFFFFFFF0]  }
0x184: {  	v33 =	vld [tilespmem:s3+$0xFFFFFF00]  }
0x185: {  	v34 =	vld [tilespmem:s3+$0xFFFFFF10]  }
0x186: {  	v35 =	vld [tilespmem:s3+$0xFFFFFF20]  }
0x187: {  	v36 =	vld [tilespmem:s3+$0xFFFFFF30]  }
0x188: {  	v37 =	vld [tilespmem:s3+$0xFFFFFF40]  }
0x189: {  	v38 =	vld [tilespmem:s3+$0xFFFFFF50]  }
0x18a: {  	v39 =	vld [tilespmem:s3+$0xFFFFFF60]  }
0x18b: {  	v40 =	vld [tilespmem:s3+$0xFFFFFF70]  }
0x18c: {  	v24 =	vld.idx.msk [tilespmem:v24+s2+$0x0], $0xffff  }
0x18d: {  	v41 =	vld.idx.msk [tilespmem:v10+s2+$0x0], $0xffff  }
0x18e: {  	v42 =	vld.idx.msk [tilespmem:v13+s2+$0x0], $0xffff  }
0x18f: {  	v43 =	vld.idx.msk [tilespmem:v9+s2+$0x0], $0xffff  }
0x190: {  	v1 =	vld.idx.msk [tilespmem:v16+s2+$0x0], $0xffff  }
0x191: {  	v7 =	vld.idx.msk [tilespmem:v7+s2+$0x0], $0xffff  }
0x192: {  	v44 =	vld.idx.msk [tilespmem:v11+s2+$0x0], $0xffff  }
0x193: {  	v17 =	vld.idx.msk [tilespmem:v17+s2+$0x0], $0xffff  }
0x194: {  	v45 =	vld.idx.msk [tilespmem:v18+s2+$0x0], $0xffff  }
0x195: {  	v19 =	vld.idx.msk [tilespmem:v19+s2+$0x0], $0xffff  }
0x196: {  	v9 =	vld.idx.msk [tilespmem:v20+s2+$0x0], $0xffff  }
0x197: {  	v11 =	vld.idx.msk [tilespmem:v21+s2+$0x0], $0xffff  }
0x198: {  	v16 =	vld.idx.msk [tilespmem:v25+s2+$0x0], $0xffff  }
0x199: {  	v18 =	vld.idx.msk [tilespmem:v26+s2+$0x0], $0xffff  }
0x19a: {  	v20 =	vld.idx.msk [tilespmem:v33+s2+$0x0], $0xffff  }
0x19b: {  	v21 =	vld.idx.msk [tilespmem:v34+s2+$0x0], $0xffff  }
0x19c: {  	v25 =	vld.idx.msk [tilespmem:v35+s2+$0x0], $0xffff  }
0x19d: {  	s1 =	sadd.s32 $0x4, s1;
	v26 =	vld.idx.msk [tilespmem:v36+s2+$0x0], $0xffff  }
0x19e: {  	p1 =	slt.u32 s1, $0x34;
	v27 =	vld.idx.msk [tilespmem:v27+s2+$0x0], $0xffff  }
0x19f: {  	v28 =	vld.idx.msk [tilespmem:v28+s2+$0x0], $0xffff  }
0x1a0: {  	v10 =	vld.idx.msk [tilespmem:v29+s2+$0x0], $0xffff  }
0x1a1: {  	v13 =	vld.idx.msk [tilespmem:v30+s2+$0x0], $0xffff  }
0x1a2: {  	v0 =	vadd.f32 v20, v0;
	v2 =	vadd.f32 v21, v2;
	v20 =	vld.idx.msk [tilespmem:v37+s2+$0x0], $0xffff  }
0x1a3: {  	v3 =	vadd.f32 v25, v3;
	v4 =	vadd.f32 v26, v4;
	v21 =	vld.idx.msk [tilespmem:v38+s2+$0x0], $0xffff  }
0x1a4: {  	v0 =	vadd.f32 v16, v0;
	v2 =	vadd.f32 v18, v2;
	v25 =	vld.idx.msk [tilespmem:v39+s2+$0x0], $0xffff  }
0x1a5: {  	v3 =	vadd.f32 v27, v3;
	v4 =	vadd.f32 v28, v4;
	v26 =	vld.idx.msk [tilespmem:v40+s2+$0x0], $0xffff  }
0x1a6: {  	v0 =	vadd.f32 v44, v0;
	v2 =	vadd.f32 v17, v2;
	v16 =	vld.idx.msk [tilespmem:v31+s2+$0x0], $0xffff  }
.Ltmp2:
0x1a7: {  	v3 =	vadd.f32 v45, v3;
	v4 =	vadd.f32 v19, v4;
	v18 =	vld.idx.msk [tilespmem:v32+s2+$0x0], $0xffff;
	(pc) =	sbr.rel @p1 .LBB2_6-.Ltmp2, $4  }
0x1a8: {  	v0 =	vadd.f32 v24, v0;
	v2 =	vadd.f32 v41, v2;
	v17 =	vld.idx.msk [tilespmem:v22+s2+$0x0], $0xffff  }
0x1a9: {  	v3 =	vadd.f32 v42, v3;
	v4 =	vadd.f32 v43, v4;
	v19 =	vld.idx.msk [tilespmem:v23+s2+$0x0], $0xffff  }
0x1aa: {  	v20 =	vadd.f32 v20, v5;
	v21 =	vadd.f32 v21, v6;
	v15 =	vld.idx.msk [tilespmem:v15+s2+$0x0], $0xffff  }
0x1ab: {  	s3 =	sadd.s32 $0x200, s3;
	v22 =	vadd.f32 v25, v8;
	v23 =	vadd.f32 v26, v12;
	v14 =	vld.idx.msk [tilespmem:v14+s2+$0x0], $0xffff  }
0x1ac: {  	_ =	swait.ge [sflag:s30], $0x1000  }
0x1ad: {  	[sflag:s30] =	ssyncset.done $0x0  }
0x1ae: {  	s1 =	simm.s32 $0x1BC70;
	[sflag:s30] =	ssyncadd.s32 $0xFFFFF000  }
0x1af: {  	[tilespmem:s25], [sflag:$0x2] =	stream.strided.gather [hbm4b:s8+s23], $0x1C00, s24, s23, $0x38;
	[tilespmem:$0x1D970] =	vst v63  }
0x1b0: {  	v5 =	vld [tilespmem:s1+$0x80]  }
0x1b1: {  	v6 =	vld [tilespmem:s1+$0x90]  }
0x1b2: {  	v8 =	vld [tilespmem:s1+$0xA0]  }
0x1b3: {  	v12 =	vld [tilespmem:s1+$0xB0]  }
0x1b4: {  	v24 =	vld [tilespmem:s1+$0xC0]  }
0x1b5: {  	v25 =	vld [tilespmem:s1+$0xD0]  }
0x1b6: {  	v26 =	vld [tilespmem:s1+$0xE0]  }
0x1b7: {  	v27 =	vld [tilespmem:s1+$0xF0]  }
0x1b8: {  	v28 =	vld [tilespmem:s1+$0x0]  }
0x1b9: {  	v29 =	vld [tilespmem:s1+$0x10]  }
0x1ba: {  	v30 =	vld [tilespmem:s1+$0x20]  }
0x1bb: {  	v31 =	vld [tilespmem:s1+$0x30]  }
0x1bc: {  	v32 =	vld [tilespmem:s1+$0x40]  }
0x1bd: {  	v33 =	vld [tilespmem:s1+$0x50]  }
0x1be: {  	v34 =	vld [tilespmem:s1+$0x60]  }
0x1bf: {  	v35 =	vld [tilespmem:s1+$0x70]  }
0x1c0: {  	v36 =	vld [tilespmem:s1+$0xFFFFFF80]  }
0x1c1: {  	v37 =	vld [tilespmem:s1+$0xFFFFFF90]  }
0x1c2: {  	v38 =	vld [tilespmem:s1+$0xFFFFFFA0]  }
0x1c3: {  	v39 =	vld [tilespmem:s1+$0xFFFFFFB0]  }
0x1c4: {  	v40 =	vld [tilespmem:s1+$0xFFFFFFC0]  }
0x1c5: {  	v41 =	vld [tilespmem:s1+$0xFFFFFFD0]  }
0x1c6: {  	v42 =	vld [tilespmem:s1+$0xFFFFFFE0]  }
0x1c7: {  	v43 =	vld [tilespmem:s1+$0xFFFFFFF0]  }
0x1c8: {  	v44 =	vld [tilespmem:s1+$0xFFFFFF00]  }
0x1c9: {  	v45 =	vld [tilespmem:s1+$0xFFFFFF10]  }
0x1ca: {  	v46 =	vld [tilespmem:s1+$0xFFFFFF20]  }
0x1cb: {  	v47 =	vld [tilespmem:s1+$0xFFFFFF30]  }
0x1cc: {  	v48 =	vld [tilespmem:s1+$0xFFFFFF40]  }
0x1cd: {  	v49 =	vld [tilespmem:s1+$0xFFFFFF50]  }
0x1ce: {  	v50 =	vld [tilespmem:s1+$0xFFFFFF60]  }
0x1cf: {  	v51 =	vld [tilespmem:s1+$0xFFFFFF70]  }
0x1d0: {  	v52 =	vld.idx.msk [tilespmem:v5+s2+$0x0], $0xffff  }
0x1d1: {  	v53 =	vld.idx.msk [tilespmem:v6+s2+$0x0], $0xffff  }
0x1d2: {  	v54 =	vld.idx.msk [tilespmem:v8+s2+$0x0], $0xffff  }
0x1d3: {  	v55 =	vld.idx.msk [tilespmem:v12+s2+$0x0], $0xffff  }
0x1d4: {  	v6 =	vld.idx.msk [tilespmem:v24+s2+$0x0], $0xffff  }
0x1d5: {  	v5 =	vld.idx.msk [tilespmem:v25+s2+$0x0], $0xffff  }
0x1d6: {  	v56 =	vld.idx.msk [tilespmem:v28+s2+$0x0], $0xffff  }
0x1d7: {  	v57 =	vld.idx.msk [tilespmem:v29+s2+$0x0], $0xffff  }
0x1d8: {  	v58 =	vld.idx.msk [tilespmem:v30+s2+$0x0], $0xffff  }
0x1d9: {  	v59 =	vld.idx.msk [tilespmem:v31+s2+$0x0], $0xffff  }
0x1da: {  	v12 =	vld.idx.msk [tilespmem:v32+s2+$0x0], $0xffff  }
0x1db: {  	v8 =	vld.idx.msk [tilespmem:v33+s2+$0x0], $0xffff  }
0x1dc: {  	v60 =	vld.idx.msk [tilespmem:v36+s2+$0x0], $0xffff  }
0x1dd: {  	v61 =	vld.idx.msk [tilespmem:v37+s2+$0x0], $0xffff  }
0x1de: {  	v62 =	vld.idx.msk [tilespmem:v44+s2+$0x0], $0xffff  }
0x1df: {  	v63 =	vld.idx.msk [tilespmem:v45+s2+$0x0], $0xffff  }
0x1e0: {  	v10 =	vadd.f32 v10, v20;
	v13 =	vadd.f32 v13, v21;
	v20 =	vld.idx.msk [tilespmem:v46+s2+$0x0], $0xffff  }
0x1e1: {  	v16 =	vadd.f32 v16, v22;
	v18 =	vadd.f32 v18, v23;
	v21 =	vld.idx.msk [tilespmem:v47+s2+$0x0], $0xffff  }
0x1e2: {  	v9 =	vadd.f32 v9, v10;
	v10 =	vadd.f32 v11, v13;
	v11 =	vld.idx.msk [tilespmem:v38+s2+$0x0], $0xffff  }
0x1e3: {  	v13 =	vadd.f32 v17, v16;
	v17 =	vadd.f32 v19, v18;
	v18 =	vld.idx.msk [tilespmem:v39+s2+$0x0], $0xffff  }
0x1e4: {  	v9 =	vadd.f32 v1, v9;
	v7 =	vadd.f32 v7, v10;
	v16 =	vld.idx.msk [tilespmem:v40+s2+$0x0], $0xffff  }
0x1e5: {  	v22 =	vadd.f32 v14, v17;
	v14 =	vld.idx.msk [tilespmem:v41+s2+$0x0], $0xffff;
	v0 =	vadd.f32 v62, v0  }
0x1e6: {  	v1 =	vadd.f32 v63, v2;
	v2 =	vadd.f32 v20, v3;
	v20 =	vld.idx.msk [tilespmem:v49+s2+$0x0], $0xffff  }
0x1e7: {  	v10 =	vadd.f32 v15, v13;
	v3 =	vadd.f32 v21, v4;
	v21 =	vld.idx.msk [tilespmem:v50+s2+$0x0], $0xffff  }
0x1e8: {  	v13 =	vld.idx.msk [tilespmem:v48+s2+$0x0], $0xffff;
	v0 =	vadd.f32 v60, v0;
	v1 =	vadd.f32 v61, v1  }
0x1e9: {  	v23 =	vld.idx.msk [tilespmem:v51+s2+$0x0], $0xffff;
	v2 =	vadd.f32 v11, v2;
	v3 =	vadd.f32 v18, v3  }
0x1ea: {  	v15 =	vld.idx.msk [tilespmem:v42+s2+$0x0], $0xffff;
	v0 =	vadd.f32 v56, v0;
	v1 =	vadd.f32 v57, v1  }
0x1eb: {  	v17 =	vld.idx.msk [tilespmem:v34+s2+$0x0], $0xffff;
	v4 =	vadd.f32 v58, v2;
	v11 =	vadd.f32 v59, v3  }
0x1ec: {  	v18 =	vld.idx.msk [tilespmem:v43+s2+$0x0], $0xffff;
	v7 =	vadd.f32 v20, v7;
	v20 =	vadd.f32 v21, v10  }
0x1ed: {  	v19 =	vld.idx.msk [tilespmem:v35+s2+$0x0], $0xffff;
	v3 =	vadd.f32 v52, v0;
	v2 =	vadd.f32 v53, v1  }
0x1ee: {  	v10 =	vld.idx.msk [tilespmem:v27+s2+$0x0], $0xffff;
	v1 =	vadd.f32 v54, v4;
	v4 =	vadd.f32 v13, v9  }
0x1ef: {  	s3 =	simm.s32 $0x1BE70;
	s1 =	simm.s32 $0x0;
	v0 =	vadd.f32 v55, v11;
	v13 =	vld.idx.msk [tilespmem:v26+s2+$0x0], $0xffff;
	v9 =	vadd.f32 v23, v22  }
.LBB2_8:
0x1f0: {  	v21 =	vld [tilespmem:s3+$0x80];
	v4 =	vadd.f32 v16, v4;
	v7 =	vadd.f32 v14, v7  }
0x1f1: {  	v14 =	vld [tilespmem:s3+$0x90];
	v11 =	vadd.f32 v15, v20;
	v9 =	vadd.f32 v18, v9  }
0x1f2: {  	v15 =	vld [tilespmem:s3+$0xA0];
	v4 =	vadd.f32 v12, v4;
	v7 =	vadd.f32 v8, v7  }
0x1f3: {  	v8 =	vld [tilespmem:s3+$0xB0];
	v11 =	vadd.f32 v17, v11;
	v12 =	vadd.f32 v19, v9  }
0x1f4: {  	v16 =	vld [tilespmem:s3+$0xC0];
	v4 =	vadd.f32 v6, v4;
	v7 =	vadd.f32 v5, v7  }
0x1f5: {  	v5 =	vld [tilespmem:s3+$0xD0];
	v9 =	vadd.f32 v13, v11;
	v10 =	vadd.f32 v10, v12  }
0x1f6: {  	v13 =	vld [tilespmem:s3+$0xE0]  }
0x1f7: {  	v11 =	vld [tilespmem:s3+$0xF0]  }
0x1f8: {  	v12 =	vld [tilespmem:s3+$0x0]  }
0x1f9: {  	v17 =	vld [tilespmem:s3+$0x10]  }
0x1fa: {  	v18 =	vld [tilespmem:s3+$0x20]  }
0x1fb: {  	v19 =	vld [tilespmem:s3+$0x30]  }
0x1fc: {  	v20 =	vld [tilespmem:s3+$0x40]  }
0x1fd: {  	v22 =	vld [tilespmem:s3+$0x50]  }
0x1fe: {  	v23 =	vld [tilespmem:s3+$0x60]  }
0x1ff: {  	v24 =	vld [tilespmem:s3+$0x70]  }
0x200: {  	v25 =	vld [tilespmem:s3+$0xFFFFFF80]  }
0x201: {  	v26 =	vld [tilespmem:s3+$0xFFFFFF90]  }
0x202: {  	v27 =	vld [tilespmem:s3+$0xFFFFFFA0]  }
0x203: {  	v28 =	vld [tilespmem:s3+$0xFFFFFFB0]  }
0x204: {  	v29 =	vld [tilespmem:s3+$0xFFFFFFC0]  }
0x205: {  	v30 =	vld [tilespmem:s3+$0xFFFFFFD0]  }
0x206: {  	v31 =	vld [tilespmem:s3+$0xFFFFFFE0]  }
0x207: {  	v32 =	vld [tilespmem:s3+$0xFFFFFFF0]  }
0x208: {  	v33 =	vld [tilespmem:s3+$0xFFFFFF00]  }
0x209: {  	v34 =	vld [tilespmem:s3+$0xFFFFFF10]  }
0x20a: {  	v35 =	vld [tilespmem:s3+$0xFFFFFF20]  }
0x20b: {  	v36 =	vld [tilespmem:s3+$0xFFFFFF30]  }
0x20c: {  	v37 =	vld [tilespmem:s3+$0xFFFFFF40]  }
0x20d: {  	v38 =	vld [tilespmem:s3+$0xFFFFFF50]  }
0x20e: {  	v39 =	vld [tilespmem:s3+$0xFFFFFF60]  }
0x20f: {  	v40 =	vld [tilespmem:s3+$0xFFFFFF70]  }
0x210: {  	v21 =	vld.idx.msk [tilespmem:v21+s2+$0x0], $0xffff  }
0x211: {  	v41 =	vld.idx.msk [tilespmem:v14+s2+$0x0], $0xffff  }
0x212: {  	v42 =	vld.idx.msk [tilespmem:v15+s2+$0x0], $0xffff  }
0x213: {  	v43 =	vld.idx.msk [tilespmem:v8+s2+$0x0], $0xffff  }
0x214: {  	v6 =	vld.idx.msk [tilespmem:v16+s2+$0x0], $0xffff  }
0x215: {  	v5 =	vld.idx.msk [tilespmem:v5+s2+$0x0], $0xffff  }
0x216: {  	v44 =	vld.idx.msk [tilespmem:v12+s2+$0x0], $0xffff  }
0x217: {  	v17 =	vld.idx.msk [tilespmem:v17+s2+$0x0], $0xffff  }
0x218: {  	v45 =	vld.idx.msk [tilespmem:v18+s2+$0x0], $0xffff  }
0x219: {  	v19 =	vld.idx.msk [tilespmem:v19+s2+$0x0], $0xffff  }
0x21a: {  	v12 =	vld.idx.msk [tilespmem:v20+s2+$0x0], $0xffff  }
0x21b: {  	v8 =	vld.idx.msk [tilespmem:v22+s2+$0x0], $0xffff  }
0x21c: {  	v15 =	vld.idx.msk [tilespmem:v25+s2+$0x0], $0xffff  }
0x21d: {  	v18 =	vld.idx.msk [tilespmem:v26+s2+$0x0], $0xffff  }
0x21e: {  	v20 =	vld.idx.msk [tilespmem:v33+s2+$0x0], $0xffff  }
0x21f: {  	v22 =	vld.idx.msk [tilespmem:v34+s2+$0x0], $0xffff  }
0x220: {  	v25 =	vld.idx.msk [tilespmem:v35+s2+$0x0], $0xffff  }
0x221: {  	s1 =	sadd.s32 $0x4, s1;
	v26 =	vld.idx.msk [tilespmem:v36+s2+$0x0], $0xffff  }
0x222: {  	p1 =	slt.u32 s1, $0x1C;
	v27 =	vld.idx.msk [tilespmem:v27+s2+$0x0], $0xffff  }
0x223: {  	v28 =	vld.idx.msk [tilespmem:v28+s2+$0x0], $0xffff  }
0x224: {  	v16 =	vld.idx.msk [tilespmem:v29+s2+$0x0], $0xffff  }
0x225: {  	v14 =	vld.idx.msk [tilespmem:v30+s2+$0x0], $0xffff  }
0x226: {  	v3 =	vadd.f32 v20, v3;
	v2 =	vadd.f32 v22, v2;
	v20 =	vld.idx.msk [tilespmem:v37+s2+$0x0], $0xffff  }
0x227: {  	v1 =	vadd.f32 v25, v1;
	v0 =	vadd.f32 v26, v0;
	v22 =	vld.idx.msk [tilespmem:v38+s2+$0x0], $0xffff  }
0x228: {  	v3 =	vadd.f32 v15, v3;
	v2 =	vadd.f32 v18, v2;
	v25 =	vld.idx.msk [tilespmem:v39+s2+$0x0], $0xffff  }
0x229: {  	v1 =	vadd.f32 v27, v1;
	v0 =	vadd.f32 v28, v0;
	v26 =	vld.idx.msk [tilespmem:v40+s2+$0x0], $0xffff  }
0x22a: {  	v3 =	vadd.f32 v44, v3;
	v2 =	vadd.f32 v17, v2;
	v15 =	vld.idx.msk [tilespmem:v31+s2+$0x0], $0xffff  }
.Ltmp3:
0x22b: {  	v1 =	vadd.f32 v45, v1;
	v0 =	vadd.f32 v19, v0;
	v18 =	vld.idx.msk [tilespmem:v32+s2+$0x0], $0xffff;
	(pc) =	sbr.rel @p1 .LBB2_8-.Ltmp3, $4  }
0x22c: {  	v3 =	vadd.f32 v21, v3;
	v2 =	vadd.f32 v41, v2;
	v17 =	vld.idx.msk [tilespmem:v23+s2+$0x0], $0xffff  }
0x22d: {  	v1 =	vadd.f32 v42, v1;
	v0 =	vadd.f32 v43, v0;
	v19 =	vld.idx.msk [tilespmem:v24+s2+$0x0], $0xffff  }
0x22e: {  	v4 =	vadd.f32 v20, v4;
	v7 =	vadd.f32 v22, v7;
	v13 =	vld.idx.msk [tilespmem:v13+s2+$0x0], $0xffff  }
0x22f: {  	s3 =	sadd.s32 $0x200, s3;
	v20 =	vadd.f32 v25, v9;
	v9 =	vadd.f32 v26, v10;
	v10 =	vld.idx.msk [tilespmem:v11+s2+$0x0], $0xffff  }
0x230: {  	v4 =	vadd.f32 v16, v4  }
0x231: {  	v7 =	vadd.f32 v14, v7  }
0x232: {  	[tilespmem:$0x1D770] =	vst v3;
	v11 =	vadd.f32 v15, v20;
	v4 =	vadd.f32 v12, v4  }
0x233: {  	[tilespmem:$0x1D780] =	vst v2;
	v3 =	vadd.f32 v18, v9;
	v7 =	vadd.f32 v8, v7  }
0x234: {  	[tilespmem:$0x1D790] =	vst v1;
	v2 =	vadd.f32 v17, v11;
	v4 =	vadd.f32 v6, v4  }
0x235: {  	[tilespmem:$0x1D7A0] =	vst v0;
	v1 =	vadd.f32 v19, v3;
	v3 =	vadd.f32 v5, v7  }
0x236: {  	v0 =	vadd.f32 v13, v2;
	[tilespmem:$0x1D7B0] =	vst v4  }
0x237: {  	v1 =	vadd.f32 v10, v1;
	[tilespmem:$0x1D7C0] =	vst v3  }
0x238: {  	[tilespmem:$0x1D7D0] =	vst v0  }
0x239: {  	[tilespmem:$0x1D7E0] =	vst v1  }
0x23a: {  	_ =	swait.ge [sflag:s28], $0x1C00  }
0x23b: {  	[sflag:s28] =	ssyncset.done $0x0  }
0x23c: {  	s1 =	simm.s32 $0x1A070;
	[sflag:s28] =	ssyncadd.s32 $0xFFFFE400  }
0x23d: {  	[tilespmem:s29], [sflag:$0x3] =	stream.strided.gather [hbm4b:s9+s23], $0x1C00, s24, s23, $0x38;
	[tilespmem:$0x1D970] =	vst v63  }
0x23e: {  	v0 =	vld [tilespmem:s1+$0x80]  }
0x23f: {  	v1 =	vld [tilespmem:s1+$0x90]  }
0x240: {  	v2 =	vld [tilespmem:s1+$0xA0]  }
0x241: {  	v3 =	vld [tilespmem:s1+$0xB0]  }
0x242: {  	v4 =	vld [tilespmem:s1+$0xC0]  }
0x243: {  	v5 =	vld [tilespmem:s1+$0xD0]  }
0x244: {  	v8 =	vld [tilespmem:s1+$0xE0]  }
0x245: {  	v10 =	vld [tilespmem:s1+$0xF0]  }
0x246: {  	v9 =	vld [tilespmem:s1+$0x0]  }
0x247: {  	v11 =	vld [tilespmem:s1+$0x10]  }
0x248: {  	v12 =	vld [tilespmem:s1+$0x20]  }
0x249: {  	v13 =	vld [tilespmem:s1+$0x30]  }
0x24a: {  	v14 =	vld [tilespmem:s1+$0x40]  }
0x24b: {  	v15 =	vld [tilespmem:s1+$0x50]  }
0x24c: {  	v17 =	vld [tilespmem:s1+$0x60]  }
0x24d: {  	v19 =	vld [tilespmem:s1+$0x70]  }
0x24e: {  	v16 =	vld [tilespmem:s1+$0xFFFFFF80]  }
0x24f: {  	v18 =	vld [tilespmem:s1+$0xFFFFFF90]  }
0x250: {  	v20 =	vld [tilespmem:s1+$0xFFFFFFA0]  }
0x251: {  	v21 =	vld [tilespmem:s1+$0xFFFFFFB0]  }
0x252: {  	v22 =	vld [tilespmem:s1+$0xFFFFFFC0]  }
0x253: {  	v23 =	vld [tilespmem:s1+$0xFFFFFFD0]  }
0x254: {  	v24 =	vld [tilespmem:s1+$0xFFFFFFE0]  }
0x255: {  	v25 =	vld [tilespmem:s1+$0xFFFFFFF0]  }
0x256: {  	v26 =	vld [tilespmem:s1+$0xFFFFFF00]  }
0x257: {  	v27 =	vld [tilespmem:s1+$0xFFFFFF10]  }
0x258: {  	v28 =	vld [tilespmem:s1+$0xFFFFFF20]  }
0x259: {  	v29 =	vld [tilespmem:s1+$0xFFFFFF30]  }
0x25a: {  	v30 =	vld [tilespmem:s1+$0xFFFFFF40]  }
0x25b: {  	v31 =	vld [tilespmem:s1+$0xFFFFFF50]  }
0x25c: {  	v32 =	vld [tilespmem:s1+$0xFFFFFF60]  }
0x25d: {  	v33 =	vld [tilespmem:s1+$0xFFFFFF70]  }
0x25e: {  	v34 =	vld.idx.msk [tilespmem:v1+s2+$0x0], $0xffff  }
0x25f: {  	v35 =	vld.idx.msk [tilespmem:v2+s2+$0x0], $0xffff  }
0x260: {  	v36 =	vld.idx.msk [tilespmem:v3+s2+$0x0], $0xffff  }
0x261: {  	v6 =	vld.idx.msk [tilespmem:v4+s2+$0x0], $0xffff  }
0x262: {  	v7 =	vld.idx.msk [tilespmem:v5+s2+$0x0], $0xffff  }
0x263: {  	v1 =	vld.idx.msk [tilespmem:v9+s2+$0x0], $0xffff  }
0x264: {  	v2 =	vld.idx.msk [tilespmem:v11+s2+$0x0], $0xffff  }
0x265: {  	v3 =	vld.idx.msk [tilespmem:v12+s2+$0x0], $0xffff  }
0x266: {  	v4 =	vld.idx.msk [tilespmem:v13+s2+$0x0], $0xffff  }
0x267: {  	v9 =	vld.idx.msk [tilespmem:v14+s2+$0x0], $0xffff  }
0x268: {  	v11 =	vld.idx.msk [tilespmem:v15+s2+$0x0], $0xffff  }
0x269: {  	v5 =	vld.idx.msk [tilespmem:v16+s2+$0x0], $0xffff  }
0x26a: {  	v14 =	vld.idx.msk [tilespmem:v18+s2+$0x0], $0xffff  }
0x26b: {  	v15 =	vld.idx.msk [tilespmem:v26+s2+$0x0], $0xffff  }
0x26c: {  	v16 =	vld.idx.msk [tilespmem:v27+s2+$0x0], $0xffff  }
0x26d: {  	v18 =	vld.idx.msk [tilespmem:v28+s2+$0x0], $0xffff  }
0x26e: {  	v59 =	vld.idx.msk [tilespmem:v29+s2+$0x0], $0xffff  }
0x26f: {  	v20 =	vld.idx.msk [tilespmem:v20+s2+$0x0], $0xffff  }
0x270: {  	v21 =	vld.idx.msk [tilespmem:v21+s2+$0x0], $0xffff  }
0x271: {  	v12 =	vld.idx.msk [tilespmem:v22+s2+$0x0], $0xffff  }
0x272: {  	v61 =	vld.idx.msk [tilespmem:v31+s2+$0x0], $0xffff  }
0x273: {  	v60 =	vimm.f32 $0.0e+00;
	v63 =	vld.idx.msk [tilespmem:v33+s2+$0x0], $0xffff  }
0x274: {  	v13 =	vld.idx.msk [tilespmem:v23+s2+$0x0], $0xffff;
	v15 =	vadd.f32 v15, v60;
	v16 =	vadd.f32 v16, v60  }
0x275: {  	v22 =	vld.idx.msk [tilespmem:v30+s2+$0x0], $0xffff;
	v18 =	vadd.f32 v18, v60;
	v23 =	vadd.f32 v59, v60  }
0x276: {  	v62 =	vld.idx.msk [tilespmem:v32+s2+$0x0], $0xffff;
	v5 =	vadd.f32 v5, v15;
	v14 =	vadd.f32 v14, v16  }
0x277: {  	v0 =	vld.idx.msk [tilespmem:v0+s2+$0x0], $0xffff;
	v15 =	vadd.f32 v20, v18;
	v20 =	vadd.f32 v21, v23  }
0x278: {  	v17 =	vld.idx.msk [tilespmem:v17+s2+$0x0], $0xffff;
	v21 =	vadd.f32 v61, v60;
	v23 =	vadd.f32 v63, v60  }
0x279: {  	v16 =	vld.idx.msk [tilespmem:v24+s2+$0x0], $0xffff;
	v1 =	vadd.f32 v1, v5;
	v2 =	vadd.f32 v2, v14  }
0x27a: {  	v18 =	vld.idx.msk [tilespmem:v25+s2+$0x0], $0xffff;
	v3 =	vadd.f32 v3, v15;
	v4 =	vadd.f32 v4, v20  }
0x27b: {  	v19 =	vld.idx.msk [tilespmem:v19+s2+$0x0], $0xffff;
	v20 =	vadd.f32 v22, v60;
	v22 =	vadd.f32 v62, v60  }
0x27c: {  	v15 =	vld.idx.msk [tilespmem:v8+s2+$0x0], $0xffff;
	v1 =	vadd.f32 v0, v1;
	v2 =	vadd.f32 v34, v2  }
0x27d: {  	s3 =	simm.s32 $0x1A270;
	s1 =	simm.s32 $0x0;
	v14 =	vld.idx.msk [tilespmem:v10+s2+$0x0], $0xffff;
	v3 =	vadd.f32 v35, v3;
	v4 =	vadd.f32 v36, v4  }
.LBB2_10:
0x27e: {  	v24 =	vld [tilespmem:s3+$0x80];
	v0 =	vadd.f32 v12, v20;
	v5 =	vadd.f32 v13, v21  }
0x27f: {  	v12 =	vld [tilespmem:s3+$0x90];
	v8 =	vadd.f32 v16, v22;
	v10 =	vadd.f32 v18, v23  }
0x280: {  	v13 =	vld [tilespmem:s3+$0xA0];
	v0 =	vadd.f32 v9, v0;
	v5 =	vadd.f32 v11, v5  }
0x281: {  	v9 =	vld [tilespmem:s3+$0xB0];
	v8 =	vadd.f32 v17, v8;
	v10 =	vadd.f32 v19, v10  }
0x282: {  	v11 =	vld [tilespmem:s3+$0xC0];
	v0 =	vadd.f32 v6, v0;
	v5 =	vadd.f32 v7, v5  }
0x283: {  	v7 =	vld [tilespmem:s3+$0xD0];
	v8 =	vadd.f32 v15, v8;
	v10 =	vadd.f32 v14, v10  }
0x284: {  	v15 =	vld [tilespmem:s3+$0xE0]  }
0x285: {  	v14 =	vld [tilespmem:s3+$0xF0]  }
0x286: {  	v16 =	vld [tilespmem:s3+$0x0]  }
0x287: {  	v17 =	vld [tilespmem:s3+$0x10]  }
0x288: {  	v18 =	vld [tilespmem:s3+$0x20]  }
0x289: {  	v19 =	vld [tilespmem:s3+$0x30]  }
0x28a: {  	v20 =	vld [tilespmem:s3+$0x40]  }
0x28b: {  	v21 =	vld [tilespmem:s3+$0x50]  }
0x28c: {  	v22 =	vld [tilespmem:s3+$0x60]  }
0x28d: {  	v23 =	vld [tilespmem:s3+$0x70]  }
0x28e: {  	v25 =	vld [tilespmem:s3+$0xFFFFFF80]  }
0x28f: {  	v26 =	vld [tilespmem:s3+$0xFFFFFF90]  }
0x290: {  	v27 =	vld [tilespmem:s3+$0xFFFFFFA0]  }
0x291: {  	v28 =	vld [tilespmem:s3+$0xFFFFFFB0]  }
0x292: {  	v29 =	vld [tilespmem:s3+$0xFFFFFFC0]  }
0x293: {  	v30 =	vld [tilespmem:s3+$0xFFFFFFD0]  }
0x294: {  	v31 =	vld [tilespmem:s3+$0xFFFFFFE0]  }
0x295: {  	v32 =	vld [tilespmem:s3+$0xFFFFFFF0]  }
0x296: {  	v33 =	vld [tilespmem:s3+$0xFFFFFF00]  }
0x297: {  	v34 =	vld [tilespmem:s3+$0xFFFFFF10]  }
0x298: {  	v35 =	vld [tilespmem:s3+$0xFFFFFF20]  }
0x299: {  	v36 =	vld [tilespmem:s3+$0xFFFFFF30]  }
0x29a: {  	v37 =	vld [tilespmem:s3+$0xFFFFFF40]  }
0x29b: {  	v38 =	vld [tilespmem:s3+$0xFFFFFF50]  }
0x29c: {  	v39 =	vld [tilespmem:s3+$0xFFFFFF60]  }
0x29d: {  	v40 =	vld [tilespmem:s3+$0xFFFFFF70]  }
0x29e: {  	v24 =	vld.idx.msk [tilespmem:v24+s2+$0x0], $0xffff  }
0x29f: {  	v41 =	vld.idx.msk [tilespmem:v12+s2+$0x0], $0xffff  }
0x2a0: {  	v42 =	vld.idx.msk [tilespmem:v13+s2+$0x0], $0xffff  }
0x2a1: {  	v43 =	vld.idx.msk [tilespmem:v9+s2+$0x0], $0xffff  }
0x2a2: {  	v6 =	vld.idx.msk [tilespmem:v11+s2+$0x0], $0xffff  }
0x2a3: {  	v7 =	vld.idx.msk [tilespmem:v7+s2+$0x0], $0xffff  }
0x2a4: {  	v44 =	vld.idx.msk [tilespmem:v16+s2+$0x0], $0xffff  }
0x2a5: {  	v17 =	vld.idx.msk [tilespmem:v17+s2+$0x0], $0xffff  }
0x2a6: {  	v45 =	vld.idx.msk [tilespmem:v18+s2+$0x0], $0xffff  }
0x2a7: {  	v19 =	vld.idx.msk [tilespmem:v19+s2+$0x0], $0xffff  }
0x2a8: {  	v9 =	vld.idx.msk [tilespmem:v20+s2+$0x0], $0xffff  }
0x2a9: {  	v11 =	vld.idx.msk [tilespmem:v21+s2+$0x0], $0xffff  }
0x2aa: {  	v16 =	vld.idx.msk [tilespmem:v25+s2+$0x0], $0xffff  }
0x2ab: {  	v18 =	vld.idx.msk [tilespmem:v26+s2+$0x0], $0xffff  }
0x2ac: {  	v20 =	vld.idx.msk [tilespmem:v33+s2+$0x0], $0xffff  }
0x2ad: {  	v21 =	vld.idx.msk [tilespmem:v34+s2+$0x0], $0xffff  }
0x2ae: {  	v25 =	vld.idx.msk [tilespmem:v35+s2+$0x0], $0xffff  }
0x2af: {  	s1 =	sadd.s32 $0x4, s1;
	v26 =	vld.idx.msk [tilespmem:v36+s2+$0x0], $0xffff  }
0x2b0: {  	p1 =	slt.u32 s1, $0x34;
	v27 =	vld.idx.msk [tilespmem:v27+s2+$0x0], $0xffff  }
0x2b1: {  	v28 =	vld.idx.msk [tilespmem:v28+s2+$0x0], $0xffff  }
0x2b2: {  	v12 =	vld.idx.msk [tilespmem:v29+s2+$0x0], $0xffff  }
0x2b3: {  	v13 =	vld.idx.msk [tilespmem:v30+s2+$0x0], $0xffff  }
0x2b4: {  	v1 =	vadd.f32 v20, v1;
	v2 =	vadd.f32 v21, v2;
	v20 =	vld.idx.msk [tilespmem:v37+s2+$0x0], $0xffff  }
0x2b5: {  	v3 =	vadd.f32 v25, v3;
	v4 =	vadd.f32 v26, v4;
	v21 =	vld.idx.msk [tilespmem:v38+s2+$0x0], $0xffff  }
0x2b6: {  	v1 =	vadd.f32 v16, v1;
	v2 =	vadd.f32 v18, v2;
	v25 =	vld.idx.msk [tilespmem:v39+s2+$0x0], $0xffff  }
0x2b7: {  	v3 =	vadd.f32 v27, v3;
	v4 =	vadd.f32 v28, v4;
	v26 =	vld.idx.msk [tilespmem:v40+s2+$0x0], $0xffff  }
0x2b8: {  	v1 =	vadd.f32 v44, v1;
	v2 =	vadd.f32 v17, v2;
	v16 =	vld.idx.msk [tilespmem:v31+s2+$0x0], $0xffff  }
.Ltmp4:
0x2b9: {  	v3 =	vadd.f32 v45, v3;
	v4 =	vadd.f32 v19, v4;
	v18 =	vld.idx.msk [tilespmem:v32+s2+$0x0], $0xffff;
	(pc) =	sbr.rel @p1 .LBB2_10-.Ltmp4, $4  }
0x2ba: {  	v1 =	vadd.f32 v24, v1;
	v2 =	vadd.f32 v41, v2;
	v17 =	vld.idx.msk [tilespmem:v22+s2+$0x0], $0xffff  }
0x2bb: {  	v3 =	vadd.f32 v42, v3;
	v4 =	vadd.f32 v43, v4;
	v19 =	vld.idx.msk [tilespmem:v23+s2+$0x0], $0xffff  }
0x2bc: {  	v20 =	vadd.f32 v20, v0;
	v21 =	vadd.f32 v21, v5;
	v15 =	vld.idx.msk [tilespmem:v15+s2+$0x0], $0xffff  }
0x2bd: {  	s3 =	sadd.s32 $0x200, s3;
	v22 =	vadd.f32 v25, v8;
	v23 =	vadd.f32 v26, v10;
	v14 =	vld.idx.msk [tilespmem:v14+s2+$0x0], $0xffff  }
0x2be: {  	_ =	swait.ge [sflag:s30], $0x1C00  }
0x2bf: {  	[sflag:s30] =	ssyncset.done $0x0  }
0x2c0: {  	s1 =	simm.s32 $0x1BC70;
	[sflag:s30] =	ssyncadd.s32 $0xFFFFE400  }
0x2c1: {  	[tilespmem:s25], [sflag:$0x2] =	stream.strided.gather [hbm4b:s10+s23], $0x1C00, s24, s23, $0x38;
	[tilespmem:$0x1D970] =	vst v63  }
0x2c2: {  	v0 =	vld [tilespmem:s1+$0x80]  }
0x2c3: {  	v5 =	vld [tilespmem:s1+$0x90]  }
0x2c4: {  	v8 =	vld [tilespmem:s1+$0xA0]  }
0x2c5: {  	v10 =	vld [tilespmem:s1+$0xB0]  }
0x2c6: {  	v24 =	vld [tilespmem:s1+$0xC0]  }
0x2c7: {  	v25 =	vld [tilespmem:s1+$0xD0]  }
0x2c8: {  	v26 =	vld [tilespmem:s1+$0xE0]  }
0x2c9: {  	v27 =	vld [tilespmem:s1+$0xF0]  }
0x2ca: {  	v28 =	vld [tilespmem:s1+$0x0]  }
0x2cb: {  	v29 =	vld [tilespmem:s1+$0x10]  }
0x2cc: {  	v30 =	vld [tilespmem:s1+$0x20]  }
0x2cd: {  	v31 =	vld [tilespmem:s1+$0x30]  }
0x2ce: {  	v32 =	vld [tilespmem:s1+$0x40]  }
0x2cf: {  	v33 =	vld [tilespmem:s1+$0x50]  }
0x2d0: {  	v34 =	vld [tilespmem:s1+$0x60]  }
0x2d1: {  	v35 =	vld [tilespmem:s1+$0x70]  }
0x2d2: {  	v36 =	vld [tilespmem:s1+$0xFFFFFF80]  }
0x2d3: {  	v37 =	vld [tilespmem:s1+$0xFFFFFF90]  }
0x2d4: {  	v38 =	vld [tilespmem:s1+$0xFFFFFFA0]  }
0x2d5: {  	v39 =	vld [tilespmem:s1+$0xFFFFFFB0]  }
0x2d6: {  	v40 =	vld [tilespmem:s1+$0xFFFFFFC0]  }
0x2d7: {  	v41 =	vld [tilespmem:s1+$0xFFFFFFD0]  }
0x2d8: {  	v42 =	vld [tilespmem:s1+$0xFFFFFFE0]  }
0x2d9: {  	v43 =	vld [tilespmem:s1+$0xFFFFFFF0]  }
0x2da: {  	v44 =	vld [tilespmem:s1+$0xFFFFFF00]  }
0x2db: {  	v45 =	vld [tilespmem:s1+$0xFFFFFF10]  }
0x2dc: {  	v46 =	vld [tilespmem:s1+$0xFFFFFF20]  }
0x2dd: {  	v47 =	vld [tilespmem:s1+$0xFFFFFF30]  }
0x2de: {  	v48 =	vld [tilespmem:s1+$0xFFFFFF40]  }
0x2df: {  	v49 =	vld [tilespmem:s1+$0xFFFFFF50]  }
0x2e0: {  	v50 =	vld [tilespmem:s1+$0xFFFFFF60]  }
0x2e1: {  	v51 =	vld [tilespmem:s1+$0xFFFFFF70]  }
0x2e2: {  	v52 =	vld.idx.msk [tilespmem:v0+s2+$0x0], $0xffff  }
0x2e3: {  	v53 =	vld.idx.msk [tilespmem:v5+s2+$0x0], $0xffff  }
0x2e4: {  	v54 =	vld.idx.msk [tilespmem:v8+s2+$0x0], $0xffff  }
0x2e5: {  	v55 =	vld.idx.msk [tilespmem:v10+s2+$0x0], $0xffff  }
0x2e6: {  	v0 =	vld.idx.msk [tilespmem:v24+s2+$0x0], $0xffff  }
0x2e7: {  	v5 =	vld.idx.msk [tilespmem:v25+s2+$0x0], $0xffff  }
0x2e8: {  	v24 =	vld.idx.msk [tilespmem:v28+s2+$0x0], $0xffff  }
0x2e9: {  	v56 =	vld.idx.msk [tilespmem:v29+s2+$0x0], $0xffff  }
0x2ea: {  	v57 =	vld.idx.msk [tilespmem:v30+s2+$0x0], $0xffff  }
0x2eb: {  	v58 =	vld.idx.msk [tilespmem:v31+s2+$0x0], $0xffff  }
0x2ec: {  	v8 =	vld.idx.msk [tilespmem:v32+s2+$0x0], $0xffff  }
0x2ed: {  	v10 =	vld.idx.msk [tilespmem:v33+s2+$0x0], $0xffff  }
0x2ee: {  	v59 =	vld.idx.msk [tilespmem:v36+s2+$0x0], $0xffff  }
0x2ef: {  	v60 =	vld.idx.msk [tilespmem:v37+s2+$0x0], $0xffff  }
0x2f0: {  	v61 =	vld.idx.msk [tilespmem:v44+s2+$0x0], $0xffff  }
0x2f1: {  	v62 =	vld.idx.msk [tilespmem:v45+s2+$0x0], $0xffff  }
0x2f2: {  	v12 =	vadd.f32 v12, v20;
	v13 =	vadd.f32 v13, v21;
	v20 =	vld.idx.msk [tilespmem:v46+s2+$0x0], $0xffff  }
0x2f3: {  	v16 =	vadd.f32 v16, v22;
	v18 =	vadd.f32 v18, v23;
	v21 =	vld.idx.msk [tilespmem:v47+s2+$0x0], $0xffff  }
0x2f4: {  	v9 =	vadd.f32 v9, v12;
	v11 =	vadd.f32 v11, v13;
	v22 =	vld.idx.msk [tilespmem:v38+s2+$0x0], $0xffff  }
0x2f5: {  	v13 =	vadd.f32 v17, v16;
	v16 =	vadd.f32 v19, v18;
	v17 =	vld.idx.msk [tilespmem:v39+s2+$0x0], $0xffff  }
0x2f6: {  	v9 =	vadd.f32 v6, v9;
	v7 =	vadd.f32 v7, v11;
	v12 =	vld.idx.msk [tilespmem:v40+s2+$0x0], $0xffff  }
0x2f7: {  	v11 =	vadd.f32 v15, v13;
	v14 =	vadd.f32 v14, v16;
	v13 =	vld.idx.msk [tilespmem:v41+s2+$0x0], $0xffff  }
0x2f8: {  	v15 =	vld.idx.msk [tilespmem:v48+s2+$0x0], $0xffff;
	v1 =	vadd.f32 v61, v1;
	v2 =	vadd.f32 v62, v2  }
0x2f9: {  	v3 =	vadd.f32 v20, v3;
	v4 =	vadd.f32 v21, v4;
	v21 =	vld.idx.msk [tilespmem:v49+s2+$0x0], $0xffff  }
0x2fa: {  	v23 =	vld.idx.msk [tilespmem:v50+s2+$0x0], $0xffff;
	v1 =	vadd.f32 v59, v1;
	v2 =	vadd.f32 v60, v2  }
0x2fb: {  	v63 =	vld.idx.msk [tilespmem:v51+s2+$0x0], $0xffff;
	v3 =	vadd.f32 v22, v3;
	v4 =	vadd.f32 v17, v4  }
0x2fc: {  	v16 =	vld.idx.msk [tilespmem:v42+s2+$0x0], $0xffff;
	v1 =	vadd.f32 v24, v1;
	v6 =	vadd.f32 v56, v2  }
0x2fd: {  	v18 =	vld.idx.msk [tilespmem:v43+s2+$0x0], $0xffff;
	v20 =	vadd.f32 v57, v3;
	v22 =	vadd.f32 v58, v4  }
0x2fe: {  	v19 =	vld.idx.msk [tilespmem:v35+s2+$0x0], $0xffff;
	v21 =	vadd.f32 v21, v7;
	v2 =	vadd.f32 v52, v1  }
0x2ff: {  	v17 =	vld.idx.msk [tilespmem:v34+s2+$0x0], $0xffff;
	v3 =	vadd.f32 v53, v6;
	v4 =	vadd.f32 v54, v20  }
0x300: {  	v6 =	vadd.f32 v55, v22;
	v20 =	vadd.f32 v15, v9;
	v15 =	vld.idx.msk [tilespmem:v26+s2+$0x0], $0xffff  }
0x301: {  	s3 =	simm.s32 $0x1BE70;
	s1 =	simm.s32 $0x0;
	v22 =	vadd.f32 v23, v11;
	v23 =	vadd.f32 v63, v14;
	v14 =	vld.idx.msk [tilespmem:v27+s2+$0x0], $0xffff  }
.LBB2_12:
0x302: {  	v24 =	vld [tilespmem:s3+$0x80];
	v1 =	vadd.f32 v12, v20;
	v7 =	vadd.f32 v13, v21  }
0x303: {  	v12 =	vld [tilespmem:s3+$0x90];
	v9 =	vadd.f32 v16, v22;
	v11 =	vadd.f32 v18, v23  }
0x304: {  	v13 =	vld [tilespmem:s3+$0xA0];
	v1 =	vadd.f32 v8, v1;
	v7 =	vadd.f32 v10, v7  }
0x305: {  	v8 =	vld [tilespmem:s3+$0xB0];
	v9 =	vadd.f32 v17, v9;
	v10 =	vadd.f32 v19, v11  }
0x306: {  	v16 =	vld [tilespmem:s3+$0xC0];
	v1 =	vadd.f32 v0, v1;
	v7 =	vadd.f32 v5, v7  }
0x307: {  	v5 =	vld [tilespmem:s3+$0xD0];
	v9 =	vadd.f32 v15, v9;
	v11 =	vadd.f32 v14, v10  }
0x308: {  	v15 =	vld [tilespmem:s3+$0xE0]  }
0x309: {  	v14 =	vld [tilespmem:s3+$0xF0]  }
0x30a: {  	v10 =	vld [tilespmem:s3+$0x0]  }
0x30b: {  	v17 =	vld [tilespmem:s3+$0x10]  }
0x30c: {  	v18 =	vld [tilespmem:s3+$0x20]  }
0x30d: {  	v19 =	vld [tilespmem:s3+$0x30]  }
0x30e: {  	v20 =	vld [tilespmem:s3+$0x40]  }
0x30f: {  	v21 =	vld [tilespmem:s3+$0x50]  }
0x310: {  	v22 =	vld [tilespmem:s3+$0x60]  }
0x311: {  	v23 =	vld [tilespmem:s3+$0x70]  }
0x312: {  	v25 =	vld [tilespmem:s3+$0xFFFFFF80]  }
0x313: {  	v26 =	vld [tilespmem:s3+$0xFFFFFF90]  }
0x314: {  	v27 =	vld [tilespmem:s3+$0xFFFFFFA0]  }
0x315: {  	v28 =	vld [tilespmem:s3+$0xFFFFFFB0]  }
0x316: {  	v29 =	vld [tilespmem:s3+$0xFFFFFFC0]  }
0x317: {  	v30 =	vld [tilespmem:s3+$0xFFFFFFD0]  }
0x318: {  	v31 =	vld [tilespmem:s3+$0xFFFFFFE0]  }
0x319: {  	v32 =	vld [tilespmem:s3+$0xFFFFFFF0]  }
0x31a: {  	v33 =	vld [tilespmem:s3+$0xFFFFFF00]  }
0x31b: {  	v34 =	vld [tilespmem:s3+$0xFFFFFF10]  }
0x31c: {  	v35 =	vld [tilespmem:s3+$0xFFFFFF20]  }
0x31d: {  	v36 =	vld [tilespmem:s3+$0xFFFFFF30]  }
0x31e: {  	v37 =	vld [tilespmem:s3+$0xFFFFFF40]  }
0x31f: {  	v38 =	vld [tilespmem:s3+$0xFFFFFF50]  }
0x320: {  	v39 =	vld [tilespmem:s3+$0xFFFFFF60]  }
0x321: {  	v40 =	vld [tilespmem:s3+$0xFFFFFF70]  }
0x322: {  	v24 =	vld.idx.msk [tilespmem:v24+s2+$0x0], $0xffff  }
0x323: {  	v41 =	vld.idx.msk [tilespmem:v12+s2+$0x0], $0xffff  }
0x324: {  	v42 =	vld.idx.msk [tilespmem:v13+s2+$0x0], $0xffff  }
0x325: {  	v43 =	vld.idx.msk [tilespmem:v8+s2+$0x0], $0xffff  }
0x326: {  	v0 =	vld.idx.msk [tilespmem:v16+s2+$0x0], $0xffff  }
0x327: {  	v5 =	vld.idx.msk [tilespmem:v5+s2+$0x0], $0xffff  }
0x328: {  	v44 =	vld.idx.msk [tilespmem:v10+s2+$0x0], $0xffff  }
0x329: {  	v17 =	vld.idx.msk [tilespmem:v17+s2+$0x0], $0xffff  }
0x32a: {  	v45 =	vld.idx.msk [tilespmem:v18+s2+$0x0], $0xffff  }
0x32b: {  	v19 =	vld.idx.msk [tilespmem:v19+s2+$0x0], $0xffff  }
0x32c: {  	v8 =	vld.idx.msk [tilespmem:v20+s2+$0x0], $0xffff  }
0x32d: {  	v10 =	vld.idx.msk [tilespmem:v21+s2+$0x0], $0xffff  }
0x32e: {  	v16 =	vld.idx.msk [tilespmem:v25+s2+$0x0], $0xffff  }
0x32f: {  	v18 =	vld.idx.msk [tilespmem:v26+s2+$0x0], $0xffff  }
0x330: {  	v20 =	vld.idx.msk [tilespmem:v33+s2+$0x0], $0xffff  }
0x331: {  	v21 =	vld.idx.msk [tilespmem:v34+s2+$0x0], $0xffff  }
0x332: {  	v25 =	vld.idx.msk [tilespmem:v35+s2+$0x0], $0xffff  }
0x333: {  	s1 =	sadd.s32 $0x4, s1;
	v26 =	vld.idx.msk [tilespmem:v36+s2+$0x0], $0xffff  }
0x334: {  	p1 =	slt.u32 s1, $0x34;
	v27 =	vld.idx.msk [tilespmem:v27+s2+$0x0], $0xffff  }
0x335: {  	v28 =	vld.idx.msk [tilespmem:v28+s2+$0x0], $0xffff  }
0x336: {  	v12 =	vld.idx.msk [tilespmem:v29+s2+$0x0], $0xffff  }
0x337: {  	v13 =	vld.idx.msk [tilespmem:v30+s2+$0x0], $0xffff  }
0x338: {  	v2 =	vadd.f32 v20, v2;
	v3 =	vadd.f32 v21, v3;
	v20 =	vld.idx.msk [tilespmem:v37+s2+$0x0], $0xffff  }
0x339: {  	v4 =	vadd.f32 v25, v4;
	v6 =	vadd.f32 v26, v6;
	v21 =	vld.idx.msk [tilespmem:v38+s2+$0x0], $0xffff  }
0x33a: {  	v2 =	vadd.f32 v16, v2;
	v3 =	vadd.f32 v18, v3;
	v25 =	vld.idx.msk [tilespmem:v39+s2+$0x0], $0xffff  }
0x33b: {  	v4 =	vadd.f32 v27, v4;
	v6 =	vadd.f32 v28, v6;
	v26 =	vld.idx.msk [tilespmem:v40+s2+$0x0], $0xffff  }
0x33c: {  	v2 =	vadd.f32 v44, v2;
	v3 =	vadd.f32 v17, v3;
	v16 =	vld.idx.msk [tilespmem:v31+s2+$0x0], $0xffff  }
.Ltmp5:
0x33d: {  	v4 =	vadd.f32 v45, v4;
	v6 =	vadd.f32 v19, v6;
	v18 =	vld.idx.msk [tilespmem:v32+s2+$0x0], $0xffff;
	(pc) =	sbr.rel @p1 .LBB2_12-.Ltmp5, $4  }
0x33e: {  	v2 =	vadd.f32 v24, v2;
	v3 =	vadd.f32 v41, v3;
	v17 =	vld.idx.msk [tilespmem:v22+s2+$0x0], $0xffff  }
0x33f: {  	v4 =	vadd.f32 v42, v4;
	v6 =	vadd.f32 v43, v6;
	v19 =	vld.idx.msk [tilespmem:v23+s2+$0x0], $0xffff  }
0x340: {  	v20 =	vadd.f32 v20, v1;
	v21 =	vadd.f32 v21, v7;
	v15 =	vld.idx.msk [tilespmem:v15+s2+$0x0], $0xffff  }
0x341: {  	s3 =	sadd.s32 $0x200, s3;
	v22 =	vadd.f32 v25, v9;
	v23 =	vadd.f32 v26, v11;
	v14 =	vld.idx.msk [tilespmem:v14+s2+$0x0], $0xffff  }
0x342: {  	_ =	swait.ge [sflag:s28], $0x1C00  }
0x343: {  	[sflag:s28] =	ssyncset.done $0x0  }
0x344: {  	s1 =	simm.s32 $0x1A070;
	[sflag:s28] =	ssyncadd.s32 $0xFFFFE400  }
0x345: {  	[tilespmem:s29], [sflag:$0x3] =	stream.strided.gather [hbm4b:s11+s23], $0x1000, s24, s23, $0x38;
	[tilespmem:$0x1D970] =	vst v63  }
0x346: {  	v1 =	vld [tilespmem:s1+$0x80]  }
0x347: {  	v7 =	vld [tilespmem:s1+$0x90]  }
0x348: {  	v9 =	vld [tilespmem:s1+$0xA0]  }
0x349: {  	v11 =	vld [tilespmem:s1+$0xB0]  }
0x34a: {  	v24 =	vld [tilespmem:s1+$0xC0]  }
0x34b: {  	v25 =	vld [tilespmem:s1+$0xD0]  }
0x34c: {  	v26 =	vld [tilespmem:s1+$0xE0]  }
0x34d: {  	v27 =	vld [tilespmem:s1+$0xF0]  }
0x34e: {  	v28 =	vld [tilespmem:s1+$0x0]  }
0x34f: {  	v29 =	vld [tilespmem:s1+$0x10]  }
0x350: {  	v30 =	vld [tilespmem:s1+$0x20]  }
0x351: {  	v31 =	vld [tilespmem:s1+$0x30]  }
0x352: {  	v32 =	vld [tilespmem:s1+$0x40]  }
0x353: {  	v33 =	vld [tilespmem:s1+$0x50]  }
0x354: {  	v34 =	vld [tilespmem:s1+$0x60]  }
0x355: {  	v35 =	vld [tilespmem:s1+$0x70]  }
0x356: {  	v36 =	vld [tilespmem:s1+$0xFFFFFF80]  }
0x357: {  	v37 =	vld [tilespmem:s1+$0xFFFFFF90]  }
0x358: {  	v38 =	vld [tilespmem:s1+$0xFFFFFFA0]  }
0x359: {  	v39 =	vld [tilespmem:s1+$0xFFFFFFB0]  }
0x35a: {  	v40 =	vld [tilespmem:s1+$0xFFFFFFC0]  }
0x35b: {  	v41 =	vld [tilespmem:s1+$0xFFFFFFD0]  }
0x35c: {  	v42 =	vld [tilespmem:s1+$0xFFFFFFE0]  }
0x35d: {  	v43 =	vld [tilespmem:s1+$0xFFFFFFF0]  }
0x35e: {  	v44 =	vld [tilespmem:s1+$0xFFFFFF00]  }
0x35f: {  	v45 =	vld [tilespmem:s1+$0xFFFFFF10]  }
0x360: {  	v46 =	vld [tilespmem:s1+$0xFFFFFF20]  }
0x361: {  	v47 =	vld [tilespmem:s1+$0xFFFFFF30]  }
0x362: {  	v48 =	vld [tilespmem:s1+$0xFFFFFF40]  }
0x363: {  	v49 =	vld [tilespmem:s1+$0xFFFFFF50]  }
0x364: {  	v50 =	vld [tilespmem:s1+$0xFFFFFF60]  }
0x365: {  	v51 =	vld [tilespmem:s1+$0xFFFFFF70]  }
0x366: {  	v52 =	vld.idx.msk [tilespmem:v1+s2+$0x0], $0xffff  }
0x367: {  	v53 =	vld.idx.msk [tilespmem:v7+s2+$0x0], $0xffff  }
0x368: {  	v54 =	vld.idx.msk [tilespmem:v9+s2+$0x0], $0xffff  }
0x369: {  	v55 =	vld.idx.msk [tilespmem:v11+s2+$0x0], $0xffff  }
0x36a: {  	v1 =	vld.idx.msk [tilespmem:v24+s2+$0x0], $0xffff  }
0x36b: {  	v7 =	vld.idx.msk [tilespmem:v25+s2+$0x0], $0xffff  }
0x36c: {  	v24 =	vld.idx.msk [tilespmem:v28+s2+$0x0], $0xffff  }
0x36d: {  	v56 =	vld.idx.msk [tilespmem:v29+s2+$0x0], $0xffff  }
0x36e: {  	v57 =	vld.idx.msk [tilespmem:v30+s2+$0x0], $0xffff  }
0x36f: {  	v58 =	vld.idx.msk [tilespmem:v31+s2+$0x0], $0xffff  }
0x370: {  	v9 =	vld.idx.msk [tilespmem:v32+s2+$0x0], $0xffff  }
0x371: {  	v11 =	vld.idx.msk [tilespmem:v33+s2+$0x0], $0xffff  }
0x372: {  	v59 =	vld.idx.msk [tilespmem:v36+s2+$0x0], $0xffff  }
0x373: {  	v60 =	vld.idx.msk [tilespmem:v37+s2+$0x0], $0xffff  }
0x374: {  	v13 =	vadd.f32 v13, v21;
	v16 =	vadd.f32 v16, v22;
	v61 =	vld.idx.msk [tilespmem:v44+s2+$0x0], $0xffff  }
0x375: {  	v12 =	vadd.f32 v12, v20;
	v62 =	vld.idx.msk [tilespmem:v45+s2+$0x0], $0xffff  }
0x376: {  	v10 =	vadd.f32 v10, v13;
	v13 =	vadd.f32 v17, v16;
	v20 =	vld.idx.msk [tilespmem:v46+s2+$0x0], $0xffff  }
0x377: {  	v18 =	vadd.f32 v18, v23;
	v21 =	vld.idx.msk [tilespmem:v47+s2+$0x0], $0xffff  }
0x378: {  	v8 =	vadd.f32 v8, v12;
	v22 =	vadd.f32 v15, v13;
	v15 =	vld.idx.msk [tilespmem:v48+s2+$0x0], $0xffff  }
0x379: {  	v16 =	vadd.f32 v19, v18;
	v23 =	vld.idx.msk [tilespmem:v50+s2+$0x0], $0xffff  }
0x37a: {  	v8 =	vadd.f32 v0, v8;
	v63 =	vld.idx.msk [tilespmem:v51+s2+$0x0], $0xffff  }
0x37b: {  	v5 =	vadd.f32 v5, v10;
	v14 =	vadd.f32 v14, v16;
	v12 =	vld.idx.msk [tilespmem:v38+s2+$0x0], $0xffff  }
0x37c: {  	v17 =	vld.idx.msk [tilespmem:v39+s2+$0x0], $0xffff;
	v0 =	vadd.f32 v61, v2;
	v2 =	vadd.f32 v62, v3  }
0x37d: {  	v10 =	vld.idx.msk [tilespmem:v40+s2+$0x0], $0xffff;
	v3 =	vadd.f32 v20, v4;
	v4 =	vadd.f32 v21, v6  }
0x37e: {  	v6 =	vld.idx.msk [tilespmem:v49+s2+$0x0], $0xffff;
	v20 =	vadd.f32 v15, v8;
	v22 =	vadd.f32 v23, v22  }
0x37f: {  	v13 =	vld.idx.msk [tilespmem:v41+s2+$0x0], $0xffff;
	v23 =	vadd.f32 v63, v14;
	v0 =	vadd.f32 v59, v0  }
0x380: {  	v16 =	vld.idx.msk [tilespmem:v42+s2+$0x0], $0xffff;
	v2 =	vadd.f32 v60, v2;
	v3 =	vadd.f32 v12, v3  }
0x381: {  	v18 =	vld.idx.msk [tilespmem:v43+s2+$0x0], $0xffff;
	v4 =	vadd.f32 v17, v4;
	v0 =	vadd.f32 v24, v0  }
0x382: {  	v19 =	vld.idx.msk [tilespmem:v35+s2+$0x0], $0xffff;
	v2 =	vadd.f32 v56, v2;
	v3 =	vadd.f32 v57, v3  }
0x383: {  	v15 =	vld.idx.msk [tilespmem:v26+s2+$0x0], $0xffff;
	v4 =	vadd.f32 v58, v4;
	v21 =	vadd.f32 v6, v5  }
0x384: {  	v17 =	vld.idx.msk [tilespmem:v34+s2+$0x0], $0xffff;
	v0 =	vadd.f32 v52, v0;
	v2 =	vadd.f32 v53, v2  }
0x385: {  	s3 =	simm.s32 $0x1A270;
	s1 =	simm.s32 $0x0;
	v14 =	vld.idx.msk [tilespmem:v27+s2+$0x0], $0xffff;
	v3 =	vadd.f32 v54, v3;
	v4 =	vadd.f32 v55, v4  }
.LBB2_14:
0x386: {  	v24 =	vld [tilespmem:s3+$0x80];
	v5 =	vadd.f32 v10, v20;
	v6 =	vadd.f32 v13, v21  }
0x387: {  	v10 =	vld [tilespmem:s3+$0x90];
	v8 =	vadd.f32 v16, v22;
	v12 =	vadd.f32 v18, v23  }
0x388: {  	v13 =	vld [tilespmem:s3+$0xA0];
	v5 =	vadd.f32 v9, v5;
	v6 =	vadd.f32 v11, v6  }
0x389: {  	v9 =	vld [tilespmem:s3+$0xB0];
	v8 =	vadd.f32 v17, v8;
	v11 =	vadd.f32 v19, v12  }
0x38a: {  	v16 =	vld [tilespmem:s3+$0xC0];
	v5 =	vadd.f32 v1, v5;
	v6 =	vadd.f32 v7, v6  }
0x38b: {  	v7 =	vld [tilespmem:s3+$0xD0];
	v8 =	vadd.f32 v15, v8;
	v12 =	vadd.f32 v14, v11  }
0x38c: {  	v15 =	vld [tilespmem:s3+$0xE0]  }
0x38d: {  	v14 =	vld [tilespmem:s3+$0xF0]  }
0x38e: {  	v11 =	vld [tilespmem:s3+$0x0]  }
0x38f: {  	v17 =	vld [tilespmem:s3+$0x10]  }
0x390: {  	v18 =	vld [tilespmem:s3+$0x20]  }
0x391: {  	v19 =	vld [tilespmem:s3+$0x30]  }
0x392: {  	v20 =	vld [tilespmem:s3+$0x40]  }
0x393: {  	v21 =	vld [tilespmem:s3+$0x50]  }
0x394: {  	v22 =	vld [tilespmem:s3+$0x60]  }
0x395: {  	v23 =	vld [tilespmem:s3+$0x70]  }
0x396: {  	v25 =	vld [tilespmem:s3+$0xFFFFFF80]  }
0x397: {  	v26 =	vld [tilespmem:s3+$0xFFFFFF90]  }
0x398: {  	v27 =	vld [tilespmem:s3+$0xFFFFFFA0]  }
0x399: {  	v28 =	vld [tilespmem:s3+$0xFFFFFFB0]  }
0x39a: {  	v29 =	vld [tilespmem:s3+$0xFFFFFFC0]  }
0x39b: {  	v30 =	vld [tilespmem:s3+$0xFFFFFFD0]  }
0x39c: {  	v31 =	vld [tilespmem:s3+$0xFFFFFFE0]  }
0x39d: {  	v32 =	vld [tilespmem:s3+$0xFFFFFFF0]  }
0x39e: {  	v33 =	vld [tilespmem:s3+$0xFFFFFF00]  }
0x39f: {  	v34 =	vld [tilespmem:s3+$0xFFFFFF10]  }
0x3a0: {  	v35 =	vld [tilespmem:s3+$0xFFFFFF20]  }
0x3a1: {  	v36 =	vld [tilespmem:s3+$0xFFFFFF30]  }
0x3a2: {  	v37 =	vld [tilespmem:s3+$0xFFFFFF40]  }
0x3a3: {  	v38 =	vld [tilespmem:s3+$0xFFFFFF50]  }
0x3a4: {  	v39 =	vld [tilespmem:s3+$0xFFFFFF60]  }
0x3a5: {  	v40 =	vld [tilespmem:s3+$0xFFFFFF70]  }
0x3a6: {  	v24 =	vld.idx.msk [tilespmem:v24+s2+$0x0], $0xffff  }
0x3a7: {  	v41 =	vld.idx.msk [tilespmem:v10+s2+$0x0], $0xffff  }
0x3a8: {  	v42 =	vld.idx.msk [tilespmem:v13+s2+$0x0], $0xffff  }
0x3a9: {  	v43 =	vld.idx.msk [tilespmem:v9+s2+$0x0], $0xffff  }
0x3aa: {  	v1 =	vld.idx.msk [tilespmem:v16+s2+$0x0], $0xffff  }
0x3ab: {  	v7 =	vld.idx.msk [tilespmem:v7+s2+$0x0], $0xffff  }
0x3ac: {  	v44 =	vld.idx.msk [tilespmem:v11+s2+$0x0], $0xffff  }
0x3ad: {  	v17 =	vld.idx.msk [tilespmem:v17+s2+$0x0], $0xffff  }
0x3ae: {  	v45 =	vld.idx.msk [tilespmem:v18+s2+$0x0], $0xffff  }
0x3af: {  	v19 =	vld.idx.msk [tilespmem:v19+s2+$0x0], $0xffff  }
0x3b0: {  	v9 =	vld.idx.msk [tilespmem:v20+s2+$0x0], $0xffff  }
0x3b1: {  	v11 =	vld.idx.msk [tilespmem:v21+s2+$0x0], $0xffff  }
0x3b2: {  	v16 =	vld.idx.msk [tilespmem:v25+s2+$0x0], $0xffff  }
0x3b3: {  	v18 =	vld.idx.msk [tilespmem:v26+s2+$0x0], $0xffff  }
0x3b4: {  	v20 =	vld.idx.msk [tilespmem:v33+s2+$0x0], $0xffff  }
0x3b5: {  	v21 =	vld.idx.msk [tilespmem:v34+s2+$0x0], $0xffff  }
0x3b6: {  	v25 =	vld.idx.msk [tilespmem:v35+s2+$0x0], $0xffff  }
0x3b7: {  	s1 =	sadd.s32 $0x4, s1;
	v26 =	vld.idx.msk [tilespmem:v36+s2+$0x0], $0xffff  }
0x3b8: {  	p1 =	slt.u32 s1, $0x34;
	v27 =	vld.idx.msk [tilespmem:v27+s2+$0x0], $0xffff  }
0x3b9: {  	v28 =	vld.idx.msk [tilespmem:v28+s2+$0x0], $0xffff  }
0x3ba: {  	v10 =	vld.idx.msk [tilespmem:v29+s2+$0x0], $0xffff  }
0x3bb: {  	v13 =	vld.idx.msk [tilespmem:v30+s2+$0x0], $0xffff  }
0x3bc: {  	v0 =	vadd.f32 v20, v0;
	v2 =	vadd.f32 v21, v2;
	v20 =	vld.idx.msk [tilespmem:v37+s2+$0x0], $0xffff  }
0x3bd: {  	v3 =	vadd.f32 v25, v3;
	v4 =	vadd.f32 v26, v4;
	v21 =	vld.idx.msk [tilespmem:v38+s2+$0x0], $0xffff  }
0x3be: {  	v0 =	vadd.f32 v16, v0;
	v2 =	vadd.f32 v18, v2;
	v25 =	vld.idx.msk [tilespmem:v39+s2+$0x0], $0xffff  }
0x3bf: {  	v3 =	vadd.f32 v27, v3;
	v4 =	vadd.f32 v28, v4;
	v26 =	vld.idx.msk [tilespmem:v40+s2+$0x0], $0xffff  }
0x3c0: {  	v0 =	vadd.f32 v44, v0;
	v2 =	vadd.f32 v17, v2;
	v16 =	vld.idx.msk [tilespmem:v31+s2+$0x0], $0xffff  }
.Ltmp6:
0x3c1: {  	v3 =	vadd.f32 v45, v3;
	v4 =	vadd.f32 v19, v4;
	v18 =	vld.idx.msk [tilespmem:v32+s2+$0x0], $0xffff;
	(pc) =	sbr.rel @p1 .LBB2_14-.Ltmp6, $4  }
0x3c2: {  	v0 =	vadd.f32 v24, v0;
	v2 =	vadd.f32 v41, v2;
	v17 =	vld.idx.msk [tilespmem:v22+s2+$0x0], $0xffff  }
0x3c3: {  	v3 =	vadd.f32 v42, v3;
	v4 =	vadd.f32 v43, v4;
	v19 =	vld.idx.msk [tilespmem:v23+s2+$0x0], $0xffff  }
0x3c4: {  	v20 =	vadd.f32 v20, v5;
	v21 =	vadd.f32 v21, v6;
	v15 =	vld.idx.msk [tilespmem:v15+s2+$0x0], $0xffff  }
0x3c5: {  	s3 =	sadd.s32 $0x200, s3;
	v22 =	vadd.f32 v25, v8;
	v23 =	vadd.f32 v26, v12;
	v14 =	vld.idx.msk [tilespmem:v14+s2+$0x0], $0xffff  }
0x3c6: {  	_ =	swait.ge [sflag:s30], $0x1000  }
0x3c7: {  	[sflag:s30] =	ssyncset.done $0x0  }
0x3c8: {  	s1 =	simm.s32 $0x1BC70;
	[sflag:s30] =	ssyncadd.s32 $0xFFFFF000  }
0x3c9: {  	[tilespmem:s25], [sflag:$0x2] =	stream.strided.gather [hbm4b:s12+s23], $0x1C00, s24, s23, $0x38;
	[tilespmem:$0x1D970] =	vst v63  }
0x3ca: {  	v5 =	vld [tilespmem:s1+$0x80]  }
0x3cb: {  	v6 =	vld [tilespmem:s1+$0x90]  }
0x3cc: {  	v8 =	vld [tilespmem:s1+$0xA0]  }
0x3cd: {  	v12 =	vld [tilespmem:s1+$0xB0]  }
0x3ce: {  	v24 =	vld [tilespmem:s1+$0xC0]  }
0x3cf: {  	v25 =	vld [tilespmem:s1+$0xD0]  }
0x3d0: {  	v26 =	vld [tilespmem:s1+$0xE0]  }
0x3d1: {  	v27 =	vld [tilespmem:s1+$0xF0]  }
0x3d2: {  	v28 =	vld [tilespmem:s1+$0x0]  }
0x3d3: {  	v29 =	vld [tilespmem:s1+$0x10]  }
0x3d4: {  	v30 =	vld [tilespmem:s1+$0x20]  }
0x3d5: {  	v31 =	vld [tilespmem:s1+$0x30]  }
0x3d6: {  	v32 =	vld [tilespmem:s1+$0x40]  }
0x3d7: {  	v33 =	vld [tilespmem:s1+$0x50]  }
0x3d8: {  	v34 =	vld [tilespmem:s1+$0x60]  }
0x3d9: {  	v35 =	vld [tilespmem:s1+$0x70]  }
0x3da: {  	v36 =	vld [tilespmem:s1+$0xFFFFFF80]  }
0x3db: {  	v37 =	vld [tilespmem:s1+$0xFFFFFF90]  }
0x3dc: {  	v38 =	vld [tilespmem:s1+$0xFFFFFFA0]  }
0x3dd: {  	v39 =	vld [tilespmem:s1+$0xFFFFFFB0]  }
0x3de: {  	v40 =	vld [tilespmem:s1+$0xFFFFFFC0]  }
0x3df: {  	v41 =	vld [tilespmem:s1+$0xFFFFFFD0]  }
0x3e0: {  	v42 =	vld [tilespmem:s1+$0xFFFFFFE0]  }
0x3e1: {  	v43 =	vld [tilespmem:s1+$0xFFFFFFF0]  }
0x3e2: {  	v44 =	vld [tilespmem:s1+$0xFFFFFF00]  }
0x3e3: {  	v45 =	vld [tilespmem:s1+$0xFFFFFF10]  }
0x3e4: {  	v46 =	vld [tilespmem:s1+$0xFFFFFF20]  }
0x3e5: {  	v47 =	vld [tilespmem:s1+$0xFFFFFF30]  }
0x3e6: {  	v48 =	vld [tilespmem:s1+$0xFFFFFF40]  }
0x3e7: {  	v49 =	vld [tilespmem:s1+$0xFFFFFF50]  }
0x3e8: {  	v50 =	vld [tilespmem:s1+$0xFFFFFF60]  }
0x3e9: {  	v51 =	vld [tilespmem:s1+$0xFFFFFF70]  }
0x3ea: {  	v52 =	vld.idx.msk [tilespmem:v5+s2+$0x0], $0xffff  }
0x3eb: {  	v53 =	vld.idx.msk [tilespmem:v6+s2+$0x0], $0xffff  }
0x3ec: {  	v54 =	vld.idx.msk [tilespmem:v8+s2+$0x0], $0xffff  }
0x3ed: {  	v55 =	vld.idx.msk [tilespmem:v12+s2+$0x0], $0xffff  }
0x3ee: {  	v6 =	vld.idx.msk [tilespmem:v24+s2+$0x0], $0xffff  }
0x3ef: {  	v5 =	vld.idx.msk [tilespmem:v25+s2+$0x0], $0xffff  }
0x3f0: {  	v56 =	vld.idx.msk [tilespmem:v28+s2+$0x0], $0xffff  }
0x3f1: {  	v57 =	vld.idx.msk [tilespmem:v29+s2+$0x0], $0xffff  }
0x3f2: {  	v58 =	vld.idx.msk [tilespmem:v30+s2+$0x0], $0xffff  }
0x3f3: {  	v59 =	vld.idx.msk [tilespmem:v31+s2+$0x0], $0xffff  }
0x3f4: {  	v12 =	vld.idx.msk [tilespmem:v32+s2+$0x0], $0xffff  }
0x3f5: {  	v8 =	vld.idx.msk [tilespmem:v33+s2+$0x0], $0xffff  }
0x3f6: {  	v60 =	vld.idx.msk [tilespmem:v36+s2+$0x0], $0xffff  }
0x3f7: {  	v61 =	vld.idx.msk [tilespmem:v37+s2+$0x0], $0xffff  }
0x3f8: {  	v62 =	vld.idx.msk [tilespmem:v44+s2+$0x0], $0xffff  }
0x3f9: {  	v63 =	vld.idx.msk [tilespmem:v45+s2+$0x0], $0xffff  }
0x3fa: {  	v10 =	vadd.f32 v10, v20;
	v13 =	vadd.f32 v13, v21;
	v20 =	vld.idx.msk [tilespmem:v46+s2+$0x0], $0xffff  }
0x3fb: {  	v16 =	vadd.f32 v16, v22;
	v18 =	vadd.f32 v18, v23;
	v21 =	vld.idx.msk [tilespmem:v47+s2+$0x0], $0xffff  }
0x3fc: {  	v9 =	vadd.f32 v9, v10;
	v10 =	vadd.f32 v11, v13;
	v11 =	vld.idx.msk [tilespmem:v38+s2+$0x0], $0xffff  }
0x3fd: {  	v13 =	vadd.f32 v17, v16;
	v17 =	vadd.f32 v19, v18;
	v18 =	vld.idx.msk [tilespmem:v39+s2+$0x0], $0xffff  }
0x3fe: {  	v9 =	vadd.f32 v1, v9;
	v7 =	vadd.f32 v7, v10;
	v16 =	vld.idx.msk [tilespmem:v40+s2+$0x0], $0xffff  }
0x3ff: {  	v22 =	vadd.f32 v14, v17;
	v14 =	vld.idx.msk [tilespmem:v41+s2+$0x0], $0xffff;
	v0 =	vadd.f32 v62, v0  }
0x400: {  	v1 =	vadd.f32 v63, v2;
	v2 =	vadd.f32 v20, v3;
	v20 =	vld.idx.msk [tilespmem:v49+s2+$0x0], $0xffff  }
0x401: {  	v10 =	vadd.f32 v15, v13;
	v3 =	vadd.f32 v21, v4;
	v21 =	vld.idx.msk [tilespmem:v50+s2+$0x0], $0xffff  }
0x402: {  	v13 =	vld.idx.msk [tilespmem:v48+s2+$0x0], $0xffff;
	v0 =	vadd.f32 v60, v0;
	v1 =	vadd.f32 v61, v1  }
0x403: {  	v23 =	vld.idx.msk [tilespmem:v51+s2+$0x0], $0xffff;
	v2 =	vadd.f32 v11, v2;
	v3 =	vadd.f32 v18, v3  }
0x404: {  	v15 =	vld.idx.msk [tilespmem:v42+s2+$0x0], $0xffff;
	v0 =	vadd.f32 v56, v0;
	v1 =	vadd.f32 v57, v1  }
0x405: {  	v17 =	vld.idx.msk [tilespmem:v34+s2+$0x0], $0xffff;
	v4 =	vadd.f32 v58, v2;
	v11 =	vadd.f32 v59, v3  }
0x406: {  	v18 =	vld.idx.msk [tilespmem:v43+s2+$0x0], $0xffff;
	v7 =	vadd.f32 v20, v7;
	v20 =	vadd.f32 v21, v10  }
0x407: {  	v19 =	vld.idx.msk [tilespmem:v35+s2+$0x0], $0xffff;
	v3 =	vadd.f32 v52, v0;
	v2 =	vadd.f32 v53, v1  }
0x408: {  	v10 =	vld.idx.msk [tilespmem:v27+s2+$0x0], $0xffff;
	v1 =	vadd.f32 v54, v4;
	v4 =	vadd.f32 v13, v9  }
0x409: {  	s3 =	simm.s32 $0x1BE70;
	s1 =	simm.s32 $0x0;
	v0 =	vadd.f32 v55, v11;
	v13 =	vld.idx.msk [tilespmem:v26+s2+$0x0], $0xffff;
	v9 =	vadd.f32 v23, v22  }
.LBB2_16:
0x40a: {  	v21 =	vld [tilespmem:s3+$0x80];
	v4 =	vadd.f32 v16, v4;
	v7 =	vadd.f32 v14, v7  }
0x40b: {  	v14 =	vld [tilespmem:s3+$0x90];
	v11 =	vadd.f32 v15, v20;
	v9 =	vadd.f32 v18, v9  }
0x40c: {  	v15 =	vld [tilespmem:s3+$0xA0];
	v4 =	vadd.f32 v12, v4;
	v7 =	vadd.f32 v8, v7  }
0x40d: {  	v8 =	vld [tilespmem:s3+$0xB0];
	v11 =	vadd.f32 v17, v11;
	v12 =	vadd.f32 v19, v9  }
0x40e: {  	v16 =	vld [tilespmem:s3+$0xC0];
	v4 =	vadd.f32 v6, v4;
	v7 =	vadd.f32 v5, v7  }
0x40f: {  	v5 =	vld [tilespmem:s3+$0xD0];
	v9 =	vadd.f32 v13, v11;
	v10 =	vadd.f32 v10, v12  }
0x410: {  	v13 =	vld [tilespmem:s3+$0xE0]  }
0x411: {  	v11 =	vld [tilespmem:s3+$0xF0]  }
0x412: {  	v12 =	vld [tilespmem:s3+$0x0]  }
0x413: {  	v17 =	vld [tilespmem:s3+$0x10]  }
0x414: {  	v18 =	vld [tilespmem:s3+$0x20]  }
0x415: {  	v19 =	vld [tilespmem:s3+$0x30]  }
0x416: {  	v20 =	vld [tilespmem:s3+$0x40]  }
0x417: {  	v22 =	vld [tilespmem:s3+$0x50]  }
0x418: {  	v23 =	vld [tilespmem:s3+$0x60]  }
0x419: {  	v24 =	vld [tilespmem:s3+$0x70]  }
0x41a: {  	v25 =	vld [tilespmem:s3+$0xFFFFFF80]  }
0x41b: {  	v26 =	vld [tilespmem:s3+$0xFFFFFF90]  }
0x41c: {  	v27 =	vld [tilespmem:s3+$0xFFFFFFA0]  }
0x41d: {  	v28 =	vld [tilespmem:s3+$0xFFFFFFB0]  }
0x41e: {  	v29 =	vld [tilespmem:s3+$0xFFFFFFC0]  }
0x41f: {  	v30 =	vld [tilespmem:s3+$0xFFFFFFD0]  }
0x420: {  	v31 =	vld [tilespmem:s3+$0xFFFFFFE0]  }
0x421: {  	v32 =	vld [tilespmem:s3+$0xFFFFFFF0]  }
0x422: {  	v33 =	vld [tilespmem:s3+$0xFFFFFF00]  }
0x423: {  	v34 =	vld [tilespmem:s3+$0xFFFFFF10]  }
0x424: {  	v35 =	vld [tilespmem:s3+$0xFFFFFF20]  }
0x425: {  	v36 =	vld [tilespmem:s3+$0xFFFFFF30]  }
0x426: {  	v37 =	vld [tilespmem:s3+$0xFFFFFF40]  }
0x427: {  	v38 =	vld [tilespmem:s3+$0xFFFFFF50]  }
0x428: {  	v39 =	vld [tilespmem:s3+$0xFFFFFF60]  }
0x429: {  	v40 =	vld [tilespmem:s3+$0xFFFFFF70]  }
0x42a: {  	v21 =	vld.idx.msk [tilespmem:v21+s2+$0x0], $0xffff  }
0x42b: {  	v41 =	vld.idx.msk [tilespmem:v14+s2+$0x0], $0xffff  }
0x42c: {  	v42 =	vld.idx.msk [tilespmem:v15+s2+$0x0], $0xffff  }
0x42d: {  	v43 =	vld.idx.msk [tilespmem:v8+s2+$0x0], $0xffff  }
0x42e: {  	v6 =	vld.idx.msk [tilespmem:v16+s2+$0x0], $0xffff  }
0x42f: {  	v5 =	vld.idx.msk [tilespmem:v5+s2+$0x0], $0xffff  }
0x430: {  	v44 =	vld.idx.msk [tilespmem:v12+s2+$0x0], $0xffff  }
0x431: {  	v17 =	vld.idx.msk [tilespmem:v17+s2+$0x0], $0xffff  }
0x432: {  	v45 =	vld.idx.msk [tilespmem:v18+s2+$0x0], $0xffff  }
0x433: {  	v19 =	vld.idx.msk [tilespmem:v19+s2+$0x0], $0xffff  }
0x434: {  	v12 =	vld.idx.msk [tilespmem:v20+s2+$0x0], $0xffff  }
0x435: {  	v8 =	vld.idx.msk [tilespmem:v22+s2+$0x0], $0xffff  }
0x436: {  	v15 =	vld.idx.msk [tilespmem:v25+s2+$0x0], $0xffff  }
0x437: {  	v18 =	vld.idx.msk [tilespmem:v26+s2+$0x0], $0xffff  }
0x438: {  	v20 =	vld.idx.msk [tilespmem:v33+s2+$0x0], $0xffff  }
0x439: {  	v22 =	vld.idx.msk [tilespmem:v34+s2+$0x0], $0xffff  }
0x43a: {  	v25 =	vld.idx.msk [tilespmem:v35+s2+$0x0], $0xffff  }
0x43b: {  	s1 =	sadd.s32 $0x4, s1;
	v26 =	vld.idx.msk [tilespmem:v36+s2+$0x0], $0xffff  }
0x43c: {  	p1 =	slt.u32 s1, $0x1C;
	v27 =	vld.idx.msk [tilespmem:v27+s2+$0x0], $0xffff  }
0x43d: {  	v28 =	vld.idx.msk [tilespmem:v28+s2+$0x0], $0xffff  }
0x43e: {  	v16 =	vld.idx.msk [tilespmem:v29+s2+$0x0], $0xffff  }
0x43f: {  	v14 =	vld.idx.msk [tilespmem:v30+s2+$0x0], $0xffff  }
0x440: {  	v3 =	vadd.f32 v20, v3;
	v2 =	vadd.f32 v22, v2;
	v20 =	vld.idx.msk [tilespmem:v37+s2+$0x0], $0xffff  }
0x441: {  	v1 =	vadd.f32 v25, v1;
	v0 =	vadd.f32 v26, v0;
	v22 =	vld.idx.msk [tilespmem:v38+s2+$0x0], $0xffff  }
0x442: {  	v3 =	vadd.f32 v15, v3;
	v2 =	vadd.f32 v18, v2;
	v25 =	vld.idx.msk [tilespmem:v39+s2+$0x0], $0xffff  }
0x443: {  	v1 =	vadd.f32 v27, v1;
	v0 =	vadd.f32 v28, v0;
	v26 =	vld.idx.msk [tilespmem:v40+s2+$0x0], $0xffff  }
0x444: {  	v3 =	vadd.f32 v44, v3;
	v2 =	vadd.f32 v17, v2;
	v15 =	vld.idx.msk [tilespmem:v31+s2+$0x0], $0xffff  }
.Ltmp7:
0x445: {  	v1 =	vadd.f32 v45, v1;
	v0 =	vadd.f32 v19, v0;
	v18 =	vld.idx.msk [tilespmem:v32+s2+$0x0], $0xffff;
	(pc) =	sbr.rel @p1 .LBB2_16-.Ltmp7, $4  }
0x446: {  	v3 =	vadd.f32 v21, v3;
	v2 =	vadd.f32 v41, v2;
	v17 =	vld.idx.msk [tilespmem:v23+s2+$0x0], $0xffff  }
0x447: {  	v1 =	vadd.f32 v42, v1;
	v0 =	vadd.f32 v43, v0;
	v19 =	vld.idx.msk [tilespmem:v24+s2+$0x0], $0xffff  }
0x448: {  	v4 =	vadd.f32 v20, v4;
	v7 =	vadd.f32 v22, v7;
	v13 =	vld.idx.msk [tilespmem:v13+s2+$0x0], $0xffff  }
0x449: {  	s3 =	sadd.s32 $0x200, s3;
	v20 =	vadd.f32 v25, v9;
	v9 =	vadd.f32 v26, v10;
	v10 =	vld.idx.msk [tilespmem:v11+s2+$0x0], $0xffff  }
0x44a: {  	v4 =	vadd.f32 v16, v4  }
0x44b: {  	v7 =	vadd.f32 v14, v7  }
0x44c: {  	[tilespmem:$0x1D7F0] =	vst v3;
	v11 =	vadd.f32 v15, v20;
	v4 =	vadd.f32 v12, v4  }
0x44d: {  	[tilespmem:$0x1D800] =	vst v2;
	v3 =	vadd.f32 v18, v9;
	v7 =	vadd.f32 v8, v7  }
0x44e: {  	[tilespmem:$0x1D810] =	vst v1;
	v2 =	vadd.f32 v17, v11;
	v4 =	vadd.f32 v6, v4  }
0x44f: {  	[tilespmem:$0x1D820] =	vst v0;
	v1 =	vadd.f32 v19, v3;
	v3 =	vadd.f32 v5, v7  }
0x450: {  	v0 =	vadd.f32 v13, v2;
	[tilespmem:$0x1D830] =	vst v4  }
0x451: {  	v1 =	vadd.f32 v10, v1;
	[tilespmem:$0x1D840] =	vst v3  }
0x452: {  	[tilespmem:$0x1D850] =	vst v0  }
0x453: {  	[tilespmem:$0x1D860] =	vst v1  }
0x454: {  	_ =	swait.ge [sflag:s28], $0x1C00  }
0x455: {  	[sflag:s28] =	ssyncset.done $0x0  }
0x456: {  	s1 =	simm.s32 $0x1A070;
	[sflag:s28] =	ssyncadd.s32 $0xFFFFE400  }
0x457: {  	[tilespmem:s29], [sflag:$0x3] =	stream.strided.gather [hbm4b:s13+s23], $0x1C00, s24, s23, $0x38;
	[tilespmem:$0x1D970] =	vst v63  }
0x458: {  	v0 =	vld [tilespmem:s1+$0x80]  }
0x459: {  	v1 =	vld [tilespmem:s1+$0x90]  }
0x45a: {  	v2 =	vld [tilespmem:s1+$0xA0]  }
0x45b: {  	v3 =	vld [tilespmem:s1+$0xB0]  }
0x45c: {  	v4 =	vld [tilespmem:s1+$0xC0]  }
0x45d: {  	v5 =	vld [tilespmem:s1+$0xD0]  }
0x45e: {  	v8 =	vld [tilespmem:s1+$0xE0]  }
0x45f: {  	v10 =	vld [tilespmem:s1+$0xF0]  }
0x460: {  	v9 =	vld [tilespmem:s1+$0x0]  }
0x461: {  	v11 =	vld [tilespmem:s1+$0x10]  }
0x462: {  	v12 =	vld [tilespmem:s1+$0x20]  }
0x463: {  	v13 =	vld [tilespmem:s1+$0x30]  }
0x464: {  	v14 =	vld [tilespmem:s1+$0x40]  }
0x465: {  	v15 =	vld [tilespmem:s1+$0x50]  }
0x466: {  	v17 =	vld [tilespmem:s1+$0x60]  }
0x467: {  	v19 =	vld [tilespmem:s1+$0x70]  }
0x468: {  	v16 =	vld [tilespmem:s1+$0xFFFFFF80]  }
0x469: {  	v18 =	vld [tilespmem:s1+$0xFFFFFF90]  }
0x46a: {  	v20 =	vld [tilespmem:s1+$0xFFFFFFA0]  }
0x46b: {  	v21 =	vld [tilespmem:s1+$0xFFFFFFB0]  }
0x46c: {  	v22 =	vld [tilespmem:s1+$0xFFFFFFC0]  }
0x46d: {  	v23 =	vld [tilespmem:s1+$0xFFFFFFD0]  }
0x46e: {  	v24 =	vld [tilespmem:s1+$0xFFFFFFE0]  }
0x46f: {  	v25 =	vld [tilespmem:s1+$0xFFFFFFF0]  }
0x470: {  	v26 =	vld [tilespmem:s1+$0xFFFFFF00]  }
0x471: {  	v27 =	vld [tilespmem:s1+$0xFFFFFF10]  }
0x472: {  	v28 =	vld [tilespmem:s1+$0xFFFFFF20]  }
0x473: {  	v29 =	vld [tilespmem:s1+$0xFFFFFF30]  }
0x474: {  	v30 =	vld [tilespmem:s1+$0xFFFFFF40]  }
0x475: {  	v31 =	vld [tilespmem:s1+$0xFFFFFF50]  }
0x476: {  	v32 =	vld [tilespmem:s1+$0xFFFFFF60]  }
0x477: {  	v33 =	vld [tilespmem:s1+$0xFFFFFF70]  }
0x478: {  	v34 =	vld.idx.msk [tilespmem:v1+s2+$0x0], $0xffff  }
0x479: {  	v35 =	vld.idx.msk [tilespmem:v2+s2+$0x0], $0xffff  }
0x47a: {  	v36 =	vld.idx.msk [tilespmem:v3+s2+$0x0], $0xffff  }
0x47b: {  	v6 =	vld.idx.msk [tilespmem:v4+s2+$0x0], $0xffff  }
0x47c: {  	v7 =	vld.idx.msk [tilespmem:v5+s2+$0x0], $0xffff  }
0x47d: {  	v1 =	vld.idx.msk [tilespmem:v9+s2+$0x0], $0xffff  }
0x47e: {  	v2 =	vld.idx.msk [tilespmem:v11+s2+$0x0], $0xffff  }
0x47f: {  	v3 =	vld.idx.msk [tilespmem:v12+s2+$0x0], $0xffff  }
0x480: {  	v4 =	vld.idx.msk [tilespmem:v13+s2+$0x0], $0xffff  }
0x481: {  	v9 =	vld.idx.msk [tilespmem:v14+s2+$0x0], $0xffff  }
0x482: {  	v11 =	vld.idx.msk [tilespmem:v15+s2+$0x0], $0xffff  }
0x483: {  	v5 =	vld.idx.msk [tilespmem:v16+s2+$0x0], $0xffff  }
0x484: {  	v14 =	vld.idx.msk [tilespmem:v18+s2+$0x0], $0xffff  }
0x485: {  	v15 =	vld.idx.msk [tilespmem:v26+s2+$0x0], $0xffff  }
0x486: {  	v16 =	vld.idx.msk [tilespmem:v27+s2+$0x0], $0xffff  }
0x487: {  	v18 =	vld.idx.msk [tilespmem:v28+s2+$0x0], $0xffff  }
0x488: {  	v59 =	vld.idx.msk [tilespmem:v29+s2+$0x0], $0xffff  }
0x489: {  	v20 =	vld.idx.msk [tilespmem:v20+s2+$0x0], $0xffff  }
0x48a: {  	v21 =	vld.idx.msk [tilespmem:v21+s2+$0x0], $0xffff  }
0x48b: {  	v12 =	vld.idx.msk [tilespmem:v22+s2+$0x0], $0xffff  }
0x48c: {  	v61 =	vld.idx.msk [tilespmem:v31+s2+$0x0], $0xffff  }
0x48d: {  	v60 =	vimm.f32 $0.0e+00;
	v63 =	vld.idx.msk [tilespmem:v33+s2+$0x0], $0xffff  }
0x48e: {  	v13 =	vld.idx.msk [tilespmem:v23+s2+$0x0], $0xffff;
	v15 =	vadd.f32 v15, v60;
	v16 =	vadd.f32 v16, v60  }
0x48f: {  	v22 =	vld.idx.msk [tilespmem:v30+s2+$0x0], $0xffff;
	v18 =	vadd.f32 v18, v60;
	v23 =	vadd.f32 v59, v60  }
0x490: {  	v62 =	vld.idx.msk [tilespmem:v32+s2+$0x0], $0xffff;
	v5 =	vadd.f32 v5, v15;
	v14 =	vadd.f32 v14, v16  }
0x491: {  	v0 =	vld.idx.msk [tilespmem:v0+s2+$0x0], $0xffff;
	v15 =	vadd.f32 v20, v18;
	v20 =	vadd.f32 v21, v23  }
0x492: {  	v17 =	vld.idx.msk [tilespmem:v17+s2+$0x0], $0xffff;
	v21 =	vadd.f32 v61, v60;
	v23 =	vadd.f32 v63, v60  }
0x493: {  	v16 =	vld.idx.msk [tilespmem:v24+s2+$0x0], $0xffff;
	v1 =	vadd.f32 v1, v5;
	v2 =	vadd.f32 v2, v14  }
0x494: {  	v18 =	vld.idx.msk [tilespmem:v25+s2+$0x0], $0xffff;
	v3 =	vadd.f32 v3, v15;
	v4 =	vadd.f32 v4, v20  }
0x495: {  	v19 =	vld.idx.msk [tilespmem:v19+s2+$0x0], $0xffff;
	v20 =	vadd.f32 v22, v60;
	v22 =	vadd.f32 v62, v60  }
0x496: {  	v15 =	vld.idx.msk [tilespmem:v8+s2+$0x0], $0xffff;
	v1 =	vadd.f32 v0, v1;
	v2 =	vadd.f32 v34, v2  }
0x497: {  	s3 =	simm.s32 $0x1A270;
	s1 =	simm.s32 $0x0;
	v14 =	vld.idx.msk [tilespmem:v10+s2+$0x0], $0xffff;
	v3 =	vadd.f32 v35, v3;
	v4 =	vadd.f32 v36, v4  }
.LBB2_18:
0x498: {  	v24 =	vld [tilespmem:s3+$0x80];
	v0 =	vadd.f32 v12, v20;
	v5 =	vadd.f32 v13, v21  }
0x499: {  	v12 =	vld [tilespmem:s3+$0x90];
	v8 =	vadd.f32 v16, v22;
	v10 =	vadd.f32 v18, v23  }
0x49a: {  	v13 =	vld [tilespmem:s3+$0xA0];
	v0 =	vadd.f32 v9, v0;
	v5 =	vadd.f32 v11, v5  }
0x49b: {  	v9 =	vld [tilespmem:s3+$0xB0];
	v8 =	vadd.f32 v17, v8;
	v10 =	vadd.f32 v19, v10  }
0x49c: {  	v11 =	vld [tilespmem:s3+$0xC0];
	v0 =	vadd.f32 v6, v0;
	v5 =	vadd.f32 v7, v5  }
0x49d: {  	v7 =	vld [tilespmem:s3+$0xD0];
	v8 =	vadd.f32 v15, v8;
	v10 =	vadd.f32 v14, v10  }
0x49e: {  	v15 =	vld [tilespmem:s3+$0xE0]  }
0x49f: {  	v14 =	vld [tilespmem:s3+$0xF0]  }
0x4a0: {  	v16 =	vld [tilespmem:s3+$0x0]  }
0x4a1: {  	v17 =	vld [tilespmem:s3+$0x10]  }
0x4a2: {  	v18 =	vld [tilespmem:s3+$0x20]  }
0x4a3: {  	v19 =	vld [tilespmem:s3+$0x30]  }
0x4a4: {  	v20 =	vld [tilespmem:s3+$0x40]  }
0x4a5: {  	v21 =	vld [tilespmem:s3+$0x50]  }
0x4a6: {  	v22 =	vld [tilespmem:s3+$0x60]  }
0x4a7: {  	v23 =	vld [tilespmem:s3+$0x70]  }
0x4a8: {  	v25 =	vld [tilespmem:s3+$0xFFFFFF80]  }
0x4a9: {  	v26 =	vld [tilespmem:s3+$0xFFFFFF90]  }
0x4aa: {  	v27 =	vld [tilespmem:s3+$0xFFFFFFA0]  }
0x4ab: {  	v28 =	vld [tilespmem:s3+$0xFFFFFFB0]  }
0x4ac: {  	v29 =	vld [tilespmem:s3+$0xFFFFFFC0]  }
0x4ad: {  	v30 =	vld [tilespmem:s3+$0xFFFFFFD0]  }
0x4ae: {  	v31 =	vld [tilespmem:s3+$0xFFFFFFE0]  }
0x4af: {  	v32 =	vld [tilespmem:s3+$0xFFFFFFF0]  }
0x4b0: {  	v33 =	vld [tilespmem:s3+$0xFFFFFF00]  }
0x4b1: {  	v34 =	vld [tilespmem:s3+$0xFFFFFF10]  }
0x4b2: {  	v35 =	vld [tilespmem:s3+$0xFFFFFF20]  }
0x4b3: {  	v36 =	vld [tilespmem:s3+$0xFFFFFF30]  }
0x4b4: {  	v37 =	vld [tilespmem:s3+$0xFFFFFF40]  }
0x4b5: {  	v38 =	vld [tilespmem:s3+$0xFFFFFF50]  }
0x4b6: {  	v39 =	vld [tilespmem:s3+$0xFFFFFF60]  }
0x4b7: {  	v40 =	vld [tilespmem:s3+$0xFFFFFF70]  }
0x4b8: {  	v24 =	vld.idx.msk [tilespmem:v24+s2+$0x0], $0xffff  }
0x4b9: {  	v41 =	vld.idx.msk [tilespmem:v12+s2+$0x0], $0xffff  }
0x4ba: {  	v42 =	vld.idx.msk [tilespmem:v13+s2+$0x0], $0xffff  }
0x4bb: {  	v43 =	vld.idx.msk [tilespmem:v9+s2+$0x0], $0xffff  }
0x4bc: {  	v6 =	vld.idx.msk [tilespmem:v11+s2+$0x0], $0xffff  }
0x4bd: {  	v7 =	vld.idx.msk [tilespmem:v7+s2+$0x0], $0xffff  }
0x4be: {  	v44 =	vld.idx.msk [tilespmem:v16+s2+$0x0], $0xffff  }
0x4bf: {  	v17 =	vld.idx.msk [tilespmem:v17+s2+$0x0], $0xffff  }
0x4c0: {  	v45 =	vld.idx.msk [tilespmem:v18+s2+$0x0], $0xffff  }
0x4c1: {  	v19 =	vld.idx.msk [tilespmem:v19+s2+$0x0], $0xffff  }
0x4c2: {  	v9 =	vld.idx.msk [tilespmem:v20+s2+$0x0], $0xffff  }
0x4c3: {  	v11 =	vld.idx.msk [tilespmem:v21+s2+$0x0], $0xffff  }
0x4c4: {  	v16 =	vld.idx.msk [tilespmem:v25+s2+$0x0], $0xffff  }
0x4c5: {  	v18 =	vld.idx.msk [tilespmem:v26+s2+$0x0], $0xffff  }
0x4c6: {  	v20 =	vld.idx.msk [tilespmem:v33+s2+$0x0], $0xffff  }
0x4c7: {  	v21 =	vld.idx.msk [tilespmem:v34+s2+$0x0], $0xffff  }
0x4c8: {  	v25 =	vld.idx.msk [tilespmem:v35+s2+$0x0], $0xffff  }
0x4c9: {  	s1 =	sadd.s32 $0x4, s1;
	v26 =	vld.idx.msk [tilespmem:v36+s2+$0x0], $0xffff  }
0x4ca: {  	p1 =	slt.u32 s1, $0x34;
	v27 =	vld.idx.msk [tilespmem:v27+s2+$0x0], $0xffff  }
0x4cb: {  	v28 =	vld.idx.msk [tilespmem:v28+s2+$0x0], $0xffff  }
0x4cc: {  	v12 =	vld.idx.msk [tilespmem:v29+s2+$0x0], $0xffff  }
0x4cd: {  	v13 =	vld.idx.msk [tilespmem:v30+s2+$0x0], $0xffff  }
0x4ce: {  	v1 =	vadd.f32 v20, v1;
	v2 =	vadd.f32 v21, v2;
	v20 =	vld.idx.msk [tilespmem:v37+s2+$0x0], $0xffff  }
0x4cf: {  	v3 =	vadd.f32 v25, v3;
	v4 =	vadd.f32 v26, v4;
	v21 =	vld.idx.msk [tilespmem:v38+s2+$0x0], $0xffff  }
0x4d0: {  	v1 =	vadd.f32 v16, v1;
	v2 =	vadd.f32 v18, v2;
	v25 =	vld.idx.msk [tilespmem:v39+s2+$0x0], $0xffff  }
0x4d1: {  	v3 =	vadd.f32 v27, v3;
	v4 =	vadd.f32 v28, v4;
	v26 =	vld.idx.msk [tilespmem:v40+s2+$0x0], $0xffff  }
0x4d2: {  	v1 =	vadd.f32 v44, v1;
	v2 =	vadd.f32 v17, v2;
	v16 =	vld.idx.msk [tilespmem:v31+s2+$0x0], $0xffff  }
.Ltmp8:
0x4d3: {  	v3 =	vadd.f32 v45, v3;
	v4 =	vadd.f32 v19, v4;
	v18 =	vld.idx.msk [tilespmem:v32+s2+$0x0], $0xffff;
	(pc) =	sbr.rel @p1 .LBB2_18-.Ltmp8, $4  }
0x4d4: {  	v1 =	vadd.f32 v24, v1;
	v2 =	vadd.f32 v41, v2;
	v17 =	vld.idx.msk [tilespmem:v22+s2+$0x0], $0xffff  }
0x4d5: {  	v3 =	vadd.f32 v42, v3;
	v4 =	vadd.f32 v43, v4;
	v19 =	vld.idx.msk [tilespmem:v23+s2+$0x0], $0xffff  }
0x4d6: {  	v20 =	vadd.f32 v20, v0;
	v21 =	vadd.f32 v21, v5;
	v15 =	vld.idx.msk [tilespmem:v15+s2+$0x0], $0xffff  }
0x4d7: {  	s3 =	sadd.s32 $0x200, s3;
	v22 =	vadd.f32 v25, v8;
	v23 =	vadd.f32 v26, v10;
	v14 =	vld.idx.msk [tilespmem:v14+s2+$0x0], $0xffff  }
0x4d8: {  	_ =	swait.ge [sflag:s30], $0x1C00  }
0x4d9: {  	[sflag:s30] =	ssyncset.done $0x0  }
0x4da: {  	s1 =	simm.s32 $0x1BC70;
	[sflag:s30] =	ssyncadd.s32 $0xFFFFE400  }
0x4db: {  	[tilespmem:s25], [sflag:$0x2] =	stream.strided.gather [hbm4b:s14+s23], $0x1C00, s24, s23, $0x38;
	[tilespmem:$0x1D970] =	vst v63  }
0x4dc: {  	v0 =	vld [tilespmem:s1+$0x80]  }
0x4dd: {  	v5 =	vld [tilespmem:s1+$0x90]  }
0x4de: {  	v8 =	vld [tilespmem:s1+$0xA0]  }
0x4df: {  	v10 =	vld [tilespmem:s1+$0xB0]  }
0x4e0: {  	v24 =	vld [tilespmem:s1+$0xC0]  }
0x4e1: {  	v25 =	vld [tilespmem:s1+$0xD0]  }
0x4e2: {  	v26 =	vld [tilespmem:s1+$0xE0]  }
0x4e3: {  	v27 =	vld [tilespmem:s1+$0xF0]  }
0x4e4: {  	v28 =	vld [tilespmem:s1+$0x0]  }
0x4e5: {  	v29 =	vld [tilespmem:s1+$0x10]  }
0x4e6: {  	v30 =	vld [tilespmem:s1+$0x20]  }
0x4e7: {  	v31 =	vld [tilespmem:s1+$0x30]  }
0x4e8: {  	v32 =	vld [tilespmem:s1+$0x40]  }
0x4e9: {  	v33 =	vld [tilespmem:s1+$0x50]  }
0x4ea: {  	v34 =	vld [tilespmem:s1+$0x60]  }
0x4eb: {  	v35 =	vld [tilespmem:s1+$0x70]  }
0x4ec: {  	v36 =	vld [tilespmem:s1+$0xFFFFFF80]  }
0x4ed: {  	v37 =	vld [tilespmem:s1+$0xFFFFFF90]  }
0x4ee: {  	v38 =	vld [tilespmem:s1+$0xFFFFFFA0]  }
0x4ef: {  	v39 =	vld [tilespmem:s1+$0xFFFFFFB0]  }
0x4f0: {  	v40 =	vld [tilespmem:s1+$0xFFFFFFC0]  }
0x4f1: {  	v41 =	vld [tilespmem:s1+$0xFFFFFFD0]  }
0x4f2: {  	v42 =	vld [tilespmem:s1+$0xFFFFFFE0]  }
0x4f3: {  	v43 =	vld [tilespmem:s1+$0xFFFFFFF0]  }
0x4f4: {  	v44 =	vld [tilespmem:s1+$0xFFFFFF00]  }
0x4f5: {  	v45 =	vld [tilespmem:s1+$0xFFFFFF10]  }
0x4f6: {  	v46 =	vld [tilespmem:s1+$0xFFFFFF20]  }
0x4f7: {  	v47 =	vld [tilespmem:s1+$0xFFFFFF30]  }
0x4f8: {  	v48 =	vld [tilespmem:s1+$0xFFFFFF40]  }
0x4f9: {  	v49 =	vld [tilespmem:s1+$0xFFFFFF50]  }
0x4fa: {  	v50 =	vld [tilespmem:s1+$0xFFFFFF60]  }
0x4fb: {  	v51 =	vld [tilespmem:s1+$0xFFFFFF70]  }
0x4fc: {  	v52 =	vld.idx.msk [tilespmem:v0+s2+$0x0], $0xffff  }
0x4fd: {  	v53 =	vld.idx.msk [tilespmem:v5+s2+$0x0], $0xffff  }
0x4fe: {  	v54 =	vld.idx.msk [tilespmem:v8+s2+$0x0], $0xffff  }
0x4ff: {  	v55 =	vld.idx.msk [tilespmem:v10+s2+$0x0], $0xffff  }
0x500: {  	v0 =	vld.idx.msk [tilespmem:v24+s2+$0x0], $0xffff  }
0x501: {  	v5 =	vld.idx.msk [tilespmem:v25+s2+$0x0], $0xffff  }
0x502: {  	v24 =	vld.idx.msk [tilespmem:v28+s2+$0x0], $0xffff  }
0x503: {  	v56 =	vld.idx.msk [tilespmem:v29+s2+$0x0], $0xffff  }
0x504: {  	v57 =	vld.idx.msk [tilespmem:v30+s2+$0x0], $0xffff  }
0x505: {  	v58 =	vld.idx.msk [tilespmem:v31+s2+$0x0], $0xffff  }
0x506: {  	v8 =	vld.idx.msk [tilespmem:v32+s2+$0x0], $0xffff  }
0x507: {  	v10 =	vld.idx.msk [tilespmem:v33+s2+$0x0], $0xffff  }
0x508: {  	v59 =	vld.idx.msk [tilespmem:v36+s2+$0x0], $0xffff  }
0x509: {  	v60 =	vld.idx.msk [tilespmem:v37+s2+$0x0], $0xffff  }
0x50a: {  	v61 =	vld.idx.msk [tilespmem:v44+s2+$0x0], $0xffff  }
0x50b: {  	v62 =	vld.idx.msk [tilespmem:v45+s2+$0x0], $0xffff  }
0x50c: {  	v12 =	vadd.f32 v12, v20;
	v13 =	vadd.f32 v13, v21;
	v20 =	vld.idx.msk [tilespmem:v46+s2+$0x0], $0xffff  }
0x50d: {  	v16 =	vadd.f32 v16, v22;
	v18 =	vadd.f32 v18, v23;
	v21 =	vld.idx.msk [tilespmem:v47+s2+$0x0], $0xffff  }
0x50e: {  	v9 =	vadd.f32 v9, v12;
	v11 =	vadd.f32 v11, v13;
	v22 =	vld.idx.msk [tilespmem:v38+s2+$0x0], $0xffff  }
0x50f: {  	v13 =	vadd.f32 v17, v16;
	v16 =	vadd.f32 v19, v18;
	v17 =	vld.idx.msk [tilespmem:v39+s2+$0x0], $0xffff  }
0x510: {  	v9 =	vadd.f32 v6, v9;
	v7 =	vadd.f32 v7, v11;
	v12 =	vld.idx.msk [tilespmem:v40+s2+$0x0], $0xffff  }
0x511: {  	v11 =	vadd.f32 v15, v13;
	v14 =	vadd.f32 v14, v16;
	v13 =	vld.idx.msk [tilespmem:v41+s2+$0x0], $0xffff  }
0x512: {  	v15 =	vld.idx.msk [tilespmem:v48+s2+$0x0], $0xffff;
	v1 =	vadd.f32 v61, v1;
	v2 =	vadd.f32 v62, v2  }
0x513: {  	v3 =	vadd.f32 v20, v3;
	v4 =	vadd.f32 v21, v4;
	v21 =	vld.idx.msk [tilespmem:v49+s2+$0x0], $0xffff  }
0x514: {  	v23 =	vld.idx.msk [tilespmem:v50+s2+$0x0], $0xffff;
	v1 =	vadd.f32 v59, v1;
	v2 =	vadd.f32 v60, v2  }
0x515: {  	v63 =	vld.idx.msk [tilespmem:v51+s2+$0x0], $0xffff;
	v3 =	vadd.f32 v22, v3;
	v4 =	vadd.f32 v17, v4  }
0x516: {  	v16 =	vld.idx.msk [tilespmem:v42+s2+$0x0], $0xffff;
	v1 =	vadd.f32 v24, v1;
	v6 =	vadd.f32 v56, v2  }
0x517: {  	v18 =	vld.idx.msk [tilespmem:v43+s2+$0x0], $0xffff;
	v20 =	vadd.f32 v57, v3;
	v22 =	vadd.f32 v58, v4  }
0x518: {  	v19 =	vld.idx.msk [tilespmem:v35+s2+$0x0], $0xffff;
	v21 =	vadd.f32 v21, v7;
	v2 =	vadd.f32 v52, v1  }
0x519: {  	v17 =	vld.idx.msk [tilespmem:v34+s2+$0x0], $0xffff;
	v3 =	vadd.f32 v53, v6;
	v4 =	vadd.f32 v54, v20  }
0x51a: {  	v6 =	vadd.f32 v55, v22;
	v20 =	vadd.f32 v15, v9;
	v15 =	vld.idx.msk [tilespmem:v26+s2+$0x0], $0xffff  }
0x51b: {  	s3 =	simm.s32 $0x1BE70;
	s1 =	simm.s32 $0x0;
	v22 =	vadd.f32 v23, v11;
	v23 =	vadd.f32 v63, v14;
	v14 =	vld.idx.msk [tilespmem:v27+s2+$0x0], $0xffff  }
.LBB2_20:
0x51c: {  	v24 =	vld [tilespmem:s3+$0x80];
	v1 =	vadd.f32 v12, v20;
	v7 =	vadd.f32 v13, v21  }
0x51d: {  	v12 =	vld [tilespmem:s3+$0x90];
	v9 =	vadd.f32 v16, v22;
	v11 =	vadd.f32 v18, v23  }
0x51e: {  	v13 =	vld [tilespmem:s3+$0xA0];
	v1 =	vadd.f32 v8, v1;
	v7 =	vadd.f32 v10, v7  }
0x51f: {  	v8 =	vld [tilespmem:s3+$0xB0];
	v9 =	vadd.f32 v17, v9;
	v10 =	vadd.f32 v19, v11  }
0x520: {  	v16 =	vld [tilespmem:s3+$0xC0];
	v1 =	vadd.f32 v0, v1;
	v7 =	vadd.f32 v5, v7  }
0x521: {  	v5 =	vld [tilespmem:s3+$0xD0];
	v9 =	vadd.f32 v15, v9;
	v11 =	vadd.f32 v14, v10  }
0x522: {  	v15 =	vld [tilespmem:s3+$0xE0]  }
0x523: {  	v14 =	vld [tilespmem:s3+$0xF0]  }
0x524: {  	v10 =	vld [tilespmem:s3+$0x0]  }
0x525: {  	v17 =	vld [tilespmem:s3+$0x10]  }
0x526: {  	v18 =	vld [tilespmem:s3+$0x20]  }
0x527: {  	v19 =	vld [tilespmem:s3+$0x30]  }
0x528: {  	v20 =	vld [tilespmem:s3+$0x40]  }
0x529: {  	v21 =	vld [tilespmem:s3+$0x50]  }
0x52a: {  	v22 =	vld [tilespmem:s3+$0x60]  }
0x52b: {  	v23 =	vld [tilespmem:s3+$0x70]  }
0x52c: {  	v25 =	vld [tilespmem:s3+$0xFFFFFF80]  }
0x52d: {  	v26 =	vld [tilespmem:s3+$0xFFFFFF90]  }
0x52e: {  	v27 =	vld [tilespmem:s3+$0xFFFFFFA0]  }
0x52f: {  	v28 =	vld [tilespmem:s3+$0xFFFFFFB0]  }
0x530: {  	v29 =	vld [tilespmem:s3+$0xFFFFFFC0]  }
0x531: {  	v30 =	vld [tilespmem:s3+$0xFFFFFFD0]  }
0x532: {  	v31 =	vld [tilespmem:s3+$0xFFFFFFE0]  }
0x533: {  	v32 =	vld [tilespmem:s3+$0xFFFFFFF0]  }
0x534: {  	v33 =	vld [tilespmem:s3+$0xFFFFFF00]  }
0x535: {  	v34 =	vld [tilespmem:s3+$0xFFFFFF10]  }
0x536: {  	v35 =	vld [tilespmem:s3+$0xFFFFFF20]  }
0x537: {  	v36 =	vld [tilespmem:s3+$0xFFFFFF30]  }
0x538: {  	v37 =	vld [tilespmem:s3+$0xFFFFFF40]  }
0x539: {  	v38 =	vld [tilespmem:s3+$0xFFFFFF50]  }
0x53a: {  	v39 =	vld [tilespmem:s3+$0xFFFFFF60]  }
0x53b: {  	v40 =	vld [tilespmem:s3+$0xFFFFFF70]  }
0x53c: {  	v24 =	vld.idx.msk [tilespmem:v24+s2+$0x0], $0xffff  }
0x53d: {  	v41 =	vld.idx.msk [tilespmem:v12+s2+$0x0], $0xffff  }
0x53e: {  	v42 =	vld.idx.msk [tilespmem:v13+s2+$0x0], $0xffff  }
0x53f: {  	v43 =	vld.idx.msk [tilespmem:v8+s2+$0x0], $0xffff  }
0x540: {  	v0 =	vld.idx.msk [tilespmem:v16+s2+$0x0], $0xffff  }
0x541: {  	v5 =	vld.idx.msk [tilespmem:v5+s2+$0x0], $0xffff  }
0x542: {  	v44 =	vld.idx.msk [tilespmem:v10+s2+$0x0], $0xffff  }
0x543: {  	v17 =	vld.idx.msk [tilespmem:v17+s2+$0x0], $0xffff  }
0x544: {  	v45 =	vld.idx.msk [tilespmem:v18+s2+$0x0], $0xffff  }
0x545: {  	v19 =	vld.idx.msk [tilespmem:v19+s2+$0x0], $0xffff  }
0x546: {  	v8 =	vld.idx.msk [tilespmem:v20+s2+$0x0], $0xffff  }
0x547: {  	v10 =	vld.idx.msk [tilespmem:v21+s2+$0x0], $0xffff  }
0x548: {  	v16 =	vld.idx.msk [tilespmem:v25+s2+$0x0], $0xffff  }
0x549: {  	v18 =	vld.idx.msk [tilespmem:v26+s2+$0x0], $0xffff  }
0x54a: {  	v20 =	vld.idx.msk [tilespmem:v33+s2+$0x0], $0xffff  }
0x54b: {  	v21 =	vld.idx.msk [tilespmem:v34+s2+$0x0], $0xffff  }
0x54c: {  	v25 =	vld.idx.msk [tilespmem:v35+s2+$0x0], $0xffff  }
0x54d: {  	s1 =	sadd.s32 $0x4, s1;
	v26 =	vld.idx.msk [tilespmem:v36+s2+$0x0], $0xffff  }
0x54e: {  	p1 =	slt.u32 s1, $0x34;
	v27 =	vld.idx.msk [tilespmem:v27+s2+$0x0], $0xffff  }
0x54f: {  	v28 =	vld.idx.msk [tilespmem:v28+s2+$0x0], $0xffff  }
0x550: {  	v12 =	vld.idx.msk [tilespmem:v29+s2+$0x0], $0xffff  }
0x551: {  	v13 =	vld.idx.msk [tilespmem:v30+s2+$0x0], $0xffff  }
0x552: {  	v2 =	vadd.f32 v20, v2;
	v3 =	vadd.f32 v21, v3;
	v20 =	vld.idx.msk [tilespmem:v37+s2+$0x0], $0xffff  }
0x553: {  	v4 =	vadd.f32 v25, v4;
	v6 =	vadd.f32 v26, v6;
	v21 =	vld.idx.msk [tilespmem:v38+s2+$0x0], $0xffff  }
0x554: {  	v2 =	vadd.f32 v16, v2;
	v3 =	vadd.f32 v18, v3;
	v25 =	vld.idx.msk [tilespmem:v39+s2+$0x0], $0xffff  }
0x555: {  	v4 =	vadd.f32 v27, v4;
	v6 =	vadd.f32 v28, v6;
	v26 =	vld.idx.msk [tilespmem:v40+s2+$0x0], $0xffff  }
0x556: {  	v2 =	vadd.f32 v44, v2;
	v3 =	vadd.f32 v17, v3;
	v16 =	vld.idx.msk [tilespmem:v31+s2+$0x0], $0xffff  }
.Ltmp9:
0x557: {  	v4 =	vadd.f32 v45, v4;
	v6 =	vadd.f32 v19, v6;
	v18 =	vld.idx.msk [tilespmem:v32+s2+$0x0], $0xffff;
	(pc) =	sbr.rel @p1 .LBB2_20-.Ltmp9, $4  }
0x558: {  	v2 =	vadd.f32 v24, v2;
	v3 =	vadd.f32 v41, v3;
	v17 =	vld.idx.msk [tilespmem:v22+s2+$0x0], $0xffff  }
0x559: {  	v4 =	vadd.f32 v42, v4;
	v6 =	vadd.f32 v43, v6;
	v19 =	vld.idx.msk [tilespmem:v23+s2+$0x0], $0xffff  }
0x55a: {  	v20 =	vadd.f32 v20, v1;
	v21 =	vadd.f32 v21, v7;
	v15 =	vld.idx.msk [tilespmem:v15+s2+$0x0], $0xffff  }
0x55b: {  	s3 =	sadd.s32 $0x200, s3;
	v22 =	vadd.f32 v25, v9;
	v23 =	vadd.f32 v26, v11;
	v14 =	vld.idx.msk [tilespmem:v14+s2+$0x0], $0xffff  }
0x55c: {  	_ =	swait.ge [sflag:s28], $0x1C00  }
0x55d: {  	[sflag:s28] =	ssyncset.done $0x0  }
0x55e: {  	s1 =	simm.s32 $0x1A070;
	[sflag:s28] =	ssyncadd.s32 $0xFFFFE400  }
0x55f: {  	[tilespmem:s29], [sflag:$0x3] =	stream.strided.gather [hbm4b:s15+s23], $0x1000, s24, s23, $0x38;
	[tilespmem:$0x1D970] =	vst v63  }
0x560: {  	v1 =	vld [tilespmem:s1+$0x80]  }
0x561: {  	v7 =	vld [tilespmem:s1+$0x90]  }
0x562: {  	v9 =	vld [tilespmem:s1+$0xA0]  }
0x563: {  	v11 =	vld [tilespmem:s1+$0xB0]  }
0x564: {  	v24 =	vld [tilespmem:s1+$0xC0]  }
0x565: {  	v25 =	vld [tilespmem:s1+$0xD0]  }
0x566: {  	v26 =	vld [tilespmem:s1+$0xE0]  }
0x567: {  	v27 =	vld [tilespmem:s1+$0xF0]  }
0x568: {  	v28 =	vld [tilespmem:s1+$0x0]  }
0x569: {  	v29 =	vld [tilespmem:s1+$0x10]  }
0x56a: {  	v30 =	vld [tilespmem:s1+$0x20]  }
0x56b: {  	v31 =	vld [tilespmem:s1+$0x30]  }
0x56c: {  	v32 =	vld [tilespmem:s1+$0x40]  }
0x56d: {  	v33 =	vld [tilespmem:s1+$0x50]  }
0x56e: {  	v34 =	vld [tilespmem:s1+$0x60]  }
0x56f: {  	v35 =	vld [tilespmem:s1+$0x70]  }
0x570: {  	v36 =	vld [tilespmem:s1+$0xFFFFFF80]  }
0x571: {  	v37 =	vld [tilespmem:s1+$0xFFFFFF90]  }
0x572: {  	v38 =	vld [tilespmem:s1+$0xFFFFFFA0]  }
0x573: {  	v39 =	vld [tilespmem:s1+$0xFFFFFFB0]  }
0x574: {  	v40 =	vld [tilespmem:s1+$0xFFFFFFC0]  }
0x575: {  	v41 =	vld [tilespmem:s1+$0xFFFFFFD0]  }
0x576: {  	v42 =	vld [tilespmem:s1+$0xFFFFFFE0]  }
0x577: {  	v43 =	vld [tilespmem:s1+$0xFFFFFFF0]  }
0x578: {  	v44 =	vld [tilespmem:s1+$0xFFFFFF00]  }
0x579: {  	v45 =	vld [tilespmem:s1+$0xFFFFFF10]  }
0x57a: {  	v46 =	vld [tilespmem:s1+$0xFFFFFF20]  }
0x57b: {  	v47 =	vld [tilespmem:s1+$0xFFFFFF30]  }
0x57c: {  	v48 =	vld [tilespmem:s1+$0xFFFFFF40]  }
0x57d: {  	v49 =	vld [tilespmem:s1+$0xFFFFFF50]  }
0x57e: {  	v50 =	vld [tilespmem:s1+$0xFFFFFF60]  }
0x57f: {  	v51 =	vld [tilespmem:s1+$0xFFFFFF70]  }
0x580: {  	v52 =	vld.idx.msk [tilespmem:v1+s2+$0x0], $0xffff  }
0x581: {  	v53 =	vld.idx.msk [tilespmem:v7+s2+$0x0], $0xffff  }
0x582: {  	v54 =	vld.idx.msk [tilespmem:v9+s2+$0x0], $0xffff  }
0x583: {  	v55 =	vld.idx.msk [tilespmem:v11+s2+$0x0], $0xffff  }
0x584: {  	v1 =	vld.idx.msk [tilespmem:v24+s2+$0x0], $0xffff  }
0x585: {  	v7 =	vld.idx.msk [tilespmem:v25+s2+$0x0], $0xffff  }
0x586: {  	v24 =	vld.idx.msk [tilespmem:v28+s2+$0x0], $0xffff  }
0x587: {  	v56 =	vld.idx.msk [tilespmem:v29+s2+$0x0], $0xffff  }
0x588: {  	v57 =	vld.idx.msk [tilespmem:v30+s2+$0x0], $0xffff  }
0x589: {  	v58 =	vld.idx.msk [tilespmem:v31+s2+$0x0], $0xffff  }
0x58a: {  	v9 =	vld.idx.msk [tilespmem:v32+s2+$0x0], $0xffff  }
0x58b: {  	v11 =	vld.idx.msk [tilespmem:v33+s2+$0x0], $0xffff  }
0x58c: {  	v59 =	vld.idx.msk [tilespmem:v36+s2+$0x0], $0xffff  }
0x58d: {  	v60 =	vld.idx.msk [tilespmem:v37+s2+$0x0], $0xffff  }
0x58e: {  	v13 =	vadd.f32 v13, v21;
	v16 =	vadd.f32 v16, v22;
	v61 =	vld.idx.msk [tilespmem:v44+s2+$0x0], $0xffff  }
0x58f: {  	v12 =	vadd.f32 v12, v20;
	v62 =	vld.idx.msk [tilespmem:v45+s2+$0x0], $0xffff  }
0x590: {  	v10 =	vadd.f32 v10, v13;
	v13 =	vadd.f32 v17, v16;
	v20 =	vld.idx.msk [tilespmem:v46+s2+$0x0], $0xffff  }
0x591: {  	v18 =	vadd.f32 v18, v23;
	v21 =	vld.idx.msk [tilespmem:v47+s2+$0x0], $0xffff  }
0x592: {  	v8 =	vadd.f32 v8, v12;
	v22 =	vadd.f32 v15, v13;
	v15 =	vld.idx.msk [tilespmem:v48+s2+$0x0], $0xffff  }
0x593: {  	v16 =	vadd.f32 v19, v18;
	v23 =	vld.idx.msk [tilespmem:v50+s2+$0x0], $0xffff  }
0x594: {  	v8 =	vadd.f32 v0, v8;
	v63 =	vld.idx.msk [tilespmem:v51+s2+$0x0], $0xffff  }
0x595: {  	v5 =	vadd.f32 v5, v10;
	v14 =	vadd.f32 v14, v16;
	v12 =	vld.idx.msk [tilespmem:v38+s2+$0x0], $0xffff  }
0x596: {  	v17 =	vld.idx.msk [tilespmem:v39+s2+$0x0], $0xffff;
	v0 =	vadd.f32 v61, v2;
	v2 =	vadd.f32 v62, v3  }
0x597: {  	v10 =	vld.idx.msk [tilespmem:v40+s2+$0x0], $0xffff;
	v3 =	vadd.f32 v20, v4;
	v4 =	vadd.f32 v21, v6  }
0x598: {  	v6 =	vld.idx.msk [tilespmem:v49+s2+$0x0], $0xffff;
	v20 =	vadd.f32 v15, v8;
	v22 =	vadd.f32 v23, v22  }
0x599: {  	v13 =	vld.idx.msk [tilespmem:v41+s2+$0x0], $0xffff;
	v23 =	vadd.f32 v63, v14;
	v0 =	vadd.f32 v59, v0  }
0x59a: {  	v16 =	vld.idx.msk [tilespmem:v42+s2+$0x0], $0xffff;
	v2 =	vadd.f32 v60, v2;
	v3 =	vadd.f32 v12, v3  }
0x59b: {  	v18 =	vld.idx.msk [tilespmem:v43+s2+$0x0], $0xffff;
	v4 =	vadd.f32 v17, v4;
	v0 =	vadd.f32 v24, v0  }
0x59c: {  	v19 =	vld.idx.msk [tilespmem:v35+s2+$0x0], $0xffff;
	v2 =	vadd.f32 v56, v2;
	v3 =	vadd.f32 v57, v3  }
0x59d: {  	v15 =	vld.idx.msk [tilespmem:v26+s2+$0x0], $0xffff;
	v4 =	vadd.f32 v58, v4;
	v21 =	vadd.f32 v6, v5  }
0x59e: {  	v17 =	vld.idx.msk [tilespmem:v34+s2+$0x0], $0xffff;
	v0 =	vadd.f32 v52, v0;
	v2 =	vadd.f32 v53, v2  }
0x59f: {  	s3 =	simm.s32 $0x1A270;
	s1 =	simm.s32 $0x0;
	v14 =	vld.idx.msk [tilespmem:v27+s2+$0x0], $0xffff;
	v3 =	vadd.f32 v54, v3;
	v4 =	vadd.f32 v55, v4  }
.LBB2_22:
0x5a0: {  	v24 =	vld [tilespmem:s3+$0x80];
	v5 =	vadd.f32 v10, v20;
	v6 =	vadd.f32 v13, v21  }
0x5a1: {  	v10 =	vld [tilespmem:s3+$0x90];
	v8 =	vadd.f32 v16, v22;
	v12 =	vadd.f32 v18, v23  }
0x5a2: {  	v13 =	vld [tilespmem:s3+$0xA0];
	v5 =	vadd.f32 v9, v5;
	v6 =	vadd.f32 v11, v6  }
0x5a3: {  	v9 =	vld [tilespmem:s3+$0xB0];
	v8 =	vadd.f32 v17, v8;
	v11 =	vadd.f32 v19, v12  }
0x5a4: {  	v16 =	vld [tilespmem:s3+$0xC0];
	v5 =	vadd.f32 v1, v5;
	v6 =	vadd.f32 v7, v6  }
0x5a5: {  	v7 =	vld [tilespmem:s3+$0xD0];
	v8 =	vadd.f32 v15, v8;
	v12 =	vadd.f32 v14, v11  }
0x5a6: {  	v15 =	vld [tilespmem:s3+$0xE0]  }
0x5a7: {  	v14 =	vld [tilespmem:s3+$0xF0]  }
0x5a8: {  	v11 =	vld [tilespmem:s3+$0x0]  }
0x5a9: {  	v17 =	vld [tilespmem:s3+$0x10]  }
0x5aa: {  	v18 =	vld [tilespmem:s3+$0x20]  }
0x5ab: {  	v19 =	vld [tilespmem:s3+$0x30]  }
0x5ac: {  	v20 =	vld [tilespmem:s3+$0x40]  }
0x5ad: {  	v21 =	vld [tilespmem:s3+$0x50]  }
0x5ae: {  	v22 =	vld [tilespmem:s3+$0x60]  }
0x5af: {  	v23 =	vld [tilespmem:s3+$0x70]  }
0x5b0: {  	v25 =	vld [tilespmem:s3+$0xFFFFFF80]  }
0x5b1: {  	v26 =	vld [tilespmem:s3+$0xFFFFFF90]  }
0x5b2: {  	v27 =	vld [tilespmem:s3+$0xFFFFFFA0]  }
0x5b3: {  	v28 =	vld [tilespmem:s3+$0xFFFFFFB0]  }
0x5b4: {  	v29 =	vld [tilespmem:s3+$0xFFFFFFC0]  }
0x5b5: {  	v30 =	vld [tilespmem:s3+$0xFFFFFFD0]  }
0x5b6: {  	v31 =	vld [tilespmem:s3+$0xFFFFFFE0]  }
0x5b7: {  	v32 =	vld [tilespmem:s3+$0xFFFFFFF0]  }
0x5b8: {  	v33 =	vld [tilespmem:s3+$0xFFFFFF00]  }
0x5b9: {  	v34 =	vld [tilespmem:s3+$0xFFFFFF10]  }
0x5ba: {  	v35 =	vld [tilespmem:s3+$0xFFFFFF20]  }
0x5bb: {  	v36 =	vld [tilespmem:s3+$0xFFFFFF30]  }
0x5bc: {  	v37 =	vld [tilespmem:s3+$0xFFFFFF40]  }
0x5bd: {  	v38 =	vld [tilespmem:s3+$0xFFFFFF50]  }
0x5be: {  	v39 =	vld [tilespmem:s3+$0xFFFFFF60]  }
0x5bf: {  	v40 =	vld [tilespmem:s3+$0xFFFFFF70]  }
0x5c0: {  	v24 =	vld.idx.msk [tilespmem:v24+s2+$0x0], $0xffff  }
0x5c1: {  	v41 =	vld.idx.msk [tilespmem:v10+s2+$0x0], $0xffff  }
0x5c2: {  	v42 =	vld.idx.msk [tilespmem:v13+s2+$0x0], $0xffff  }
0x5c3: {  	v43 =	vld.idx.msk [tilespmem:v9+s2+$0x0], $0xffff  }
0x5c4: {  	v1 =	vld.idx.msk [tilespmem:v16+s2+$0x0], $0xffff  }
0x5c5: {  	v7 =	vld.idx.msk [tilespmem:v7+s2+$0x0], $0xffff  }
0x5c6: {  	v44 =	vld.idx.msk [tilespmem:v11+s2+$0x0], $0xffff  }
0x5c7: {  	v17 =	vld.idx.msk [tilespmem:v17+s2+$0x0], $0xffff  }
0x5c8: {  	v45 =	vld.idx.msk [tilespmem:v18+s2+$0x0], $0xffff  }
0x5c9: {  	v19 =	vld.idx.msk [tilespmem:v19+s2+$0x0], $0xffff  }
0x5ca: {  	v9 =	vld.idx.msk [tilespmem:v20+s2+$0x0], $0xffff  }
0x5cb: {  	v11 =	vld.idx.msk [tilespmem:v21+s2+$0x0], $0xffff  }
0x5cc: {  	v16 =	vld.idx.msk [tilespmem:v25+s2+$0x0], $0xffff  }
0x5cd: {  	v18 =	vld.idx.msk [tilespmem:v26+s2+$0x0], $0xffff  }
0x5ce: {  	v20 =	vld.idx.msk [tilespmem:v33+s2+$0x0], $0xffff  }
0x5cf: {  	v21 =	vld.idx.msk [tilespmem:v34+s2+$0x0], $0xffff  }
0x5d0: {  	v25 =	vld.idx.msk [tilespmem:v35+s2+$0x0], $0xffff  }
0x5d1: {  	s1 =	sadd.s32 $0x4, s1;
	v26 =	vld.idx.msk [tilespmem:v36+s2+$0x0], $0xffff  }
0x5d2: {  	p1 =	slt.u32 s1, $0x34;
	v27 =	vld.idx.msk [tilespmem:v27+s2+$0x0], $0xffff  }
0x5d3: {  	v28 =	vld.idx.msk [tilespmem:v28+s2+$0x0], $0xffff  }
0x5d4: {  	v10 =	vld.idx.msk [tilespmem:v29+s2+$0x0], $0xffff  }
0x5d5: {  	v13 =	vld.idx.msk [tilespmem:v30+s2+$0x0], $0xffff  }
0x5d6: {  	v0 =	vadd.f32 v20, v0;
	v2 =	vadd.f32 v21, v2;
	v20 =	vld.idx.msk [tilespmem:v37+s2+$0x0], $0xffff  }
0x5d7: {  	v3 =	vadd.f32 v25, v3;
	v4 =	vadd.f32 v26, v4;
	v21 =	vld.idx.msk [tilespmem:v38+s2+$0x0], $0xffff  }
0x5d8: {  	v0 =	vadd.f32 v16, v0;
	v2 =	vadd.f32 v18, v2;
	v25 =	vld.idx.msk [tilespmem:v39+s2+$0x0], $0xffff  }
0x5d9: {  	v3 =	vadd.f32 v27, v3;
	v4 =	vadd.f32 v28, v4;
	v26 =	vld.idx.msk [tilespmem:v40+s2+$0x0], $0xffff  }
0x5da: {  	v0 =	vadd.f32 v44, v0;
	v2 =	vadd.f32 v17, v2;
	v16 =	vld.idx.msk [tilespmem:v31+s2+$0x0], $0xffff  }
.Ltmp10:
0x5db: {  	v3 =	vadd.f32 v45, v3;
	v4 =	vadd.f32 v19, v4;
	v18 =	vld.idx.msk [tilespmem:v32+s2+$0x0], $0xffff;
	(pc) =	sbr.rel @p1 .LBB2_22-.Ltmp10, $4  }
0x5dc: {  	v0 =	vadd.f32 v24, v0;
	v2 =	vadd.f32 v41, v2;
	v17 =	vld.idx.msk [tilespmem:v22+s2+$0x0], $0xffff  }
0x5dd: {  	v3 =	vadd.f32 v42, v3;
	v4 =	vadd.f32 v43, v4;
	v19 =	vld.idx.msk [tilespmem:v23+s2+$0x0], $0xffff  }
0x5de: {  	v20 =	vadd.f32 v20, v5;
	v21 =	vadd.f32 v21, v6;
	v15 =	vld.idx.msk [tilespmem:v15+s2+$0x0], $0xffff  }
0x5df: {  	s3 =	sadd.s32 $0x200, s3;
	v22 =	vadd.f32 v25, v8;
	v23 =	vadd.f32 v26, v12;
	v14 =	vld.idx.msk [tilespmem:v14+s2+$0x0], $0xffff  }
0x5e0: {  	_ =	swait.ge [sflag:s30], $0x1000  }
0x5e1: {  	[sflag:s30] =	ssyncset.done $0x0  }
0x5e2: {  	s1 =	simm.s32 $0x1BC70;
	[sflag:s30] =	ssyncadd.s32 $0xFFFFF000  }
0x5e3: {  	[tilespmem:s25], [sflag:$0x2] =	stream.strided.gather [hbm4b:s16+s23], $0x1C00, s24, s23, $0x38;
	[tilespmem:$0x1D970] =	vst v63  }
0x5e4: {  	v5 =	vld [tilespmem:s1+$0x80]  }
0x5e5: {  	v6 =	vld [tilespmem:s1+$0x90]  }
0x5e6: {  	v8 =	vld [tilespmem:s1+$0xA0]  }
0x5e7: {  	v12 =	vld [tilespmem:s1+$0xB0]  }
0x5e8: {  	v24 =	vld [tilespmem:s1+$0xC0]  }
0x5e9: {  	v25 =	vld [tilespmem:s1+$0xD0]  }
0x5ea: {  	v26 =	vld [tilespmem:s1+$0xE0]  }
0x5eb: {  	v27 =	vld [tilespmem:s1+$0xF0]  }
0x5ec: {  	v28 =	vld [tilespmem:s1+$0x0]  }
0x5ed: {  	v29 =	vld [tilespmem:s1+$0x10]  }
0x5ee: {  	v30 =	vld [tilespmem:s1+$0x20]  }
0x5ef: {  	v31 =	vld [tilespmem:s1+$0x30]  }
0x5f0: {  	v32 =	vld [tilespmem:s1+$0x40]  }
0x5f1: {  	v33 =	vld [tilespmem:s1+$0x50]  }
0x5f2: {  	v34 =	vld [tilespmem:s1+$0x60]  }
0x5f3: {  	v35 =	vld [tilespmem:s1+$0x70]  }
0x5f4: {  	v36 =	vld [tilespmem:s1+$0xFFFFFF80]  }
0x5f5: {  	v37 =	vld [tilespmem:s1+$0xFFFFFF90]  }
0x5f6: {  	v38 =	vld [tilespmem:s1+$0xFFFFFFA0]  }
0x5f7: {  	v39 =	vld [tilespmem:s1+$0xFFFFFFB0]  }
0x5f8: {  	v40 =	vld [tilespmem:s1+$0xFFFFFFC0]  }
0x5f9: {  	v41 =	vld [tilespmem:s1+$0xFFFFFFD0]  }
0x5fa: {  	v42 =	vld [tilespmem:s1+$0xFFFFFFE0]  }
0x5fb: {  	v43 =	vld [tilespmem:s1+$0xFFFFFFF0]  }
0x5fc: {  	v44 =	vld [tilespmem:s1+$0xFFFFFF00]  }
0x5fd: {  	v45 =	vld [tilespmem:s1+$0xFFFFFF10]  }
0x5fe: {  	v46 =	vld [tilespmem:s1+$0xFFFFFF20]  }
0x5ff: {  	v47 =	vld [tilespmem:s1+$0xFFFFFF30]  }
0x600: {  	v48 =	vld [tilespmem:s1+$0xFFFFFF40]  }
0x601: {  	v49 =	vld [tilespmem:s1+$0xFFFFFF50]  }
0x602: {  	v50 =	vld [tilespmem:s1+$0xFFFFFF60]  }
0x603: {  	v51 =	vld [tilespmem:s1+$0xFFFFFF70]  }
0x604: {  	v52 =	vld.idx.msk [tilespmem:v5+s2+$0x0], $0xffff  }
0x605: {  	v53 =	vld.idx.msk [tilespmem:v6+s2+$0x0], $0xffff  }
0x606: {  	v54 =	vld.idx.msk [tilespmem:v8+s2+$0x0], $0xffff  }
0x607: {  	v55 =	vld.idx.msk [tilespmem:v12+s2+$0x0], $0xffff  }
0x608: {  	v6 =	vld.idx.msk [tilespmem:v24+s2+$0x0], $0xffff  }
0x609: {  	v5 =	vld.idx.msk [tilespmem:v25+s2+$0x0], $0xffff  }
0x60a: {  	v56 =	vld.idx.msk [tilespmem:v28+s2+$0x0], $0xffff  }
0x60b: {  	v57 =	vld.idx.msk [tilespmem:v29+s2+$0x0], $0xffff  }
0x60c: {  	v58 =	vld.idx.msk [tilespmem:v30+s2+$0x0], $0xffff  }
0x60d: {  	v59 =	vld.idx.msk [tilespmem:v31+s2+$0x0], $0xffff  }
0x60e: {  	v12 =	vld.idx.msk [tilespmem:v32+s2+$0x0], $0xffff  }
0x60f: {  	v8 =	vld.idx.msk [tilespmem:v33+s2+$0x0], $0xffff  }
0x610: {  	v60 =	vld.idx.msk [tilespmem:v36+s2+$0x0], $0xffff  }
0x611: {  	v61 =	vld.idx.msk [tilespmem:v37+s2+$0x0], $0xffff  }
0x612: {  	v62 =	vld.idx.msk [tilespmem:v44+s2+$0x0], $0xffff  }
0x613: {  	v63 =	vld.idx.msk [tilespmem:v45+s2+$0x0], $0xffff  }
0x614: {  	v10 =	vadd.f32 v10, v20;
	v13 =	vadd.f32 v13, v21;
	v20 =	vld.idx.msk [tilespmem:v46+s2+$0x0], $0xffff  }
0x615: {  	v16 =	vadd.f32 v16, v22;
	v18 =	vadd.f32 v18, v23;
	v21 =	vld.idx.msk [tilespmem:v47+s2+$0x0], $0xffff  }
0x616: {  	v9 =	vadd.f32 v9, v10;
	v10 =	vadd.f32 v11, v13;
	v11 =	vld.idx.msk [tilespmem:v38+s2+$0x0], $0xffff  }
0x617: {  	v13 =	vadd.f32 v17, v16;
	v17 =	vadd.f32 v19, v18;
	v18 =	vld.idx.msk [tilespmem:v39+s2+$0x0], $0xffff  }
0x618: {  	v9 =	vadd.f32 v1, v9;
	v7 =	vadd.f32 v7, v10;
	v16 =	vld.idx.msk [tilespmem:v40+s2+$0x0], $0xffff  }
0x619: {  	v22 =	vadd.f32 v14, v17;
	v14 =	vld.idx.msk [tilespmem:v41+s2+$0x0], $0xffff;
	v0 =	vadd.f32 v62, v0  }
0x61a: {  	v1 =	vadd.f32 v63, v2;
	v2 =	vadd.f32 v20, v3;
	v20 =	vld.idx.msk [tilespmem:v49+s2+$0x0], $0xffff  }
0x61b: {  	v10 =	vadd.f32 v15, v13;
	v3 =	vadd.f32 v21, v4;
	v21 =	vld.idx.msk [tilespmem:v50+s2+$0x0], $0xffff  }
0x61c: {  	v13 =	vld.idx.msk [tilespmem:v48+s2+$0x0], $0xffff;
	v0 =	vadd.f32 v60, v0;
	v1 =	vadd.f32 v61, v1  }
0x61d: {  	v23 =	vld.idx.msk [tilespmem:v51+s2+$0x0], $0xffff;
	v2 =	vadd.f32 v11, v2;
	v3 =	vadd.f32 v18, v3  }
0x61e: {  	v15 =	vld.idx.msk [tilespmem:v42+s2+$0x0], $0xffff;
	v0 =	vadd.f32 v56, v0;
	v1 =	vadd.f32 v57, v1  }
0x61f: {  	v17 =	vld.idx.msk [tilespmem:v34+s2+$0x0], $0xffff;
	v4 =	vadd.f32 v58, v2;
	v11 =	vadd.f32 v59, v3  }
0x620: {  	v18 =	vld.idx.msk [tilespmem:v43+s2+$0x0], $0xffff;
	v7 =	vadd.f32 v20, v7;
	v20 =	vadd.f32 v21, v10  }
0x621: {  	v19 =	vld.idx.msk [tilespmem:v35+s2+$0x0], $0xffff;
	v3 =	vadd.f32 v52, v0;
	v2 =	vadd.f32 v53, v1  }
0x622: {  	v10 =	vld.idx.msk [tilespmem:v27+s2+$0x0], $0xffff;
	v1 =	vadd.f32 v54, v4;
	v4 =	vadd.f32 v13, v9  }
0x623: {  	s3 =	simm.s32 $0x1BE70;
	s1 =	simm.s32 $0x0;
	v0 =	vadd.f32 v55, v11;
	v13 =	vld.idx.msk [tilespmem:v26+s2+$0x0], $0xffff;
	v9 =	vadd.f32 v23, v22  }
.LBB2_24:
0x624: {  	v21 =	vld [tilespmem:s3+$0x80];
	v4 =	vadd.f32 v16, v4;
	v7 =	vadd.f32 v14, v7  }
0x625: {  	v14 =	vld [tilespmem:s3+$0x90];
	v11 =	vadd.f32 v15, v20;
	v9 =	vadd.f32 v18, v9  }
0x626: {  	v15 =	vld [tilespmem:s3+$0xA0];
	v4 =	vadd.f32 v12, v4;
	v7 =	vadd.f32 v8, v7  }
0x627: {  	v8 =	vld [tilespmem:s3+$0xB0];
	v11 =	vadd.f32 v17, v11;
	v12 =	vadd.f32 v19, v9  }
0x628: {  	v16 =	vld [tilespmem:s3+$0xC0];
	v4 =	vadd.f32 v6, v4;
	v7 =	vadd.f32 v5, v7  }
0x629: {  	v5 =	vld [tilespmem:s3+$0xD0];
	v9 =	vadd.f32 v13, v11;
	v10 =	vadd.f32 v10, v12  }
0x62a: {  	v13 =	vld [tilespmem:s3+$0xE0]  }
0x62b: {  	v11 =	vld [tilespmem:s3+$0xF0]  }
0x62c: {  	v12 =	vld [tilespmem:s3+$0x0]  }
0x62d: {  	v17 =	vld [tilespmem:s3+$0x10]  }
0x62e: {  	v18 =	vld [tilespmem:s3+$0x20]  }
0x62f: {  	v19 =	vld [tilespmem:s3+$0x30]  }
0x630: {  	v20 =	vld [tilespmem:s3+$0x40]  }
0x631: {  	v22 =	vld [tilespmem:s3+$0x50]  }
0x632: {  	v23 =	vld [tilespmem:s3+$0x60]  }
0x633: {  	v24 =	vld [tilespmem:s3+$0x70]  }
0x634: {  	v25 =	vld [tilespmem:s3+$0xFFFFFF80]  }
0x635: {  	v26 =	vld [tilespmem:s3+$0xFFFFFF90]  }
0x636: {  	v27 =	vld [tilespmem:s3+$0xFFFFFFA0]  }
0x637: {  	v28 =	vld [tilespmem:s3+$0xFFFFFFB0]  }
0x638: {  	v29 =	vld [tilespmem:s3+$0xFFFFFFC0]  }
0x639: {  	v30 =	vld [tilespmem:s3+$0xFFFFFFD0]  }
0x63a: {  	v31 =	vld [tilespmem:s3+$0xFFFFFFE0]  }
0x63b: {  	v32 =	vld [tilespmem:s3+$0xFFFFFFF0]  }
0x63c: {  	v33 =	vld [tilespmem:s3+$0xFFFFFF00]  }
0x63d: {  	v34 =	vld [tilespmem:s3+$0xFFFFFF10]  }
0x63e: {  	v35 =	vld [tilespmem:s3+$0xFFFFFF20]  }
0x63f: {  	v36 =	vld [tilespmem:s3+$0xFFFFFF30]  }
0x640: {  	v37 =	vld [tilespmem:s3+$0xFFFFFF40]  }
0x641: {  	v38 =	vld [tilespmem:s3+$0xFFFFFF50]  }
0x642: {  	v39 =	vld [tilespmem:s3+$0xFFFFFF60]  }
0x643: {  	v40 =	vld [tilespmem:s3+$0xFFFFFF70]  }
0x644: {  	v21 =	vld.idx.msk [tilespmem:v21+s2+$0x0], $0xffff  }
0x645: {  	v41 =	vld.idx.msk [tilespmem:v14+s2+$0x0], $0xffff  }
0x646: {  	v42 =	vld.idx.msk [tilespmem:v15+s2+$0x0], $0xffff  }
0x647: {  	v43 =	vld.idx.msk [tilespmem:v8+s2+$0x0], $0xffff  }
0x648: {  	v6 =	vld.idx.msk [tilespmem:v16+s2+$0x0], $0xffff  }
0x649: {  	v5 =	vld.idx.msk [tilespmem:v5+s2+$0x0], $0xffff  }
0x64a: {  	v44 =	vld.idx.msk [tilespmem:v12+s2+$0x0], $0xffff  }
0x64b: {  	v17 =	vld.idx.msk [tilespmem:v17+s2+$0x0], $0xffff  }
0x64c: {  	v45 =	vld.idx.msk [tilespmem:v18+s2+$0x0], $0xffff  }
0x64d: {  	v19 =	vld.idx.msk [tilespmem:v19+s2+$0x0], $0xffff  }
0x64e: {  	v12 =	vld.idx.msk [tilespmem:v20+s2+$0x0], $0xffff  }
0x64f: {  	v8 =	vld.idx.msk [tilespmem:v22+s2+$0x0], $0xffff  }
0x650: {  	v15 =	vld.idx.msk [tilespmem:v25+s2+$0x0], $0xffff  }
0x651: {  	v18 =	vld.idx.msk [tilespmem:v26+s2+$0x0], $0xffff  }
0x652: {  	v20 =	vld.idx.msk [tilespmem:v33+s2+$0x0], $0xffff  }
0x653: {  	v22 =	vld.idx.msk [tilespmem:v34+s2+$0x0], $0xffff  }
0x654: {  	v25 =	vld.idx.msk [tilespmem:v35+s2+$0x0], $0xffff  }
0x655: {  	s1 =	sadd.s32 $0x4, s1;
	v26 =	vld.idx.msk [tilespmem:v36+s2+$0x0], $0xffff  }
0x656: {  	p1 =	slt.u32 s1, $0x1C;
	v27 =	vld.idx.msk [tilespmem:v27+s2+$0x0], $0xffff  }
0x657: {  	v28 =	vld.idx.msk [tilespmem:v28+s2+$0x0], $0xffff  }
0x658: {  	v16 =	vld.idx.msk [tilespmem:v29+s2+$0x0], $0xffff  }
0x659: {  	v14 =	vld.idx.msk [tilespmem:v30+s2+$0x0], $0xffff  }
0x65a: {  	v3 =	vadd.f32 v20, v3;
	v2 =	vadd.f32 v22, v2;
	v20 =	vld.idx.msk [tilespmem:v37+s2+$0x0], $0xffff  }
0x65b: {  	v1 =	vadd.f32 v25, v1;
	v0 =	vadd.f32 v26, v0;
	v22 =	vld.idx.msk [tilespmem:v38+s2+$0x0], $0xffff  }
0x65c: {  	v3 =	vadd.f32 v15, v3;
	v2 =	vadd.f32 v18, v2;
	v25 =	vld.idx.msk [tilespmem:v39+s2+$0x0], $0xffff  }
0x65d: {  	v1 =	vadd.f32 v27, v1;
	v0 =	vadd.f32 v28, v0;
	v26 =	vld.idx.msk [tilespmem:v40+s2+$0x0], $0xffff  }
0x65e: {  	v3 =	vadd.f32 v44, v3;
	v2 =	vadd.f32 v17, v2;
	v15 =	vld.idx.msk [tilespmem:v31+s2+$0x0], $0xffff  }
.Ltmp11:
0x65f: {  	v1 =	vadd.f32 v45, v1;
	v0 =	vadd.f32 v19, v0;
	v18 =	vld.idx.msk [tilespmem:v32+s2+$0x0], $0xffff;
	(pc) =	sbr.rel @p1 .LBB2_24-.Ltmp11, $4  }
0x660: {  	v3 =	vadd.f32 v21, v3;
	v2 =	vadd.f32 v41, v2;
	v17 =	vld.idx.msk [tilespmem:v23+s2+$0x0], $0xffff  }
0x661: {  	v1 =	vadd.f32 v42, v1;
	v0 =	vadd.f32 v43, v0;
	v19 =	vld.idx.msk [tilespmem:v24+s2+$0x0], $0xffff  }
0x662: {  	v4 =	vadd.f32 v20, v4;
	v7 =	vadd.f32 v22, v7;
	v13 =	vld.idx.msk [tilespmem:v13+s2+$0x0], $0xffff  }
0x663: {  	s3 =	sadd.s32 $0x200, s3;
	v20 =	vadd.f32 v25, v9;
	v9 =	vadd.f32 v26, v10;
	v10 =	vld.idx.msk [tilespmem:v11+s2+$0x0], $0xffff  }
0x664: {  	v4 =	vadd.f32 v16, v4  }
0x665: {  	v7 =	vadd.f32 v14, v7  }
0x666: {  	[tilespmem:$0x1D870] =	vst v3;
	v11 =	vadd.f32 v15, v20;
	v4 =	vadd.f32 v12, v4  }
0x667: {  	[tilespmem:$0x1D880] =	vst v2;
	v3 =	vadd.f32 v18, v9;
	v7 =	vadd.f32 v8, v7  }
0x668: {  	[tilespmem:$0x1D890] =	vst v1;
	v2 =	vadd.f32 v17, v11;
	v4 =	vadd.f32 v6, v4  }
0x669: {  	[tilespmem:$0x1D8A0] =	vst v0;
	v1 =	vadd.f32 v19, v3;
	v3 =	vadd.f32 v5, v7  }
0x66a: {  	v0 =	vadd.f32 v13, v2;
	[tilespmem:$0x1D8B0] =	vst v4  }
0x66b: {  	v1 =	vadd.f32 v10, v1;
	[tilespmem:$0x1D8C0] =	vst v3  }
0x66c: {  	[tilespmem:$0x1D8D0] =	vst v0  }
0x66d: {  	[tilespmem:$0x1D8E0] =	vst v1  }
0x66e: {  	_ =	swait.ge [sflag:s28], $0x1C00  }
0x66f: {  	[sflag:s28] =	ssyncset.done $0x0  }
0x670: {  	s1 =	simm.s32 $0x1A070;
	[sflag:s28] =	ssyncadd.s32 $0xFFFFE400  }
0x671: {  	[tilespmem:s29], [sflag:$0x3] =	stream.strided.gather [hbm4b:s17+s23], $0x1C00, s24, s23, $0x38;
	[tilespmem:$0x1D970] =	vst v63  }
0x672: {  	v0 =	vld [tilespmem:s1+$0x80]  }
0x673: {  	v1 =	vld [tilespmem:s1+$0x90]  }
0x674: {  	v2 =	vld [tilespmem:s1+$0xA0]  }
0x675: {  	v3 =	vld [tilespmem:s1+$0xB0]  }
0x676: {  	v4 =	vld [tilespmem:s1+$0xC0]  }
0x677: {  	v5 =	vld [tilespmem:s1+$0xD0]  }
0x678: {  	v8 =	vld [tilespmem:s1+$0xE0]  }
0x679: {  	v9 =	vld [tilespmem:s1+$0xF0]  }
0x67a: {  	v10 =	vld [tilespmem:s1+$0x0]  }
0x67b: {  	v11 =	vld [tilespmem:s1+$0x10]  }
0x67c: {  	v12 =	vld [tilespmem:s1+$0x20]  }
0x67d: {  	v13 =	vld [tilespmem:s1+$0x30]  }
0x67e: {  	v14 =	vld [tilespmem:s1+$0x40]  }
0x67f: {  	v15 =	vld [tilespmem:s1+$0x50]  }
0x680: {  	v17 =	vld [tilespmem:s1+$0x60]  }
0x681: {  	v19 =	vld [tilespmem:s1+$0x70]  }
0x682: {  	v16 =	vld [tilespmem:s1+$0xFFFFFF80]  }
0x683: {  	v18 =	vld [tilespmem:s1+$0xFFFFFF90]  }
0x684: {  	v20 =	vld [tilespmem:s1+$0xFFFFFFA0]  }
0x685: {  	v21 =	vld [tilespmem:s1+$0xFFFFFFB0]  }
0x686: {  	v22 =	vld [tilespmem:s1+$0xFFFFFFC0]  }
0x687: {  	v23 =	vld [tilespmem:s1+$0xFFFFFFD0]  }
0x688: {  	v24 =	vld [tilespmem:s1+$0xFFFFFFE0]  }
0x689: {  	v25 =	vld [tilespmem:s1+$0xFFFFFFF0]  }
0x68a: {  	v26 =	vld [tilespmem:s1+$0xFFFFFF00]  }
0x68b: {  	v27 =	vld [tilespmem:s1+$0xFFFFFF10]  }
0x68c: {  	v28 =	vld [tilespmem:s1+$0xFFFFFF20]  }
0x68d: {  	v29 =	vld [tilespmem:s1+$0xFFFFFF30]  }
0x68e: {  	v30 =	vld [tilespmem:s1+$0xFFFFFF40]  }
0x68f: {  	v31 =	vld [tilespmem:s1+$0xFFFFFF50]  }
0x690: {  	v32 =	vld [tilespmem:s1+$0xFFFFFF60]  }
0x691: {  	v33 =	vld [tilespmem:s1+$0xFFFFFF70]  }
0x692: {  	v34 =	vld.idx.msk [tilespmem:v1+s2+$0x0], $0xffff  }
0x693: {  	v35 =	vld.idx.msk [tilespmem:v2+s2+$0x0], $0xffff  }
0x694: {  	v36 =	vld.idx.msk [tilespmem:v3+s2+$0x0], $0xffff  }
0x695: {  	v6 =	vld.idx.msk [tilespmem:v4+s2+$0x0], $0xffff  }
0x696: {  	v7 =	vld.idx.msk [tilespmem:v5+s2+$0x0], $0xffff  }
0x697: {  	v1 =	vld.idx.msk [tilespmem:v10+s2+$0x0], $0xffff  }
0x698: {  	v2 =	vld.idx.msk [tilespmem:v11+s2+$0x0], $0xffff  }
0x699: {  	v3 =	vld.idx.msk [tilespmem:v12+s2+$0x0], $0xffff  }
0x69a: {  	v4 =	vld.idx.msk [tilespmem:v13+s2+$0x0], $0xffff  }
0x69b: {  	v10 =	vld.idx.msk [tilespmem:v14+s2+$0x0], $0xffff  }
0x69c: {  	v11 =	vld.idx.msk [tilespmem:v15+s2+$0x0], $0xffff  }
0x69d: {  	v5 =	vld.idx.msk [tilespmem:v16+s2+$0x0], $0xffff  }
0x69e: {  	v14 =	vld.idx.msk [tilespmem:v18+s2+$0x0], $0xffff  }
0x69f: {  	v15 =	vld.idx.msk [tilespmem:v26+s2+$0x0], $0xffff  }
0x6a0: {  	v16 =	vld.idx.msk [tilespmem:v27+s2+$0x0], $0xffff  }
0x6a1: {  	v18 =	vld.idx.msk [tilespmem:v28+s2+$0x0], $0xffff  }
0x6a2: {  	v59 =	vld.idx.msk [tilespmem:v29+s2+$0x0], $0xffff  }
0x6a3: {  	v20 =	vld.idx.msk [tilespmem:v20+s2+$0x0], $0xffff  }
0x6a4: {  	v21 =	vld.idx.msk [tilespmem:v21+s2+$0x0], $0xffff  }
0x6a5: {  	v12 =	vld.idx.msk [tilespmem:v22+s2+$0x0], $0xffff  }
0x6a6: {  	v61 =	vld.idx.msk [tilespmem:v31+s2+$0x0], $0xffff  }
0x6a7: {  	v60 =	vimm.f32 $0.0e+00;
	v63 =	vld.idx.msk [tilespmem:v33+s2+$0x0], $0xffff  }
0x6a8: {  	v13 =	vld.idx.msk [tilespmem:v23+s2+$0x0], $0xffff;
	v15 =	vadd.f32 v15, v60;
	v16 =	vadd.f32 v16, v60  }
0x6a9: {  	v22 =	vld.idx.msk [tilespmem:v30+s2+$0x0], $0xffff;
	v18 =	vadd.f32 v18, v60;
	v23 =	vadd.f32 v59, v60  }
0x6aa: {  	v62 =	vld.idx.msk [tilespmem:v32+s2+$0x0], $0xffff;
	v5 =	vadd.f32 v5, v15;
	v14 =	vadd.f32 v14, v16  }
0x6ab: {  	v0 =	vld.idx.msk [tilespmem:v0+s2+$0x0], $0xffff;
	v15 =	vadd.f32 v20, v18;
	v20 =	vadd.f32 v21, v23  }
0x6ac: {  	v17 =	vld.idx.msk [tilespmem:v17+s2+$0x0], $0xffff;
	v21 =	vadd.f32 v61, v60;
	v23 =	vadd.f32 v63, v60  }
0x6ad: {  	v16 =	vld.idx.msk [tilespmem:v24+s2+$0x0], $0xffff;
	v1 =	vadd.f32 v1, v5;
	v2 =	vadd.f32 v2, v14  }
0x6ae: {  	v18 =	vld.idx.msk [tilespmem:v25+s2+$0x0], $0xffff;
	v3 =	vadd.f32 v3, v15;
	v4 =	vadd.f32 v4, v20  }
0x6af: {  	v19 =	vld.idx.msk [tilespmem:v19+s2+$0x0], $0xffff;
	v20 =	vadd.f32 v22, v60;
	v22 =	vadd.f32 v62, v60  }
0x6b0: {  	v15 =	vld.idx.msk [tilespmem:v8+s2+$0x0], $0xffff;
	v1 =	vadd.f32 v0, v1;
	v2 =	vadd.f32 v34, v2  }
0x6b1: {  	s3 =	simm.s32 $0x1A270;
	s1 =	simm.s32 $0x0;
	v14 =	vld.idx.msk [tilespmem:v9+s2+$0x0], $0xffff;
	v3 =	vadd.f32 v35, v3;
	v4 =	vadd.f32 v36, v4  }
.LBB2_26:
0x6b2: {  	v24 =	vld [tilespmem:s3+$0x80];
	v0 =	vadd.f32 v12, v20;
	v5 =	vadd.f32 v13, v21  }
0x6b3: {  	v12 =	vld [tilespmem:s3+$0x90];
	v8 =	vadd.f32 v16, v22;
	v9 =	vadd.f32 v18, v23  }
0x6b4: {  	v13 =	vld [tilespmem:s3+$0xA0];
	v0 =	vadd.f32 v10, v0;
	v5 =	vadd.f32 v11, v5  }
0x6b5: {  	v10 =	vld [tilespmem:s3+$0xB0];
	v8 =	vadd.f32 v17, v8;
	v9 =	vadd.f32 v19, v9  }
0x6b6: {  	v11 =	vld [tilespmem:s3+$0xC0];
	v0 =	vadd.f32 v6, v0;
	v5 =	vadd.f32 v7, v5  }
0x6b7: {  	v7 =	vld [tilespmem:s3+$0xD0];
	v8 =	vadd.f32 v15, v8;
	v9 =	vadd.f32 v14, v9  }
0x6b8: {  	v15 =	vld [tilespmem:s3+$0xE0]  }
0x6b9: {  	v14 =	vld [tilespmem:s3+$0xF0]  }
0x6ba: {  	v16 =	vld [tilespmem:s3+$0x0]  }
0x6bb: {  	v17 =	vld [tilespmem:s3+$0x10]  }
0x6bc: {  	v18 =	vld [tilespmem:s3+$0x20]  }
0x6bd: {  	v19 =	vld [tilespmem:s3+$0x30]  }
0x6be: {  	v20 =	vld [tilespmem:s3+$0x40]  }
0x6bf: {  	v21 =	vld [tilespmem:s3+$0x50]  }
0x6c0: {  	v22 =	vld [tilespmem:s3+$0x60]  }
0x6c1: {  	v23 =	vld [tilespmem:s3+$0x70]  }
0x6c2: {  	v25 =	vld [tilespmem:s3+$0xFFFFFF80]  }
0x6c3: {  	v26 =	vld [tilespmem:s3+$0xFFFFFF90]  }
0x6c4: {  	v27 =	vld [tilespmem:s3+$0xFFFFFFA0]  }
0x6c5: {  	v28 =	vld [tilespmem:s3+$0xFFFFFFB0]  }
0x6c6: {  	v29 =	vld [tilespmem:s3+$0xFFFFFFC0]  }
0x6c7: {  	v30 =	vld [tilespmem:s3+$0xFFFFFFD0]  }
0x6c8: {  	v31 =	vld [tilespmem:s3+$0xFFFFFFE0]  }
0x6c9: {  	v32 =	vld [tilespmem:s3+$0xFFFFFFF0]  }
0x6ca: {  	v33 =	vld [tilespmem:s3+$0xFFFFFF00]  }
0x6cb: {  	v34 =	vld [tilespmem:s3+$0xFFFFFF10]  }
0x6cc: {  	v35 =	vld [tilespmem:s3+$0xFFFFFF20]  }
0x6cd: {  	v36 =	vld [tilespmem:s3+$0xFFFFFF30]  }
0x6ce: {  	v37 =	vld [tilespmem:s3+$0xFFFFFF40]  }
0x6cf: {  	v38 =	vld [tilespmem:s3+$0xFFFFFF50]  }
0x6d0: {  	v39 =	vld [tilespmem:s3+$0xFFFFFF60]  }
0x6d1: {  	v40 =	vld [tilespmem:s3+$0xFFFFFF70]  }
0x6d2: {  	v24 =	vld.idx.msk [tilespmem:v24+s2+$0x0], $0xffff  }
0x6d3: {  	v41 =	vld.idx.msk [tilespmem:v12+s2+$0x0], $0xffff  }
0x6d4: {  	v42 =	vld.idx.msk [tilespmem:v13+s2+$0x0], $0xffff  }
0x6d5: {  	v43 =	vld.idx.msk [tilespmem:v10+s2+$0x0], $0xffff  }
0x6d6: {  	v6 =	vld.idx.msk [tilespmem:v11+s2+$0x0], $0xffff  }
0x6d7: {  	v7 =	vld.idx.msk [tilespmem:v7+s2+$0x0], $0xffff  }
0x6d8: {  	v44 =	vld.idx.msk [tilespmem:v16+s2+$0x0], $0xffff  }
0x6d9: {  	v17 =	vld.idx.msk [tilespmem:v17+s2+$0x0], $0xffff  }
0x6da: {  	v45 =	vld.idx.msk [tilespmem:v18+s2+$0x0], $0xffff  }
0x6db: {  	v19 =	vld.idx.msk [tilespmem:v19+s2+$0x0], $0xffff  }
0x6dc: {  	v10 =	vld.idx.msk [tilespmem:v20+s2+$0x0], $0xffff  }
0x6dd: {  	v11 =	vld.idx.msk [tilespmem:v21+s2+$0x0], $0xffff  }
0x6de: {  	v16 =	vld.idx.msk [tilespmem:v25+s2+$0x0], $0xffff  }
0x6df: {  	v18 =	vld.idx.msk [tilespmem:v26+s2+$0x0], $0xffff  }
0x6e0: {  	v20 =	vld.idx.msk [tilespmem:v33+s2+$0x0], $0xffff  }
0x6e1: {  	v21 =	vld.idx.msk [tilespmem:v34+s2+$0x0], $0xffff  }
0x6e2: {  	v25 =	vld.idx.msk [tilespmem:v35+s2+$0x0], $0xffff  }
0x6e3: {  	s1 =	sadd.s32 $0x4, s1;
	v26 =	vld.idx.msk [tilespmem:v36+s2+$0x0], $0xffff  }
0x6e4: {  	p1 =	slt.u32 s1, $0x34;
	v27 =	vld.idx.msk [tilespmem:v27+s2+$0x0], $0xffff  }
0x6e5: {  	v28 =	vld.idx.msk [tilespmem:v28+s2+$0x0], $0xffff  }
0x6e6: {  	v12 =	vld.idx.msk [tilespmem:v29+s2+$0x0], $0xffff  }
0x6e7: {  	v13 =	vld.idx.msk [tilespmem:v30+s2+$0x0], $0xffff  }
0x6e8: {  	v1 =	vadd.f32 v20, v1;
	v2 =	vadd.f32 v21, v2;
	v20 =	vld.idx.msk [tilespmem:v37+s2+$0x0], $0xffff  }
0x6e9: {  	v3 =	vadd.f32 v25, v3;
	v4 =	vadd.f32 v26, v4;
	v21 =	vld.idx.msk [tilespmem:v38+s2+$0x0], $0xffff  }
0x6ea: {  	v1 =	vadd.f32 v16, v1;
	v2 =	vadd.f32 v18, v2;
	v25 =	vld.idx.msk [tilespmem:v39+s2+$0x0], $0xffff  }
0x6eb: {  	v3 =	vadd.f32 v27, v3;
	v4 =	vadd.f32 v28, v4;
	v26 =	vld.idx.msk [tilespmem:v40+s2+$0x0], $0xffff  }
0x6ec: {  	v1 =	vadd.f32 v44, v1;
	v2 =	vadd.f32 v17, v2;
	v16 =	vld.idx.msk [tilespmem:v31+s2+$0x0], $0xffff  }
.Ltmp12:
0x6ed: {  	v3 =	vadd.f32 v45, v3;
	v4 =	vadd.f32 v19, v4;
	v18 =	vld.idx.msk [tilespmem:v32+s2+$0x0], $0xffff;
	(pc) =	sbr.rel @p1 .LBB2_26-.Ltmp12, $4  }
0x6ee: {  	v1 =	vadd.f32 v24, v1;
	v2 =	vadd.f32 v41, v2;
	v17 =	vld.idx.msk [tilespmem:v22+s2+$0x0], $0xffff  }
0x6ef: {  	v3 =	vadd.f32 v42, v3;
	v4 =	vadd.f32 v43, v4;
	v19 =	vld.idx.msk [tilespmem:v23+s2+$0x0], $0xffff  }
0x6f0: {  	v20 =	vadd.f32 v20, v0;
	v21 =	vadd.f32 v21, v5;
	v15 =	vld.idx.msk [tilespmem:v15+s2+$0x0], $0xffff  }
0x6f1: {  	s3 =	sadd.s32 $0x200, s3;
	v22 =	vadd.f32 v25, v8;
	v23 =	vadd.f32 v26, v9;
	v14 =	vld.idx.msk [tilespmem:v14+s2+$0x0], $0xffff  }
0x6f2: {  	_ =	swait.ge [sflag:s30], $0x1C00  }
0x6f3: {  	[sflag:s30] =	ssyncset.done $0x0  }
0x6f4: {  	s1 =	simm.s32 $0x1BC70;
	[sflag:s30] =	ssyncadd.s32 $0xFFFFE400  }
0x6f5: {  	[tilespmem:s25], [sflag:$0x2] =	stream.strided.gather [hbm4b:s18+s23], $0x1C00, s24, s23, $0x38;
	[tilespmem:$0x1D970] =	vst v63  }
0x6f6: {  	v0 =	vld [tilespmem:s1+$0x80]  }
0x6f7: {  	v5 =	vld [tilespmem:s1+$0x90]  }
0x6f8: {  	v8 =	vld [tilespmem:s1+$0xA0]  }
0x6f9: {  	v9 =	vld [tilespmem:s1+$0xB0]  }
0x6fa: {  	v24 =	vld [tilespmem:s1+$0xC0]  }
0x6fb: {  	v25 =	vld [tilespmem:s1+$0xD0]  }
0x6fc: {  	v26 =	vld [tilespmem:s1+$0xE0]  }
0x6fd: {  	v27 =	vld [tilespmem:s1+$0xF0]  }
0x6fe: {  	v28 =	vld [tilespmem:s1+$0x0]  }
0x6ff: {  	v29 =	vld [tilespmem:s1+$0x10]  }
0x700: {  	v30 =	vld [tilespmem:s1+$0x20]  }
0x701: {  	v31 =	vld [tilespmem:s1+$0x30]  }
0x702: {  	v32 =	vld [tilespmem:s1+$0x40]  }
0x703: {  	v33 =	vld [tilespmem:s1+$0x50]  }
0x704: {  	v34 =	vld [tilespmem:s1+$0x60]  }
0x705: {  	v35 =	vld [tilespmem:s1+$0x70]  }
0x706: {  	v36 =	vld [tilespmem:s1+$0xFFFFFF80]  }
0x707: {  	v37 =	vld [tilespmem:s1+$0xFFFFFF90]  }
0x708: {  	v38 =	vld [tilespmem:s1+$0xFFFFFFA0]  }
0x709: {  	v39 =	vld [tilespmem:s1+$0xFFFFFFB0]  }
0x70a: {  	v40 =	vld [tilespmem:s1+$0xFFFFFFC0]  }
0x70b: {  	v41 =	vld [tilespmem:s1+$0xFFFFFFD0]  }
0x70c: {  	v42 =	vld [tilespmem:s1+$0xFFFFFFE0]  }
0x70d: {  	v43 =	vld [tilespmem:s1+$0xFFFFFFF0]  }
0x70e: {  	v44 =	vld [tilespmem:s1+$0xFFFFFF00]  }
0x70f: {  	v45 =	vld [tilespmem:s1+$0xFFFFFF10]  }
0x710: {  	v46 =	vld [tilespmem:s1+$0xFFFFFF20]  }
0x711: {  	v47 =	vld [tilespmem:s1+$0xFFFFFF30]  }
0x712: {  	v48 =	vld [tilespmem:s1+$0xFFFFFF40]  }
0x713: {  	v49 =	vld [tilespmem:s1+$0xFFFFFF50]  }
0x714: {  	v50 =	vld [tilespmem:s1+$0xFFFFFF60]  }
0x715: {  	v51 =	vld [tilespmem:s1+$0xFFFFFF70]  }
0x716: {  	v52 =	vld.idx.msk [tilespmem:v0+s2+$0x0], $0xffff  }
0x717: {  	v53 =	vld.idx.msk [tilespmem:v5+s2+$0x0], $0xffff  }
0x718: {  	v54 =	vld.idx.msk [tilespmem:v8+s2+$0x0], $0xffff  }
0x719: {  	v55 =	vld.idx.msk [tilespmem:v9+s2+$0x0], $0xffff  }
0x71a: {  	v0 =	vld.idx.msk [tilespmem:v24+s2+$0x0], $0xffff  }
0x71b: {  	v5 =	vld.idx.msk [tilespmem:v25+s2+$0x0], $0xffff  }
0x71c: {  	v24 =	vld.idx.msk [tilespmem:v28+s2+$0x0], $0xffff  }
0x71d: {  	v56 =	vld.idx.msk [tilespmem:v29+s2+$0x0], $0xffff  }
0x71e: {  	v57 =	vld.idx.msk [tilespmem:v30+s2+$0x0], $0xffff  }
0x71f: {  	v58 =	vld.idx.msk [tilespmem:v31+s2+$0x0], $0xffff  }
0x720: {  	v8 =	vld.idx.msk [tilespmem:v32+s2+$0x0], $0xffff  }
0x721: {  	v59 =	vld.idx.msk [tilespmem:v36+s2+$0x0], $0xffff  }
0x722: {  	v60 =	vld.idx.msk [tilespmem:v37+s2+$0x0], $0xffff  }
0x723: {  	v13 =	vadd.f32 v13, v21;
	v61 =	vld.idx.msk [tilespmem:v44+s2+$0x0], $0xffff  }
0x724: {  	v16 =	vadd.f32 v16, v22;
	v18 =	vadd.f32 v18, v23;
	v62 =	vld.idx.msk [tilespmem:v45+s2+$0x0], $0xffff  }
0x725: {  	v12 =	vadd.f32 v12, v20;
	v11 =	vadd.f32 v11, v13;
	v20 =	vld.idx.msk [tilespmem:v46+s2+$0x0], $0xffff  }
0x726: {  	v13 =	vadd.f32 v17, v16;
	v16 =	vadd.f32 v19, v18;
	v21 =	vld.idx.msk [tilespmem:v47+s2+$0x0], $0xffff  }
0x727: {  	v10 =	vadd.f32 v10, v12;
	v22 =	vld.idx.msk [tilespmem:v38+s2+$0x0], $0xffff  }
0x728: {  	v7 =	vadd.f32 v7, v11;
	v11 =	vadd.f32 v14, v16;
	v14 =	vld.idx.msk [tilespmem:v48+s2+$0x0], $0xffff  }
0x729: {  	v6 =	vadd.f32 v6, v10;
	v10 =	vadd.f32 v15, v13;
	v15 =	vld.idx.msk [tilespmem:v49+s2+$0x0], $0xffff  }
0x72a: {  	v17 =	vld.idx.msk [tilespmem:v39+s2+$0x0], $0xffff  }
0x72b: {  	v23 =	vld.idx.msk [tilespmem:v50+s2+$0x0], $0xffff  }
0x72c: {  	v63 =	vld.idx.msk [tilespmem:v51+s2+$0x0], $0xffff;
	v1 =	vadd.f32 v61, v1;
	v2 =	vadd.f32 v62, v2  }
0x72d: {  	v9 =	vld.idx.msk [tilespmem:v33+s2+$0x0], $0xffff;
	v3 =	vadd.f32 v20, v3;
	v4 =	vadd.f32 v21, v4  }
0x72e: {  	v12 =	vld.idx.msk [tilespmem:v40+s2+$0x0], $0xffff;
	v20 =	vadd.f32 v14, v6;
	v21 =	vadd.f32 v15, v7  }
0x72f: {  	v13 =	vld.idx.msk [tilespmem:v41+s2+$0x0], $0xffff;
	v1 =	vadd.f32 v59, v1;
	v2 =	vadd.f32 v60, v2  }
0x730: {  	v16 =	vld.idx.msk [tilespmem:v42+s2+$0x0], $0xffff;
	v3 =	vadd.f32 v22, v3;
	v4 =	vadd.f32 v17, v4  }
0x731: {  	v18 =	vld.idx.msk [tilespmem:v43+s2+$0x0], $0xffff;
	v22 =	vadd.f32 v23, v10;
	v23 =	vadd.f32 v63, v11  }
0x732: {  	v19 =	vld.idx.msk [tilespmem:v35+s2+$0x0], $0xffff;
	v1 =	vadd.f32 v24, v1;
	v2 =	vadd.f32 v56, v2  }
0x733: {  	v15 =	vld.idx.msk [tilespmem:v26+s2+$0x0], $0xffff;
	v3 =	vadd.f32 v57, v3;
	v4 =	vadd.f32 v58, v4  }
0x734: {  	v17 =	vld.idx.msk [tilespmem:v34+s2+$0x0], $0xffff;
	v1 =	vadd.f32 v52, v1;
	v2 =	vadd.f32 v53, v2  }
0x735: {  	s3 =	simm.s32 $0x1BE70;
	s1 =	simm.s32 $0x0;
	v14 =	vld.idx.msk [tilespmem:v27+s2+$0x0], $0xffff;
	v3 =	vadd.f32 v54, v3;
	v4 =	vadd.f32 v55, v4  }
.LBB2_28:
0x736: {  	v24 =	vld [tilespmem:s3+$0x80];
	v6 =	vadd.f32 v12, v20;
	v7 =	vadd.f32 v13, v21  }
0x737: {  	v12 =	vld [tilespmem:s3+$0x90];
	v10 =	vadd.f32 v16, v22;
	v11 =	vadd.f32 v18, v23  }
0x738: {  	v13 =	vld [tilespmem:s3+$0xA0];
	v6 =	vadd.f32 v8, v6;
	v7 =	vadd.f32 v9, v7  }
0x739: {  	v8 =	vld [tilespmem:s3+$0xB0];
	v9 =	vadd.f32 v17, v10;
	v11 =	vadd.f32 v19, v11  }
0x73a: {  	v16 =	vld [tilespmem:s3+$0xC0];
	v6 =	vadd.f32 v0, v6;
	v7 =	vadd.f32 v5, v7  }
0x73b: {  	v5 =	vld [tilespmem:s3+$0xD0];
	v10 =	vadd.f32 v15, v9;
	v11 =	vadd.f32 v14, v11  }
0x73c: {  	v15 =	vld [tilespmem:s3+$0xE0]  }
0x73d: {  	v14 =	vld [tilespmem:s3+$0xF0]  }
0x73e: {  	v9 =	vld [tilespmem:s3+$0x0]  }
0x73f: {  	v17 =	vld [tilespmem:s3+$0x10]  }
0x740: {  	v18 =	vld [tilespmem:s3+$0x20]  }
0x741: {  	v19 =	vld [tilespmem:s3+$0x30]  }
0x742: {  	v20 =	vld [tilespmem:s3+$0x40]  }
0x743: {  	v21 =	vld [tilespmem:s3+$0x50]  }
0x744: {  	v22 =	vld [tilespmem:s3+$0x60]  }
0x745: {  	v23 =	vld [tilespmem:s3+$0x70]  }
0x746: {  	v25 =	vld [tilespmem:s3+$0xFFFFFF80]  }
0x747: {  	v26 =	vld [tilespmem:s3+$0xFFFFFF90]  }
0x748: {  	v27 =	vld [tilespmem:s3+$0xFFFFFFA0]  }
0x749: {  	v28 =	vld [tilespmem:s3+$0xFFFFFFB0]  }
0x74a: {  	v29 =	vld [tilespmem:s3+$0xFFFFFFC0]  }
0x74b: {  	v30 =	vld [tilespmem:s3+$0xFFFFFFD0]  }
0x74c: {  	v31 =	vld [tilespmem:s3+$0xFFFFFFE0]  }
0x74d: {  	v32 =	vld [tilespmem:s3+$0xFFFFFFF0]  }
0x74e: {  	v33 =	vld [tilespmem:s3+$0xFFFFFF00]  }
0x74f: {  	v34 =	vld [tilespmem:s3+$0xFFFFFF10]  }
0x750: {  	v35 =	vld [tilespmem:s3+$0xFFFFFF20]  }
0x751: {  	v36 =	vld [tilespmem:s3+$0xFFFFFF30]  }
0x752: {  	v37 =	vld [tilespmem:s3+$0xFFFFFF40]  }
0x753: {  	v38 =	vld [tilespmem:s3+$0xFFFFFF50]  }
0x754: {  	v39 =	vld [tilespmem:s3+$0xFFFFFF60]  }
0x755: {  	v40 =	vld [tilespmem:s3+$0xFFFFFF70]  }
0x756: {  	v24 =	vld.idx.msk [tilespmem:v24+s2+$0x0], $0xffff  }
0x757: {  	v41 =	vld.idx.msk [tilespmem:v12+s2+$0x0], $0xffff  }
0x758: {  	v42 =	vld.idx.msk [tilespmem:v13+s2+$0x0], $0xffff  }
0x759: {  	v43 =	vld.idx.msk [tilespmem:v8+s2+$0x0], $0xffff  }
0x75a: {  	v0 =	vld.idx.msk [tilespmem:v16+s2+$0x0], $0xffff  }
0x75b: {  	v5 =	vld.idx.msk [tilespmem:v5+s2+$0x0], $0xffff  }
0x75c: {  	v44 =	vld.idx.msk [tilespmem:v9+s2+$0x0], $0xffff  }
0x75d: {  	v17 =	vld.idx.msk [tilespmem:v17+s2+$0x0], $0xffff  }
0x75e: {  	v45 =	vld.idx.msk [tilespmem:v18+s2+$0x0], $0xffff  }
0x75f: {  	v19 =	vld.idx.msk [tilespmem:v19+s2+$0x0], $0xffff  }
0x760: {  	v8 =	vld.idx.msk [tilespmem:v20+s2+$0x0], $0xffff  }
0x761: {  	v9 =	vld.idx.msk [tilespmem:v21+s2+$0x0], $0xffff  }
0x762: {  	v16 =	vld.idx.msk [tilespmem:v25+s2+$0x0], $0xffff  }
0x763: {  	v18 =	vld.idx.msk [tilespmem:v26+s2+$0x0], $0xffff  }
0x764: {  	v20 =	vld.idx.msk [tilespmem:v33+s2+$0x0], $0xffff  }
0x765: {  	v21 =	vld.idx.msk [tilespmem:v34+s2+$0x0], $0xffff  }
0x766: {  	v25 =	vld.idx.msk [tilespmem:v35+s2+$0x0], $0xffff  }
0x767: {  	s1 =	sadd.s32 $0x4, s1;
	v26 =	vld.idx.msk [tilespmem:v36+s2+$0x0], $0xffff  }
0x768: {  	p1 =	slt.u32 s1, $0x34;
	v27 =	vld.idx.msk [tilespmem:v27+s2+$0x0], $0xffff  }
0x769: {  	v28 =	vld.idx.msk [tilespmem:v28+s2+$0x0], $0xffff  }
0x76a: {  	v12 =	vld.idx.msk [tilespmem:v29+s2+$0x0], $0xffff  }
0x76b: {  	v13 =	vld.idx.msk [tilespmem:v30+s2+$0x0], $0xffff  }
0x76c: {  	v1 =	vadd.f32 v20, v1;
	v2 =	vadd.f32 v21, v2;
	v20 =	vld.idx.msk [tilespmem:v37+s2+$0x0], $0xffff  }
0x76d: {  	v3 =	vadd.f32 v25, v3;
	v4 =	vadd.f32 v26, v4;
	v21 =	vld.idx.msk [tilespmem:v38+s2+$0x0], $0xffff  }
0x76e: {  	v1 =	vadd.f32 v16, v1;
	v2 =	vadd.f32 v18, v2;
	v25 =	vld.idx.msk [tilespmem:v39+s2+$0x0], $0xffff  }
0x76f: {  	v3 =	vadd.f32 v27, v3;
	v4 =	vadd.f32 v28, v4;
	v26 =	vld.idx.msk [tilespmem:v40+s2+$0x0], $0xffff  }
0x770: {  	v1 =	vadd.f32 v44, v1;
	v2 =	vadd.f32 v17, v2;
	v16 =	vld.idx.msk [tilespmem:v31+s2+$0x0], $0xffff  }
.Ltmp13:
0x771: {  	v3 =	vadd.f32 v45, v3;
	v4 =	vadd.f32 v19, v4;
	v18 =	vld.idx.msk [tilespmem:v32+s2+$0x0], $0xffff;
	(pc) =	sbr.rel @p1 .LBB2_28-.Ltmp13, $4  }
0x772: {  	v1 =	vadd.f32 v24, v1;
	v2 =	vadd.f32 v41, v2;
	v17 =	vld.idx.msk [tilespmem:v22+s2+$0x0], $0xffff  }
0x773: {  	v3 =	vadd.f32 v42, v3;
	v4 =	vadd.f32 v43, v4;
	v19 =	vld.idx.msk [tilespmem:v23+s2+$0x0], $0xffff  }
0x774: {  	v20 =	vadd.f32 v20, v6;
	v21 =	vadd.f32 v21, v7;
	v15 =	vld.idx.msk [tilespmem:v15+s2+$0x0], $0xffff  }
0x775: {  	s3 =	sadd.s32 $0x200, s3;
	v22 =	vadd.f32 v25, v10;
	v23 =	vadd.f32 v26, v11;
	v14 =	vld.idx.msk [tilespmem:v14+s2+$0x0], $0xffff  }
0x776: {  	_ =	swait.ge [sflag:s28], $0x1C00  }
0x777: {  	[sflag:s28] =	ssyncset.done $0x0  }
0x778: {  	s1 =	simm.s32 $0x1A070;
	[sflag:s28] =	ssyncadd.s32 $0xFFFFE400  }
0x779: {  	[tilespmem:s29], [sflag:$0x3] =	stream.strided.gather [hbm4b:s19+s23], $0x1000, s24, s23, $0x38;
	[tilespmem:$0x1D970] =	vst v63  }
0x77a: {  	v6 =	vld [tilespmem:s1+$0x80]  }
0x77b: {  	v7 =	vld [tilespmem:s1+$0x90]  }
0x77c: {  	v10 =	vld [tilespmem:s1+$0xA0]  }
0x77d: {  	v11 =	vld [tilespmem:s1+$0xB0]  }
0x77e: {  	v24 =	vld [tilespmem:s1+$0xC0]  }
0x77f: {  	v25 =	vld [tilespmem:s1+$0xD0]  }
0x780: {  	v26 =	vld [tilespmem:s1+$0xE0]  }
0x781: {  	v27 =	vld [tilespmem:s1+$0xF0]  }
0x782: {  	v28 =	vld [tilespmem:s1+$0x0]  }
0x783: {  	v29 =	vld [tilespmem:s1+$0x10]  }
0x784: {  	v30 =	vld [tilespmem:s1+$0x20]  }
0x785: {  	v31 =	vld [tilespmem:s1+$0x30]  }
0x786: {  	v32 =	vld [tilespmem:s1+$0x40]  }
0x787: {  	v33 =	vld [tilespmem:s1+$0x50]  }
0x788: {  	v34 =	vld [tilespmem:s1+$0x60]  }
0x789: {  	v35 =	vld [tilespmem:s1+$0x70]  }
0x78a: {  	v36 =	vld [tilespmem:s1+$0xFFFFFF80]  }
0x78b: {  	v37 =	vld [tilespmem:s1+$0xFFFFFF90]  }
0x78c: {  	v38 =	vld [tilespmem:s1+$0xFFFFFFA0]  }
0x78d: {  	v39 =	vld [tilespmem:s1+$0xFFFFFFB0]  }
0x78e: {  	v40 =	vld [tilespmem:s1+$0xFFFFFFC0]  }
0x78f: {  	v41 =	vld [tilespmem:s1+$0xFFFFFFD0]  }
0x790: {  	v42 =	vld [tilespmem:s1+$0xFFFFFFE0]  }
0x791: {  	v43 =	vld [tilespmem:s1+$0xFFFFFFF0]  }
0x792: {  	v44 =	vld [tilespmem:s1+$0xFFFFFF00]  }
0x793: {  	v45 =	vld [tilespmem:s1+$0xFFFFFF10]  }
0x794: {  	v46 =	vld [tilespmem:s1+$0xFFFFFF20]  }
0x795: {  	v47 =	vld [tilespmem:s1+$0xFFFFFF30]  }
0x796: {  	v48 =	vld [tilespmem:s1+$0xFFFFFF40]  }
0x797: {  	v49 =	vld [tilespmem:s1+$0xFFFFFF50]  }
0x798: {  	v50 =	vld [tilespmem:s1+$0xFFFFFF60]  }
0x799: {  	v51 =	vld [tilespmem:s1+$0xFFFFFF70]  }
0x79a: {  	v52 =	vld.idx.msk [tilespmem:v6+s2+$0x0], $0xffff  }
0x79b: {  	v53 =	vld.idx.msk [tilespmem:v7+s2+$0x0], $0xffff  }
0x79c: {  	v54 =	vld.idx.msk [tilespmem:v10+s2+$0x0], $0xffff  }
0x79d: {  	v55 =	vld.idx.msk [tilespmem:v11+s2+$0x0], $0xffff  }
0x79e: {  	v6 =	vld.idx.msk [tilespmem:v24+s2+$0x0], $0xffff  }
0x79f: {  	v7 =	vld.idx.msk [tilespmem:v25+s2+$0x0], $0xffff  }
0x7a0: {  	v24 =	vld.idx.msk [tilespmem:v28+s2+$0x0], $0xffff  }
0x7a1: {  	v56 =	vld.idx.msk [tilespmem:v29+s2+$0x0], $0xffff  }
0x7a2: {  	v57 =	vld.idx.msk [tilespmem:v30+s2+$0x0], $0xffff  }
0x7a3: {  	v58 =	vld.idx.msk [tilespmem:v31+s2+$0x0], $0xffff  }
0x7a4: {  	v10 =	vld.idx.msk [tilespmem:v32+s2+$0x0], $0xffff  }
0x7a5: {  	v11 =	vld.idx.msk [tilespmem:v33+s2+$0x0], $0xffff  }
0x7a6: {  	v59 =	vld.idx.msk [tilespmem:v36+s2+$0x0], $0xffff  }
0x7a7: {  	v60 =	vld.idx.msk [tilespmem:v37+s2+$0x0], $0xffff  }
0x7a8: {  	v61 =	vld.idx.msk [tilespmem:v44+s2+$0x0], $0xffff  }
0x7a9: {  	v13 =	vadd.f32 v13, v21;
	v16 =	vadd.f32 v16, v22;
	v62 =	vld.idx.msk [tilespmem:v45+s2+$0x0], $0xffff  }
0x7aa: {  	v12 =	vadd.f32 v12, v20;
	v18 =	vadd.f32 v18, v23;
	v20 =	vld.idx.msk [tilespmem:v46+s2+$0x0], $0xffff  }
0x7ab: {  	v9 =	vadd.f32 v9, v13;
	v13 =	vadd.f32 v17, v16;
	v21 =	vld.idx.msk [tilespmem:v47+s2+$0x0], $0xffff  }
0x7ac: {  	v8 =	vadd.f32 v8, v12;
	v16 =	vadd.f32 v19, v18;
	v22 =	vld.idx.msk [tilespmem:v38+s2+$0x0], $0xffff  }
0x7ad: {  	v5 =	vadd.f32 v5, v9;
	v9 =	vadd.f32 v15, v13;
	v15 =	vld.idx.msk [tilespmem:v48+s2+$0x0], $0xffff  }
0x7ae: {  	v17 =	vld.idx.msk [tilespmem:v39+s2+$0x0], $0xffff  }
0x7af: {  	v8 =	vadd.f32 v0, v8;
	v14 =	vadd.f32 v14, v16;
	v23 =	vld.idx.msk [tilespmem:v50+s2+$0x0], $0xffff  }
0x7b0: {  	v63 =	vld.idx.msk [tilespmem:v51+s2+$0x0], $0xffff;
	v0 =	vadd.f32 v61, v1;
	v1 =	vadd.f32 v62, v2  }
0x7b1: {  	v12 =	vld.idx.msk [tilespmem:v40+s2+$0x0], $0xffff;
	v2 =	vadd.f32 v20, v3;
	v3 =	vadd.f32 v21, v4  }
0x7b2: {  	v4 =	vld.idx.msk [tilespmem:v49+s2+$0x0], $0xffff;
	v20 =	vadd.f32 v15, v8;
	v0 =	vadd.f32 v59, v0  }
0x7b3: {  	v13 =	vld.idx.msk [tilespmem:v41+s2+$0x0], $0xffff;
	v1 =	vadd.f32 v60, v1;
	v2 =	vadd.f32 v22, v2  }
0x7b4: {  	v16 =	vld.idx.msk [tilespmem:v42+s2+$0x0], $0xffff;
	v3 =	vadd.f32 v17, v3;
	v22 =	vadd.f32 v23, v9  }
0x7b5: {  	v18 =	vld.idx.msk [tilespmem:v43+s2+$0x0], $0xffff;
	v23 =	vadd.f32 v63, v14;
	v0 =	vadd.f32 v24, v0  }
0x7b6: {  	v19 =	vld.idx.msk [tilespmem:v35+s2+$0x0], $0xffff;
	v1 =	vadd.f32 v56, v1;
	v2 =	vadd.f32 v57, v2  }
0x7b7: {  	v15 =	vld.idx.msk [tilespmem:v26+s2+$0x0], $0xffff;
	v3 =	vadd.f32 v58, v3;
	v21 =	vadd.f32 v4, v5  }
0x7b8: {  	v17 =	vld.idx.msk [tilespmem:v34+s2+$0x0], $0xffff;
	v0 =	vadd.f32 v52, v0;
	v1 =	vadd.f32 v53, v1  }
0x7b9: {  	s3 =	simm.s32 $0x1A270;
	s1 =	simm.s32 $0x0;
	v14 =	vld.idx.msk [tilespmem:v27+s2+$0x0], $0xffff;
	v2 =	vadd.f32 v54, v2;
	v3 =	vadd.f32 v55, v3  }
.LBB2_30:
0x7ba: {  	v24 =	vld [tilespmem:s3+$0x80];
	v4 =	vadd.f32 v12, v20;
	v5 =	vadd.f32 v13, v21  }
0x7bb: {  	v12 =	vld [tilespmem:s3+$0x90];
	v8 =	vadd.f32 v16, v22;
	v9 =	vadd.f32 v18, v23  }
0x7bc: {  	v13 =	vld [tilespmem:s3+$0xA0];
	v4 =	vadd.f32 v10, v4;
	v5 =	vadd.f32 v11, v5  }
0x7bd: {  	v10 =	vld [tilespmem:s3+$0xB0];
	v8 =	vadd.f32 v17, v8;
	v9 =	vadd.f32 v19, v9  }
0x7be: {  	v11 =	vld [tilespmem:s3+$0xC0];
	v4 =	vadd.f32 v6, v4;
	v5 =	vadd.f32 v7, v5  }
0x7bf: {  	v7 =	vld [tilespmem:s3+$0xD0];
	v8 =	vadd.f32 v15, v8;
	v9 =	vadd.f32 v14, v9  }
0x7c0: {  	v15 =	vld [tilespmem:s3+$0xE0]  }
0x7c1: {  	v14 =	vld [tilespmem:s3+$0xF0]  }
0x7c2: {  	v16 =	vld [tilespmem:s3+$0x0]  }
0x7c3: {  	v17 =	vld [tilespmem:s3+$0x10]  }
0x7c4: {  	v18 =	vld [tilespmem:s3+$0x20]  }
0x7c5: {  	v19 =	vld [tilespmem:s3+$0x30]  }
0x7c6: {  	v20 =	vld [tilespmem:s3+$0x40]  }
0x7c7: {  	v21 =	vld [tilespmem:s3+$0x50]  }
0x7c8: {  	v22 =	vld [tilespmem:s3+$0x60]  }
0x7c9: {  	v23 =	vld [tilespmem:s3+$0x70]  }
0x7ca: {  	v25 =	vld [tilespmem:s3+$0xFFFFFF80]  }
0x7cb: {  	v26 =	vld [tilespmem:s3+$0xFFFFFF90]  }
0x7cc: {  	v27 =	vld [tilespmem:s3+$0xFFFFFFA0]  }
0x7cd: {  	v28 =	vld [tilespmem:s3+$0xFFFFFFB0]  }
0x7ce: {  	v29 =	vld [tilespmem:s3+$0xFFFFFFC0]  }
0x7cf: {  	v30 =	vld [tilespmem:s3+$0xFFFFFFD0]  }
0x7d0: {  	v31 =	vld [tilespmem:s3+$0xFFFFFFE0]  }
0x7d1: {  	v32 =	vld [tilespmem:s3+$0xFFFFFFF0]  }
0x7d2: {  	v33 =	vld [tilespmem:s3+$0xFFFFFF00]  }
0x7d3: {  	v34 =	vld [tilespmem:s3+$0xFFFFFF10]  }
0x7d4: {  	v35 =	vld [tilespmem:s3+$0xFFFFFF20]  }
0x7d5: {  	v36 =	vld [tilespmem:s3+$0xFFFFFF30]  }
0x7d6: {  	v37 =	vld [tilespmem:s3+$0xFFFFFF40]  }
0x7d7: {  	v38 =	vld [tilespmem:s3+$0xFFFFFF50]  }
0x7d8: {  	v39 =	vld [tilespmem:s3+$0xFFFFFF60]  }
0x7d9: {  	v40 =	vld [tilespmem:s3+$0xFFFFFF70]  }
0x7da: {  	v24 =	vld.idx.msk [tilespmem:v24+s2+$0x0], $0xffff  }
0x7db: {  	v41 =	vld.idx.msk [tilespmem:v12+s2+$0x0], $0xffff  }
0x7dc: {  	v42 =	vld.idx.msk [tilespmem:v13+s2+$0x0], $0xffff  }
0x7dd: {  	v43 =	vld.idx.msk [tilespmem:v10+s2+$0x0], $0xffff  }
0x7de: {  	v6 =	vld.idx.msk [tilespmem:v11+s2+$0x0], $0xffff  }
0x7df: {  	v7 =	vld.idx.msk [tilespmem:v7+s2+$0x0], $0xffff  }
0x7e0: {  	v44 =	vld.idx.msk [tilespmem:v16+s2+$0x0], $0xffff  }
0x7e1: {  	v17 =	vld.idx.msk [tilespmem:v17+s2+$0x0], $0xffff  }
0x7e2: {  	v45 =	vld.idx.msk [tilespmem:v18+s2+$0x0], $0xffff  }
0x7e3: {  	v19 =	vld.idx.msk [tilespmem:v19+s2+$0x0], $0xffff  }
0x7e4: {  	v10 =	vld.idx.msk [tilespmem:v20+s2+$0x0], $0xffff  }
0x7e5: {  	v11 =	vld.idx.msk [tilespmem:v21+s2+$0x0], $0xffff  }
0x7e6: {  	v16 =	vld.idx.msk [tilespmem:v25+s2+$0x0], $0xffff  }
0x7e7: {  	v18 =	vld.idx.msk [tilespmem:v26+s2+$0x0], $0xffff  }
0x7e8: {  	v20 =	vld.idx.msk [tilespmem:v33+s2+$0x0], $0xffff  }
0x7e9: {  	v21 =	vld.idx.msk [tilespmem:v34+s2+$0x0], $0xffff  }
0x7ea: {  	v25 =	vld.idx.msk [tilespmem:v35+s2+$0x0], $0xffff  }
0x7eb: {  	s1 =	sadd.s32 $0x4, s1;
	v26 =	vld.idx.msk [tilespmem:v36+s2+$0x0], $0xffff  }
0x7ec: {  	p1 =	slt.u32 s1, $0x34;
	v27 =	vld.idx.msk [tilespmem:v27+s2+$0x0], $0xffff  }
0x7ed: {  	v28 =	vld.idx.msk [tilespmem:v28+s2+$0x0], $0xffff  }
0x7ee: {  	v12 =	vld.idx.msk [tilespmem:v29+s2+$0x0], $0xffff  }
0x7ef: {  	v13 =	vld.idx.msk [tilespmem:v30+s2+$0x0], $0xffff  }
0x7f0: {  	v0 =	vadd.f32 v20, v0;
	v1 =	vadd.f32 v21, v1;
	v20 =	vld.idx.msk [tilespmem:v37+s2+$0x0], $0xffff  }
0x7f1: {  	v2 =	vadd.f32 v25, v2;
	v3 =	vadd.f32 v26, v3;
	v21 =	vld.idx.msk [tilespmem:v38+s2+$0x0], $0xffff  }
0x7f2: {  	v0 =	vadd.f32 v16, v0;
	v1 =	vadd.f32 v18, v1;
	v25 =	vld.idx.msk [tilespmem:v39+s2+$0x0], $0xffff  }
0x7f3: {  	v2 =	vadd.f32 v27, v2;
	v3 =	vadd.f32 v28, v3;
	v26 =	vld.idx.msk [tilespmem:v40+s2+$0x0], $0xffff  }
0x7f4: {  	v0 =	vadd.f32 v44, v0;
	v1 =	vadd.f32 v17, v1;
	v16 =	vld.idx.msk [tilespmem:v31+s2+$0x0], $0xffff  }
.Ltmp14:
0x7f5: {  	v2 =	vadd.f32 v45, v2;
	v3 =	vadd.f32 v19, v3;
	v18 =	vld.idx.msk [tilespmem:v32+s2+$0x0], $0xffff;
	(pc) =	sbr.rel @p1 .LBB2_30-.Ltmp14, $4  }
0x7f6: {  	v0 =	vadd.f32 v24, v0;
	v1 =	vadd.f32 v41, v1;
	v17 =	vld.idx.msk [tilespmem:v22+s2+$0x0], $0xffff  }
0x7f7: {  	v2 =	vadd.f32 v42, v2;
	v3 =	vadd.f32 v43, v3;
	v19 =	vld.idx.msk [tilespmem:v23+s2+$0x0], $0xffff  }
0x7f8: {  	v20 =	vadd.f32 v20, v4;
	v21 =	vadd.f32 v21, v5;
	v15 =	vld.idx.msk [tilespmem:v15+s2+$0x0], $0xffff  }
0x7f9: {  	s3 =	sadd.s32 $0x200, s3;
	v22 =	vadd.f32 v25, v8;
	v23 =	vadd.f32 v26, v9;
	v14 =	vld.idx.msk [tilespmem:v14+s2+$0x0], $0xffff  }
0x7fa: {  	_ =	swait.ge [sflag:s30], $0x1000  }
0x7fb: {  	[sflag:s30] =	ssyncset.done $0x0  }
0x7fc: {  	s1 =	simm.s32 $0x1BC70;
	[sflag:s30] =	ssyncadd.s32 $0xFFFFF000  }
0x7fd: {  	v4 =	vld [tilespmem:s1+$0x80]  }
0x7fe: {  	v5 =	vld [tilespmem:s1+$0x90]  }
0x7ff: {  	v8 =	vld [tilespmem:s1+$0xA0]  }
0x800: {  	v9 =	vld [tilespmem:s1+$0xB0]  }
0x801: {  	v24 =	vld [tilespmem:s1+$0xC0]  }
0x802: {  	v25 =	vld [tilespmem:s1+$0xD0]  }
0x803: {  	v26 =	vld [tilespmem:s1+$0xE0]  }
0x804: {  	v27 =	vld [tilespmem:s1+$0xF0]  }
0x805: {  	v28 =	vld [tilespmem:s1+$0x0]  }
0x806: {  	v29 =	vld [tilespmem:s1+$0x10]  }
0x807: {  	v30 =	vld [tilespmem:s1+$0x20]  }
0x808: {  	v31 =	vld [tilespmem:s1+$0x30]  }
0x809: {  	v32 =	vld [tilespmem:s1+$0x40]  }
0x80a: {  	v33 =	vld [tilespmem:s1+$0x50]  }
0x80b: {  	v34 =	vld [tilespmem:s1+$0x60]  }
0x80c: {  	v35 =	vld [tilespmem:s1+$0x70]  }
0x80d: {  	v36 =	vld [tilespmem:s1+$0xFFFFFF80]  }
0x80e: {  	v37 =	vld [tilespmem:s1+$0xFFFFFF90]  }
0x80f: {  	v38 =	vld [tilespmem:s1+$0xFFFFFFA0]  }
0x810: {  	v39 =	vld [tilespmem:s1+$0xFFFFFFB0]  }
0x811: {  	v40 =	vld [tilespmem:s1+$0xFFFFFFC0]  }
0x812: {  	v41 =	vld [tilespmem:s1+$0xFFFFFFD0]  }
0x813: {  	v42 =	vld [tilespmem:s1+$0xFFFFFFE0]  }
0x814: {  	v43 =	vld [tilespmem:s1+$0xFFFFFFF0]  }
0x815: {  	v44 =	vld [tilespmem:s1+$0xFFFFFF00]  }
0x816: {  	v45 =	vld [tilespmem:s1+$0xFFFFFF10]  }
0x817: {  	v46 =	vld [tilespmem:s1+$0xFFFFFF20]  }
0x818: {  	v47 =	vld [tilespmem:s1+$0xFFFFFF30]  }
0x819: {  	v48 =	vld [tilespmem:s1+$0xFFFFFF40]  }
0x81a: {  	v49 =	vld [tilespmem:s1+$0xFFFFFF50]  }
0x81b: {  	v50 =	vld [tilespmem:s1+$0xFFFFFF60]  }
0x81c: {  	v51 =	vld [tilespmem:s1+$0xFFFFFF70]  }
0x81d: {  	v52 =	vld.idx.msk [tilespmem:v4+s2+$0x0], $0xffff  }
0x81e: {  	v53 =	vld.idx.msk [tilespmem:v5+s2+$0x0], $0xffff  }
0x81f: {  	v54 =	vld.idx.msk [tilespmem:v8+s2+$0x0], $0xffff  }
0x820: {  	v55 =	vld.idx.msk [tilespmem:v9+s2+$0x0], $0xffff  }
0x821: {  	v5 =	vld.idx.msk [tilespmem:v24+s2+$0x0], $0xffff  }
0x822: {  	v4 =	vld.idx.msk [tilespmem:v25+s2+$0x0], $0xffff  }
0x823: {  	v56 =	vld.idx.msk [tilespmem:v28+s2+$0x0], $0xffff  }
0x824: {  	v57 =	vld.idx.msk [tilespmem:v29+s2+$0x0], $0xffff  }
0x825: {  	v58 =	vld.idx.msk [tilespmem:v30+s2+$0x0], $0xffff  }
0x826: {  	v59 =	vld.idx.msk [tilespmem:v31+s2+$0x0], $0xffff  }
0x827: {  	v9 =	vld.idx.msk [tilespmem:v32+s2+$0x0], $0xffff  }
0x828: {  	v8 =	vld.idx.msk [tilespmem:v33+s2+$0x0], $0xffff  }
0x829: {  	v60 =	vld.idx.msk [tilespmem:v36+s2+$0x0], $0xffff  }
0x82a: {  	v61 =	vld.idx.msk [tilespmem:v37+s2+$0x0], $0xffff  }
0x82b: {  	v12 =	vadd.f32 v12, v20;
	v62 =	vld.idx.msk [tilespmem:v44+s2+$0x0], $0xffff  }
0x82c: {  	v13 =	vadd.f32 v13, v21;
	v16 =	vadd.f32 v16, v22;
	v63 =	vld.idx.msk [tilespmem:v45+s2+$0x0], $0xffff  }
0x82d: {  	v18 =	vadd.f32 v18, v23;
	v10 =	vadd.f32 v10, v12;
	v20 =	vld.idx.msk [tilespmem:v46+s2+$0x0], $0xffff  }
0x82e: {  	v11 =	vadd.f32 v11, v13;
	v13 =	vadd.f32 v17, v16;
	v21 =	vld.idx.msk [tilespmem:v47+s2+$0x0], $0xffff  }
0x82f: {  	v17 =	vadd.f32 v19, v18;
	v12 =	vld.idx.msk [tilespmem:v38+s2+$0x0], $0xffff  }
0x830: {  	v6 =	vadd.f32 v6, v10;
	v10 =	vadd.f32 v15, v13;
	v13 =	vld.idx.msk [tilespmem:v48+s2+$0x0], $0xffff  }
0x831: {  	v18 =	vld.idx.msk [tilespmem:v39+s2+$0x0], $0xffff  }
0x832: {  	v7 =	vadd.f32 v7, v11;
	v11 =	vadd.f32 v14, v17;
	v16 =	vld.idx.msk [tilespmem:v40+s2+$0x0], $0xffff  }
0x833: {  	v22 =	vld.idx.msk [tilespmem:v51+s2+$0x0], $0xffff;
	v0 =	vadd.f32 v62, v0;
	v1 =	vadd.f32 v63, v1  }
0x834: {  	v2 =	vadd.f32 v20, v2;
	v3 =	vadd.f32 v21, v3;
	v20 =	vld.idx.msk [tilespmem:v49+s2+$0x0], $0xffff  }
0x835: {  	v21 =	vld.idx.msk [tilespmem:v50+s2+$0x0], $0xffff;
	v6 =	vadd.f32 v13, v6;
	v0 =	vadd.f32 v60, v0  }
0x836: {  	v14 =	vld.idx.msk [tilespmem:v41+s2+$0x0], $0xffff;
	v1 =	vadd.f32 v61, v1;
	v2 =	vadd.f32 v12, v2  }
0x837: {  	v15 =	vld.idx.msk [tilespmem:v42+s2+$0x0], $0xffff;
	v3 =	vadd.f32 v18, v3;
	v0 =	vadd.f32 v56, v0  }
0x838: {  	v17 =	vld.idx.msk [tilespmem:v34+s2+$0x0], $0xffff;
	v1 =	vadd.f32 v57, v1;
	v12 =	vadd.f32 v58, v2  }
0x839: {  	v18 =	vld.idx.msk [tilespmem:v43+s2+$0x0], $0xffff;
	v23 =	vadd.f32 v59, v3;
	v7 =	vadd.f32 v20, v7  }
0x83a: {  	v19 =	vld.idx.msk [tilespmem:v35+s2+$0x0], $0xffff;
	v20 =	vadd.f32 v21, v10;
	v10 =	vadd.f32 v22, v11  }
0x83b: {  	v13 =	vld.idx.msk [tilespmem:v26+s2+$0x0], $0xffff;
	v3 =	vadd.f32 v52, v0;
	v2 =	vadd.f32 v53, v1  }
0x83c: {  	s3 =	simm.s32 $0x1BE70;
	s1 =	simm.s32 $0x0;
	v11 =	vld.idx.msk [tilespmem:v27+s2+$0x0], $0xffff;
	v1 =	vadd.f32 v54, v12;
	v0 =	vadd.f32 v55, v23  }
.LBB2_32:
0x83d: {  	v21 =	vld [tilespmem:s3+$0x80];
	v6 =	vadd.f32 v16, v6;
	v7 =	vadd.f32 v14, v7  }
0x83e: {  	v14 =	vld [tilespmem:s3+$0x90];
	v12 =	vadd.f32 v15, v20;
	v10 =	vadd.f32 v18, v10  }
0x83f: {  	v15 =	vld [tilespmem:s3+$0xA0];
	v6 =	vadd.f32 v9, v6;
	v7 =	vadd.f32 v8, v7  }
0x840: {  	v8 =	vld [tilespmem:s3+$0xB0];
	v9 =	vadd.f32 v17, v12;
	v12 =	vadd.f32 v19, v10  }
0x841: {  	v16 =	vld [tilespmem:s3+$0xC0];
	v6 =	vadd.f32 v5, v6;
	v7 =	vadd.f32 v4, v7  }
0x842: {  	v4 =	vld [tilespmem:s3+$0xD0];
	v10 =	vadd.f32 v13, v9;
	v11 =	vadd.f32 v11, v12  }
0x843: {  	v13 =	vld [tilespmem:s3+$0xE0]  }
0x844: {  	v12 =	vld [tilespmem:s3+$0xF0]  }
0x845: {  	v9 =	vld [tilespmem:s3+$0x0]  }
0x846: {  	v17 =	vld [tilespmem:s3+$0x10]  }
0x847: {  	v18 =	vld [tilespmem:s3+$0x20]  }
0x848: {  	v19 =	vld [tilespmem:s3+$0x30]  }
0x849: {  	v20 =	vld [tilespmem:s3+$0x40]  }
0x84a: {  	v22 =	vld [tilespmem:s3+$0x50]  }
0x84b: {  	v23 =	vld [tilespmem:s3+$0x60]  }
0x84c: {  	v24 =	vld [tilespmem:s3+$0x70]  }
0x84d: {  	v25 =	vld [tilespmem:s3+$0xFFFFFF80]  }
0x84e: {  	v26 =	vld [tilespmem:s3+$0xFFFFFF90]  }
0x84f: {  	v27 =	vld [tilespmem:s3+$0xFFFFFFA0]  }
0x850: {  	v28 =	vld [tilespmem:s3+$0xFFFFFFB0]  }
0x851: {  	v29 =	vld [tilespmem:s3+$0xFFFFFFC0]  }
0x852: {  	v30 =	vld [tilespmem:s3+$0xFFFFFFD0]  }
0x853: {  	v31 =	vld [tilespmem:s3+$0xFFFFFFE0]  }
0x854: {  	v32 =	vld [tilespmem:s3+$0xFFFFFFF0]  }
0x855: {  	v33 =	vld [tilespmem:s3+$0xFFFFFF00]  }
0x856: {  	v34 =	vld [tilespmem:s3+$0xFFFFFF10]  }
0x857: {  	v35 =	vld [tilespmem:s3+$0xFFFFFF20]  }
0x858: {  	v36 =	vld [tilespmem:s3+$0xFFFFFF30]  }
0x859: {  	v37 =	vld [tilespmem:s3+$0xFFFFFF40]  }
0x85a: {  	v38 =	vld [tilespmem:s3+$0xFFFFFF50]  }
0x85b: {  	v39 =	vld [tilespmem:s3+$0xFFFFFF60]  }
0x85c: {  	v40 =	vld [tilespmem:s3+$0xFFFFFF70]  }
0x85d: {  	v21 =	vld.idx.msk [tilespmem:v21+s2+$0x0], $0xffff  }
0x85e: {  	v41 =	vld.idx.msk [tilespmem:v14+s2+$0x0], $0xffff  }
0x85f: {  	v42 =	vld.idx.msk [tilespmem:v15+s2+$0x0], $0xffff  }
0x860: {  	v43 =	vld.idx.msk [tilespmem:v8+s2+$0x0], $0xffff  }
0x861: {  	v5 =	vld.idx.msk [tilespmem:v16+s2+$0x0], $0xffff  }
0x862: {  	v4 =	vld.idx.msk [tilespmem:v4+s2+$0x0], $0xffff  }
0x863: {  	v44 =	vld.idx.msk [tilespmem:v9+s2+$0x0], $0xffff  }
0x864: {  	v17 =	vld.idx.msk [tilespmem:v17+s2+$0x0], $0xffff  }
0x865: {  	v45 =	vld.idx.msk [tilespmem:v18+s2+$0x0], $0xffff  }
0x866: {  	v19 =	vld.idx.msk [tilespmem:v19+s2+$0x0], $0xffff  }
0x867: {  	v9 =	vld.idx.msk [tilespmem:v20+s2+$0x0], $0xffff  }
0x868: {  	v8 =	vld.idx.msk [tilespmem:v22+s2+$0x0], $0xffff  }
0x869: {  	v15 =	vld.idx.msk [tilespmem:v25+s2+$0x0], $0xffff  }
0x86a: {  	v18 =	vld.idx.msk [tilespmem:v26+s2+$0x0], $0xffff  }
0x86b: {  	v20 =	vld.idx.msk [tilespmem:v33+s2+$0x0], $0xffff  }
0x86c: {  	v22 =	vld.idx.msk [tilespmem:v34+s2+$0x0], $0xffff  }
0x86d: {  	v25 =	vld.idx.msk [tilespmem:v35+s2+$0x0], $0xffff  }
0x86e: {  	s1 =	sadd.s32 $0x4, s1;
	v26 =	vld.idx.msk [tilespmem:v36+s2+$0x0], $0xffff  }
0x86f: {  	p1 =	slt.u32 s1, $0x1C;
	v27 =	vld.idx.msk [tilespmem:v27+s2+$0x0], $0xffff  }
0x870: {  	v28 =	vld.idx.msk [tilespmem:v28+s2+$0x0], $0xffff  }
0x871: {  	v16 =	vld.idx.msk [tilespmem:v29+s2+$0x0], $0xffff  }
0x872: {  	v14 =	vld.idx.msk [tilespmem:v30+s2+$0x0], $0xffff  }
0x873: {  	v3 =	vadd.f32 v20, v3;
	v2 =	vadd.f32 v22, v2;
	v20 =	vld.idx.msk [tilespmem:v37+s2+$0x0], $0xffff  }
0x874: {  	v1 =	vadd.f32 v25, v1;
	v0 =	vadd.f32 v26, v0;
	v22 =	vld.idx.msk [tilespmem:v38+s2+$0x0], $0xffff  }
0x875: {  	v3 =	vadd.f32 v15, v3;
	v2 =	vadd.f32 v18, v2;
	v25 =	vld.idx.msk [tilespmem:v39+s2+$0x0], $0xffff  }
0x876: {  	v1 =	vadd.f32 v27, v1;
	v0 =	vadd.f32 v28, v0;
	v26 =	vld.idx.msk [tilespmem:v40+s2+$0x0], $0xffff  }
0x877: {  	v3 =	vadd.f32 v44, v3;
	v2 =	vadd.f32 v17, v2;
	v15 =	vld.idx.msk [tilespmem:v31+s2+$0x0], $0xffff  }
.Ltmp15:
0x878: {  	v1 =	vadd.f32 v45, v1;
	v0 =	vadd.f32 v19, v0;
	v18 =	vld.idx.msk [tilespmem:v32+s2+$0x0], $0xffff;
	(pc) =	sbr.rel @p1 .LBB2_32-.Ltmp15, $4  }
0x879: {  	v3 =	vadd.f32 v21, v3;
	v2 =	vadd.f32 v41, v2;
	v17 =	vld.idx.msk [tilespmem:v23+s2+$0x0], $0xffff  }
0x87a: {  	v1 =	vadd.f32 v42, v1;
	v0 =	vadd.f32 v43, v0;
	v19 =	vld.idx.msk [tilespmem:v24+s2+$0x0], $0xffff  }
0x87b: {  	v6 =	vadd.f32 v20, v6;
	v7 =	vadd.f32 v22, v7;
	v13 =	vld.idx.msk [tilespmem:v13+s2+$0x0], $0xffff  }
0x87c: {  	s3 =	sadd.s32 $0x200, s3;
	v20 =	vadd.f32 v25, v10;
	v10 =	vadd.f32 v26, v11;
	v11 =	vld.idx.msk [tilespmem:v12+s2+$0x0], $0xffff  }
0x87d: {  	v6 =	vadd.f32 v16, v6  }
0x87e: {  	v7 =	vadd.f32 v14, v7  }
0x87f: {  	[tilespmem:$0x1D8F0] =	vst v3;
	v12 =	vadd.f32 v15, v20;
	v6 =	vadd.f32 v9, v6  }
0x880: {  	[tilespmem:$0x1D900] =	vst v2;
	v59 =	vadd.f32 v18, v10;
	v7 =	vadd.f32 v8, v7  }
0x881: {  	[tilespmem:$0x1D910] =	vst v1;
	v60 =	vadd.f32 v17, v12;
	v5 =	vadd.f32 v5, v6  }
0x882: {  	[tilespmem:$0x1D920] =	vst v0;
	v61 =	vadd.f32 v19, v59;
	v62 =	vadd.f32 v4, v7  }
0x883: {  	v63 =	vadd.f32 v13, v60;
	[tilespmem:$0x1D930] =	vst v5  }
0x884: {  	s31 =	sadd.s32 $0x1, s31;
	v1 =	vadd.f32 v11, v61;
	[tilespmem:$0x1D940] =	vst v62  }
0x885: {  	p1 =	sne.s32 s31, s21;
	[tilespmem:$0x1D950] =	vst v63  }
.Ltmp16:
0x886: {  	s1 =	simm.s32 $0x1D770;
	[tilespmem:$0x1D960] =	vst v1;
	(pc) =	sbr.rel @p1 .LBB2_1-.Ltmp16, $4  }
0x887: {  	[hbm4b:s20+s2] =	stream.linear.scatter [tilespmem:s1], [sflag:$0x4], $0x200, $0x38;
	[tilespmem:$0x1D970] =	vst v63  }
0x888: {  	_ =	swait.ge [sflag:s0], $0x200  }
0x889: {  	[sflag:s0] =	ssyncset.done $0x0  }
0x88a: {  	[sflag:s0] =	ssyncadd.s32 $0xFFFFFE00  }
0x88b: {  	_ =	sfence.sel $0x180000  }
0x88c: {  	[bflag:$0x0] =	sbarrier.arrive $0xFFFF  }
0x88d: {  	_ =	strace $0x90000047  }
0x88e: {  	[bflag:$0x2] =	sbarrier.arrive $0xFFFF  }
0x88f: {  	s0 =	rddreg [dreg:$0x4]  }
0x890: {  	s0 =	sadd.s32 @!p0 $0x100000, s0  }
0x891: {  	[sflag:s0] =	ssyncadd.tile.s32 @!p0 $0x1;
	_ =	shalt  }
.Lfunc_end2:
_tile_overlayer_lowered:
.L_overlay_start_2:
0x892: {  	(tag) =	ssettag $0x2  }
0x893: {  	s0 =	rddreg [dreg:$0x0];
	s2 =	stileid.u32  }
0x894: {  	s1 =	rddreg [dreg:$0x1];
	p0 =	sne.s32 s2, $0x0  }
0x895: {  	s3 =	rddreg [dreg:$0x2];
	[bflag:$0x3] =	sbarrier.arrive $0xFFFF;
	s2 =	simm.s32 @!p0 $0x1C04  }
0x896: {  	[timem:s3], [sflag:s2] =	dma.local @!p0 [hbm:s0], s1  }
0x897: {  	s0 =	simm.s32 @!p0 $0x4  }
0x898: {  	_ =	swait.ge @!p0 [sflag:s0], s1  }
0x899: {  	s1 =	ssub.s32 @!p0 $0x0, s1;
	[sflag:s0] =	ssyncset.done @!p0 $0x0  }
0x89a: {  	[sflag:s0] =	ssyncadd.s32 @!p0 s1  }
0x89b: {  	[bflag:$0x3] =	sbarrier.arrive $0xFFFF  }
0x89c: {  	_ =	shalt  }

</sc_bundles>
